<compile_context>
chip_gen: v7x
topology: tpu7x:2x2x1
jax: 0.10.2.dev20260603
libtpu: 0.0.44.dev20260713+nightly
codegen_flags: <defaults>
</compile_context>

<pallas_src>
import functools

import jax
import jax.numpy as jnp
from jax import lax
from jax.experimental import pallas as pl
from jax.experimental.pallas import tpu as pltpu
from jax.experimental.pallas import tpu_sc as plsc


def _knn_kernel(cq_ref, xtq_ref, cnorm_ref, xnorm_ref, idx_ref):
    cq = cq_ref[0]
    xtq = xtq_ref[0]
    M = xtq.shape[0]
    R = cq.shape[1]

    f32 = jnp.float32
    mm = jnp.dot(xtq, cq, preferred_element_type=f32)
    cnorm = cnorm_ref[0]
    xnorm = xnorm_ref[0]
    dt = (-2.0 * mm + cnorm) + xnorm

    fiota = jax.lax.broadcasted_iota(jnp.int32, (M, R), 0).astype(f32)
    fM = f32(M)
    inf = f32(jnp.inf)

    def take_min(d):
        m = jnp.min(d, axis=0, keepdims=True)
        i = jnp.min(jnp.where(d == m, fiota, fM), axis=0, keepdims=True)
        return i

    i1 = take_min(dt)
    d2 = jnp.where(fiota == i1, inf, dt)
    i2 = take_min(d2)
    d3 = jnp.where(fiota == i2, inf, d2)
    i3 = take_min(d3)
    idx_ref[0] = jnp.concatenate([i1, i2, i3], axis=0).astype(jnp.int32)


def _make_gather_kernel(B, M, N):
    NC, NS = 2, 16
    NW = NC * NS
    CH = (B * N) // NW
    n_chunks = N // CH
    assert B * n_chunks == NW
    mesh = plsc.VectorSubcoreMesh(core_axis_name="c", subcore_axis_name="s")

    NR = (9 * CH) // 128

    @functools.partial(
        pl.kernel, mesh=mesh,
        out_type=jax.ShapeDtypeStruct((B, 9 * N), jnp.float32),
        scratch_types=[
            pltpu.VMEM((3 * CH,), jnp.int32),
            pltpu.VMEM((NR, 128), jnp.int32),
            pltpu.VMEM((9 * CH,), jnp.float32),
            pltpu.SemaphoreType.DMA,
        ],
    )
    def gather_kernel(context_hbm, idx_hbm, out_hbm, idx_v, fidx_v, out_v,
                      sem):
        wid = lax.axis_index("s") * NC + lax.axis_index("c")
        b = wid // n_chunks
        chunk = wid % n_chunks
        base = chunk * CH
        for k in range(3):
            pltpu.sync_copy(idx_hbm.at[b, pl.ds(k * N + base, CH)],
                            idx_v.at[pl.ds(k * CH, CH)])
        boff = b * (3 * M)
        for k in range(3):
            for j in range(3):
                for g in range(CH // 16):
                    iv = idx_v[pl.ds(k * CH + g * 16, 16)]
                    r = (k * 3 + j) * CH + g * 16
                    fidx_v[r // 128, pl.ds(r % 128, 16)] = iv + (boff + j * M)
        copies = [
            pltpu.async_copy(context_hbm.at[fidx_v.at[r]],
                             out_v.at[pl.ds(r * 128, 128)], sem)
            for r in range(NR)
        ]
        for cp in copies:
            cp.wait()
        for kj in range(9):
            pltpu.sync_copy(out_v.at[pl.ds(kj * CH, CH)],
                            out_hbm.at[b, pl.ds(kj * N + base, CH)])

    return gather_kernel


def _geom_kernel(g_ref, normal_ref, cen_ref):
    g = g_ref[0]
    N = g.shape[2]
    p1 = g[0]
    p2 = g[1]
    p3 = g[2]
    e1 = p2 - p1
    e2 = p3 - p1
    e1x, e1y, e1z = e1[0:1], e1[1:2], e1[2:3]
    e2x, e2y, e2z = e2[0:1], e2[1:2], e2[2:3]
    nx = e1y * e2z - e1z * e2y
    ny = e1z * e2x - e1x * e2z
    nz = e1x * e2y - e1y * e2x
    norm = jnp.sqrt(nx * nx + ny * ny + nz * nz)
    ux = nx / norm
    uy = ny / norm
    uz = nz / norm
    f32 = jnp.float32
    sign = jnp.where(ux > 0, f32(1.0), f32(-1.0))
    nor = jnp.concatenate([ux * sign, uy * sign, uz * sign], axis=0)
    cen = ((p1 + p2) + p3) * f32(1.0 / 3.0)

    nan_mask = (jnp.isnan(nor[0:1]) | jnp.isnan(nor[1:2])
                | jnp.isnan(nor[2:3]))
    iota = jax.lax.broadcasted_iota(jnp.int32, (1, N), 1)
    first = jnp.min(jnp.where(nan_mask, N, iota), axis=1, keepdims=True)
    first = jnp.where(first == N, 0, first)
    onehot = (iota == first).astype(f32)
    nor_first = jnp.sum(nor * onehot, axis=1, keepdims=True)
    cen_first = jnp.sum(cen * onehot, axis=1, keepdims=True)
    normal_ref[0] = jnp.where(nan_mask, nor_first, nor)
    cen_ref[0] = jnp.where(nan_mask, cen_first, cen)


@functools.partial(jax.jit, static_argnames=("interpret",))
def kernel(center, context, interpret=False):
    B, _, N = center.shape
    M = context.shape[2]
    R = 512
    bf16 = jnp.bfloat16
    cq = center.astype(bf16)
    xtq = jnp.transpose(context, (0, 2, 1)).astype(bf16)
    cnorm = jnp.sum(jnp.transpose(center, (0, 2, 1)) ** 2,
                    axis=-1)[:, None, :]
    xnorm = jnp.sum(jnp.transpose(context, (0, 2, 1)) ** 2,
                    axis=-1)[:, :, None]

    idx = pl.pallas_call(
        _knn_kernel,
        grid=(B, N // R),
        in_specs=[
            pl.BlockSpec((1, 3, R), lambda b, j: (b, 0, j)),
            pl.BlockSpec((1, M, 3), lambda b, j: (b, 0, 0)),
            pl.BlockSpec((1, 1, R), lambda b, j: (b, 0, j)),
            pl.BlockSpec((1, M, 1), lambda b, j: (b, 0, 0)),
        ],
        out_specs=pl.BlockSpec((1, 3, R), lambda b, j: (b, 0, j)),
        out_shape=jax.ShapeDtypeStruct((B, 3, N), jnp.int32),
        interpret=interpret,
    )(cq, xtq, cnorm, xnorm)

    gathered = _make_gather_kernel(B, M, N)(
        context.reshape(B * 3 * M), idx.reshape(B, 3 * N))
    gathered = gathered.reshape(B, 3, 3, N)

    out_shape = [
        jax.ShapeDtypeStruct((B, 3, N), jnp.float32),
        jax.ShapeDtypeStruct((B, 3, N), jnp.float32),
    ]
    normal, cen = pl.pallas_call(
        _geom_kernel,
        grid=(B,),
        in_specs=[pl.BlockSpec((1, 3, 3, N), lambda b: (b, 0, 0, 0))],
        out_specs=[
            pl.BlockSpec((1, 3, N), lambda b: (b, 0, 0)),
            pl.BlockSpec((1, 3, N), lambda b: (b, 0, 0)),
        ],
        out_shape=out_shape,
        interpret=interpret,
    )(gathered)
    return (normal, cen)

# --- scband reference (transcript-rebuilt; emitter-appended) ---
"""Pipeline reference for scband-surface-constructor-38474317038067 (READ-ONLY COPY).

The authoritative reference and input builder live on the scoring server;
editing this copy changes nothing except your own understanding.
"""

import jax, jax.numpy as jnp
import numpy as np


def square_distance(src, dst):
    # src: [B, N, 3], dst: [B, M, 3] -> [B, N, M] squared euclidean distances
    dist = -2.0 * jnp.matmul(src, jnp.transpose(dst, (0, 2, 1)))
    dist = dist + jnp.sum(src ** 2, axis=-1)[:, :, None]
    dist = dist + jnp.sum(dst ** 2, axis=-1)[:, None, :]
    return dist


def query_knn_point(k, context, center):
    # context: [B, M, 3], center: [B, N, 3] -> idx [B, N, k]
    dist = square_distance(center, context)
    _, idx = jax.lax.top_k(-dist, k)
    return idx


def index_points(points, idx):
    # points: [B, M, 3], idx: [B, N, K] -> [B, N, K, 3]
    B = points.shape[0]
    return points[jnp.arange(B)[:, None, None], idx]


def cal_normal(group_xyz):
    # group_xyz: [B, N, K=3, 3]
    edge_vec1 = group_xyz[..., 1, :] - group_xyz[..., 0, :]
    edge_vec2 = group_xyz[..., 2, :] - group_xyz[..., 0, :]
    nor = jnp.cross(edge_vec1, edge_vec2)
    unit_nor = nor / jnp.linalg.norm(nor, axis=-1, keepdims=True)
    pos_mask = (unit_nor[..., 0] > 0).astype(jnp.float32) * 2.0 - 1.0
    unit_nor = unit_nor * pos_mask[..., None]
    # random_inv=False, so no random sign flip
    return unit_nor


def cal_center(group_xyz):
    return jnp.mean(group_xyz, axis=-2)


def check_nan(normal, center):
    B = normal.shape[0]
    mask = jnp.sum(jnp.isnan(normal), axis=-1) > 0  # [B, N]
    mask_first = jnp.argmax((~mask).astype(jnp.int32), axis=-1)  # [B]
    normal_first = normal[jnp.arange(B), mask_first][:, None, :]  # [B, 1, 3]
    normal = jnp.where(mask[..., None], normal_first, normal)
    center_first = center[jnp.arange(B), mask_first][:, None, :]
    center = jnp.where(mask[..., None], center_first, center)
    return normal, center


def setup_inputs(seed: int = 0) -> dict:
    key = jax.random.key(seed)
    k1, k2 = jax.random.split(key)
    center = jax.random.normal(k1, (4, 3, 4096), dtype=jnp.float32)
    context = jax.random.normal(k2, (4, 3, 4096), dtype=jnp.float32)
    return {"center": center, "context": context}


def reference(center, context):
    K = 3
    c = jnp.transpose(center, (0, 2, 1))   # [B, N, 3]
    ctx = jnp.transpose(context, (0, 2, 1))  # [B, M, 3]
    idx = query_knn_point(K, ctx, c)  # [B, N, K]
    group_xyz = index_points(ctx, idx)  # [B, N, K, 3]
    normal = cal_normal(group_xyz)
    cen = cal_center(group_xyz)
    normal, cen = check_nan(normal, cen)
    normal = jnp.transpose(normal, (0, 2, 1))
    cen = jnp.transpose(cen, (0, 2, 1))
    return (normal, cen)

if __name__ == "__main__":
    import jax
    _d = setup_inputs()
    print(jax.jit(kernel)(*tuple(_d.values())))

</pallas_src>

<mosaic_0001>
#map = affine_map<(d0, d1) -> (0)>
#map1 = affine_map<(d0, d1) -> (0, 0)>
module attributes {stable_mosaic.version = 14 : i64} {
  func.func @gather_kernel(%arg0: i32, %arg1: i32, %arg2: memref<49152xf32, #tpu.memory_space<hbm>>, %arg3: memref<4x12288xi32, #tpu.memory_space<hbm>>, %arg4: memref<4x36864xf32, #tpu.memory_space<hbm>>, %arg5: memref<1536xi32, #tpu.memory_space<vmem>>, %arg6: memref<36x128xi32, #tpu.memory_space<vmem>>, %arg7: memref<4608xf32, #tpu.memory_space<vmem>>, %arg8: memref<!tpu.dma_semaphore, #tpu.memory_space<semaphore_mem>>) attributes {dimension_semantics = [#tpu.dimension_semantics<core_parallel>, #tpu.dimension_semantics<subcore_parallel>], iteration_bounds = array<i64: 2, 16>, scalar_prefetch = 0 : i64, scratch_operands = 4 : i64, tpu.core_type = #tpu.core_type<sc_vector_subcore>, window_params = [{transform_indices = #map}, {transform_indices = #map1}, {transform_indices = #map1}]} {
    %mul3A = arith.constant 2 : i32
    %mul3A_0 = arith.muli %arg1, %mul3A : i32
    %add3A = arith.addi %mul3A_0, %arg0 : i32
    %jit3A = arith.constant 8 : i32
    %div3A = arith.divsi %add3A, %jit3A : i32
    %sign3A = arith.constant 0 : i32
    %sign3A_1 = arith.cmpi sgt, %add3A, %sign3A : i32
    %sign3A_2 = arith.extui %sign3A_1 : i1 to i32
    %sign3A_3 = arith.constant 0 : i32
    %sign3A_4 = arith.cmpi slt, %add3A, %sign3A_3 : i32
    %sign3A_5 = arith.extui %sign3A_4 : i1 to i32
    %sign3A_6 = arith.subi %sign3A_2, %sign3A_5 : i32
    %sign3A_7 = arith.constant 0 : i32
    %sign3A_8 = arith.cmpi sgt, %jit3A, %sign3A_7 : i32
    %sign3A_9 = arith.extui %sign3A_8 : i1 to i32
    %sign3A_10 = arith.constant 0 : i32
    %sign3A_11 = arith.cmpi slt, %jit3A, %sign3A_10 : i32
    %sign3A_12 = arith.extui %sign3A_11 : i1 to i32
    %sign3A_13 = arith.subi %sign3A_9, %sign3A_12 : i32
    %ne3A = arith.cmpi ne, %sign3A_6, %sign3A_13 : i32
    %rem3A = arith.remsi %add3A, %jit3A : i32
    %ne3A_14 = arith.constant 0 : i32
    %ne3A_15 = arith.cmpi ne, %rem3A, %ne3A_14 : i32
    %and3A = arith.andi %ne3A, %ne3A_15 : i1
    %sub3A = arith.constant 1 : i32
    %sub3A_16 = arith.subi %div3A, %sub3A : i32
    %select_n3A = arith.select %and3A, %sub3A_16, %div3A : i32
    %jit3A_17 = arith.constant 8 : i32
    %eq3A = arith.constant 0 : i32
    %eq3A_18 = arith.cmpi eq, %jit3A_17, %eq3A : i32
    %jit3A_19 = arith.constant 1 : i32
    %select_n3A_20 = arith.select %eq3A_18, %jit3A_19, %jit3A_17 : i32
    %rem3A_21 = arith.remsi %add3A, %select_n3A_20 : i32
    %ne3A_22 = arith.constant 0 : i32
    %ne3A_23 = arith.cmpi ne, %rem3A_21, %ne3A_22 : i32
    %lt3A = arith.constant 0 : i32
    %lt3A_24 = arith.cmpi slt, %rem3A_21, %lt3A : i32
    %lt3A_25 = arith.constant 0 : i32
    %lt3A_26 = arith.cmpi slt, %select_n3A_20, %lt3A_25 : i32
    %ne3A_27 = arith.xori %lt3A_24, %lt3A_26 : i1
    %and3A_28 = arith.andi %ne3A_27, %ne3A_23 : i1
    %add3A_29 = arith.addi %rem3A_21, %select_n3A_20 : i32
    %select_n3A_30 = arith.select %and3A_28, %add3A_29, %rem3A_21 : i32
    %mul3A_31 = arith.constant 512 : i32
    %mul3A_32 = arith.muli %select_n3A_30, %mul3A_31 : i32
    %add3A_33 = arith.constant 0 : i32
    %add3A_34 = arith.addi %add3A_33, %mul3A_32 : i32
    "tpu.region"() ({
      %run_scoped3A = tpu.sem_alloc : memref<!tpu.dma_semaphore, #tpu.memory_space<semaphore_mem>>
      %dma_start3A_4375 = arith.constant 0 : i32
      %dma_start3A_4376 = tpu.memref_slice %arg5[%dma_start3A_4375] : memref<1536xi32, #tpu.memory_space<vmem>> -> memref<512xi32, #tpu.memory_space<vmem>>
      %dma_start3A_4377 = tpu.memref_slice %arg3[%select_n3A, %add3A_34] : memref<4x12288xi32, #tpu.memory_space<hbm>> -> memref<1x512xi32, #tpu.memory_space<hbm>>
      %dma_start3A_4378 = tpu.memref_squeeze %dma_start3A_4377 : memref<1x512xi32, #tpu.memory_space<hbm>> -> memref<512xi32, #tpu.memory_space<hbm>>
      %dma_start3A_4379 = arith.constant 0 : i32
      %dma_start3A_4380 = tpu.memref_slice %arg5[%dma_start3A_4379] : memref<1536xi32, #tpu.memory_space<vmem>> -> memref<512xi32, #tpu.memory_space<vmem>>
      %dma_start3A_4381 = tpu.memref_slice %arg3[%select_n3A, %add3A_34] : memref<4x12288xi32, #tpu.memory_space<hbm>> -> memref<1x512xi32, #tpu.memory_space<hbm>>
      %dma_start3A_4382 = tpu.memref_squeeze %dma_start3A_4381 : memref<1x512xi32, #tpu.memory_space<hbm>> -> memref<512xi32, #tpu.memory_space<hbm>>
      tpu.enqueue_dma source(%dma_start3A_4382 : memref<512xi32, #tpu.memory_space<hbm>>) target(%dma_start3A_4380 : memref<512xi32, #tpu.memory_space<vmem>>) target_semaphore(%run_scoped3A : memref<!tpu.dma_semaphore, #tpu.memory_space<semaphore_mem>>)
      %dma_wait3A_4383 = arith.constant 0 : i32
      %dma_wait3A_4384 = tpu.memref_slice %arg5[%dma_wait3A_4383] : memref<1536xi32, #tpu.memory_space<vmem>> -> memref<512xi32, #tpu.memory_space<vmem>>
      %dma_wait3A_4385 = tpu.memref_slice %arg3[%select_n3A, %add3A_34] : memref<4x12288xi32, #tpu.memory_space<hbm>> -> memref<1x512xi32, #tpu.memory_space<hbm>>
      %dma_wait3A_4386 = tpu.memref_squeeze %dma_wait3A_4385 : memref<1x512xi32, #tpu.memory_space<hbm>> -> memref<512xi32, #tpu.memory_space<hbm>>
      %dma_wait3A_4387 = arith.constant 0 : i32
      %dma_wait3A_4388 = tpu.memref_slice %arg5[%dma_wait3A_4387] : memref<1536xi32, #tpu.memory_space<vmem>> -> memref<512xi32, #tpu.memory_space<vmem>>
      %dma_wait3A_4389 = tpu.memref_slice %arg3[%select_n3A, %add3A_34] : memref<4x12288xi32, #tpu.memory_space<hbm>> -> memref<1x512xi32, #tpu.memory_space<hbm>>
      %dma_wait3A_4390 = tpu.memref_squeeze %dma_wait3A_4389 : memref<1x512xi32, #tpu.memory_space<hbm>> -> memref<512xi32, #tpu.memory_space<hbm>>
      tpu.wait_dma2 semaphore(%run_scoped3A : memref<!tpu.dma_semaphore, #tpu.memory_space<semaphore_mem>>) src(%dma_wait3A_4390 : memref<512xi32, #tpu.memory_space<hbm>>) dst(%dma_wait3A_4388 : memref<512xi32, #tpu.memory_space<vmem>>)
      tpu.yield
    }) : () -> ()
    %add3A_35 = arith.constant 4096 : i32
    %add3A_36 = arith.addi %add3A_35, %mul3A_32 : i32
    "tpu.region"() ({
      %run_scoped3A = tpu.sem_alloc : memref<!tpu.dma_semaphore, #tpu.memory_space<semaphore_mem>>
      %dma_start3A_4375 = arith.constant 512 : i32
      %dma_start3A_4376 = tpu.memref_slice %arg5[%dma_start3A_4375] : memref<1536xi32, #tpu.memory_space<vmem>> -> memref<512xi32, #tpu.memory_space<vmem>>
      %dma_start3A_4377 = tpu.memref_slice %arg3[%select_n3A, %add3A_36] : memref<4x12288xi32, #tpu.memory_space<hbm>> -> memref<1x512xi32, #tpu.memory_space<hbm>>
      %dma_start3A_4378 = tpu.memref_squeeze %dma_start3A_4377 : memref<1x512xi32, #tpu.memory_space<hbm>> -> memref<512xi32, #tpu.memory_space<hbm>>
      %dma_start3A_4379 = arith.constant 512 : i32
      %dma_start3A_4380 = tpu.memref_slice %arg5[%dma_start3A_4379] : memref<1536xi32, #tpu.memory_space<vmem>> -> memref<512xi32, #tpu.memory_space<vmem>>
      %dma_start3A_4381 = tpu.memref_slice %arg3[%select_n3A, %add3A_36] : memref<4x12288xi32, #tpu.memory_space<hbm>> -> memref<1x512xi32, #tpu.memory_space<hbm>>
      %dma_start3A_4382 = tpu.memref_squeeze %dma_start3A_4381 : memref<1x512xi32, #tpu.memory_space<hbm>> -> memref<512xi32, #tpu.memory_space<hbm>>
      tpu.enqueue_dma source(%dma_start3A_4382 : memref<512xi32, #tpu.memory_space<hbm>>) target(%dma_start3A_4380 : memref<512xi32, #tpu.memory_space<vmem>>) target_semaphore(%run_scoped3A : memref<!tpu.dma_semaphore, #tpu.memory_space<semaphore_mem>>)
      %dma_wait3A_4383 = arith.constant 512 : i32
      %dma_wait3A_4384 = tpu.memref_slice %arg5[%dma_wait3A_4383] : memref<1536xi32, #tpu.memory_space<vmem>> -> memref<512xi32, #tpu.memory_space<vmem>>
      %dma_wait3A_4385 = tpu.memref_slice %arg3[%select_n3A, %add3A_36] : memref<4x12288xi32, #tpu.memory_space<hbm>> -> memref<1x512xi32, #tpu.memory_space<hbm>>
      %dma_wait3A_4386 = tpu.memref_squeeze %dma_wait3A_4385 : memref<1x512xi32, #tpu.memory_space<hbm>> -> memref<512xi32, #tpu.memory_space<hbm>>
      %dma_wait3A_4387 = arith.constant 512 : i32
      %dma_wait3A_4388 = tpu.memref_slice %arg5[%dma_wait3A_4387] : memref<1536xi32, #tpu.memory_space<vmem>> -> memref<512xi32, #tpu.memory_space<vmem>>
      %dma_wait3A_4389 = tpu.memref_slice %arg3[%select_n3A, %add3A_36] : memref<4x12288xi32, #tpu.memory_space<hbm>> -> memref<1x512xi32, #tpu.memory_space<hbm>>
      %dma_wait3A_4390 = tpu.memref_squeeze %dma_wait3A_4389 : memref<1x512xi32, #tpu.memory_space<hbm>> -> memref<512xi32, #tpu.memory_space<hbm>>
      tpu.wait_dma2 semaphore(%run_scoped3A : memref<!tpu.dma_semaphore, #tpu.memory_space<semaphore_mem>>) src(%dma_wait3A_4390 : memref<512xi32, #tpu.memory_space<hbm>>) dst(%dma_wait3A_4388 : memref<512xi32, #tpu.memory_space<vmem>>)
      tpu.yield
    }) : () -> ()
    %add3A_37 = arith.constant 8192 : i32
    %add3A_38 = arith.addi %add3A_37, %mul3A_32 : i32
    "tpu.region"() ({
      %run_scoped3A = tpu.sem_alloc : memref<!tpu.dma_semaphore, #tpu.memory_space<semaphore_mem>>
      %dma_start3A_4375 = arith.constant 1024 : i32
      %dma_start3A_4376 = tpu.memref_slice %arg5[%dma_start3A_4375] : memref<1536xi32, #tpu.memory_space<vmem>> -> memref<512xi32, #tpu.memory_space<vmem>>
      %dma_start3A_4377 = tpu.memref_slice %arg3[%select_n3A, %add3A_38] : memref<4x12288xi32, #tpu.memory_space<hbm>> -> memref<1x512xi32, #tpu.memory_space<hbm>>
      %dma_start3A_4378 = tpu.memref_squeeze %dma_start3A_4377 : memref<1x512xi32, #tpu.memory_space<hbm>> -> memref<512xi32, #tpu.memory_space<hbm>>
      %dma_start3A_4379 = arith.constant 1024 : i32
      %dma_start3A_4380 = tpu.memref_slice %arg5[%dma_start3A_4379] : memref<1536xi32, #tpu.memory_space<vmem>> -> memref<512xi32, #tpu.memory_space<vmem>>
      %dma_start3A_4381 = tpu.memref_slice %arg3[%select_n3A, %add3A_38] : memref<4x12288xi32, #tpu.memory_space<hbm>> -> memref<1x512xi32, #tpu.memory_space<hbm>>
      %dma_start3A_4382 = tpu.memref_squeeze %dma_start3A_4381 : memref<1x512xi32, #tpu.memory_space<hbm>> -> memref<512xi32, #tpu.memory_space<hbm>>
      tpu.enqueue_dma source(%dma_start3A_4382 : memref<512xi32, #tpu.memory_space<hbm>>) target(%dma_start3A_4380 : memref<512xi32, #tpu.memory_space<vmem>>) target_semaphore(%run_scoped3A : memref<!tpu.dma_semaphore, #tpu.memory_space<semaphore_mem>>)
      %dma_wait3A_4383 = arith.constant 1024 : i32
      %dma_wait3A_4384 = tpu.memref_slice %arg5[%dma_wait3A_4383] : memref<1536xi32, #tpu.memory_space<vmem>> -> memref<512xi32, #tpu.memory_space<vmem>>
      %dma_wait3A_4385 = tpu.memref_slice %arg3[%select_n3A, %add3A_38] : memref<4x12288xi32, #tpu.memory_space<hbm>> -> memref<1x512xi32, #tpu.memory_space<hbm>>
      %dma_wait3A_4386 = tpu.memref_squeeze %dma_wait3A_4385 : memref<1x512xi32, #tpu.memory_space<hbm>> -> memref<512xi32, #tpu.memory_space<hbm>>
      %dma_wait3A_4387 = arith.constant 1024 : i32
      %dma_wait3A_4388 = tpu.memref_slice %arg5[%dma_wait3A_4387] : memref<1536xi32, #tpu.memory_space<vmem>> -> memref<512xi32, #tpu.memory_space<vmem>>
      %dma_wait3A_4389 = tpu.memref_slice %arg3[%select_n3A, %add3A_38] : memref<4x12288xi32, #tpu.memory_space<hbm>> -> memref<1x512xi32, #tpu.memory_space<hbm>>
      %dma_wait3A_4390 = tpu.memref_squeeze %dma_wait3A_4389 : memref<1x512xi32, #tpu.memory_space<hbm>> -> memref<512xi32, #tpu.memory_space<hbm>>
      tpu.wait_dma2 semaphore(%run_scoped3A : memref<!tpu.dma_semaphore, #tpu.memory_space<semaphore_mem>>) src(%dma_wait3A_4390 : memref<512xi32, #tpu.memory_space<hbm>>) dst(%dma_wait3A_4388 : memref<512xi32, #tpu.memory_space<vmem>>)
      tpu.yield
    }) : () -> ()
    %mul3A_39 = arith.constant 12288 : i32
    %mul3A_40 = arith.muli %select_n3A, %mul3A_39 : i32
    %get3A = arith.constant 0 : index
    %get3A_41 = tpu.vector_load %arg5[%get3A] {strides = array<i32>} : memref<1536xi32, #tpu.memory_space<vmem>>, vector<16xi32>,
    %get3A_42 = vector.shape_cast %get3A_41 : vector<16xi32> to vector<16xi32>
    %add3A_43 = arith.constant 0 : i32
    %add3A_44 = arith.addi %mul3A_40, %add3A_43 : i32
    %add3A_45 = vector.broadcast %add3A_44 : i32 to vector<16xi32>
    %add3A_46 = arith.addi %get3A_42, %add3A_45 : vector<16xi32>
    %swap3A = arith.constant 0 : i32
    %swap3A_47 = arith.index_cast %swap3A : i32 to index
    %swap3A_48 = arith.constant 0 : index
    %swap3A_49 = tpu.vector_load %arg6[%swap3A_47, %swap3A_48] {strides = array<i32>} : memref<36x128xi32, #tpu.memory_space<vmem>>, vector<1x16xi32>,
    %swap3A_50 = vector.shape_cast %swap3A_49 : vector<1x16xi32> to vector<16xi32>
    %swap3A_51 = vector.shape_cast %add3A_46 : vector<16xi32> to vector<1x16xi32>
    tpu.vector_store %arg6[%swap3A_47, %swap3A_48], %swap3A_51 {strides = array<i32>} : memref<36x128xi32, #tpu.memory_space<vmem>>, vector<1x16xi32>,
    %get3A_52 = arith.constant 16 : index
    %get3A_53 = tpu.vector_load %arg5[%get3A_52] {strides = array<i32>} : memref<1536xi32, #tpu.memory_space<vmem>>, vector<16xi32>,
    %get3A_54 = vector.shape_cast %get3A_53 : vector<16xi32> to vector<16xi32>
    %add3A_55 = arith.constant 0 : i32
    %add3A_56 = arith.addi %mul3A_40, %add3A_55 : i32
    %add3A_57 = vector.broadcast %add3A_56 : i32 to vector<16xi32>
    %add3A_58 = arith.addi %get3A_54, %add3A_57 : vector<16xi32>
    %swap3A_59 = arith.constant 0 : i32
    %swap3A_60 = arith.index_cast %swap3A_59 : i32 to index
    %swap3A_61 = arith.constant 16 : index
    %swap3A_62 = tpu.vector_load %arg6[%swap3A_60, %swap3A_61] {strides = array<i32>} : memref<36x128xi32, #tpu.memory_space<vmem>>, vector<1x16xi32>,
    %swap3A_63 = vector.shape_cast %swap3A_62 : vector<1x16xi32> to vector<16xi32>
    %swap3A_64 = vector.shape_cast %add3A_58 : vector<16xi32> to vector<1x16xi32>
    tpu.vector_store %arg6[%swap3A_60, %swap3A_61], %swap3A_64 {strides = array<i32>} : memref<36x128xi32, #tpu.memory_space<vmem>>, vector<1x16xi32>,
    %get3A_65 = arith.constant 32 : index
    %get3A_66 = tpu.vector_load %arg5[%get3A_65] {strides = array<i32>} : memref<1536xi32, #tpu.memory_space<vmem>>, vector<16xi32>,
    %get3A_67 = vector.shape_cast %get3A_66 : vector<16xi32> to vector<16xi32>
    %add3A_68 = arith.constant 0 : i32
    %add3A_69 = arith.addi %mul3A_40, %add3A_68 : i32
    %add3A_70 = vector.broadcast %add3A_69 : i32 to vector<16xi32>
    %add3A_71 = arith.addi %get3A_67, %add3A_70 : vector<16xi32>
    %swap3A_72 = arith.constant 0 : i32
    %swap3A_73 = arith.index_cast %swap3A_72 : i32 to index
    %swap3A_74 = arith.constant 32 : index
    %swap3A_75 = tpu.vector_load %arg6[%swap3A_73, %swap3A_74] {strides = array<i32>} : memref<36x128xi32, #tpu.memory_space<vmem>>, vector<1x16xi32>,
    %swap3A_76 = vector.shape_cast %swap3A_75 : vector<1x16xi32> to vector<16xi32>
    %swap3A_77 = vector.shape_cast %add3A_71 : vector<16xi32> to vector<1x16xi32>
    tpu.vector_store %arg6[%swap3A_73, %swap3A_74], %swap3A_77 {strides = array<i32>} : memref<36x128xi32, #tpu.memory_space<vmem>>, vector<1x16xi32>,
    %get3A_78 = arith.constant 48 : index
    %get3A_79 = tpu.vector_load %arg5[%get3A_78] {strides = array<i32>} : memref<1536xi32, #tpu.memory_space<vmem>>, vector<16xi32>,
    %get3A_80 = vector.shape_cast %get3A_79 : vector<16xi32> to vector<16xi32>
    %add3A_81 = arith.constant 0 : i32
    %add3A_82 = arith.addi %mul3A_40, %add3A_81 : i32
    %add3A_83 = vector.broadcast %add3A_82 : i32 to vector<16xi32>
    %add3A_84 = arith.addi %get3A_80, %add3A_83 : vector<16xi32>
    %swap3A_85 = arith.constant 0 : i32
    %swap3A_86 = arith.index_cast %swap3A_85 : i32 to index
    %swap3A_87 = arith.constant 48 : index
    %swap3A_88 = tpu.vector_load %arg6[%swap3A_86, %swap3A_87] {strides = array<i32>} : memref<36x128xi32, #tpu.memory_space<vmem>>, vector<1x16xi32>,
    %swap3A_89 = vector.shape_cast %swap3A_88 : vector<1x16xi32> to vector<16xi32>
    %swap3A_90 = vector.shape_cast %add3A_84 : vector<16xi32> to vector<1x16xi32>
    tpu.vector_store %arg6[%swap3A_86, %swap3A_87], %swap3A_90 {strides = array<i32>} : memref<36x128xi32, #tpu.memory_space<vmem>>, vector<1x16xi32>,
    %get3A_91 = arith.constant 64 : index
    %get3A_92 = tpu.vector_load %arg5[%get3A_91] {strides = array<i32>} : memref<1536xi32, #tpu.memory_space<vmem>>, vector<16xi32>,
    %get3A_93 = vector.shape_cast %get3A_92 : vector<16xi32> to vector<16xi32>
    %add3A_94 = arith.constant 0 : i32
    %add3A_95 = arith.addi %mul3A_40, %add3A_94 : i32
    %add3A_96 = vector.broadcast %add3A_95 : i32 to vector<16xi32>
    %add3A_97 = arith.addi %get3A_93, %add3A_96 : vector<16xi32>
    %swap3A_98 = arith.constant 0 : i32
    %swap3A_99 = arith.index_cast %swap3A_98 : i32 to index
    %swap3A_100 = arith.constant 64 : index
    %swap3A_101 = tpu.vector_load %arg6[%swap3A_99, %swap3A_100] {strides = array<i32>} : memref<36x128xi32, #tpu.memory_space<vmem>>, vector<1x16xi32>,
    %swap3A_102 = vector.shape_cast %swap3A_101 : vector<1x16xi32> to vector<16xi32>
    %swap3A_103 = vector.shape_cast %add3A_97 : vector<16xi32> to vector<1x16xi32>
    tpu.vector_store %arg6[%swap3A_99, %swap3A_100], %swap3A_103 {strides = array<i32>} : memref<36x128xi32, #tpu.memory_space<vmem>>, vector<1x16xi32>,
    %get3A_104 = arith.constant 80 : index
    %get3A_105 = tpu.vector_load %arg5[%get3A_104] {strides = array<i32>} : memref<1536xi32, #tpu.memory_space<vmem>>, vector<16xi32>,
    %get3A_106 = vector.shape_cast %get3A_105 : vector<16xi32> to vector<16xi32>
    %add3A_107 = arith.constant 0 : i32
    %add3A_108 = arith.addi %mul3A_40, %add3A_107 : i32
    %add3A_109 = vector.broadcast %add3A_108 : i32 to vector<16xi32>
    %add3A_110 = arith.addi %get3A_106, %add3A_109 : vector<16xi32>
    %swap3A_111 = arith.constant 0 : i32
    %swap3A_112 = arith.index_cast %swap3A_111 : i32 to index
    %swap3A_113 = arith.constant 80 : index
    %swap3A_114 = tpu.vector_load %arg6[%swap3A_112, %swap3A_113] {strides = array<i32>} : memref<36x128xi32, #tpu.memory_space<vmem>>, vector<1x16xi32>,
    %swap3A_115 = vector.shape_cast %swap3A_114 : vector<1x16xi32> to vector<16xi32>
    %swap3A_116 = vector.shape_cast %add3A_110 : vector<16xi32> to vector<1x16xi32>
    tpu.vector_store %arg6[%swap3A_112, %swap3A_113], %swap3A_116 {strides = array<i32>} : memref<36x128xi32, #tpu.memory_space<vmem>>, vector<1x16xi32>,
    %get3A_117 = arith.constant 96 : index
    %get3A_118 = tpu.vector_load %arg5[%get3A_117] {strides = array<i32>} : memref<1536xi32, #tpu.memory_space<vmem>>, vector<16xi32>,
    %get3A_119 = vector.shape_cast %get3A_118 : vector<16xi32> to vector<16xi32>
    %add3A_120 = arith.constant 0 : i32
    %add3A_121 = arith.addi %mul3A_40, %add3A_120 : i32
    %add3A_122 = vector.broadcast %add3A_121 : i32 to vector<16xi32>
    %add3A_123 = arith.addi %get3A_119, %add3A_122 : vector<16xi32>
    %swap3A_124 = arith.constant 0 : i32
    %swap3A_125 = arith.index_cast %swap3A_124 : i32 to index
    %swap3A_126 = arith.constant 96 : index
    %swap3A_127 = tpu.vector_load %arg6[%swap3A_125, %swap3A_126] {strides = array<i32>} : memref<36x128xi32, #tpu.memory_space<vmem>>, vector<1x16xi32>,
    %swap3A_128 = vector.shape_cast %swap3A_127 : vector<1x16xi32> to vector<16xi32>
    %swap3A_129 = vector.shape_cast %add3A_123 : vector<16xi32> to vector<1x16xi32>
    tpu.vector_store %arg6[%swap3A_125, %swap3A_126], %swap3A_129 {strides = array<i32>} : memref<36x128xi32, #tpu.memory_space<vmem>>, vector<1x16xi32>,
    %get3A_130 = arith.constant 112 : index
    %get3A_131 = tpu.vector_load %arg5[%get3A_130] {strides = array<i32>} : memref<1536xi32, #tpu.memory_space<vmem>>, vector<16xi32>,
    %get3A_132 = vector.shape_cast %get3A_131 : vector<16xi32> to vector<16xi32>
    %add3A_133 = arith.constant 0 : i32
    %add3A_134 = arith.addi %mul3A_40, %add3A_133 : i32
    %add3A_135 = vector.broadcast %add3A_134 : i32 to vector<16xi32>
    %add3A_136 = arith.addi %get3A_132, %add3A_135 : vector<16xi32>
    %swap3A_137 = arith.constant 0 : i32
    %swap3A_138 = arith.index_cast %swap3A_137 : i32 to index
    %swap3A_139 = arith.constant 112 : index
    %swap3A_140 = tpu.vector_load %arg6[%swap3A_138, %swap3A_139] {strides = array<i32>} : memref<36x128xi32, #tpu.memory_space<vmem>>, vector<1x16xi32>,
    %swap3A_141 = vector.shape_cast %swap3A_140 : vector<1x16xi32> to vector<16xi32>
    %swap3A_142 = vector.shape_cast %add3A_136 : vector<16xi32> to vector<1x16xi32>
    tpu.vector_store %arg6[%swap3A_138, %swap3A_139], %swap3A_142 {strides = array<i32>} : memref<36x128xi32, #tpu.memory_space<vmem>>, vector<1x16xi32>,
    %get3A_143 = arith.constant 128 : index
    %get3A_144 = tpu.vector_load %arg5[%get3A_143] {strides = array<i32>} : memref<1536xi32, #tpu.memory_space<vmem>>, vector<16xi32>,
    %get3A_145 = vector.shape_cast %get3A_144 : vector<16xi32> to vector<16xi32>
    %add3A_146 = arith.constant 0 : i32
    %add3A_147 = arith.addi %mul3A_40, %add3A_146 : i32
    %add3A_148 = vector.broadcast %add3A_147 : i32 to vector<16xi32>
    %add3A_149 = arith.addi %get3A_145, %add3A_148 : vector<16xi32>
    %swap3A_150 = arith.constant 1 : i32
    %swap3A_151 = arith.index_cast %swap3A_150 : i32 to index
    %swap3A_152 = arith.constant 0 : index
    %swap3A_153 = tpu.vector_load %arg6[%swap3A_151, %swap3A_152] {strides = array<i32>} : memref<36x128xi32, #tpu.memory_space<vmem>>, vector<1x16xi32>,
    %swap3A_154 = vector.shape_cast %swap3A_153 : vector<1x16xi32> to vector<16xi32>
    %swap3A_155 = vector.shape_cast %add3A_149 : vector<16xi32> to vector<1x16xi32>
    tpu.vector_store %arg6[%swap3A_151, %swap3A_152], %swap3A_155 {strides = array<i32>} : memref<36x128xi32, #tpu.memory_space<vmem>>, vector<1x16xi32>,
    %get3A_156 = arith.constant 144 : index
    %get3A_157 = tpu.vector_load %arg5[%get3A_156] {strides = array<i32>} : memref<1536xi32, #tpu.memory_space<vmem>>, vector<16xi32>,
    %get3A_158 = vector.shape_cast %get3A_157 : vector<16xi32> to vector<16xi32>
    %add3A_159 = arith.constant 0 : i32
    %add3A_160 = arith.addi %mul3A_40, %add3A_159 : i32
    %add3A_161 = vector.broadcast %add3A_160 : i32 to vector<16xi32>
    %add3A_162 = arith.addi %get3A_158, %add3A_161 : vector<16xi32>
    %swap3A_163 = arith.constant 1 : i32
    %swap3A_164 = arith.index_cast %swap3A_163 : i32 to index
    %swap3A_165 = arith.constant 16 : index
    %swap3A_166 = tpu.vector_load %arg6[%swap3A_164, %swap3A_165] {strides = array<i32>} : memref<36x128xi32, #tpu.memory_space<vmem>>, vector<1x16xi32>,
    %swap3A_167 = vector.shape_cast %swap3A_166 : vector<1x16xi32> to vector<16xi32>
    %swap3A_168 = vector.shape_cast %add3A_162 : vector<16xi32> to vector<1x16xi32>
    tpu.vector_store %arg6[%swap3A_164, %swap3A_165], %swap3A_168 {strides = array<i32>} : memref<36x128xi32, #tpu.memory_space<vmem>>, vector<1x16xi32>,
    %get3A_169 = arith.constant 160 : index
    %get3A_170 = tpu.vector_load %arg5[%get3A_169] {strides = array<i32>} : memref<1536xi32, #tpu.memory_space<vmem>>, vector<16xi32>,
    %get3A_171 = vector.shape_cast %get3A_170 : vector<16xi32> to vector<16xi32>
    %add3A_172 = arith.constant 0 : i32
    %add3A_173 = arith.addi %mul3A_40, %add3A_172 : i32
    %add3A_174 = vector.broadcast %add3A_173 : i32 to vector<16xi32>
    %add3A_175 = arith.addi %get3A_171, %add3A_174 : vector<16xi32>
    %swap3A_176 = arith.constant 1 : i32
    %swap3A_177 = arith.index_cast %swap3A_176 : i32 to index
    %swap3A_178 = arith.constant 32 : index
    %swap3A_179 = tpu.vector_load %arg6[%swap3A_177, %swap3A_178] {strides = array<i32>} : memref<36x128xi32, #tpu.memory_space<vmem>>, vector<1x16xi32>,
    %swap3A_180 = vector.shape_cast %swap3A_179 : vector<1x16xi32> to vector<16xi32>
    %swap3A_181 = vector.shape_cast %add3A_175 : vector<16xi32> to vector<1x16xi32>
    tpu.vector_store %arg6[%swap3A_177, %swap3A_178], %swap3A_181 {strides = array<i32>} : memref<36x128xi32, #tpu.memory_space<vmem>>, vector<1x16xi32>,
    %get3A_182 = arith.constant 176 : index
    %get3A_183 = tpu.vector_load %arg5[%get3A_182] {strides = array<i32>} : memref<1536xi32, #tpu.memory_space<vmem>>, vector<16xi32>,
    %get3A_184 = vector.shape_cast %get3A_183 : vector<16xi32> to vector<16xi32>
    %add3A_185 = arith.constant 0 : i32
    %add3A_186 = arith.addi %mul3A_40, %add3A_185 : i32
    %add3A_187 = vector.broadcast %add3A_186 : i32 to vector<16xi32>
    %add3A_188 = arith.addi %get3A_184, %add3A_187 : vector<16xi32>
    %swap3A_189 = arith.constant 1 : i32
    %swap3A_190 = arith.index_cast %swap3A_189 : i32 to index
    %swap3A_191 = arith.constant 48 : index
    %swap3A_192 = tpu.vector_load %arg6[%swap3A_190, %swap3A_191] {strides = array<i32>} : memref<36x128xi32, #tpu.memory_space<vmem>>, vector<1x16xi32>,
    %swap3A_193 = vector.shape_cast %swap3A_192 : vector<1x16xi32> to vector<16xi32>
    %swap3A_194 = vector.shape_cast %add3A_188 : vector<16xi32> to vector<1x16xi32>
    tpu.vector_store %arg6[%swap3A_190, %swap3A_191], %swap3A_194 {strides = array<i32>} : memref<36x128xi32, #tpu.memory_space<vmem>>, vector<1x16xi32>,
    %get3A_195 = arith.constant 192 : index
    %get3A_196 = tpu.vector_load %arg5[%get3A_195] {strides = array<i32>} : memref<1536xi32, #tpu.memory_space<vmem>>, vector<16xi32>,
    %get3A_197 = vector.shape_cast %get3A_196 : vector<16xi32> to vector<16xi32>
    %add3A_198 = arith.constant 0 : i32
    %add3A_199 = arith.addi %mul3A_40, %add3A_198 : i32
    %add3A_200 = vector.broadcast %add3A_199 : i32 to vector<16xi32>
    %add3A_201 = arith.addi %get3A_197, %add3A_200 : vector<16xi32>
    %swap3A_202 = arith.constant 1 : i32
    %swap3A_203 = arith.index_cast %swap3A_202 : i32 to index
    %swap3A_204 = arith.constant 64 : index
    %swap3A_205 = tpu.vector_load %arg6[%swap3A_203, %swap3A_204] {strides = array<i32>} : memref<36x128xi32, #tpu.memory_space<vmem>>, vector<1x16xi32>,
    %swap3A_206 = vector.shape_cast %swap3A_205 : vector<1x16xi32> to vector<16xi32>
    %swap3A_207 = vector.shape_cast %add3A_201 : vector<16xi32> to vector<1x16xi32>
    tpu.vector_store %arg6[%swap3A_203, %swap3A_204], %swap3A_207 {strides = array<i32>} : memref<36x128xi32, #tpu.memory_space<vmem>>, vector<1x16xi32>,
    %get3A_208 = arith.constant 208 : index
    %get3A_209 = tpu.vector_load %arg5[%get3A_208] {strides = array<i32>} : memref<1536xi32, #tpu.memory_space<vmem>>, vector<16xi32>,
    %get3A_210 = vector.shape_cast %get3A_209 : vector<16xi32> to vector<16xi32>
    %add3A_211 = arith.constant 0 : i32
    %add3A_212 = arith.addi %mul3A_40, %add3A_211 : i32
    %add3A_213 = vector.broadcast %add3A_212 : i32 to vector<16xi32>
    %add3A_214 = arith.addi %get3A_210, %add3A_213 : vector<16xi32>
    %swap3A_215 = arith.constant 1 : i32
    %swap3A_216 = arith.index_cast %swap3A_215 : i32 to index
    %swap3A_217 = arith.constant 80 : index
    %swap3A_218 = tpu.vector_load %arg6[%swap3A_216, %swap3A_217] {strides = array<i32>} : memref<36x128xi32, #tpu.memory_space<vmem>>, vector<1x16xi32>,
    %swap3A_219 = vector.shape_cast %swap3A_218 : vector<1x16xi32> to vector<16xi32>
    %swap3A_220 = vector.shape_cast %add3A_214 : vector<16xi32> to vector<1x16xi32>
    tpu.vector_store %arg6[%swap3A_216, %swap3A_217], %swap3A_220 {strides = array<i32>} : memref<36x128xi32, #tpu.memory_space<vmem>>, vector<1x16xi32>,
    %get3A_221 = arith.constant 224 : index
    %get3A_222 = tpu.vector_load %arg5[%get3A_221] {strides = array<i32>} : memref<1536xi32, #tpu.memory_space<vmem>>, vector<16xi32>,
    %get3A_223 = vector.shape_cast %get3A_222 : vector<16xi32> to vector<16xi32>
    %add3A_224 = arith.constant 0 : i32
    %add3A_225 = arith.addi %mul3A_40, %add3A_224 : i32
    %add3A_226 = vector.broadcast %add3A_225 : i32 to vector<16xi32>
    %add3A_227 = arith.addi %get3A_223, %add3A_226 : vector<16xi32>
    %swap3A_228 = arith.constant 1 : i32
    %swap3A_229 = arith.index_cast %swap3A_228 : i32 to index
    %swap3A_230 = arith.constant 96 : index
    %swap3A_231 = tpu.vector_load %arg6[%swap3A_229, %swap3A_230] {strides = array<i32>} : memref<36x128xi32, #tpu.memory_space<vmem>>, vector<1x16xi32>,
    %swap3A_232 = vector.shape_cast %swap3A_231 : vector<1x16xi32> to vector<16xi32>
    %swap3A_233 = vector.shape_cast %add3A_227 : vector<16xi32> to vector<1x16xi32>
    tpu.vector_store %arg6[%swap3A_229, %swap3A_230], %swap3A_233 {strides = array<i32>} : memref<36x128xi32, #tpu.memory_space<vmem>>, vector<1x16xi32>,
    %get3A_234 = arith.constant 240 : index
    %get3A_235 = tpu.vector_load %arg5[%get3A_234] {strides = array<i32>} : memref<1536xi32, #tpu.memory_space<vmem>>, vector<16xi32>,
    %get3A_236 = vector.shape_cast %get3A_235 : vector<16xi32> to vector<16xi32>
    %add3A_237 = arith.constant 0 : i32
    %add3A_238 = arith.addi %mul3A_40, %add3A_237 : i32
    %add3A_239 = vector.broadcast %add3A_238 : i32 to vector<16xi32>
    %add3A_240 = arith.addi %get3A_236, %add3A_239 : vector<16xi32>
    %swap3A_241 = arith.constant 1 : i32
    %swap3A_242 = arith.index_cast %swap3A_241 : i32 to index
    %swap3A_243 = arith.constant 112 : index
    %swap3A_244 = tpu.vector_load %arg6[%swap3A_242, %swap3A_243] {strides = array<i32>} : memref<36x128xi32, #tpu.memory_space<vmem>>, vector<1x16xi32>,
    %swap3A_245 = vector.shape_cast %swap3A_244 : vector<1x16xi32> to vector<16xi32>
    %swap3A_246 = vector.shape_cast %add3A_240 : vector<16xi32> to vector<1x16xi32>
    tpu.vector_store %arg6[%swap3A_242, %swap3A_243], %swap3A_246 {strides = array<i32>} : memref<36x128xi32, #tpu.memory_space<vmem>>, vector<1x16xi32>,
    %get3A_247 = arith.constant 256 : index
    %get3A_248 = tpu.vector_load %arg5[%get3A_247] {strides = array<i32>} : memref<1536xi32, #tpu.memory_space<vmem>>, vector<16xi32>,
    %get3A_249 = vector.shape_cast %get3A_248 : vector<16xi32> to vector<16xi32>
    %add3A_250 = arith.constant 0 : i32
    %add3A_251 = arith.addi %mul3A_40, %add3A_250 : i32
    %add3A_252 = vector.broadcast %add3A_251 : i32 to vector<16xi32>
    %add3A_253 = arith.addi %get3A_249, %add3A_252 : vector<16xi32>
    %swap3A_254 = arith.constant 2 : i32
    %swap3A_255 = arith.index_cast %swap3A_254 : i32 to index
    %swap3A_256 = arith.constant 0 : index
    %swap3A_257 = tpu.vector_load %arg6[%swap3A_255, %swap3A_256] {strides = array<i32>} : memref<36x128xi32, #tpu.memory_space<vmem>>, vector<1x16xi32>,
    %swap3A_258 = vector.shape_cast %swap3A_257 : vector<1x16xi32> to vector<16xi32>
    %swap3A_259 = vector.shape_cast %add3A_253 : vector<16xi32> to vector<1x16xi32>
    tpu.vector_store %arg6[%swap3A_255, %swap3A_256], %swap3A_259 {strides = array<i32>} : memref<36x128xi32, #tpu.memory_space<vmem>>, vector<1x16xi32>,
    %get3A_260 = arith.constant 272 : index
    %get3A_261 = tpu.vector_load %arg5[%get3A_260] {strides = array<i32>} : memref<1536xi32, #tpu.memory_space<vmem>>, vector<16xi32>,
    %get3A_262 = vector.shape_cast %get3A_261 : vector<16xi32> to vector<16xi32>
    %add3A_263 = arith.constant 0 : i32
    %add3A_264 = arith.addi %mul3A_40, %add3A_263 : i32
    %add3A_265 = vector.broadcast %add3A_264 : i32 to vector<16xi32>
    %add3A_266 = arith.addi %get3A_262, %add3A_265 : vector<16xi32>
    %swap3A_267 = arith.constant 2 : i32
    %swap3A_268 = arith.index_cast %swap3A_267 : i32 to index
    %swap3A_269 = arith.constant 16 : index
    %swap3A_270 = tpu.vector_load %arg6[%swap3A_268, %swap3A_269] {strides = array<i32>} : memref<36x128xi32, #tpu.memory_space<vmem>>, vector<1x16xi32>,
    %swap3A_271 = vector.shape_cast %swap3A_270 : vector<1x16xi32> to vector<16xi32>
    %swap3A_272 = vector.shape_cast %add3A_266 : vector<16xi32> to vector<1x16xi32>
    tpu.vector_store %arg6[%swap3A_268, %swap3A_269], %swap3A_272 {strides = array<i32>} : memref<36x128xi32, #tpu.memory_space<vmem>>, vector<1x16xi32>,
    %get3A_273 = arith.constant 288 : index
    %get3A_274 = tpu.vector_load %arg5[%get3A_273] {strides = array<i32>} : memref<1536xi32, #tpu.memory_space<vmem>>, vector<16xi32>,
    %get3A_275 = vector.shape_cast %get3A_274 : vector<16xi32> to vector<16xi32>
    %add3A_276 = arith.constant 0 : i32
    %add3A_277 = arith.addi %mul3A_40, %add3A_276 : i32
    %add3A_278 = vector.broadcast %add3A_277 : i32 to vector<16xi32>
    %add3A_279 = arith.addi %get3A_275, %add3A_278 : vector<16xi32>
    %swap3A_280 = arith.constant 2 : i32
    %swap3A_281 = arith.index_cast %swap3A_280 : i32 to index
    %swap3A_282 = arith.constant 32 : index
    %swap3A_283 = tpu.vector_load %arg6[%swap3A_281, %swap3A_282] {strides = array<i32>} : memref<36x128xi32, #tpu.memory_space<vmem>>, vector<1x16xi32>,
    %swap3A_284 = vector.shape_cast %swap3A_283 : vector<1x16xi32> to vector<16xi32>
    %swap3A_285 = vector.shape_cast %add3A_279 : vector<16xi32> to vector<1x16xi32>
    tpu.vector_store %arg6[%swap3A_281, %swap3A_282], %swap3A_285 {strides = array<i32>} : memref<36x128xi32, #tpu.memory_space<vmem>>, vector<1x16xi32>,
    %get3A_286 = arith.constant 304 : index
    %get3A_287 = tpu.vector_load %arg5[%get3A_286] {strides = array<i32>} : memref<1536xi32, #tpu.memory_space<vmem>>, vector<16xi32>,
    %get3A_288 = vector.shape_cast %get3A_287 : vector<16xi32> to vector<16xi32>
    %add3A_289 = arith.constant 0 : i32
    %add3A_290 = arith.addi %mul3A_40, %add3A_289 : i32
    %add3A_291 = vector.broadcast %add3A_290 : i32 to vector<16xi32>
    %add3A_292 = arith.addi %get3A_288, %add3A_291 : vector<16xi32>
    %swap3A_293 = arith.constant 2 : i32
    %swap3A_294 = arith.index_cast %swap3A_293 : i32 to index
    %swap3A_295 = arith.constant 48 : index
    %swap3A_296 = tpu.vector_load %arg6[%swap3A_294, %swap3A_295] {strides = array<i32>} : memref<36x128xi32, #tpu.memory_space<vmem>>, vector<1x16xi32>,
    %swap3A_297 = vector.shape_cast %swap3A_296 : vector<1x16xi32> to vector<16xi32>
    %swap3A_298 = vector.shape_cast %add3A_292 : vector<16xi32> to vector<1x16xi32>
    tpu.vector_store %arg6[%swap3A_294, %swap3A_295], %swap3A_298 {strides = array<i32>} : memref<36x128xi32, #tpu.memory_space<vmem>>, vector<1x16xi32>,
    %get3A_299 = arith.constant 320 : index
    %get3A_300 = tpu.vector_load %arg5[%get3A_299] {strides = array<i32>} : memref<1536xi32, #tpu.memory_space<vmem>>, vector<16xi32>,
    %get3A_301 = vector.shape_cast %get3A_300 : vector<16xi32> to vector<16xi32>
    %add3A_302 = arith.constant 0 : i32
    %add3A_303 = arith.addi %mul3A_40, %add3A_302 : i32
    %add3A_304 = vector.broadcast %add3A_303 : i32 to vector<16xi32>
    %add3A_305 = arith.addi %get3A_301, %add3A_304 : vector<16xi32>
    %swap3A_306 = arith.constant 2 : i32
    %swap3A_307 = arith.index_cast %swap3A_306 : i32 to index
    %swap3A_308 = arith.constant 64 : index
    %swap3A_309 = tpu.vector_load %arg6[%swap3A_307, %swap3A_308] {strides = array<i32>} : memref<36x128xi32, #tpu.memory_space<vmem>>, vector<1x16xi32>,
    %swap3A_310 = vector.shape_cast %swap3A_309 : vector<1x16xi32> to vector<16xi32>
    %swap3A_311 = vector.shape_cast %add3A_305 : vector<16xi32> to vector<1x16xi32>
    tpu.vector_store %arg6[%swap3A_307, %swap3A_308], %swap3A_311 {strides = array<i32>} : memref<36x128xi32, #tpu.memory_space<vmem>>, vector<1x16xi32>,
    %get3A_312 = arith.constant 336 : index
    %get3A_313 = tpu.vector_load %arg5[%get3A_312] {strides = array<i32>} : memref<1536xi32, #tpu.memory_space<vmem>>, vector<16xi32>,
    %get3A_314 = vector.shape_cast %get3A_313 : vector<16xi32> to vector<16xi32>
    %add3A_315 = arith.constant 0 : i32
    %add3A_316 = arith.addi %mul3A_40, %add3A_315 : i32
    %add3A_317 = vector.broadcast %add3A_316 : i32 to vector<16xi32>
    %add3A_318 = arith.addi %get3A_314, %add3A_317 : vector<16xi32>
    %swap3A_319 = arith.constant 2 : i32
    %swap3A_320 = arith.index_cast %swap3A_319 : i32 to index
    %swap3A_321 = arith.constant 80 : index
    %swap3A_322 = tpu.vector_load %arg6[%swap3A_320, %swap3A_321] {strides = array<i32>} : memref<36x128xi32, #tpu.memory_space<vmem>>, vector<1x16xi32>,
    %swap3A_323 = vector.shape_cast %swap3A_322 : vector<1x16xi32> to vector<16xi32>
    %swap3A_324 = vector.shape_cast %add3A_318 : vector<16xi32> to vector<1x16xi32>
    tpu.vector_store %arg6[%swap3A_320, %swap3A_321], %swap3A_324 {strides = array<i32>} : memref<36x128xi32, #tpu.memory_space<vmem>>, vector<1x16xi32>,
    %get3A_325 = arith.constant 352 : index
    %get3A_326 = tpu.vector_load %arg5[%get3A_325] {strides = array<i32>} : memref<1536xi32, #tpu.memory_space<vmem>>, vector<16xi32>,
    %get3A_327 = vector.shape_cast %get3A_326 : vector<16xi32> to vector<16xi32>
    %add3A_328 = arith.constant 0 : i32
    %add3A_329 = arith.addi %mul3A_40, %add3A_328 : i32
    %add3A_330 = vector.broadcast %add3A_329 : i32 to vector<16xi32>
    %add3A_331 = arith.addi %get3A_327, %add3A_330 : vector<16xi32>
    %swap3A_332 = arith.constant 2 : i32
    %swap3A_333 = arith.index_cast %swap3A_332 : i32 to index
    %swap3A_334 = arith.constant 96 : index
    %swap3A_335 = tpu.vector_load %arg6[%swap3A_333, %swap3A_334] {strides = array<i32>} : memref<36x128xi32, #tpu.memory_space<vmem>>, vector<1x16xi32>,
    %swap3A_336 = vector.shape_cast %swap3A_335 : vector<1x16xi32> to vector<16xi32>
    %swap3A_337 = vector.shape_cast %add3A_331 : vector<16xi32> to vector<1x16xi32>
    tpu.vector_store %arg6[%swap3A_333, %swap3A_334], %swap3A_337 {strides = array<i32>} : memref<36x128xi32, #tpu.memory_space<vmem>>, vector<1x16xi32>,
    %get3A_338 = arith.constant 368 : index
    %get3A_339 = tpu.vector_load %arg5[%get3A_338] {strides = array<i32>} : memref<1536xi32, #tpu.memory_space<vmem>>, vector<16xi32>,
    %get3A_340 = vector.shape_cast %get3A_339 : vector<16xi32> to vector<16xi32>
    %add3A_341 = arith.constant 0 : i32
    %add3A_342 = arith.addi %mul3A_40, %add3A_341 : i32
    %add3A_343 = vector.broadcast %add3A_342 : i32 to vector<16xi32>
    %add3A_344 = arith.addi %get3A_340, %add3A_343 : vector<16xi32>
    %swap3A_345 = arith.constant 2 : i32
    %swap3A_346 = arith.index_cast %swap3A_345 : i32 to index
    %swap3A_347 = arith.constant 112 : index
    %swap3A_348 = tpu.vector_load %arg6[%swap3A_346, %swap3A_347] {strides = array<i32>} : memref<36x128xi32, #tpu.memory_space<vmem>>, vector<1x16xi32>,
    %swap3A_349 = vector.shape_cast %swap3A_348 : vector<1x16xi32> to vector<16xi32>
    %swap3A_350 = vector.shape_cast %add3A_344 : vector<16xi32> to vector<1x16xi32>
    tpu.vector_store %arg6[%swap3A_346, %swap3A_347], %swap3A_350 {strides = array<i32>} : memref<36x128xi32, #tpu.memory_space<vmem>>, vector<1x16xi32>,
    %get3A_351 = arith.constant 384 : index
    %get3A_352 = tpu.vector_load %arg5[%get3A_351] {strides = array<i32>} : memref<1536xi32, #tpu.memory_space<vmem>>, vector<16xi32>,
    %get3A_353 = vector.shape_cast %get3A_352 : vector<16xi32> to vector<16xi32>
    %add3A_354 = arith.constant 0 : i32
    %add3A_355 = arith.addi %mul3A_40, %add3A_354 : i32
    %add3A_356 = vector.broadcast %add3A_355 : i32 to vector<16xi32>
    %add3A_357 = arith.addi %get3A_353, %add3A_356 : vector<16xi32>
    %swap3A_358 = arith.constant 3 : i32
    %swap3A_359 = arith.index_cast %swap3A_358 : i32 to index
    %swap3A_360 = arith.constant 0 : index
    %swap3A_361 = tpu.vector_load %arg6[%swap3A_359, %swap3A_360] {strides = array<i32>} : memref<36x128xi32, #tpu.memory_space<vmem>>, vector<1x16xi32>,
    %swap3A_362 = vector.shape_cast %swap3A_361 : vector<1x16xi32> to vector<16xi32>
    %swap3A_363 = vector.shape_cast %add3A_357 : vector<16xi32> to vector<1x16xi32>
    tpu.vector_store %arg6[%swap3A_359, %swap3A_360], %swap3A_363 {strides = array<i32>} : memref<36x128xi32, #tpu.memory_space<vmem>>, vector<1x16xi32>,
    %get3A_364 = arith.constant 400 : index
    %get3A_365 = tpu.vector_load %arg5[%get3A_364] {strides = array<i32>} : memref<1536xi32, #tpu.memory_space<vmem>>, vector<16xi32>,
    %get3A_366 = vector.shape_cast %get3A_365 : vector<16xi32> to vector<16xi32>
    %add3A_367 = arith.constant 0 : i32
    %add3A_368 = arith.addi %mul3A_40, %add3A_367 : i32
    %add3A_369 = vector.broadcast %add3A_368 : i32 to vector<16xi32>
    %add3A_370 = arith.addi %get3A_366, %add3A_369 : vector<16xi32>
    %swap3A_371 = arith.constant 3 : i32
    %swap3A_372 = arith.index_cast %swap3A_371 : i32 to index
    %swap3A_373 = arith.constant 16 : index
    %swap3A_374 = tpu.vector_load %arg6[%swap3A_372, %swap3A_373] {strides = array<i32>} : memref<36x128xi32, #tpu.memory_space<vmem>>, vector<1x16xi32>,
    %swap3A_375 = vector.shape_cast %swap3A_374 : vector<1x16xi32> to vector<16xi32>
    %swap3A_376 = vector.shape_cast %add3A_370 : vector<16xi32> to vector<1x16xi32>
    tpu.vector_store %arg6[%swap3A_372, %swap3A_373], %swap3A_376 {strides = array<i32>} : memref<36x128xi32, #tpu.memory_space<vmem>>, vector<1x16xi32>,
    %get3A_377 = arith.constant 416 : index
    %get3A_378 = tpu.vector_load %arg5[%get3A_377] {strides = array<i32>} : memref<1536xi32, #tpu.memory_space<vmem>>, vector<16xi32>,
    %get3A_379 = vector.shape_cast %get3A_378 : vector<16xi32> to vector<16xi32>
    %add3A_380 = arith.constant 0 : i32
    %add3A_381 = arith.addi %mul3A_40, %add3A_380 : i32
    %add3A_382 = vector.broadcast %add3A_381 : i32 to vector<16xi32>
    %add3A_383 = arith.addi %get3A_379, %add3A_382 : vector<16xi32>
    %swap3A_384 = arith.constant 3 : i32
    %swap3A_385 = arith.index_cast %swap3A_384 : i32 to index
    %swap3A_386 = arith.constant 32 : index
    %swap3A_387 = tpu.vector_load %arg6[%swap3A_385, %swap3A_386] {strides = array<i32>} : memref<36x128xi32, #tpu.memory_space<vmem>>, vector<1x16xi32>,
    %swap3A_388 = vector.shape_cast %swap3A_387 : vector<1x16xi32> to vector<16xi32>
    %swap3A_389 = vector.shape_cast %add3A_383 : vector<16xi32> to vector<1x16xi32>
    tpu.vector_store %arg6[%swap3A_385, %swap3A_386], %swap3A_389 {strides = array<i32>} : memref<36x128xi32, #tpu.memory_space<vmem>>, vector<1x16xi32>,
    %get3A_390 = arith.constant 432 : index
    %get3A_391 = tpu.vector_load %arg5[%get3A_390] {strides = array<i32>} : memref<1536xi32, #tpu.memory_space<vmem>>, vector<16xi32>,
    %get3A_392 = vector.shape_cast %get3A_391 : vector<16xi32> to vector<16xi32>
    %add3A_393 = arith.constant 0 : i32
    %add3A_394 = arith.addi %mul3A_40, %add3A_393 : i32
    %add3A_395 = vector.broadcast %add3A_394 : i32 to vector<16xi32>
    %add3A_396 = arith.addi %get3A_392, %add3A_395 : vector<16xi32>
    %swap3A_397 = arith.constant 3 : i32
    %swap3A_398 = arith.index_cast %swap3A_397 : i32 to index
    %swap3A_399 = arith.constant 48 : index
    %swap3A_400 = tpu.vector_load %arg6[%swap3A_398, %swap3A_399] {strides = array<i32>} : memref<36x128xi32, #tpu.memory_space<vmem>>, vector<1x16xi32>,
    %swap3A_401 = vector.shape_cast %swap3A_400 : vector<1x16xi32> to vector<16xi32>
    %swap3A_402 = vector.shape_cast %add3A_396 : vector<16xi32> to vector<1x16xi32>
    tpu.vector_store %arg6[%swap3A_398, %swap3A_399], %swap3A_402 {strides = array<i32>} : memref<36x128xi32, #tpu.memory_space<vmem>>, vector<1x16xi32>,
    %get3A_403 = arith.constant 448 : index
    %get3A_404 = tpu.vector_load %arg5[%get3A_403] {strides = array<i32>} : memref<1536xi32, #tpu.memory_space<vmem>>, vector<16xi32>,
    %get3A_405 = vector.shape_cast %get3A_404 : vector<16xi32> to vector<16xi32>
    %add3A_406 = arith.constant 0 : i32
    %add3A_407 = arith.addi %mul3A_40, %add3A_406 : i32
    %add3A_408 = vector.broadcast %add3A_407 : i32 to vector<16xi32>
    %add3A_409 = arith.addi %get3A_405, %add3A_408 : vector<16xi32>
    %swap3A_410 = arith.constant 3 : i32
    %swap3A_411 = arith.index_cast %swap3A_410 : i32 to index
    %swap3A_412 = arith.constant 64 : index
    %swap3A_413 = tpu.vector_load %arg6[%swap3A_411, %swap3A_412] {strides = array<i32>} : memref<36x128xi32, #tpu.memory_space<vmem>>, vector<1x16xi32>,
    %swap3A_414 = vector.shape_cast %swap3A_413 : vector<1x16xi32> to vector<16xi32>
    %swap3A_415 = vector.shape_cast %add3A_409 : vector<16xi32> to vector<1x16xi32>
    tpu.vector_store %arg6[%swap3A_411, %swap3A_412], %swap3A_415 {strides = array<i32>} : memref<36x128xi32, #tpu.memory_space<vmem>>, vector<1x16xi32>,
    %get3A_416 = arith.constant 464 : index
    %get3A_417 = tpu.vector_load %arg5[%get3A_416] {strides = array<i32>} : memref<1536xi32, #tpu.memory_space<vmem>>, vector<16xi32>,
    %get3A_418 = vector.shape_cast %get3A_417 : vector<16xi32> to vector<16xi32>
    %add3A_419 = arith.constant 0 : i32
    %add3A_420 = arith.addi %mul3A_40, %add3A_419 : i32
    %add3A_421 = vector.broadcast %add3A_420 : i32 to vector<16xi32>
    %add3A_422 = arith.addi %get3A_418, %add3A_421 : vector<16xi32>
    %swap3A_423 = arith.constant 3 : i32
    %swap3A_424 = arith.index_cast %swap3A_423 : i32 to index
    %swap3A_425 = arith.constant 80 : index
    %swap3A_426 = tpu.vector_load %arg6[%swap3A_424, %swap3A_425] {strides = array<i32>} : memref<36x128xi32, #tpu.memory_space<vmem>>, vector<1x16xi32>,
    %swap3A_427 = vector.shape_cast %swap3A_426 : vector<1x16xi32> to vector<16xi32>
    %swap3A_428 = vector.shape_cast %add3A_422 : vector<16xi32> to vector<1x16xi32>
    tpu.vector_store %arg6[%swap3A_424, %swap3A_425], %swap3A_428 {strides = array<i32>} : memref<36x128xi32, #tpu.memory_space<vmem>>, vector<1x16xi32>,
    %get3A_429 = arith.constant 480 : index
    %get3A_430 = tpu.vector_load %arg5[%get3A_429] {strides = array<i32>} : memref<1536xi32, #tpu.memory_space<vmem>>, vector<16xi32>,
    %get3A_431 = vector.shape_cast %get3A_430 : vector<16xi32> to vector<16xi32>
    %add3A_432 = arith.constant 0 : i32
    %add3A_433 = arith.addi %mul3A_40, %add3A_432 : i32
    %add3A_434 = vector.broadcast %add3A_433 : i32 to vector<16xi32>
    %add3A_435 = arith.addi %get3A_431, %add3A_434 : vector<16xi32>
    %swap3A_436 = arith.constant 3 : i32
    %swap3A_437 = arith.index_cast %swap3A_436 : i32 to index
    %swap3A_438 = arith.constant 96 : index
    %swap3A_439 = tpu.vector_load %arg6[%swap3A_437, %swap3A_438] {strides = array<i32>} : memref<36x128xi32, #tpu.memory_space<vmem>>, vector<1x16xi32>,
    %swap3A_440 = vector.shape_cast %swap3A_439 : vector<1x16xi32> to vector<16xi32>
    %swap3A_441 = vector.shape_cast %add3A_435 : vector<16xi32> to vector<1x16xi32>
    tpu.vector_store %arg6[%swap3A_437, %swap3A_438], %swap3A_441 {strides = array<i32>} : memref<36x128xi32, #tpu.memory_space<vmem>>, vector<1x16xi32>,
    %get3A_442 = arith.constant 496 : index
    %get3A_443 = tpu.vector_load %arg5[%get3A_442] {strides = array<i32>} : memref<1536xi32, #tpu.memory_space<vmem>>, vector<16xi32>,
    %get3A_444 = vector.shape_cast %get3A_443 : vector<16xi32> to vector<16xi32>
    %add3A_445 = arith.constant 0 : i32
    %add3A_446 = arith.addi %mul3A_40, %add3A_445 : i32
    %add3A_447 = vector.broadcast %add3A_446 : i32 to vector<16xi32>
    %add3A_448 = arith.addi %get3A_444, %add3A_447 : vector<16xi32>
    %swap3A_449 = arith.constant 3 : i32
    %swap3A_450 = arith.index_cast %swap3A_449 : i32 to index
    %swap3A_451 = arith.constant 112 : index
    %swap3A_452 = tpu.vector_load %arg6[%swap3A_450, %swap3A_451] {strides = array<i32>} : memref<36x128xi32, #tpu.memory_space<vmem>>, vector<1x16xi32>,
    %swap3A_453 = vector.shape_cast %swap3A_452 : vector<1x16xi32> to vector<16xi32>
    %swap3A_454 = vector.shape_cast %add3A_448 : vector<16xi32> to vector<1x16xi32>
    tpu.vector_store %arg6[%swap3A_450, %swap3A_451], %swap3A_454 {strides = array<i32>} : memref<36x128xi32, #tpu.memory_space<vmem>>, vector<1x16xi32>,
    %get3A_455 = arith.constant 0 : index
    %get3A_456 = tpu.vector_load %arg5[%get3A_455] {strides = array<i32>} : memref<1536xi32, #tpu.memory_space<vmem>>, vector<16xi32>,
    %get3A_457 = vector.shape_cast %get3A_456 : vector<16xi32> to vector<16xi32>
    %add3A_458 = arith.constant 4096 : i32
    %add3A_459 = arith.addi %mul3A_40, %add3A_458 : i32
    %add3A_460 = vector.broadcast %add3A_459 : i32 to vector<16xi32>
    %add3A_461 = arith.addi %get3A_457, %add3A_460 : vector<16xi32>
    %swap3A_462 = arith.constant 4 : i32
    %swap3A_463 = arith.index_cast %swap3A_462 : i32 to index
    %swap3A_464 = arith.constant 0 : index
    %swap3A_465 = tpu.vector_load %arg6[%swap3A_463, %swap3A_464] {strides = array<i32>} : memref<36x128xi32, #tpu.memory_space<vmem>>, vector<1x16xi32>,
    %swap3A_466 = vector.shape_cast %swap3A_465 : vector<1x16xi32> to vector<16xi32>
    %swap3A_467 = vector.shape_cast %add3A_461 : vector<16xi32> to vector<1x16xi32>
    tpu.vector_store %arg6[%swap3A_463, %swap3A_464], %swap3A_467 {strides = array<i32>} : memref<36x128xi32, #tpu.memory_space<vmem>>, vector<1x16xi32>,
    %get3A_468 = arith.constant 16 : index
    %get3A_469 = tpu.vector_load %arg5[%get3A_468] {strides = array<i32>} : memref<1536xi32, #tpu.memory_space<vmem>>, vector<16xi32>,
    %get3A_470 = vector.shape_cast %get3A_469 : vector<16xi32> to vector<16xi32>
    %add3A_471 = arith.constant 4096 : i32
    %add3A_472 = arith.addi %mul3A_40, %add3A_471 : i32
    %add3A_473 = vector.broadcast %add3A_472 : i32 to vector<16xi32>
    %add3A_474 = arith.addi %get3A_470, %add3A_473 : vector<16xi32>
    %swap3A_475 = arith.constant 4 : i32
    %swap3A_476 = arith.index_cast %swap3A_475 : i32 to index
    %swap3A_477 = arith.constant 16 : index
    %swap3A_478 = tpu.vector_load %arg6[%swap3A_476, %swap3A_477] {strides = array<i32>} : memref<36x128xi32, #tpu.memory_space<vmem>>, vector<1x16xi32>,
    %swap3A_479 = vector.shape_cast %swap3A_478 : vector<1x16xi32> to vector<16xi32>
    %swap3A_480 = vector.shape_cast %add3A_474 : vector<16xi32> to vector<1x16xi32>
    tpu.vector_store %arg6[%swap3A_476, %swap3A_477], %swap3A_480 {strides = array<i32>} : memref<36x128xi32, #tpu.memory_space<vmem>>, vector<1x16xi32>,
    %get3A_481 = arith.constant 32 : index
    %get3A_482 = tpu.vector_load %arg5[%get3A_481] {strides = array<i32>} : memref<1536xi32, #tpu.memory_space<vmem>>, vector<16xi32>,
    %get3A_483 = vector.shape_cast %get3A_482 : vector<16xi32> to vector<16xi32>
    %add3A_484 = arith.constant 4096 : i32
    %add3A_485 = arith.addi %mul3A_40, %add3A_484 : i32
    %add3A_486 = vector.broadcast %add3A_485 : i32 to vector<16xi32>
    %add3A_487 = arith.addi %get3A_483, %add3A_486 : vector<16xi32>
    %swap3A_488 = arith.constant 4 : i32
    %swap3A_489 = arith.index_cast %swap3A_488 : i32 to index
    %swap3A_490 = arith.constant 32 : index
    %swap3A_491 = tpu.vector_load %arg6[%swap3A_489, %swap3A_490] {strides = array<i32>} : memref<36x128xi32, #tpu.memory_space<vmem>>, vector<1x16xi32>,
    %swap3A_492 = vector.shape_cast %swap3A_491 : vector<1x16xi32> to vector<16xi32>
    %swap3A_493 = vector.shape_cast %add3A_487 : vector<16xi32> to vector<1x16xi32>
    tpu.vector_store %arg6[%swap3A_489, %swap3A_490], %swap3A_493 {strides = array<i32>} : memref<36x128xi32, #tpu.memory_space<vmem>>, vector<1x16xi32>,
    %get3A_494 = arith.constant 48 : index
    %get3A_495 = tpu.vector_load %arg5[%get3A_494] {strides = array<i32>} : memref<1536xi32, #tpu.memory_space<vmem>>, vector<16xi32>,
    %get3A_496 = vector.shape_cast %get3A_495 : vector<16xi32> to vector<16xi32>
    %add3A_497 = arith.constant 4096 : i32
    %add3A_498 = arith.addi %mul3A_40, %add3A_497 : i32
    %add3A_499 = vector.broadcast %add3A_498 : i32 to vector<16xi32>
    %add3A_500 = arith.addi %get3A_496, %add3A_499 : vector<16xi32>
    %swap3A_501 = arith.constant 4 : i32
    %swap3A_502 = arith.index_cast %swap3A_501 : i32 to index
    %swap3A_503 = arith.constant 48 : index
    %swap3A_504 = tpu.vector_load %arg6[%swap3A_502, %swap3A_503] {strides = array<i32>} : memref<36x128xi32, #tpu.memory_space<vmem>>, vector<1x16xi32>,
    %swap3A_505 = vector.shape_cast %swap3A_504 : vector<1x16xi32> to vector<16xi32>
    %swap3A_506 = vector.shape_cast %add3A_500 : vector<16xi32> to vector<1x16xi32>
    tpu.vector_store %arg6[%swap3A_502, %swap3A_503], %swap3A_506 {strides = array<i32>} : memref<36x128xi32, #tpu.memory_space<vmem>>, vector<1x16xi32>,
    %get3A_507 = arith.constant 64 : index
    %get3A_508 = tpu.vector_load %arg5[%get3A_507] {strides = array<i32>} : memref<1536xi32, #tpu.memory_space<vmem>>, vector<16xi32>,
    %get3A_509 = vector.shape_cast %get3A_508 : vector<16xi32> to vector<16xi32>
    %add3A_510 = arith.constant 4096 : i32
    %add3A_511 = arith.addi %mul3A_40, %add3A_510 : i32
    %add3A_512 = vector.broadcast %add3A_511 : i32 to vector<16xi32>
    %add3A_513 = arith.addi %get3A_509, %add3A_512 : vector<16xi32>
    %swap3A_514 = arith.constant 4 : i32
    %swap3A_515 = arith.index_cast %swap3A_514 : i32 to index
    %swap3A_516 = arith.constant 64 : index
    %swap3A_517 = tpu.vector_load %arg6[%swap3A_515, %swap3A_516] {strides = array<i32>} : memref<36x128xi32, #tpu.memory_space<vmem>>, vector<1x16xi32>,
    %swap3A_518 = vector.shape_cast %swap3A_517 : vector<1x16xi32> to vector<16xi32>
    %swap3A_519 = vector.shape_cast %add3A_513 : vector<16xi32> to vector<1x16xi32>
    tpu.vector_store %arg6[%swap3A_515, %swap3A_516], %swap3A_519 {strides = array<i32>} : memref<36x128xi32, #tpu.memory_space<vmem>>, vector<1x16xi32>,
    %get3A_520 = arith.constant 80 : index
    %get3A_521 = tpu.vector_load %arg5[%get3A_520] {strides = array<i32>} : memref<1536xi32, #tpu.memory_space<vmem>>, vector<16xi32>,
    %get3A_522 = vector.shape_cast %get3A_521 : vector<16xi32> to vector<16xi32>
    %add3A_523 = arith.constant 4096 : i32
    %add3A_524 = arith.addi %mul3A_40, %add3A_523 : i32
    %add3A_525 = vector.broadcast %add3A_524 : i32 to vector<16xi32>
    %add3A_526 = arith.addi %get3A_522, %add3A_525 : vector<16xi32>
    %swap3A_527 = arith.constant 4 : i32
    %swap3A_528 = arith.index_cast %swap3A_527 : i32 to index
    %swap3A_529 = arith.constant 80 : index
    %swap3A_530 = tpu.vector_load %arg6[%swap3A_528, %swap3A_529] {strides = array<i32>} : memref<36x128xi32, #tpu.memory_space<vmem>>, vector<1x16xi32>,
    %swap3A_531 = vector.shape_cast %swap3A_530 : vector<1x16xi32> to vector<16xi32>
    %swap3A_532 = vector.shape_cast %add3A_526 : vector<16xi32> to vector<1x16xi32>
    tpu.vector_store %arg6[%swap3A_528, %swap3A_529], %swap3A_532 {strides = array<i32>} : memref<36x128xi32, #tpu.memory_space<vmem>>, vector<1x16xi32>,
    %get3A_533 = arith.constant 96 : index
    %get3A_534 = tpu.vector_load %arg5[%get3A_533] {strides = array<i32>} : memref<1536xi32, #tpu.memory_space<vmem>>, vector<16xi32>,
    %get3A_535 = vector.shape_cast %get3A_534 : vector<16xi32> to vector<16xi32>
    %add3A_536 = arith.constant 4096 : i32
    %add3A_537 = arith.addi %mul3A_40, %add3A_536 : i32
    %add3A_538 = vector.broadcast %add3A_537 : i32 to vector<16xi32>
    %add3A_539 = arith.addi %get3A_535, %add3A_538 : vector<16xi32>
    %swap3A_540 = arith.constant 4 : i32
    %swap3A_541 = arith.index_cast %swap3A_540 : i32 to index
    %swap3A_542 = arith.constant 96 : index
    %swap3A_543 = tpu.vector_load %arg6[%swap3A_541, %swap3A_542] {strides = array<i32>} : memref<36x128xi32, #tpu.memory_space<vmem>>, vector<1x16xi32>,
    %swap3A_544 = vector.shape_cast %swap3A_543 : vector<1x16xi32> to vector<16xi32>
    %swap3A_545 = vector.shape_cast %add3A_539 : vector<16xi32> to vector<1x16xi32>
    tpu.vector_store %arg6[%swap3A_541, %swap3A_542], %swap3A_545 {strides = array<i32>} : memref<36x128xi32, #tpu.memory_space<vmem>>, vector<1x16xi32>,
    %get3A_546 = arith.constant 112 : index
    %get3A_547 = tpu.vector_load %arg5[%get3A_546] {strides = array<i32>} : memref<1536xi32, #tpu.memory_space<vmem>>, vector<16xi32>,
    %get3A_548 = vector.shape_cast %get3A_547 : vector<16xi32> to vector<16xi32>
    %add3A_549 = arith.constant 4096 : i32
    %add3A_550 = arith.addi %mul3A_40, %add3A_549 : i32
    %add3A_551 = vector.broadcast %add3A_550 : i32 to vector<16xi32>
    %add3A_552 = arith.addi %get3A_548, %add3A_551 : vector<16xi32>
    %swap3A_553 = arith.constant 4 : i32
    %swap3A_554 = arith.index_cast %swap3A_553 : i32 to index
    %swap3A_555 = arith.constant 112 : index
    %swap3A_556 = tpu.vector_load %arg6[%swap3A_554, %swap3A_555] {strides = array<i32>} : memref<36x128xi32, #tpu.memory_space<vmem>>, vector<1x16xi32>,
    %swap3A_557 = vector.shape_cast %swap3A_556 : vector<1x16xi32> to vector<16xi32>
    %swap3A_558 = vector.shape_cast %add3A_552 : vector<16xi32> to vector<1x16xi32>
    tpu.vector_store %arg6[%swap3A_554, %swap3A_555], %swap3A_558 {strides = array<i32>} : memref<36x128xi32, #tpu.memory_space<vmem>>, vector<1x16xi32>,
    %get3A_559 = arith.constant 128 : index
    %get3A_560 = tpu.vector_load %arg5[%get3A_559] {strides = array<i32>} : memref<1536xi32, #tpu.memory_space<vmem>>, vector<16xi32>,
    %get3A_561 = vector.shape_cast %get3A_560 : vector<16xi32> to vector<16xi32>
    %add3A_562 = arith.constant 4096 : i32
    %add3A_563 = arith.addi %mul3A_40, %add3A_562 : i32
    %add3A_564 = vector.broadcast %add3A_563 : i32 to vector<16xi32>
    %add3A_565 = arith.addi %get3A_561, %add3A_564 : vector<16xi32>
    %swap3A_566 = arith.constant 5 : i32
    %swap3A_567 = arith.index_cast %swap3A_566 : i32 to index
    %swap3A_568 = arith.constant 0 : index
    %swap3A_569 = tpu.vector_load %arg6[%swap3A_567, %swap3A_568] {strides = array<i32>} : memref<36x128xi32, #tpu.memory_space<vmem>>, vector<1x16xi32>,
    %swap3A_570 = vector.shape_cast %swap3A_569 : vector<1x16xi32> to vector<16xi32>
    %swap3A_571 = vector.shape_cast %add3A_565 : vector<16xi32> to vector<1x16xi32>
    tpu.vector_store %arg6[%swap3A_567, %swap3A_568], %swap3A_571 {strides = array<i32>} : memref<36x128xi32, #tpu.memory_space<vmem>>, vector<1x16xi32>,
    %get3A_572 = arith.constant 144 : index
    %get3A_573 = tpu.vector_load %arg5[%get3A_572] {strides = array<i32>} : memref<1536xi32, #tpu.memory_space<vmem>>, vector<16xi32>,
    %get3A_574 = vector.shape_cast %get3A_573 : vector<16xi32> to vector<16xi32>
    %add3A_575 = arith.constant 4096 : i32
    %add3A_576 = arith.addi %mul3A_40, %add3A_575 : i32
    %add3A_577 = vector.broadcast %add3A_576 : i32 to vector<16xi32>
    %add3A_578 = arith.addi %get3A_574, %add3A_577 : vector<16xi32>
    %swap3A_579 = arith.constant 5 : i32
    %swap3A_580 = arith.index_cast %swap3A_579 : i32 to index
    %swap3A_581 = arith.constant 16 : index
    %swap3A_582 = tpu.vector_load %arg6[%swap3A_580, %swap3A_581] {strides = array<i32>} : memref<36x128xi32, #tpu.memory_space<vmem>>, vector<1x16xi32>,
    %swap3A_583 = vector.shape_cast %swap3A_582 : vector<1x16xi32> to vector<16xi32>
    %swap3A_584 = vector.shape_cast %add3A_578 : vector<16xi32> to vector<1x16xi32>
    tpu.vector_store %arg6[%swap3A_580, %swap3A_581], %swap3A_584 {strides = array<i32>} : memref<36x128xi32, #tpu.memory_space<vmem>>, vector<1x16xi32>,
    %get3A_585 = arith.constant 160 : index
    %get3A_586 = tpu.vector_load %arg5[%get3A_585] {strides = array<i32>} : memref<1536xi32, #tpu.memory_space<vmem>>, vector<16xi32>,
    %get3A_587 = vector.shape_cast %get3A_586 : vector<16xi32> to vector<16xi32>
    %add3A_588 = arith.constant 4096 : i32
    %add3A_589 = arith.addi %mul3A_40, %add3A_588 : i32
    %add3A_590 = vector.broadcast %add3A_589 : i32 to vector<16xi32>
    %add3A_591 = arith.addi %get3A_587, %add3A_590 : vector<16xi32>
    %swap3A_592 = arith.constant 5 : i32
    %swap3A_593 = arith.index_cast %swap3A_592 : i32 to index
    %swap3A_594 = arith.constant 32 : index
    %swap3A_595 = tpu.vector_load %arg6[%swap3A_593, %swap3A_594] {strides = array<i32>} : memref<36x128xi32, #tpu.memory_space<vmem>>, vector<1x16xi32>,
    %swap3A_596 = vector.shape_cast %swap3A_595 : vector<1x16xi32> to vector<16xi32>
    %swap3A_597 = vector.shape_cast %add3A_591 : vector<16xi32> to vector<1x16xi32>
    tpu.vector_store %arg6[%swap3A_593, %swap3A_594], %swap3A_597 {strides = array<i32>} : memref<36x128xi32, #tpu.memory_space<vmem>>, vector<1x16xi32>,
    %get3A_598 = arith.constant 176 : index
    %get3A_599 = tpu.vector_load %arg5[%get3A_598] {strides = array<i32>} : memref<1536xi32, #tpu.memory_space<vmem>>, vector<16xi32>,
    %get3A_600 = vector.shape_cast %get3A_599 : vector<16xi32> to vector<16xi32>
    %add3A_601 = arith.constant 4096 : i32
    %add3A_602 = arith.addi %mul3A_40, %add3A_601 : i32
    %add3A_603 = vector.broadcast %add3A_602 : i32 to vector<16xi32>
    %add3A_604 = arith.addi %get3A_600, %add3A_603 : vector<16xi32>
    %swap3A_605 = arith.constant 5 : i32
    %swap3A_606 = arith.index_cast %swap3A_605 : i32 to index
    %swap3A_607 = arith.constant 48 : index
    %swap3A_608 = tpu.vector_load %arg6[%swap3A_606, %swap3A_607] {strides = array<i32>} : memref<36x128xi32, #tpu.memory_space<vmem>>, vector<1x16xi32>,
    %swap3A_609 = vector.shape_cast %swap3A_608 : vector<1x16xi32> to vector<16xi32>
    %swap3A_610 = vector.shape_cast %add3A_604 : vector<16xi32> to vector<1x16xi32>
    tpu.vector_store %arg6[%swap3A_606, %swap3A_607], %swap3A_610 {strides = array<i32>} : memref<36x128xi32, #tpu.memory_space<vmem>>, vector<1x16xi32>,
    %get3A_611 = arith.constant 192 : index
    %get3A_612 = tpu.vector_load %arg5[%get3A_611] {strides = array<i32>} : memref<1536xi32, #tpu.memory_space<vmem>>, vector<16xi32>,
    %get3A_613 = vector.shape_cast %get3A_612 : vector<16xi32> to vector<16xi32>
    %add3A_614 = arith.constant 4096 : i32
    %add3A_615 = arith.addi %mul3A_40, %add3A_614 : i32
    %add3A_616 = vector.broadcast %add3A_615 : i32 to vector<16xi32>
    %add3A_617 = arith.addi %get3A_613, %add3A_616 : vector<16xi32>
    %swap3A_618 = arith.constant 5 : i32
    %swap3A_619 = arith.index_cast %swap3A_618 : i32 to index
    %swap3A_620 = arith.constant 64 : index
    %swap3A_621 = tpu.vector_load %arg6[%swap3A_619, %swap3A_620] {strides = array<i32>} : memref<36x128xi32, #tpu.memory_space<vmem>>, vector<1x16xi32>,
    %swap3A_622 = vector.shape_cast %swap3A_621 : vector<1x16xi32> to vector<16xi32>
    %swap3A_623 = vector.shape_cast %add3A_617 : vector<16xi32> to vector<1x16xi32>
    tpu.vector_store %arg6[%swap3A_619, %swap3A_620], %swap3A_623 {strides = array<i32>} : memref<36x128xi32, #tpu.memory_space<vmem>>, vector<1x16xi32>,
    %get3A_624 = arith.constant 208 : index
    %get3A_625 = tpu.vector_load %arg5[%get3A_624] {strides = array<i32>} : memref<1536xi32, #tpu.memory_space<vmem>>, vector<16xi32>,
    %get3A_626 = vector.shape_cast %get3A_625 : vector<16xi32> to vector<16xi32>
    %add3A_627 = arith.constant 4096 : i32
    %add3A_628 = arith.addi %mul3A_40, %add3A_627 : i32
    %add3A_629 = vector.broadcast %add3A_628 : i32 to vector<16xi32>
    %add3A_630 = arith.addi %get3A_626, %add3A_629 : vector<16xi32>
    %swap3A_631 = arith.constant 5 : i32
    %swap3A_632 = arith.index_cast %swap3A_631 : i32 to index
    %swap3A_633 = arith.constant 80 : index
    %swap3A_634 = tpu.vector_load %arg6[%swap3A_632, %swap3A_633] {strides = array<i32>} : memref<36x128xi32, #tpu.memory_space<vmem>>, vector<1x16xi32>,
    %swap3A_635 = vector.shape_cast %swap3A_634 : vector<1x16xi32> to vector<16xi32>
    %swap3A_636 = vector.shape_cast %add3A_630 : vector<16xi32> to vector<1x16xi32>
    tpu.vector_store %arg6[%swap3A_632, %swap3A_633], %swap3A_636 {strides = array<i32>} : memref<36x128xi32, #tpu.memory_space<vmem>>, vector<1x16xi32>,
    %get3A_637 = arith.constant 224 : index
    %get3A_638 = tpu.vector_load %arg5[%get3A_637] {strides = array<i32>} : memref<1536xi32, #tpu.memory_space<vmem>>, vector<16xi32>,
    %get3A_639 = vector.shape_cast %get3A_638 : vector<16xi32> to vector<16xi32>
    %add3A_640 = arith.constant 4096 : i32
    %add3A_641 = arith.addi %mul3A_40, %add3A_640 : i32
    %add3A_642 = vector.broadcast %add3A_641 : i32 to vector<16xi32>
    %add3A_643 = arith.addi %get3A_639, %add3A_642 : vector<16xi32>
    %swap3A_644 = arith.constant 5 : i32
    %swap3A_645 = arith.index_cast %swap3A_644 : i32 to index
    %swap3A_646 = arith.constant 96 : index
    %swap3A_647 = tpu.vector_load %arg6[%swap3A_645, %swap3A_646] {strides = array<i32>} : memref<36x128xi32, #tpu.memory_space<vmem>>, vector<1x16xi32>,
    %swap3A_648 = vector.shape_cast %swap3A_647 : vector<1x16xi32> to vector<16xi32>
    %swap3A_649 = vector.shape_cast %add3A_643 : vector<16xi32> to vector<1x16xi32>
    tpu.vector_store %arg6[%swap3A_645, %swap3A_646], %swap3A_649 {strides = array<i32>} : memref<36x128xi32, #tpu.memory_space<vmem>>, vector<1x16xi32>,
    %get3A_650 = arith.constant 240 : index
    %get3A_651 = tpu.vector_load %arg5[%get3A_650] {strides = array<i32>} : memref<1536xi32, #tpu.memory_space<vmem>>, vector<16xi32>,
    %get3A_652 = vector.shape_cast %get3A_651 : vector<16xi32> to vector<16xi32>
    %add3A_653 = arith.constant 4096 : i32
    %add3A_654 = arith.addi %mul3A_40, %add3A_653 : i32
    %add3A_655 = vector.broadcast %add3A_654 : i32 to vector<16xi32>
    %add3A_656 = arith.addi %get3A_652, %add3A_655 : vector<16xi32>
    %swap3A_657 = arith.constant 5 : i32
    %swap3A_658 = arith.index_cast %swap3A_657 : i32 to index
    %swap3A_659 = arith.constant 112 : index
    %swap3A_660 = tpu.vector_load %arg6[%swap3A_658, %swap3A_659] {strides = array<i32>} : memref<36x128xi32, #tpu.memory_space<vmem>>, vector<1x16xi32>,
    %swap3A_661 = vector.shape_cast %swap3A_660 : vector<1x16xi32> to vector<16xi32>
    %swap3A_662 = vector.shape_cast %add3A_656 : vector<16xi32> to vector<1x16xi32>
    tpu.vector_store %arg6[%swap3A_658, %swap3A_659], %swap3A_662 {strides = array<i32>} : memref<36x128xi32, #tpu.memory_space<vmem>>, vector<1x16xi32>,
    %get3A_663 = arith.constant 256 : index
    %get3A_664 = tpu.vector_load %arg5[%get3A_663] {strides = array<i32>} : memref<1536xi32, #tpu.memory_space<vmem>>, vector<16xi32>,
    %get3A_665 = vector.shape_cast %get3A_664 : vector<16xi32> to vector<16xi32>
    %add3A_666 = arith.constant 4096 : i32
    %add3A_667 = arith.addi %mul3A_40, %add3A_666 : i32
    %add3A_668 = vector.broadcast %add3A_667 : i32 to vector<16xi32>
    %add3A_669 = arith.addi %get3A_665, %add3A_668 : vector<16xi32>
    %swap3A_670 = arith.constant 6 : i32
    %swap3A_671 = arith.index_cast %swap3A_670 : i32 to index
    %swap3A_672 = arith.constant 0 : index
    %swap3A_673 = tpu.vector_load %arg6[%swap3A_671, %swap3A_672] {strides = array<i32>} : memref<36x128xi32, #tpu.memory_space<vmem>>, vector<1x16xi32>,
    %swap3A_674 = vector.shape_cast %swap3A_673 : vector<1x16xi32> to vector<16xi32>
    %swap3A_675 = vector.shape_cast %add3A_669 : vector<16xi32> to vector<1x16xi32>
    tpu.vector_store %arg6[%swap3A_671, %swap3A_672], %swap3A_675 {strides = array<i32>} : memref<36x128xi32, #tpu.memory_space<vmem>>, vector<1x16xi32>,
    %get3A_676 = arith.constant 272 : index
    %get3A_677 = tpu.vector_load %arg5[%get3A_676] {strides = array<i32>} : memref<1536xi32, #tpu.memory_space<vmem>>, vector<16xi32>,
    %get3A_678 = vector.shape_cast %get3A_677 : vector<16xi32> to vector<16xi32>
    %add3A_679 = arith.constant 4096 : i32
    %add3A_680 = arith.addi %mul3A_40, %add3A_679 : i32
    %add3A_681 = vector.broadcast %add3A_680 : i32 to vector<16xi32>
    %add3A_682 = arith.addi %get3A_678, %add3A_681 : vector<16xi32>
    %swap3A_683 = arith.constant 6 : i32
    %swap3A_684 = arith.index_cast %swap3A_683 : i32 to index
    %swap3A_685 = arith.constant 16 : index
    %swap3A_686 = tpu.vector_load %arg6[%swap3A_684, %swap3A_685] {strides = array<i32>} : memref<36x128xi32, #tpu.memory_space<vmem>>, vector<1x16xi32>,
    %swap3A_687 = vector.shape_cast %swap3A_686 : vector<1x16xi32> to vector<16xi32>
    %swap3A_688 = vector.shape_cast %add3A_682 : vector<16xi32> to vector<1x16xi32>
    tpu.vector_store %arg6[%swap3A_684, %swap3A_685], %swap3A_688 {strides = array<i32>} : memref<36x128xi32, #tpu.memory_space<vmem>>, vector<1x16xi32>,
    %get3A_689 = arith.constant 288 : index
    %get3A_690 = tpu.vector_load %arg5[%get3A_689] {strides = array<i32>} : memref<1536xi32, #tpu.memory_space<vmem>>, vector<16xi32>,
    %get3A_691 = vector.shape_cast %get3A_690 : vector<16xi32> to vector<16xi32>
    %add3A_692 = arith.constant 4096 : i32
    %add3A_693 = arith.addi %mul3A_40, %add3A_692 : i32
    %add3A_694 = vector.broadcast %add3A_693 : i32 to vector<16xi32>
    %add3A_695 = arith.addi %get3A_691, %add3A_694 : vector<16xi32>
    %swap3A_696 = arith.constant 6 : i32
    %swap3A_697 = arith.index_cast %swap3A_696 : i32 to index
    %swap3A_698 = arith.constant 32 : index
    %swap3A_699 = tpu.vector_load %arg6[%swap3A_697, %swap3A_698] {strides = array<i32>} : memref<36x128xi32, #tpu.memory_space<vmem>>, vector<1x16xi32>,
    %swap3A_700 = vector.shape_cast %swap3A_699 : vector<1x16xi32> to vector<16xi32>
    %swap3A_701 = vector.shape_cast %add3A_695 : vector<16xi32> to vector<1x16xi32>
    tpu.vector_store %arg6[%swap3A_697, %swap3A_698], %swap3A_701 {strides = array<i32>} : memref<36x128xi32, #tpu.memory_space<vmem>>, vector<1x16xi32>,
    %get3A_702 = arith.constant 304 : index
    %get3A_703 = tpu.vector_load %arg5[%get3A_702] {strides = array<i32>} : memref<1536xi32, #tpu.memory_space<vmem>>, vector<16xi32>,
    %get3A_704 = vector.shape_cast %get3A_703 : vector<16xi32> to vector<16xi32>
    %add3A_705 = arith.constant 4096 : i32
    %add3A_706 = arith.addi %mul3A_40, %add3A_705 : i32
    %add3A_707 = vector.broadcast %add3A_706 : i32 to vector<16xi32>
    %add3A_708 = arith.addi %get3A_704, %add3A_707 : vector<16xi32>
    %swap3A_709 = arith.constant 6 : i32
    %swap3A_710 = arith.index_cast %swap3A_709 : i32 to index
    %swap3A_711 = arith.constant 48 : index
    %swap3A_712 = tpu.vector_load %arg6[%swap3A_710, %swap3A_711] {strides = array<i32>} : memref<36x128xi32, #tpu.memory_space<vmem>>, vector<1x16xi32>,
    %swap3A_713 = vector.shape_cast %swap3A_712 : vector<1x16xi32> to vector<16xi32>
    %swap3A_714 = vector.shape_cast %add3A_708 : vector<16xi32> to vector<1x16xi32>
    tpu.vector_store %arg6[%swap3A_710, %swap3A_711], %swap3A_714 {strides = array<i32>} : memref<36x128xi32, #tpu.memory_space<vmem>>, vector<1x16xi32>,
    %get3A_715 = arith.constant 320 : index
    %get3A_716 = tpu.vector_load %arg5[%get3A_715] {strides = array<i32>} : memref<1536xi32, #tpu.memory_space<vmem>>, vector<16xi32>,
    %get3A_717 = vector.shape_cast %get3A_716 : vector<16xi32> to vector<16xi32>
    %add3A_718 = arith.constant 4096 : i32
    %add3A_719 = arith.addi %mul3A_40, %add3A_718 : i32
    %add3A_720 = vector.broadcast %add3A_719 : i32 to vector<16xi32>
    %add3A_721 = arith.addi %get3A_717, %add3A_720 : vector<16xi32>
    %swap3A_722 = arith.constant 6 : i32
    %swap3A_723 = arith.index_cast %swap3A_722 : i32 to index
    %swap3A_724 = arith.constant 64 : index
    %swap3A_725 = tpu.vector_load %arg6[%swap3A_723, %swap3A_724] {strides = array<i32>} : memref<36x128xi32, #tpu.memory_space<vmem>>, vector<1x16xi32>,
    %swap3A_726 = vector.shape_cast %swap3A_725 : vector<1x16xi32> to vector<16xi32>
    %swap3A_727 = vector.shape_cast %add3A_721 : vector<16xi32> to vector<1x16xi32>
    tpu.vector_store %arg6[%swap3A_723, %swap3A_724], %swap3A_727 {strides = array<i32>} : memref<36x128xi32, #tpu.memory_space<vmem>>, vector<1x16xi32>,
    %get3A_728 = arith.constant 336 : index
    %get3A_729 = tpu.vector_load %arg5[%get3A_728] {strides = array<i32>} : memref<1536xi32, #tpu.memory_space<vmem>>, vector<16xi32>,
    %get3A_730 = vector.shape_cast %get3A_729 : vector<16xi32> to vector<16xi32>
    %add3A_731 = arith.constant 4096 : i32
    %add3A_732 = arith.addi %mul3A_40, %add3A_731 : i32
    %add3A_733 = vector.broadcast %add3A_732 : i32 to vector<16xi32>
    %add3A_734 = arith.addi %get3A_730, %add3A_733 : vector<16xi32>
    %swap3A_735 = arith.constant 6 : i32
    %swap3A_736 = arith.index_cast %swap3A_735 : i32 to index
    %swap3A_737 = arith.constant 80 : index
    %swap3A_738 = tpu.vector_load %arg6[%swap3A_736, %swap3A_737] {strides = array<i32>} : memref<36x128xi32, #tpu.memory_space<vmem>>, vector<1x16xi32>,
    %swap3A_739 = vector.shape_cast %swap3A_738 : vector<1x16xi32> to vector<16xi32>
    %swap3A_740 = vector.shape_cast %add3A_734 : vector<16xi32> to vector<1x16xi32>
    tpu.vector_store %arg6[%swap3A_736, %swap3A_737], %swap3A_740 {strides = array<i32>} : memref<36x128xi32, #tpu.memory_space<vmem>>, vector<1x16xi32>,
    %get3A_741 = arith.constant 352 : index
    %get3A_742 = tpu.vector_load %arg5[%get3A_741] {strides = array<i32>} : memref<1536xi32, #tpu.memory_space<vmem>>, vector<16xi32>,
    %get3A_743 = vector.shape_cast %get3A_742 : vector<16xi32> to vector<16xi32>
    %add3A_744 = arith.constant 4096 : i32
    %add3A_745 = arith.addi %mul3A_40, %add3A_744 : i32
    %add3A_746 = vector.broadcast %add3A_745 : i32 to vector<16xi32>
    %add3A_747 = arith.addi %get3A_743, %add3A_746 : vector<16xi32>
    %swap3A_748 = arith.constant 6 : i32
    %swap3A_749 = arith.index_cast %swap3A_748 : i32 to index
    %swap3A_750 = arith.constant 96 : index
    %swap3A_751 = tpu.vector_load %arg6[%swap3A_749, %swap3A_750] {strides = array<i32>} : memref<36x128xi32, #tpu.memory_space<vmem>>, vector<1x16xi32>,
    %swap3A_752 = vector.shape_cast %swap3A_751 : vector<1x16xi32> to vector<16xi32>
    %swap3A_753 = vector.shape_cast %add3A_747 : vector<16xi32> to vector<1x16xi32>
    tpu.vector_store %arg6[%swap3A_749, %swap3A_750], %swap3A_753 {strides = array<i32>} : memref<36x128xi32, #tpu.memory_space<vmem>>, vector<1x16xi32>,
    %get3A_754 = arith.constant 368 : index
    %get3A_755 = tpu.vector_load %arg5[%get3A_754] {strides = array<i32>} : memref<1536xi32, #tpu.memory_space<vmem>>, vector<16xi32>,
    %get3A_756 = vector.shape_cast %get3A_755 : vector<16xi32> to vector<16xi32>
    %add3A_757 = arith.constant 4096 : i32
    %add3A_758 = arith.addi %mul3A_40, %add3A_757 : i32
    %add3A_759 = vector.broadcast %add3A_758 : i32 to vector<16xi32>
    %add3A_760 = arith.addi %get3A_756, %add3A_759 : vector<16xi32>
    %swap3A_761 = arith.constant 6 : i32
    %swap3A_762 = arith.index_cast %swap3A_761 : i32 to index
    %swap3A_763 = arith.constant 112 : index
    %swap3A_764 = tpu.vector_load %arg6[%swap3A_762, %swap3A_763] {strides = array<i32>} : memref<36x128xi32, #tpu.memory_space<vmem>>, vector<1x16xi32>,
    %swap3A_765 = vector.shape_cast %swap3A_764 : vector<1x16xi32> to vector<16xi32>
    %swap3A_766 = vector.shape_cast %add3A_760 : vector<16xi32> to vector<1x16xi32>
    tpu.vector_store %arg6[%swap3A_762, %swap3A_763], %swap3A_766 {strides = array<i32>} : memref<36x128xi32, #tpu.memory_space<vmem>>, vector<1x16xi32>,
    %get3A_767 = arith.constant 384 : index
    %get3A_768 = tpu.vector_load %arg5[%get3A_767] {strides = array<i32>} : memref<1536xi32, #tpu.memory_space<vmem>>, vector<16xi32>,
    %get3A_769 = vector.shape_cast %get3A_768 : vector<16xi32> to vector<16xi32>
    %add3A_770 = arith.constant 4096 : i32
    %add3A_771 = arith.addi %mul3A_40, %add3A_770 : i32
    %add3A_772 = vector.broadcast %add3A_771 : i32 to vector<16xi32>
    %add3A_773 = arith.addi %get3A_769, %add3A_772 : vector<16xi32>
    %swap3A_774 = arith.constant 7 : i32
    %swap3A_775 = arith.index_cast %swap3A_774 : i32 to index
    %swap3A_776 = arith.constant 0 : index
    %swap3A_777 = tpu.vector_load %arg6[%swap3A_775, %swap3A_776] {strides = array<i32>} : memref<36x128xi32, #tpu.memory_space<vmem>>, vector<1x16xi32>,
    %swap3A_778 = vector.shape_cast %swap3A_777 : vector<1x16xi32> to vector<16xi32>
    %swap3A_779 = vector.shape_cast %add3A_773 : vector<16xi32> to vector<1x16xi32>
    tpu.vector_store %arg6[%swap3A_775, %swap3A_776], %swap3A_779 {strides = array<i32>} : memref<36x128xi32, #tpu.memory_space<vmem>>, vector<1x16xi32>,
    %get3A_780 = arith.constant 400 : index
    %get3A_781 = tpu.vector_load %arg5[%get3A_780] {strides = array<i32>} : memref<1536xi32, #tpu.memory_space<vmem>>, vector<16xi32>,
    %get3A_782 = vector.shape_cast %get3A_781 : vector<16xi32> to vector<16xi32>
    %add3A_783 = arith.constant 4096 : i32
    %add3A_784 = arith.addi %mul3A_40, %add3A_783 : i32
    %add3A_785 = vector.broadcast %add3A_784 : i32 to vector<16xi32>
    %add3A_786 = arith.addi %get3A_782, %add3A_785 : vector<16xi32>
    %swap3A_787 = arith.constant 7 : i32
    %swap3A_788 = arith.index_cast %swap3A_787 : i32 to index
    %swap3A_789 = arith.constant 16 : index
    %swap3A_790 = tpu.vector_load %arg6[%swap3A_788, %swap3A_789] {strides = array<i32>} : memref<36x128xi32, #tpu.memory_space<vmem>>, vector<1x16xi32>,
    %swap3A_791 = vector.shape_cast %swap3A_790 : vector<1x16xi32> to vector<16xi32>
    %swap3A_792 = vector.shape_cast %add3A_786 : vector<16xi32> to vector<1x16xi32>
    tpu.vector_store %arg6[%swap3A_788, %swap3A_789], %swap3A_792 {strides = array<i32>} : memref<36x128xi32, #tpu.memory_space<vmem>>, vector<1x16xi32>,
    %get3A_793 = arith.constant 416 : index
    %get3A_794 = tpu.vector_load %arg5[%get3A_793] {strides = array<i32>} : memref<1536xi32, #tpu.memory_space<vmem>>, vector<16xi32>,
    %get3A_795 = vector.shape_cast %get3A_794 : vector<16xi32> to vector<16xi32>
    %add3A_796 = arith.constant 4096 : i32
    %add3A_797 = arith.addi %mul3A_40, %add3A_796 : i32
    %add3A_798 = vector.broadcast %add3A_797 : i32 to vector<16xi32>
    %add3A_799 = arith.addi %get3A_795, %add3A_798 : vector<16xi32>
    %swap3A_800 = arith.constant 7 : i32
    %swap3A_801 = arith.index_cast %swap3A_800 : i32 to index
    %swap3A_802 = arith.constant 32 : index
    %swap3A_803 = tpu.vector_load %arg6[%swap3A_801, %swap3A_802] {strides = array<i32>} : memref<36x128xi32, #tpu.memory_space<vmem>>, vector<1x16xi32>,
    %swap3A_804 = vector.shape_cast %swap3A_803 : vector<1x16xi32> to vector<16xi32>
    %swap3A_805 = vector.shape_cast %add3A_799 : vector<16xi32> to vector<1x16xi32>
    tpu.vector_store %arg6[%swap3A_801, %swap3A_802], %swap3A_805 {strides = array<i32>} : memref<36x128xi32, #tpu.memory_space<vmem>>, vector<1x16xi32>,
    %get3A_806 = arith.constant 432 : index
    %get3A_807 = tpu.vector_load %arg5[%get3A_806] {strides = array<i32>} : memref<1536xi32, #tpu.memory_space<vmem>>, vector<16xi32>,
    %get3A_808 = vector.shape_cast %get3A_807 : vector<16xi32> to vector<16xi32>
    %add3A_809 = arith.constant 4096 : i32
    %add3A_810 = arith.addi %mul3A_40, %add3A_809 : i32
    %add3A_811 = vector.broadcast %add3A_810 : i32 to vector<16xi32>
    %add3A_812 = arith.addi %get3A_808, %add3A_811 : vector<16xi32>
    %swap3A_813 = arith.constant 7 : i32
    %swap3A_814 = arith.index_cast %swap3A_813 : i32 to index
    %swap3A_815 = arith.constant 48 : index
    %swap3A_816 = tpu.vector_load %arg6[%swap3A_814, %swap3A_815] {strides = array<i32>} : memref<36x128xi32, #tpu.memory_space<vmem>>, vector<1x16xi32>,
    %swap3A_817 = vector.shape_cast %swap3A_816 : vector<1x16xi32> to vector<16xi32>
    %swap3A_818 = vector.shape_cast %add3A_812 : vector<16xi32> to vector<1x16xi32>
    tpu.vector_store %arg6[%swap3A_814, %swap3A_815], %swap3A_818 {strides = array<i32>} : memref<36x128xi32, #tpu.memory_space<vmem>>, vector<1x16xi32>,
    %get3A_819 = arith.constant 448 : index
    %get3A_820 = tpu.vector_load %arg5[%get3A_819] {strides = array<i32>} : memref<1536xi32, #tpu.memory_space<vmem>>, vector<16xi32>,
    %get3A_821 = vector.shape_cast %get3A_820 : vector<16xi32> to vector<16xi32>
    %add3A_822 = arith.constant 4096 : i32
    %add3A_823 = arith.addi %mul3A_40, %add3A_822 : i32
    %add3A_824 = vector.broadcast %add3A_823 : i32 to vector<16xi32>
    %add3A_825 = arith.addi %get3A_821, %add3A_824 : vector<16xi32>
    %swap3A_826 = arith.constant 7 : i32
    %swap3A_827 = arith.index_cast %swap3A_826 : i32 to index
    %swap3A_828 = arith.constant 64 : index
    %swap3A_829 = tpu.vector_load %arg6[%swap3A_827, %swap3A_828] {strides = array<i32>} : memref<36x128xi32, #tpu.memory_space<vmem>>, vector<1x16xi32>,
    %swap3A_830 = vector.shape_cast %swap3A_829 : vector<1x16xi32> to vector<16xi32>
    %swap3A_831 = vector.shape_cast %add3A_825 : vector<16xi32> to vector<1x16xi32>
    tpu.vector_store %arg6[%swap3A_827, %swap3A_828], %swap3A_831 {strides = array<i32>} : memref<36x128xi32, #tpu.memory_space<vmem>>, vector<1x16xi32>,
    %get3A_832 = arith.constant 464 : index
    %get3A_833 = tpu.vector_load %arg5[%get3A_832] {strides = array<i32>} : memref<1536xi32, #tpu.memory_space<vmem>>, vector<16xi32>,
    %get3A_834 = vector.shape_cast %get3A_833 : vector<16xi32> to vector<16xi32>
    %add3A_835 = arith.constant 4096 : i32
    %add3A_836 = arith.addi %mul3A_40, %add3A_835 : i32
    %add3A_837 = vector.broadcast %add3A_836 : i32 to vector<16xi32>
    %add3A_838 = arith.addi %get3A_834, %add3A_837 : vector<16xi32>
    %swap3A_839 = arith.constant 7 : i32
    %swap3A_840 = arith.index_cast %swap3A_839 : i32 to index
    %swap3A_841 = arith.constant 80 : index
    %swap3A_842 = tpu.vector_load %arg6[%swap3A_840, %swap3A_841] {strides = array<i32>} : memref<36x128xi32, #tpu.memory_space<vmem>>, vector<1x16xi32>,
    %swap3A_843 = vector.shape_cast %swap3A_842 : vector<1x16xi32> to vector<16xi32>
    %swap3A_844 = vector.shape_cast %add3A_838 : vector<16xi32> to vector<1x16xi32>
    tpu.vector_store %arg6[%swap3A_840, %swap3A_841], %swap3A_844 {strides = array<i32>} : memref<36x128xi32, #tpu.memory_space<vmem>>, vector<1x16xi32>,
    %get3A_845 = arith.constant 480 : index
    %get3A_846 = tpu.vector_load %arg5[%get3A_845] {strides = array<i32>} : memref<1536xi32, #tpu.memory_space<vmem>>, vector<16xi32>,
    %get3A_847 = vector.shape_cast %get3A_846 : vector<16xi32> to vector<16xi32>
    %add3A_848 = arith.constant 4096 : i32
    %add3A_849 = arith.addi %mul3A_40, %add3A_848 : i32
    %add3A_850 = vector.broadcast %add3A_849 : i32 to vector<16xi32>
    %add3A_851 = arith.addi %get3A_847, %add3A_850 : vector<16xi32>
    %swap3A_852 = arith.constant 7 : i32
    %swap3A_853 = arith.index_cast %swap3A_852 : i32 to index
    %swap3A_854 = arith.constant 96 : index
    %swap3A_855 = tpu.vector_load %arg6[%swap3A_853, %swap3A_854] {strides = array<i32>} : memref<36x128xi32, #tpu.memory_space<vmem>>, vector<1x16xi32>,
    %swap3A_856 = vector.shape_cast %swap3A_855 : vector<1x16xi32> to vector<16xi32>
    %swap3A_857 = vector.shape_cast %add3A_851 : vector<16xi32> to vector<1x16xi32>
    tpu.vector_store %arg6[%swap3A_853, %swap3A_854], %swap3A_857 {strides = array<i32>} : memref<36x128xi32, #tpu.memory_space<vmem>>, vector<1x16xi32>,
    %get3A_858 = arith.constant 496 : index
    %get3A_859 = tpu.vector_load %arg5[%get3A_858] {strides = array<i32>} : memref<1536xi32, #tpu.memory_space<vmem>>, vector<16xi32>,
    %get3A_860 = vector.shape_cast %get3A_859 : vector<16xi32> to vector<16xi32>
    %add3A_861 = arith.constant 4096 : i32
    %add3A_862 = arith.addi %mul3A_40, %add3A_861 : i32
    %add3A_863 = vector.broadcast %add3A_862 : i32 to vector<16xi32>
    %add3A_864 = arith.addi %get3A_860, %add3A_863 : vector<16xi32>
    %swap3A_865 = arith.constant 7 : i32
    %swap3A_866 = arith.index_cast %swap3A_865 : i32 to index
    %swap3A_867 = arith.constant 112 : index
    %swap3A_868 = tpu.vector_load %arg6[%swap3A_866, %swap3A_867] {strides = array<i32>} : memref<36x128xi32, #tpu.memory_space<vmem>>, vector<1x16xi32>,
    %swap3A_869 = vector.shape_cast %swap3A_868 : vector<1x16xi32> to vector<16xi32>
    %swap3A_870 = vector.shape_cast %add3A_864 : vector<16xi32> to vector<1x16xi32>
    tpu.vector_store %arg6[%swap3A_866, %swap3A_867], %swap3A_870 {strides = array<i32>} : memref<36x128xi32, #tpu.memory_space<vmem>>, vector<1x16xi32>,
    %get3A_871 = arith.constant 0 : index
    %get3A_872 = tpu.vector_load %arg5[%get3A_871] {strides = array<i32>} : memref<1536xi32, #tpu.memory_space<vmem>>, vector<16xi32>,
    %get3A_873 = vector.shape_cast %get3A_872 : vector<16xi32> to vector<16xi32>
    %add3A_874 = arith.constant 8192 : i32
    %add3A_875 = arith.addi %mul3A_40, %add3A_874 : i32
    %add3A_876 = vector.broadcast %add3A_875 : i32 to vector<16xi32>
    %add3A_877 = arith.addi %get3A_873, %add3A_876 : vector<16xi32>
    %swap3A_878 = arith.constant 8 : i32
    %swap3A_879 = arith.index_cast %swap3A_878 : i32 to index
    %swap3A_880 = arith.constant 0 : index
    %swap3A_881 = tpu.vector_load %arg6[%swap3A_879, %swap3A_880] {strides = array<i32>} : memref<36x128xi32, #tpu.memory_space<vmem>>, vector<1x16xi32>,
    %swap3A_882 = vector.shape_cast %swap3A_881 : vector<1x16xi32> to vector<16xi32>
    %swap3A_883 = vector.shape_cast %add3A_877 : vector<16xi32> to vector<1x16xi32>
    tpu.vector_store %arg6[%swap3A_879, %swap3A_880], %swap3A_883 {strides = array<i32>} : memref<36x128xi32, #tpu.memory_space<vmem>>, vector<1x16xi32>,
    %get3A_884 = arith.constant 16 : index
    %get3A_885 = tpu.vector_load %arg5[%get3A_884] {strides = array<i32>} : memref<1536xi32, #tpu.memory_space<vmem>>, vector<16xi32>,
    %get3A_886 = vector.shape_cast %get3A_885 : vector<16xi32> to vector<16xi32>
    %add3A_887 = arith.constant 8192 : i32
    %add3A_888 = arith.addi %mul3A_40, %add3A_887 : i32
    %add3A_889 = vector.broadcast %add3A_888 : i32 to vector<16xi32>
    %add3A_890 = arith.addi %get3A_886, %add3A_889 : vector<16xi32>
    %swap3A_891 = arith.constant 8 : i32
    %swap3A_892 = arith.index_cast %swap3A_891 : i32 to index
    %swap3A_893 = arith.constant 16 : index
    %swap3A_894 = tpu.vector_load %arg6[%swap3A_892, %swap3A_893] {strides = array<i32>} : memref<36x128xi32, #tpu.memory_space<vmem>>, vector<1x16xi32>,
    %swap3A_895 = vector.shape_cast %swap3A_894 : vector<1x16xi32> to vector<16xi32>
    %swap3A_896 = vector.shape_cast %add3A_890 : vector<16xi32> to vector<1x16xi32>
    tpu.vector_store %arg6[%swap3A_892, %swap3A_893], %swap3A_896 {strides = array<i32>} : memref<36x128xi32, #tpu.memory_space<vmem>>, vector<1x16xi32>,
    %get3A_897 = arith.constant 32 : index
    %get3A_898 = tpu.vector_load %arg5[%get3A_897] {strides = array<i32>} : memref<1536xi32, #tpu.memory_space<vmem>>, vector<16xi32>,
    %get3A_899 = vector.shape_cast %get3A_898 : vector<16xi32> to vector<16xi32>
    %add3A_900 = arith.constant 8192 : i32
    %add3A_901 = arith.addi %mul3A_40, %add3A_900 : i32
    %add3A_902 = vector.broadcast %add3A_901 : i32 to vector<16xi32>
    %add3A_903 = arith.addi %get3A_899, %add3A_902 : vector<16xi32>
    %swap3A_904 = arith.constant 8 : i32
    %swap3A_905 = arith.index_cast %swap3A_904 : i32 to index
    %swap3A_906 = arith.constant 32 : index
    %swap3A_907 = tpu.vector_load %arg6[%swap3A_905, %swap3A_906] {strides = array<i32>} : memref<36x128xi32, #tpu.memory_space<vmem>>, vector<1x16xi32>,
    %swap3A_908 = vector.shape_cast %swap3A_907 : vector<1x16xi32> to vector<16xi32>
    %swap3A_909 = vector.shape_cast %add3A_903 : vector<16xi32> to vector<1x16xi32>
    tpu.vector_store %arg6[%swap3A_905, %swap3A_906], %swap3A_909 {strides = array<i32>} : memref<36x128xi32, #tpu.memory_space<vmem>>, vector<1x16xi32>,
    %get3A_910 = arith.constant 48 : index
    %get3A_911 = tpu.vector_load %arg5[%get3A_910] {strides = array<i32>} : memref<1536xi32, #tpu.memory_space<vmem>>, vector<16xi32>,
    %get3A_912 = vector.shape_cast %get3A_911 : vector<16xi32> to vector<16xi32>
    %add3A_913 = arith.constant 8192 : i32
    %add3A_914 = arith.addi %mul3A_40, %add3A_913 : i32
    %add3A_915 = vector.broadcast %add3A_914 : i32 to vector<16xi32>
    %add3A_916 = arith.addi %get3A_912, %add3A_915 : vector<16xi32>
    %swap3A_917 = arith.constant 8 : i32
    %swap3A_918 = arith.index_cast %swap3A_917 : i32 to index
    %swap3A_919 = arith.constant 48 : index
    %swap3A_920 = tpu.vector_load %arg6[%swap3A_918, %swap3A_919] {strides = array<i32>} : memref<36x128xi32, #tpu.memory_space<vmem>>, vector<1x16xi32>,
    %swap3A_921 = vector.shape_cast %swap3A_920 : vector<1x16xi32> to vector<16xi32>
    %swap3A_922 = vector.shape_cast %add3A_916 : vector<16xi32> to vector<1x16xi32>
    tpu.vector_store %arg6[%swap3A_918, %swap3A_919], %swap3A_922 {strides = array<i32>} : memref<36x128xi32, #tpu.memory_space<vmem>>, vector<1x16xi32>,
    %get3A_923 = arith.constant 64 : index
    %get3A_924 = tpu.vector_load %arg5[%get3A_923] {strides = array<i32>} : memref<1536xi32, #tpu.memory_space<vmem>>, vector<16xi32>,
    %get3A_925 = vector.shape_cast %get3A_924 : vector<16xi32> to vector<16xi32>
    %add3A_926 = arith.constant 8192 : i32
    %add3A_927 = arith.addi %mul3A_40, %add3A_926 : i32
    %add3A_928 = vector.broadcast %add3A_927 : i32 to vector<16xi32>
    %add3A_929 = arith.addi %get3A_925, %add3A_928 : vector<16xi32>
    %swap3A_930 = arith.constant 8 : i32
    %swap3A_931 = arith.index_cast %swap3A_930 : i32 to index
    %swap3A_932 = arith.constant 64 : index
    %swap3A_933 = tpu.vector_load %arg6[%swap3A_931, %swap3A_932] {strides = array<i32>} : memref<36x128xi32, #tpu.memory_space<vmem>>, vector<1x16xi32>,
    %swap3A_934 = vector.shape_cast %swap3A_933 : vector<1x16xi32> to vector<16xi32>
    %swap3A_935 = vector.shape_cast %add3A_929 : vector<16xi32> to vector<1x16xi32>
    tpu.vector_store %arg6[%swap3A_931, %swap3A_932], %swap3A_935 {strides = array<i32>} : memref<36x128xi32, #tpu.memory_space<vmem>>, vector<1x16xi32>,
    %get3A_936 = arith.constant 80 : index
    %get3A_937 = tpu.vector_load %arg5[%get3A_936] {strides = array<i32>} : memref<1536xi32, #tpu.memory_space<vmem>>, vector<16xi32>,
    %get3A_938 = vector.shape_cast %get3A_937 : vector<16xi32> to vector<16xi32>
    %add3A_939 = arith.constant 8192 : i32
    %add3A_940 = arith.addi %mul3A_40, %add3A_939 : i32
    %add3A_941 = vector.broadcast %add3A_940 : i32 to vector<16xi32>
    %add3A_942 = arith.addi %get3A_938, %add3A_941 : vector<16xi32>
    %swap3A_943 = arith.constant 8 : i32
    %swap3A_944 = arith.index_cast %swap3A_943 : i32 to index
    %swap3A_945 = arith.constant 80 : index
    %swap3A_946 = tpu.vector_load %arg6[%swap3A_944, %swap3A_945] {strides = array<i32>} : memref<36x128xi32, #tpu.memory_space<vmem>>, vector<1x16xi32>,
    %swap3A_947 = vector.shape_cast %swap3A_946 : vector<1x16xi32> to vector<16xi32>
    %swap3A_948 = vector.shape_cast %add3A_942 : vector<16xi32> to vector<1x16xi32>
    tpu.vector_store %arg6[%swap3A_944, %swap3A_945], %swap3A_948 {strides = array<i32>} : memref<36x128xi32, #tpu.memory_space<vmem>>, vector<1x16xi32>,
    %get3A_949 = arith.constant 96 : index
    %get3A_950 = tpu.vector_load %arg5[%get3A_949] {strides = array<i32>} : memref<1536xi32, #tpu.memory_space<vmem>>, vector<16xi32>,
    %get3A_951 = vector.shape_cast %get3A_950 : vector<16xi32> to vector<16xi32>
    %add3A_952 = arith.constant 8192 : i32
    %add3A_953 = arith.addi %mul3A_40, %add3A_952 : i32
    %add3A_954 = vector.broadcast %add3A_953 : i32 to vector<16xi32>
    %add3A_955 = arith.addi %get3A_951, %add3A_954 : vector<16xi32>
    %swap3A_956 = arith.constant 8 : i32
    %swap3A_957 = arith.index_cast %swap3A_956 : i32 to index
    %swap3A_958 = arith.constant 96 : index
    %swap3A_959 = tpu.vector_load %arg6[%swap3A_957, %swap3A_958] {strides = array<i32>} : memref<36x128xi32, #tpu.memory_space<vmem>>, vector<1x16xi32>,
    %swap3A_960 = vector.shape_cast %swap3A_959 : vector<1x16xi32> to vector<16xi32>
    %swap3A_961 = vector.shape_cast %add3A_955 : vector<16xi32> to vector<1x16xi32>
    tpu.vector_store %arg6[%swap3A_957, %swap3A_958], %swap3A_961 {strides = array<i32>} : memref<36x128xi32, #tpu.memory_space<vmem>>, vector<1x16xi32>,
    %get3A_962 = arith.constant 112 : index
    %get3A_963 = tpu.vector_load %arg5[%get3A_962] {strides = array<i32>} : memref<1536xi32, #tpu.memory_space<vmem>>, vector<16xi32>,
    %get3A_964 = vector.shape_cast %get3A_963 : vector<16xi32> to vector<16xi32>
    %add3A_965 = arith.constant 8192 : i32
    %add3A_966 = arith.addi %mul3A_40, %add3A_965 : i32
    %add3A_967 = vector.broadcast %add3A_966 : i32 to vector<16xi32>
    %add3A_968 = arith.addi %get3A_964, %add3A_967 : vector<16xi32>
    %swap3A_969 = arith.constant 8 : i32
    %swap3A_970 = arith.index_cast %swap3A_969 : i32 to index
    %swap3A_971 = arith.constant 112 : index
    %swap3A_972 = tpu.vector_load %arg6[%swap3A_970, %swap3A_971] {strides = array<i32>} : memref<36x128xi32, #tpu.memory_space<vmem>>, vector<1x16xi32>,
    %swap3A_973 = vector.shape_cast %swap3A_972 : vector<1x16xi32> to vector<16xi32>
    %swap3A_974 = vector.shape_cast %add3A_968 : vector<16xi32> to vector<1x16xi32>
    tpu.vector_store %arg6[%swap3A_970, %swap3A_971], %swap3A_974 {strides = array<i32>} : memref<36x128xi32, #tpu.memory_space<vmem>>, vector<1x16xi32>,
    %get3A_975 = arith.constant 128 : index
    %get3A_976 = tpu.vector_load %arg5[%get3A_975] {strides = array<i32>} : memref<1536xi32, #tpu.memory_space<vmem>>, vector<16xi32>,
    %get3A_977 = vector.shape_cast %get3A_976 : vector<16xi32> to vector<16xi32>
    %add3A_978 = arith.constant 8192 : i32
    %add3A_979 = arith.addi %mul3A_40, %add3A_978 : i32
    %add3A_980 = vector.broadcast %add3A_979 : i32 to vector<16xi32>
    %add3A_981 = arith.addi %get3A_977, %add3A_980 : vector<16xi32>
    %swap3A_982 = arith.constant 9 : i32
    %swap3A_983 = arith.index_cast %swap3A_982 : i32 to index
    %swap3A_984 = arith.constant 0 : index
    %swap3A_985 = tpu.vector_load %arg6[%swap3A_983, %swap3A_984] {strides = array<i32>} : memref<36x128xi32, #tpu.memory_space<vmem>>, vector<1x16xi32>,
    %swap3A_986 = vector.shape_cast %swap3A_985 : vector<1x16xi32> to vector<16xi32>
    %swap3A_987 = vector.shape_cast %add3A_981 : vector<16xi32> to vector<1x16xi32>
    tpu.vector_store %arg6[%swap3A_983, %swap3A_984], %swap3A_987 {strides = array<i32>} : memref<36x128xi32, #tpu.memory_space<vmem>>, vector<1x16xi32>,
    %get3A_988 = arith.constant 144 : index
    %get3A_989 = tpu.vector_load %arg5[%get3A_988] {strides = array<i32>} : memref<1536xi32, #tpu.memory_space<vmem>>, vector<16xi32>,
    %get3A_990 = vector.shape_cast %get3A_989 : vector<16xi32> to vector<16xi32>
    %add3A_991 = arith.constant 8192 : i32
    %add3A_992 = arith.addi %mul3A_40, %add3A_991 : i32
    %add3A_993 = vector.broadcast %add3A_992 : i32 to vector<16xi32>
    %add3A_994 = arith.addi %get3A_990, %add3A_993 : vector<16xi32>
    %swap3A_995 = arith.constant 9 : i32
    %swap3A_996 = arith.index_cast %swap3A_995 : i32 to index
    %swap3A_997 = arith.constant 16 : index
    %swap3A_998 = tpu.vector_load %arg6[%swap3A_996, %swap3A_997] {strides = array<i32>} : memref<36x128xi32, #tpu.memory_space<vmem>>, vector<1x16xi32>,
    %swap3A_999 = vector.shape_cast %swap3A_998 : vector<1x16xi32> to vector<16xi32>
    %swap3A_1000 = vector.shape_cast %add3A_994 : vector<16xi32> to vector<1x16xi32>
    tpu.vector_store %arg6[%swap3A_996, %swap3A_997], %swap3A_1000 {strides = array<i32>} : memref<36x128xi32, #tpu.memory_space<vmem>>, vector<1x16xi32>,
    %get3A_1001 = arith.constant 160 : index
    %get3A_1002 = tpu.vector_load %arg5[%get3A_1001] {strides = array<i32>} : memref<1536xi32, #tpu.memory_space<vmem>>, vector<16xi32>,
    %get3A_1003 = vector.shape_cast %get3A_1002 : vector<16xi32> to vector<16xi32>
    %add3A_1004 = arith.constant 8192 : i32
    %add3A_1005 = arith.addi %mul3A_40, %add3A_1004 : i32
    %add3A_1006 = vector.broadcast %add3A_1005 : i32 to vector<16xi32>
    %add3A_1007 = arith.addi %get3A_1003, %add3A_1006 : vector<16xi32>
    %swap3A_1008 = arith.constant 9 : i32
    %swap3A_1009 = arith.index_cast %swap3A_1008 : i32 to index
    %swap3A_1010 = arith.constant 32 : index
    %swap3A_1011 = tpu.vector_load %arg6[%swap3A_1009, %swap3A_1010] {strides = array<i32>} : memref<36x128xi32, #tpu.memory_space<vmem>>, vector<1x16xi32>,
    %swap3A_1012 = vector.shape_cast %swap3A_1011 : vector<1x16xi32> to vector<16xi32>
    %swap3A_1013 = vector.shape_cast %add3A_1007 : vector<16xi32> to vector<1x16xi32>
    tpu.vector_store %arg6[%swap3A_1009, %swap3A_1010], %swap3A_1013 {strides = array<i32>} : memref<36x128xi32, #tpu.memory_space<vmem>>, vector<1x16xi32>,
    %get3A_1014 = arith.constant 176 : index
    %get3A_1015 = tpu.vector_load %arg5[%get3A_1014] {strides = array<i32>} : memref<1536xi32, #tpu.memory_space<vmem>>, vector<16xi32>,
    %get3A_1016 = vector.shape_cast %get3A_1015 : vector<16xi32> to vector<16xi32>
    %add3A_1017 = arith.constant 8192 : i32
    %add3A_1018 = arith.addi %mul3A_40, %add3A_1017 : i32
    %add3A_1019 = vector.broadcast %add3A_1018 : i32 to vector<16xi32>
    %add3A_1020 = arith.addi %get3A_1016, %add3A_1019 : vector<16xi32>
    %swap3A_1021 = arith.constant 9 : i32
    %swap3A_1022 = arith.index_cast %swap3A_1021 : i32 to index
    %swap3A_1023 = arith.constant 48 : index
    %swap3A_1024 = tpu.vector_load %arg6[%swap3A_1022, %swap3A_1023] {strides = array<i32>} : memref<36x128xi32, #tpu.memory_space<vmem>>, vector<1x16xi32>,
    %swap3A_1025 = vector.shape_cast %swap3A_1024 : vector<1x16xi32> to vector<16xi32>
    %swap3A_1026 = vector.shape_cast %add3A_1020 : vector<16xi32> to vector<1x16xi32>
    tpu.vector_store %arg6[%swap3A_1022, %swap3A_1023], %swap3A_1026 {strides = array<i32>} : memref<36x128xi32, #tpu.memory_space<vmem>>, vector<1x16xi32>,
    %get3A_1027 = arith.constant 192 : index
    %get3A_1028 = tpu.vector_load %arg5[%get3A_1027] {strides = array<i32>} : memref<1536xi32, #tpu.memory_space<vmem>>, vector<16xi32>,
    %get3A_1029 = vector.shape_cast %get3A_1028 : vector<16xi32> to vector<16xi32>
    %add3A_1030 = arith.constant 8192 : i32
    %add3A_1031 = arith.addi %mul3A_40, %add3A_1030 : i32
    %add3A_1032 = vector.broadcast %add3A_1031 : i32 to vector<16xi32>
    %add3A_1033 = arith.addi %get3A_1029, %add3A_1032 : vector<16xi32>
    %swap3A_1034 = arith.constant 9 : i32
    %swap3A_1035 = arith.index_cast %swap3A_1034 : i32 to index
    %swap3A_1036 = arith.constant 64 : index
    %swap3A_1037 = tpu.vector_load %arg6[%swap3A_1035, %swap3A_1036] {strides = array<i32>} : memref<36x128xi32, #tpu.memory_space<vmem>>, vector<1x16xi32>,
    %swap3A_1038 = vector.shape_cast %swap3A_1037 : vector<1x16xi32> to vector<16xi32>
    %swap3A_1039 = vector.shape_cast %add3A_1033 : vector<16xi32> to vector<1x16xi32>
    tpu.vector_store %arg6[%swap3A_1035, %swap3A_1036], %swap3A_1039 {strides = array<i32>} : memref<36x128xi32, #tpu.memory_space<vmem>>, vector<1x16xi32>,
    %get3A_1040 = arith.constant 208 : index
    %get3A_1041 = tpu.vector_load %arg5[%get3A_1040] {strides = array<i32>} : memref<1536xi32, #tpu.memory_space<vmem>>, vector<16xi32>,
    %get3A_1042 = vector.shape_cast %get3A_1041 : vector<16xi32> to vector<16xi32>
    %add3A_1043 = arith.constant 8192 : i32
    %add3A_1044 = arith.addi %mul3A_40, %add3A_1043 : i32
    %add3A_1045 = vector.broadcast %add3A_1044 : i32 to vector<16xi32>
    %add3A_1046 = arith.addi %get3A_1042, %add3A_1045 : vector<16xi32>
    %swap3A_1047 = arith.constant 9 : i32
    %swap3A_1048 = arith.index_cast %swap3A_1047 : i32 to index
    %swap3A_1049 = arith.constant 80 : index
    %swap3A_1050 = tpu.vector_load %arg6[%swap3A_1048, %swap3A_1049] {strides = array<i32>} : memref<36x128xi32, #tpu.memory_space<vmem>>, vector<1x16xi32>,
    %swap3A_1051 = vector.shape_cast %swap3A_1050 : vector<1x16xi32> to vector<16xi32>
    %swap3A_1052 = vector.shape_cast %add3A_1046 : vector<16xi32> to vector<1x16xi32>
    tpu.vector_store %arg6[%swap3A_1048, %swap3A_1049], %swap3A_1052 {strides = array<i32>} : memref<36x128xi32, #tpu.memory_space<vmem>>, vector<1x16xi32>,
    %get3A_1053 = arith.constant 224 : index
    %get3A_1054 = tpu.vector_load %arg5[%get3A_1053] {strides = array<i32>} : memref<1536xi32, #tpu.memory_space<vmem>>, vector<16xi32>,
    %get3A_1055 = vector.shape_cast %get3A_1054 : vector<16xi32> to vector<16xi32>
    %add3A_1056 = arith.constant 8192 : i32
    %add3A_1057 = arith.addi %mul3A_40, %add3A_1056 : i32
    %add3A_1058 = vector.broadcast %add3A_1057 : i32 to vector<16xi32>
    %add3A_1059 = arith.addi %get3A_1055, %add3A_1058 : vector<16xi32>
    %swap3A_1060 = arith.constant 9 : i32
    %swap3A_1061 = arith.index_cast %swap3A_1060 : i32 to index
    %swap3A_1062 = arith.constant 96 : index
    %swap3A_1063 = tpu.vector_load %arg6[%swap3A_1061, %swap3A_1062] {strides = array<i32>} : memref<36x128xi32, #tpu.memory_space<vmem>>, vector<1x16xi32>,
    %swap3A_1064 = vector.shape_cast %swap3A_1063 : vector<1x16xi32> to vector<16xi32>
    %swap3A_1065 = vector.shape_cast %add3A_1059 : vector<16xi32> to vector<1x16xi32>
    tpu.vector_store %arg6[%swap3A_1061, %swap3A_1062], %swap3A_1065 {strides = array<i32>} : memref<36x128xi32, #tpu.memory_space<vmem>>, vector<1x16xi32>,
    %get3A_1066 = arith.constant 240 : index
    %get3A_1067 = tpu.vector_load %arg5[%get3A_1066] {strides = array<i32>} : memref<1536xi32, #tpu.memory_space<vmem>>, vector<16xi32>,
    %get3A_1068 = vector.shape_cast %get3A_1067 : vector<16xi32> to vector<16xi32>
    %add3A_1069 = arith.constant 8192 : i32
    %add3A_1070 = arith.addi %mul3A_40, %add3A_1069 : i32
    %add3A_1071 = vector.broadcast %add3A_1070 : i32 to vector<16xi32>
    %add3A_1072 = arith.addi %get3A_1068, %add3A_1071 : vector<16xi32>
    %swap3A_1073 = arith.constant 9 : i32
    %swap3A_1074 = arith.index_cast %swap3A_1073 : i32 to index
    %swap3A_1075 = arith.constant 112 : index
    %swap3A_1076 = tpu.vector_load %arg6[%swap3A_1074, %swap3A_1075] {strides = array<i32>} : memref<36x128xi32, #tpu.memory_space<vmem>>, vector<1x16xi32>,
    %swap3A_1077 = vector.shape_cast %swap3A_1076 : vector<1x16xi32> to vector<16xi32>
    %swap3A_1078 = vector.shape_cast %add3A_1072 : vector<16xi32> to vector<1x16xi32>
    tpu.vector_store %arg6[%swap3A_1074, %swap3A_1075], %swap3A_1078 {strides = array<i32>} : memref<36x128xi32, #tpu.memory_space<vmem>>, vector<1x16xi32>,
    %get3A_1079 = arith.constant 256 : index
    %get3A_1080 = tpu.vector_load %arg5[%get3A_1079] {strides = array<i32>} : memref<1536xi32, #tpu.memory_space<vmem>>, vector<16xi32>,
    %get3A_1081 = vector.shape_cast %get3A_1080 : vector<16xi32> to vector<16xi32>
    %add3A_1082 = arith.constant 8192 : i32
    %add3A_1083 = arith.addi %mul3A_40, %add3A_1082 : i32
    %add3A_1084 = vector.broadcast %add3A_1083 : i32 to vector<16xi32>
    %add3A_1085 = arith.addi %get3A_1081, %add3A_1084 : vector<16xi32>
    %swap3A_1086 = arith.constant 10 : i32
    %swap3A_1087 = arith.index_cast %swap3A_1086 : i32 to index
    %swap3A_1088 = arith.constant 0 : index
    %swap3A_1089 = tpu.vector_load %arg6[%swap3A_1087, %swap3A_1088] {strides = array<i32>} : memref<36x128xi32, #tpu.memory_space<vmem>>, vector<1x16xi32>,
    %swap3A_1090 = vector.shape_cast %swap3A_1089 : vector<1x16xi32> to vector<16xi32>
    %swap3A_1091 = vector.shape_cast %add3A_1085 : vector<16xi32> to vector<1x16xi32>
    tpu.vector_store %arg6[%swap3A_1087, %swap3A_1088], %swap3A_1091 {strides = array<i32>} : memref<36x128xi32, #tpu.memory_space<vmem>>, vector<1x16xi32>,
    %get3A_1092 = arith.constant 272 : index
    %get3A_1093 = tpu.vector_load %arg5[%get3A_1092] {strides = array<i32>} : memref<1536xi32, #tpu.memory_space<vmem>>, vector<16xi32>,
    %get3A_1094 = vector.shape_cast %get3A_1093 : vector<16xi32> to vector<16xi32>
    %add3A_1095 = arith.constant 8192 : i32
    %add3A_1096 = arith.addi %mul3A_40, %add3A_1095 : i32
    %add3A_1097 = vector.broadcast %add3A_1096 : i32 to vector<16xi32>
    %add3A_1098 = arith.addi %get3A_1094, %add3A_1097 : vector<16xi32>
    %swap3A_1099 = arith.constant 10 : i32
    %swap3A_1100 = arith.index_cast %swap3A_1099 : i32 to index
    %swap3A_1101 = arith.constant 16 : index
    %swap3A_1102 = tpu.vector_load %arg6[%swap3A_1100, %swap3A_1101] {strides = array<i32>} : memref<36x128xi32, #tpu.memory_space<vmem>>, vector<1x16xi32>,
    %swap3A_1103 = vector.shape_cast %swap3A_1102 : vector<1x16xi32> to vector<16xi32>
    %swap3A_1104 = vector.shape_cast %add3A_1098 : vector<16xi32> to vector<1x16xi32>
    tpu.vector_store %arg6[%swap3A_1100, %swap3A_1101], %swap3A_1104 {strides = array<i32>} : memref<36x128xi32, #tpu.memory_space<vmem>>, vector<1x16xi32>,
    %get3A_1105 = arith.constant 288 : index
    %get3A_1106 = tpu.vector_load %arg5[%get3A_1105] {strides = array<i32>} : memref<1536xi32, #tpu.memory_space<vmem>>, vector<16xi32>,
    %get3A_1107 = vector.shape_cast %get3A_1106 : vector<16xi32> to vector<16xi32>
    %add3A_1108 = arith.constant 8192 : i32
    %add3A_1109 = arith.addi %mul3A_40, %add3A_1108 : i32
    %add3A_1110 = vector.broadcast %add3A_1109 : i32 to vector<16xi32>
    %add3A_1111 = arith.addi %get3A_1107, %add3A_1110 : vector<16xi32>
    %swap3A_1112 = arith.constant 10 : i32
    %swap3A_1113 = arith.index_cast %swap3A_1112 : i32 to index
    %swap3A_1114 = arith.constant 32 : index
    %swap3A_1115 = tpu.vector_load %arg6[%swap3A_1113, %swap3A_1114] {strides = array<i32>} : memref<36x128xi32, #tpu.memory_space<vmem>>, vector<1x16xi32>,
    %swap3A_1116 = vector.shape_cast %swap3A_1115 : vector<1x16xi32> to vector<16xi32>
    %swap3A_1117 = vector.shape_cast %add3A_1111 : vector<16xi32> to vector<1x16xi32>
    tpu.vector_store %arg6[%swap3A_1113, %swap3A_1114], %swap3A_1117 {strides = array<i32>} : memref<36x128xi32, #tpu.memory_space<vmem>>, vector<1x16xi32>,
    %get3A_1118 = arith.constant 304 : index
    %get3A_1119 = tpu.vector_load %arg5[%get3A_1118] {strides = array<i32>} : memref<1536xi32, #tpu.memory_space<vmem>>, vector<16xi32>,
    %get3A_1120 = vector.shape_cast %get3A_1119 : vector<16xi32> to vector<16xi32>
    %add3A_1121 = arith.constant 8192 : i32
    %add3A_1122 = arith.addi %mul3A_40, %add3A_1121 : i32
    %add3A_1123 = vector.broadcast %add3A_1122 : i32 to vector<16xi32>
    %add3A_1124 = arith.addi %get3A_1120, %add3A_1123 : vector<16xi32>
    %swap3A_1125 = arith.constant 10 : i32
    %swap3A_1126 = arith.index_cast %swap3A_1125 : i32 to index
    %swap3A_1127 = arith.constant 48 : index
    %swap3A_1128 = tpu.vector_load %arg6[%swap3A_1126, %swap3A_1127] {strides = array<i32>} : memref<36x128xi32, #tpu.memory_space<vmem>>, vector<1x16xi32>,
    %swap3A_1129 = vector.shape_cast %swap3A_1128 : vector<1x16xi32> to vector<16xi32>
    %swap3A_1130 = vector.shape_cast %add3A_1124 : vector<16xi32> to vector<1x16xi32>
    tpu.vector_store %arg6[%swap3A_1126, %swap3A_1127], %swap3A_1130 {strides = array<i32>} : memref<36x128xi32, #tpu.memory_space<vmem>>, vector<1x16xi32>,
    %get3A_1131 = arith.constant 320 : index
    %get3A_1132 = tpu.vector_load %arg5[%get3A_1131] {strides = array<i32>} : memref<1536xi32, #tpu.memory_space<vmem>>, vector<16xi32>,
    %get3A_1133 = vector.shape_cast %get3A_1132 : vector<16xi32> to vector<16xi32>
    %add3A_1134 = arith.constant 8192 : i32
    %add3A_1135 = arith.addi %mul3A_40, %add3A_1134 : i32
    %add3A_1136 = vector.broadcast %add3A_1135 : i32 to vector<16xi32>
    %add3A_1137 = arith.addi %get3A_1133, %add3A_1136 : vector<16xi32>
    %swap3A_1138 = arith.constant 10 : i32
    %swap3A_1139 = arith.index_cast %swap3A_1138 : i32 to index
    %swap3A_1140 = arith.constant 64 : index
    %swap3A_1141 = tpu.vector_load %arg6[%swap3A_1139, %swap3A_1140] {strides = array<i32>} : memref<36x128xi32, #tpu.memory_space<vmem>>, vector<1x16xi32>,
    %swap3A_1142 = vector.shape_cast %swap3A_1141 : vector<1x16xi32> to vector<16xi32>
    %swap3A_1143 = vector.shape_cast %add3A_1137 : vector<16xi32> to vector<1x16xi32>
    tpu.vector_store %arg6[%swap3A_1139, %swap3A_1140], %swap3A_1143 {strides = array<i32>} : memref<36x128xi32, #tpu.memory_space<vmem>>, vector<1x16xi32>,
    %get3A_1144 = arith.constant 336 : index
    %get3A_1145 = tpu.vector_load %arg5[%get3A_1144] {strides = array<i32>} : memref<1536xi32, #tpu.memory_space<vmem>>, vector<16xi32>,
    %get3A_1146 = vector.shape_cast %get3A_1145 : vector<16xi32> to vector<16xi32>
    %add3A_1147 = arith.constant 8192 : i32
    %add3A_1148 = arith.addi %mul3A_40, %add3A_1147 : i32
    %add3A_1149 = vector.broadcast %add3A_1148 : i32 to vector<16xi32>
    %add3A_1150 = arith.addi %get3A_1146, %add3A_1149 : vector<16xi32>
    %swap3A_1151 = arith.constant 10 : i32
    %swap3A_1152 = arith.index_cast %swap3A_1151 : i32 to index
    %swap3A_1153 = arith.constant 80 : index
    %swap3A_1154 = tpu.vector_load %arg6[%swap3A_1152, %swap3A_1153] {strides = array<i32>} : memref<36x128xi32, #tpu.memory_space<vmem>>, vector<1x16xi32>,
    %swap3A_1155 = vector.shape_cast %swap3A_1154 : vector<1x16xi32> to vector<16xi32>
    %swap3A_1156 = vector.shape_cast %add3A_1150 : vector<16xi32> to vector<1x16xi32>
    tpu.vector_store %arg6[%swap3A_1152, %swap3A_1153], %swap3A_1156 {strides = array<i32>} : memref<36x128xi32, #tpu.memory_space<vmem>>, vector<1x16xi32>,
    %get3A_1157 = arith.constant 352 : index
    %get3A_1158 = tpu.vector_load %arg5[%get3A_1157] {strides = array<i32>} : memref<1536xi32, #tpu.memory_space<vmem>>, vector<16xi32>,
    %get3A_1159 = vector.shape_cast %get3A_1158 : vector<16xi32> to vector<16xi32>
    %add3A_1160 = arith.constant 8192 : i32
    %add3A_1161 = arith.addi %mul3A_40, %add3A_1160 : i32
    %add3A_1162 = vector.broadcast %add3A_1161 : i32 to vector<16xi32>
    %add3A_1163 = arith.addi %get3A_1159, %add3A_1162 : vector<16xi32>
    %swap3A_1164 = arith.constant 10 : i32
    %swap3A_1165 = arith.index_cast %swap3A_1164 : i32 to index
    %swap3A_1166 = arith.constant 96 : index
    %swap3A_1167 = tpu.vector_load %arg6[%swap3A_1165, %swap3A_1166] {strides = array<i32>} : memref<36x128xi32, #tpu.memory_space<vmem>>, vector<1x16xi32>,
    %swap3A_1168 = vector.shape_cast %swap3A_1167 : vector<1x16xi32> to vector<16xi32>
    %swap3A_1169 = vector.shape_cast %add3A_1163 : vector<16xi32> to vector<1x16xi32>
    tpu.vector_store %arg6[%swap3A_1165, %swap3A_1166], %swap3A_1169 {strides = array<i32>} : memref<36x128xi32, #tpu.memory_space<vmem>>, vector<1x16xi32>,
    %get3A_1170 = arith.constant 368 : index
    %get3A_1171 = tpu.vector_load %arg5[%get3A_1170] {strides = array<i32>} : memref<1536xi32, #tpu.memory_space<vmem>>, vector<16xi32>,
    %get3A_1172 = vector.shape_cast %get3A_1171 : vector<16xi32> to vector<16xi32>
    %add3A_1173 = arith.constant 8192 : i32
    %add3A_1174 = arith.addi %mul3A_40, %add3A_1173 : i32
    %add3A_1175 = vector.broadcast %add3A_1174 : i32 to vector<16xi32>
    %add3A_1176 = arith.addi %get3A_1172, %add3A_1175 : vector<16xi32>
    %swap3A_1177 = arith.constant 10 : i32
    %swap3A_1178 = arith.index_cast %swap3A_1177 : i32 to index
    %swap3A_1179 = arith.constant 112 : index
    %swap3A_1180 = tpu.vector_load %arg6[%swap3A_1178, %swap3A_1179] {strides = array<i32>} : memref<36x128xi32, #tpu.memory_space<vmem>>, vector<1x16xi32>,
    %swap3A_1181 = vector.shape_cast %swap3A_1180 : vector<1x16xi32> to vector<16xi32>
    %swap3A_1182 = vector.shape_cast %add3A_1176 : vector<16xi32> to vector<1x16xi32>
    tpu.vector_store %arg6[%swap3A_1178, %swap3A_1179], %swap3A_1182 {strides = array<i32>} : memref<36x128xi32, #tpu.memory_space<vmem>>, vector<1x16xi32>,
    %get3A_1183 = arith.constant 384 : index
    %get3A_1184 = tpu.vector_load %arg5[%get3A_1183] {strides = array<i32>} : memref<1536xi32, #tpu.memory_space<vmem>>, vector<16xi32>,
    %get3A_1185 = vector.shape_cast %get3A_1184 : vector<16xi32> to vector<16xi32>
    %add3A_1186 = arith.constant 8192 : i32
    %add3A_1187 = arith.addi %mul3A_40, %add3A_1186 : i32
    %add3A_1188 = vector.broadcast %add3A_1187 : i32 to vector<16xi32>
    %add3A_1189 = arith.addi %get3A_1185, %add3A_1188 : vector<16xi32>
    %swap3A_1190 = arith.constant 11 : i32
    %swap3A_1191 = arith.index_cast %swap3A_1190 : i32 to index
    %swap3A_1192 = arith.constant 0 : index
    %swap3A_1193 = tpu.vector_load %arg6[%swap3A_1191, %swap3A_1192] {strides = array<i32>} : memref<36x128xi32, #tpu.memory_space<vmem>>, vector<1x16xi32>,
    %swap3A_1194 = vector.shape_cast %swap3A_1193 : vector<1x16xi32> to vector<16xi32>
    %swap3A_1195 = vector.shape_cast %add3A_1189 : vector<16xi32> to vector<1x16xi32>
    tpu.vector_store %arg6[%swap3A_1191, %swap3A_1192], %swap3A_1195 {strides = array<i32>} : memref<36x128xi32, #tpu.memory_space<vmem>>, vector<1x16xi32>,
    %get3A_1196 = arith.constant 400 : index
    %get3A_1197 = tpu.vector_load %arg5[%get3A_1196] {strides = array<i32>} : memref<1536xi32, #tpu.memory_space<vmem>>, vector<16xi32>,
    %get3A_1198 = vector.shape_cast %get3A_1197 : vector<16xi32> to vector<16xi32>
    %add3A_1199 = arith.constant 8192 : i32
    %add3A_1200 = arith.addi %mul3A_40, %add3A_1199 : i32
    %add3A_1201 = vector.broadcast %add3A_1200 : i32 to vector<16xi32>
    %add3A_1202 = arith.addi %get3A_1198, %add3A_1201 : vector<16xi32>
    %swap3A_1203 = arith.constant 11 : i32
    %swap3A_1204 = arith.index_cast %swap3A_1203 : i32 to index
    %swap3A_1205 = arith.constant 16 : index
    %swap3A_1206 = tpu.vector_load %arg6[%swap3A_1204, %swap3A_1205] {strides = array<i32>} : memref<36x128xi32, #tpu.memory_space<vmem>>, vector<1x16xi32>,
    %swap3A_1207 = vector.shape_cast %swap3A_1206 : vector<1x16xi32> to vector<16xi32>
    %swap3A_1208 = vector.shape_cast %add3A_1202 : vector<16xi32> to vector<1x16xi32>
    tpu.vector_store %arg6[%swap3A_1204, %swap3A_1205], %swap3A_1208 {strides = array<i32>} : memref<36x128xi32, #tpu.memory_space<vmem>>, vector<1x16xi32>,
    %get3A_1209 = arith.constant 416 : index
    %get3A_1210 = tpu.vector_load %arg5[%get3A_1209] {strides = array<i32>} : memref<1536xi32, #tpu.memory_space<vmem>>, vector<16xi32>,
    %get3A_1211 = vector.shape_cast %get3A_1210 : vector<16xi32> to vector<16xi32>
    %add3A_1212 = arith.constant 8192 : i32
    %add3A_1213 = arith.addi %mul3A_40, %add3A_1212 : i32
    %add3A_1214 = vector.broadcast %add3A_1213 : i32 to vector<16xi32>
    %add3A_1215 = arith.addi %get3A_1211, %add3A_1214 : vector<16xi32>
    %swap3A_1216 = arith.constant 11 : i32
    %swap3A_1217 = arith.index_cast %swap3A_1216 : i32 to index
    %swap3A_1218 = arith.constant 32 : index
    %swap3A_1219 = tpu.vector_load %arg6[%swap3A_1217, %swap3A_1218] {strides = array<i32>} : memref<36x128xi32, #tpu.memory_space<vmem>>, vector<1x16xi32>,
    %swap3A_1220 = vector.shape_cast %swap3A_1219 : vector<1x16xi32> to vector<16xi32>
    %swap3A_1221 = vector.shape_cast %add3A_1215 : vector<16xi32> to vector<1x16xi32>
    tpu.vector_store %arg6[%swap3A_1217, %swap3A_1218], %swap3A_1221 {strides = array<i32>} : memref<36x128xi32, #tpu.memory_space<vmem>>, vector<1x16xi32>,
    %get3A_1222 = arith.constant 432 : index
    %get3A_1223 = tpu.vector_load %arg5[%get3A_1222] {strides = array<i32>} : memref<1536xi32, #tpu.memory_space<vmem>>, vector<16xi32>,
    %get3A_1224 = vector.shape_cast %get3A_1223 : vector<16xi32> to vector<16xi32>
    %add3A_1225 = arith.constant 8192 : i32
    %add3A_1226 = arith.addi %mul3A_40, %add3A_1225 : i32
    %add3A_1227 = vector.broadcast %add3A_1226 : i32 to vector<16xi32>
    %add3A_1228 = arith.addi %get3A_1224, %add3A_1227 : vector<16xi32>
    %swap3A_1229 = arith.constant 11 : i32
    %swap3A_1230 = arith.index_cast %swap3A_1229 : i32 to index
    %swap3A_1231 = arith.constant 48 : index
    %swap3A_1232 = tpu.vector_load %arg6[%swap3A_1230, %swap3A_1231] {strides = array<i32>} : memref<36x128xi32, #tpu.memory_space<vmem>>, vector<1x16xi32>,
    %swap3A_1233 = vector.shape_cast %swap3A_1232 : vector<1x16xi32> to vector<16xi32>
    %swap3A_1234 = vector.shape_cast %add3A_1228 : vector<16xi32> to vector<1x16xi32>
    tpu.vector_store %arg6[%swap3A_1230, %swap3A_1231], %swap3A_1234 {strides = array<i32>} : memref<36x128xi32, #tpu.memory_space<vmem>>, vector<1x16xi32>,
    %get3A_1235 = arith.constant 448 : index
    %get3A_1236 = tpu.vector_load %arg5[%get3A_1235] {strides = array<i32>} : memref<1536xi32, #tpu.memory_space<vmem>>, vector<16xi32>,
    %get3A_1237 = vector.shape_cast %get3A_1236 : vector<16xi32> to vector<16xi32>
    %add3A_1238 = arith.constant 8192 : i32
    %add3A_1239 = arith.addi %mul3A_40, %add3A_1238 : i32
    %add3A_1240 = vector.broadcast %add3A_1239 : i32 to vector<16xi32>
    %add3A_1241 = arith.addi %get3A_1237, %add3A_1240 : vector<16xi32>
    %swap3A_1242 = arith.constant 11 : i32
    %swap3A_1243 = arith.index_cast %swap3A_1242 : i32 to index
    %swap3A_1244 = arith.constant 64 : index
    %swap3A_1245 = tpu.vector_load %arg6[%swap3A_1243, %swap3A_1244] {strides = array<i32>} : memref<36x128xi32, #tpu.memory_space<vmem>>, vector<1x16xi32>,
    %swap3A_1246 = vector.shape_cast %swap3A_1245 : vector<1x16xi32> to vector<16xi32>
    %swap3A_1247 = vector.shape_cast %add3A_1241 : vector<16xi32> to vector<1x16xi32>
    tpu.vector_store %arg6[%swap3A_1243, %swap3A_1244], %swap3A_1247 {strides = array<i32>} : memref<36x128xi32, #tpu.memory_space<vmem>>, vector<1x16xi32>,
    %get3A_1248 = arith.constant 464 : index
    %get3A_1249 = tpu.vector_load %arg5[%get3A_1248] {strides = array<i32>} : memref<1536xi32, #tpu.memory_space<vmem>>, vector<16xi32>,
    %get3A_1250 = vector.shape_cast %get3A_1249 : vector<16xi32> to vector<16xi32>
    %add3A_1251 = arith.constant 8192 : i32
    %add3A_1252 = arith.addi %mul3A_40, %add3A_1251 : i32
    %add3A_1253 = vector.broadcast %add3A_1252 : i32 to vector<16xi32>
    %add3A_1254 = arith.addi %get3A_1250, %add3A_1253 : vector<16xi32>
    %swap3A_1255 = arith.constant 11 : i32
    %swap3A_1256 = arith.index_cast %swap3A_1255 : i32 to index
    %swap3A_1257 = arith.constant 80 : index
    %swap3A_1258 = tpu.vector_load %arg6[%swap3A_1256, %swap3A_1257] {strides = array<i32>} : memref<36x128xi32, #tpu.memory_space<vmem>>, vector<1x16xi32>,
    %swap3A_1259 = vector.shape_cast %swap3A_1258 : vector<1x16xi32> to vector<16xi32>
    %swap3A_1260 = vector.shape_cast %add3A_1254 : vector<16xi32> to vector<1x16xi32>
    tpu.vector_store %arg6[%swap3A_1256, %swap3A_1257], %swap3A_1260 {strides = array<i32>} : memref<36x128xi32, #tpu.memory_space<vmem>>, vector<1x16xi32>,
    %get3A_1261 = arith.constant 480 : index
    %get3A_1262 = tpu.vector_load %arg5[%get3A_1261] {strides = array<i32>} : memref<1536xi32, #tpu.memory_space<vmem>>, vector<16xi32>,
    %get3A_1263 = vector.shape_cast %get3A_1262 : vector<16xi32> to vector<16xi32>
    %add3A_1264 = arith.constant 8192 : i32
    %add3A_1265 = arith.addi %mul3A_40, %add3A_1264 : i32
    %add3A_1266 = vector.broadcast %add3A_1265 : i32 to vector<16xi32>
    %add3A_1267 = arith.addi %get3A_1263, %add3A_1266 : vector<16xi32>
    %swap3A_1268 = arith.constant 11 : i32
    %swap3A_1269 = arith.index_cast %swap3A_1268 : i32 to index
    %swap3A_1270 = arith.constant 96 : index
    %swap3A_1271 = tpu.vector_load %arg6[%swap3A_1269, %swap3A_1270] {strides = array<i32>} : memref<36x128xi32, #tpu.memory_space<vmem>>, vector<1x16xi32>,
    %swap3A_1272 = vector.shape_cast %swap3A_1271 : vector<1x16xi32> to vector<16xi32>
    %swap3A_1273 = vector.shape_cast %add3A_1267 : vector<16xi32> to vector<1x16xi32>
    tpu.vector_store %arg6[%swap3A_1269, %swap3A_1270], %swap3A_1273 {strides = array<i32>} : memref<36x128xi32, #tpu.memory_space<vmem>>, vector<1x16xi32>,
    %get3A_1274 = arith.constant 496 : index
    %get3A_1275 = tpu.vector_load %arg5[%get3A_1274] {strides = array<i32>} : memref<1536xi32, #tpu.memory_space<vmem>>, vector<16xi32>,
    %get3A_1276 = vector.shape_cast %get3A_1275 : vector<16xi32> to vector<16xi32>
    %add3A_1277 = arith.constant 8192 : i32
    %add3A_1278 = arith.addi %mul3A_40, %add3A_1277 : i32
    %add3A_1279 = vector.broadcast %add3A_1278 : i32 to vector<16xi32>
    %add3A_1280 = arith.addi %get3A_1276, %add3A_1279 : vector<16xi32>
    %swap3A_1281 = arith.constant 11 : i32
    %swap3A_1282 = arith.index_cast %swap3A_1281 : i32 to index
    %swap3A_1283 = arith.constant 112 : index
    %swap3A_1284 = tpu.vector_load %arg6[%swap3A_1282, %swap3A_1283] {strides = array<i32>} : memref<36x128xi32, #tpu.memory_space<vmem>>, vector<1x16xi32>,
    %swap3A_1285 = vector.shape_cast %swap3A_1284 : vector<1x16xi32> to vector<16xi32>
    %swap3A_1286 = vector.shape_cast %add3A_1280 : vector<16xi32> to vector<1x16xi32>
    tpu.vector_store %arg6[%swap3A_1282, %swap3A_1283], %swap3A_1286 {strides = array<i32>} : memref<36x128xi32, #tpu.memory_space<vmem>>, vector<1x16xi32>,
    %get3A_1287 = arith.constant 512 : index
    %get3A_1288 = tpu.vector_load %arg5[%get3A_1287] {strides = array<i32>} : memref<1536xi32, #tpu.memory_space<vmem>>, vector<16xi32>,
    %get3A_1289 = vector.shape_cast %get3A_1288 : vector<16xi32> to vector<16xi32>
    %add3A_1290 = arith.constant 0 : i32
    %add3A_1291 = arith.addi %mul3A_40, %add3A_1290 : i32
    %add3A_1292 = vector.broadcast %add3A_1291 : i32 to vector<16xi32>
    %add3A_1293 = arith.addi %get3A_1289, %add3A_1292 : vector<16xi32>
    %swap3A_1294 = arith.constant 12 : i32
    %swap3A_1295 = arith.index_cast %swap3A_1294 : i32 to index
    %swap3A_1296 = arith.constant 0 : index
    %swap3A_1297 = tpu.vector_load %arg6[%swap3A_1295, %swap3A_1296] {strides = array<i32>} : memref<36x128xi32, #tpu.memory_space<vmem>>, vector<1x16xi32>,
    %swap3A_1298 = vector.shape_cast %swap3A_1297 : vector<1x16xi32> to vector<16xi32>
    %swap3A_1299 = vector.shape_cast %add3A_1293 : vector<16xi32> to vector<1x16xi32>
    tpu.vector_store %arg6[%swap3A_1295, %swap3A_1296], %swap3A_1299 {strides = array<i32>} : memref<36x128xi32, #tpu.memory_space<vmem>>, vector<1x16xi32>,
    %get3A_1300 = arith.constant 528 : index
    %get3A_1301 = tpu.vector_load %arg5[%get3A_1300] {strides = array<i32>} : memref<1536xi32, #tpu.memory_space<vmem>>, vector<16xi32>,
    %get3A_1302 = vector.shape_cast %get3A_1301 : vector<16xi32> to vector<16xi32>
    %add3A_1303 = arith.constant 0 : i32
    %add3A_1304 = arith.addi %mul3A_40, %add3A_1303 : i32
    %add3A_1305 = vector.broadcast %add3A_1304 : i32 to vector<16xi32>
    %add3A_1306 = arith.addi %get3A_1302, %add3A_1305 : vector<16xi32>
    %swap3A_1307 = arith.constant 12 : i32
    %swap3A_1308 = arith.index_cast %swap3A_1307 : i32 to index
    %swap3A_1309 = arith.constant 16 : index
    %swap3A_1310 = tpu.vector_load %arg6[%swap3A_1308, %swap3A_1309] {strides = array<i32>} : memref<36x128xi32, #tpu.memory_space<vmem>>, vector<1x16xi32>,
    %swap3A_1311 = vector.shape_cast %swap3A_1310 : vector<1x16xi32> to vector<16xi32>
    %swap3A_1312 = vector.shape_cast %add3A_1306 : vector<16xi32> to vector<1x16xi32>
    tpu.vector_store %arg6[%swap3A_1308, %swap3A_1309], %swap3A_1312 {strides = array<i32>} : memref<36x128xi32, #tpu.memory_space<vmem>>, vector<1x16xi32>,
    %get3A_1313 = arith.constant 544 : index
    %get3A_1314 = tpu.vector_load %arg5[%get3A_1313] {strides = array<i32>} : memref<1536xi32, #tpu.memory_space<vmem>>, vector<16xi32>,
    %get3A_1315 = vector.shape_cast %get3A_1314 : vector<16xi32> to vector<16xi32>
    %add3A_1316 = arith.constant 0 : i32
    %add3A_1317 = arith.addi %mul3A_40, %add3A_1316 : i32
    %add3A_1318 = vector.broadcast %add3A_1317 : i32 to vector<16xi32>
    %add3A_1319 = arith.addi %get3A_1315, %add3A_1318 : vector<16xi32>
    %swap3A_1320 = arith.constant 12 : i32
    %swap3A_1321 = arith.index_cast %swap3A_1320 : i32 to index
    %swap3A_1322 = arith.constant 32 : index
    %swap3A_1323 = tpu.vector_load %arg6[%swap3A_1321, %swap3A_1322] {strides = array<i32>} : memref<36x128xi32, #tpu.memory_space<vmem>>, vector<1x16xi32>,
    %swap3A_1324 = vector.shape_cast %swap3A_1323 : vector<1x16xi32> to vector<16xi32>
    %swap3A_1325 = vector.shape_cast %add3A_1319 : vector<16xi32> to vector<1x16xi32>
    tpu.vector_store %arg6[%swap3A_1321, %swap3A_1322], %swap3A_1325 {strides = array<i32>} : memref<36x128xi32, #tpu.memory_space<vmem>>, vector<1x16xi32>,
    %get3A_1326 = arith.constant 560 : index
    %get3A_1327 = tpu.vector_load %arg5[%get3A_1326] {strides = array<i32>} : memref<1536xi32, #tpu.memory_space<vmem>>, vector<16xi32>,
    %get3A_1328 = vector.shape_cast %get3A_1327 : vector<16xi32> to vector<16xi32>
    %add3A_1329 = arith.constant 0 : i32
    %add3A_1330 = arith.addi %mul3A_40, %add3A_1329 : i32
    %add3A_1331 = vector.broadcast %add3A_1330 : i32 to vector<16xi32>
    %add3A_1332 = arith.addi %get3A_1328, %add3A_1331 : vector<16xi32>
    %swap3A_1333 = arith.constant 12 : i32
    %swap3A_1334 = arith.index_cast %swap3A_1333 : i32 to index
    %swap3A_1335 = arith.constant 48 : index
    %swap3A_1336 = tpu.vector_load %arg6[%swap3A_1334, %swap3A_1335] {strides = array<i32>} : memref<36x128xi32, #tpu.memory_space<vmem>>, vector<1x16xi32>,
    %swap3A_1337 = vector.shape_cast %swap3A_1336 : vector<1x16xi32> to vector<16xi32>
    %swap3A_1338 = vector.shape_cast %add3A_1332 : vector<16xi32> to vector<1x16xi32>
    tpu.vector_store %arg6[%swap3A_1334, %swap3A_1335], %swap3A_1338 {strides = array<i32>} : memref<36x128xi32, #tpu.memory_space<vmem>>, vector<1x16xi32>,
    %get3A_1339 = arith.constant 576 : index
    %get3A_1340 = tpu.vector_load %arg5[%get3A_1339] {strides = array<i32>} : memref<1536xi32, #tpu.memory_space<vmem>>, vector<16xi32>,
    %get3A_1341 = vector.shape_cast %get3A_1340 : vector<16xi32> to vector<16xi32>
    %add3A_1342 = arith.constant 0 : i32
    %add3A_1343 = arith.addi %mul3A_40, %add3A_1342 : i32
    %add3A_1344 = vector.broadcast %add3A_1343 : i32 to vector<16xi32>
    %add3A_1345 = arith.addi %get3A_1341, %add3A_1344 : vector<16xi32>
    %swap3A_1346 = arith.constant 12 : i32
    %swap3A_1347 = arith.index_cast %swap3A_1346 : i32 to index
    %swap3A_1348 = arith.constant 64 : index
    %swap3A_1349 = tpu.vector_load %arg6[%swap3A_1347, %swap3A_1348] {strides = array<i32>} : memref<36x128xi32, #tpu.memory_space<vmem>>, vector<1x16xi32>,
    %swap3A_1350 = vector.shape_cast %swap3A_1349 : vector<1x16xi32> to vector<16xi32>
    %swap3A_1351 = vector.shape_cast %add3A_1345 : vector<16xi32> to vector<1x16xi32>
    tpu.vector_store %arg6[%swap3A_1347, %swap3A_1348], %swap3A_1351 {strides = array<i32>} : memref<36x128xi32, #tpu.memory_space<vmem>>, vector<1x16xi32>,
    %get3A_1352 = arith.constant 592 : index
    %get3A_1353 = tpu.vector_load %arg5[%get3A_1352] {strides = array<i32>} : memref<1536xi32, #tpu.memory_space<vmem>>, vector<16xi32>,
    %get3A_1354 = vector.shape_cast %get3A_1353 : vector<16xi32> to vector<16xi32>
    %add3A_1355 = arith.constant 0 : i32
    %add3A_1356 = arith.addi %mul3A_40, %add3A_1355 : i32
    %add3A_1357 = vector.broadcast %add3A_1356 : i32 to vector<16xi32>
    %add3A_1358 = arith.addi %get3A_1354, %add3A_1357 : vector<16xi32>
    %swap3A_1359 = arith.constant 12 : i32
    %swap3A_1360 = arith.index_cast %swap3A_1359 : i32 to index
    %swap3A_1361 = arith.constant 80 : index
    %swap3A_1362 = tpu.vector_load %arg6[%swap3A_1360, %swap3A_1361] {strides = array<i32>} : memref<36x128xi32, #tpu.memory_space<vmem>>, vector<1x16xi32>,
    %swap3A_1363 = vector.shape_cast %swap3A_1362 : vector<1x16xi32> to vector<16xi32>
    %swap3A_1364 = vector.shape_cast %add3A_1358 : vector<16xi32> to vector<1x16xi32>
    tpu.vector_store %arg6[%swap3A_1360, %swap3A_1361], %swap3A_1364 {strides = array<i32>} : memref<36x128xi32, #tpu.memory_space<vmem>>, vector<1x16xi32>,
    %get3A_1365 = arith.constant 608 : index
    %get3A_1366 = tpu.vector_load %arg5[%get3A_1365] {strides = array<i32>} : memref<1536xi32, #tpu.memory_space<vmem>>, vector<16xi32>,
    %get3A_1367 = vector.shape_cast %get3A_1366 : vector<16xi32> to vector<16xi32>
    %add3A_1368 = arith.constant 0 : i32
    %add3A_1369 = arith.addi %mul3A_40, %add3A_1368 : i32
    %add3A_1370 = vector.broadcast %add3A_1369 : i32 to vector<16xi32>
    %add3A_1371 = arith.addi %get3A_1367, %add3A_1370 : vector<16xi32>
    %swap3A_1372 = arith.constant 12 : i32
    %swap3A_1373 = arith.index_cast %swap3A_1372 : i32 to index
    %swap3A_1374 = arith.constant 96 : index
    %swap3A_1375 = tpu.vector_load %arg6[%swap3A_1373, %swap3A_1374] {strides = array<i32>} : memref<36x128xi32, #tpu.memory_space<vmem>>, vector<1x16xi32>,
    %swap3A_1376 = vector.shape_cast %swap3A_1375 : vector<1x16xi32> to vector<16xi32>
    %swap3A_1377 = vector.shape_cast %add3A_1371 : vector<16xi32> to vector<1x16xi32>
    tpu.vector_store %arg6[%swap3A_1373, %swap3A_1374], %swap3A_1377 {strides = array<i32>} : memref<36x128xi32, #tpu.memory_space<vmem>>, vector<1x16xi32>,
    %get3A_1378 = arith.constant 624 : index
    %get3A_1379 = tpu.vector_load %arg5[%get3A_1378] {strides = array<i32>} : memref<1536xi32, #tpu.memory_space<vmem>>, vector<16xi32>,
    %get3A_1380 = vector.shape_cast %get3A_1379 : vector<16xi32> to vector<16xi32>
    %add3A_1381 = arith.constant 0 : i32
    %add3A_1382 = arith.addi %mul3A_40, %add3A_1381 : i32
    %add3A_1383 = vector.broadcast %add3A_1382 : i32 to vector<16xi32>
    %add3A_1384 = arith.addi %get3A_1380, %add3A_1383 : vector<16xi32>
    %swap3A_1385 = arith.constant 12 : i32
    %swap3A_1386 = arith.index_cast %swap3A_1385 : i32 to index
    %swap3A_1387 = arith.constant 112 : index
    %swap3A_1388 = tpu.vector_load %arg6[%swap3A_1386, %swap3A_1387] {strides = array<i32>} : memref<36x128xi32, #tpu.memory_space<vmem>>, vector<1x16xi32>,
    %swap3A_1389 = vector.shape_cast %swap3A_1388 : vector<1x16xi32> to vector<16xi32>
    %swap3A_1390 = vector.shape_cast %add3A_1384 : vector<16xi32> to vector<1x16xi32>
    tpu.vector_store %arg6[%swap3A_1386, %swap3A_1387], %swap3A_1390 {strides = array<i32>} : memref<36x128xi32, #tpu.memory_space<vmem>>, vector<1x16xi32>,
    %get3A_1391 = arith.constant 640 : index
    %get3A_1392 = tpu.vector_load %arg5[%get3A_1391] {strides = array<i32>} : memref<1536xi32, #tpu.memory_space<vmem>>, vector<16xi32>,
    %get3A_1393 = vector.shape_cast %get3A_1392 : vector<16xi32> to vector<16xi32>
    %add3A_1394 = arith.constant 0 : i32
    %add3A_1395 = arith.addi %mul3A_40, %add3A_1394 : i32
    %add3A_1396 = vector.broadcast %add3A_1395 : i32 to vector<16xi32>
    %add3A_1397 = arith.addi %get3A_1393, %add3A_1396 : vector<16xi32>
    %swap3A_1398 = arith.constant 13 : i32
    %swap3A_1399 = arith.index_cast %swap3A_1398 : i32 to index
    %swap3A_1400 = arith.constant 0 : index
    %swap3A_1401 = tpu.vector_load %arg6[%swap3A_1399, %swap3A_1400] {strides = array<i32>} : memref<36x128xi32, #tpu.memory_space<vmem>>, vector<1x16xi32>,
    %swap3A_1402 = vector.shape_cast %swap3A_1401 : vector<1x16xi32> to vector<16xi32>
    %swap3A_1403 = vector.shape_cast %add3A_1397 : vector<16xi32> to vector<1x16xi32>
    tpu.vector_store %arg6[%swap3A_1399, %swap3A_1400], %swap3A_1403 {strides = array<i32>} : memref<36x128xi32, #tpu.memory_space<vmem>>, vector<1x16xi32>,
    %get3A_1404 = arith.constant 656 : index
    %get3A_1405 = tpu.vector_load %arg5[%get3A_1404] {strides = array<i32>} : memref<1536xi32, #tpu.memory_space<vmem>>, vector<16xi32>,
    %get3A_1406 = vector.shape_cast %get3A_1405 : vector<16xi32> to vector<16xi32>
    %add3A_1407 = arith.constant 0 : i32
    %add3A_1408 = arith.addi %mul3A_40, %add3A_1407 : i32
    %add3A_1409 = vector.broadcast %add3A_1408 : i32 to vector<16xi32>
    %add3A_1410 = arith.addi %get3A_1406, %add3A_1409 : vector<16xi32>
    %swap3A_1411 = arith.constant 13 : i32
    %swap3A_1412 = arith.index_cast %swap3A_1411 : i32 to index
    %swap3A_1413 = arith.constant 16 : index
    %swap3A_1414 = tpu.vector_load %arg6[%swap3A_1412, %swap3A_1413] {strides = array<i32>} : memref<36x128xi32, #tpu.memory_space<vmem>>, vector<1x16xi32>,
    %swap3A_1415 = vector.shape_cast %swap3A_1414 : vector<1x16xi32> to vector<16xi32>
    %swap3A_1416 = vector.shape_cast %add3A_1410 : vector<16xi32> to vector<1x16xi32>
    tpu.vector_store %arg6[%swap3A_1412, %swap3A_1413], %swap3A_1416 {strides = array<i32>} : memref<36x128xi32, #tpu.memory_space<vmem>>, vector<1x16xi32>,
    %get3A_1417 = arith.constant 672 : index
    %get3A_1418 = tpu.vector_load %arg5[%get3A_1417] {strides = array<i32>} : memref<1536xi32, #tpu.memory_space<vmem>>, vector<16xi32>,
    %get3A_1419 = vector.shape_cast %get3A_1418 : vector<16xi32> to vector<16xi32>
    %add3A_1420 = arith.constant 0 : i32
    %add3A_1421 = arith.addi %mul3A_40, %add3A_1420 : i32
    %add3A_1422 = vector.broadcast %add3A_1421 : i32 to vector<16xi32>
    %add3A_1423 = arith.addi %get3A_1419, %add3A_1422 : vector<16xi32>
    %swap3A_1424 = arith.constant 13 : i32
    %swap3A_1425 = arith.index_cast %swap3A_1424 : i32 to index
    %swap3A_1426 = arith.constant 32 : index
    %swap3A_1427 = tpu.vector_load %arg6[%swap3A_1425, %swap3A_1426] {strides = array<i32>} : memref<36x128xi32, #tpu.memory_space<vmem>>, vector<1x16xi32>,
    %swap3A_1428 = vector.shape_cast %swap3A_1427 : vector<1x16xi32> to vector<16xi32>
    %swap3A_1429 = vector.shape_cast %add3A_1423 : vector<16xi32> to vector<1x16xi32>
    tpu.vector_store %arg6[%swap3A_1425, %swap3A_1426], %swap3A_1429 {strides = array<i32>} : memref<36x128xi32, #tpu.memory_space<vmem>>, vector<1x16xi32>,
    %get3A_1430 = arith.constant 688 : index
    %get3A_1431 = tpu.vector_load %arg5[%get3A_1430] {strides = array<i32>} : memref<1536xi32, #tpu.memory_space<vmem>>, vector<16xi32>,
    %get3A_1432 = vector.shape_cast %get3A_1431 : vector<16xi32> to vector<16xi32>
    %add3A_1433 = arith.constant 0 : i32
    %add3A_1434 = arith.addi %mul3A_40, %add3A_1433 : i32
    %add3A_1435 = vector.broadcast %add3A_1434 : i32 to vector<16xi32>
    %add3A_1436 = arith.addi %get3A_1432, %add3A_1435 : vector<16xi32>
    %swap3A_1437 = arith.constant 13 : i32
    %swap3A_1438 = arith.index_cast %swap3A_1437 : i32 to index
    %swap3A_1439 = arith.constant 48 : index
    %swap3A_1440 = tpu.vector_load %arg6[%swap3A_1438, %swap3A_1439] {strides = array<i32>} : memref<36x128xi32, #tpu.memory_space<vmem>>, vector<1x16xi32>,
    %swap3A_1441 = vector.shape_cast %swap3A_1440 : vector<1x16xi32> to vector<16xi32>
    %swap3A_1442 = vector.shape_cast %add3A_1436 : vector<16xi32> to vector<1x16xi32>
    tpu.vector_store %arg6[%swap3A_1438, %swap3A_1439], %swap3A_1442 {strides = array<i32>} : memref<36x128xi32, #tpu.memory_space<vmem>>, vector<1x16xi32>,
    %get3A_1443 = arith.constant 704 : index
    %get3A_1444 = tpu.vector_load %arg5[%get3A_1443] {strides = array<i32>} : memref<1536xi32, #tpu.memory_space<vmem>>, vector<16xi32>,
    %get3A_1445 = vector.shape_cast %get3A_1444 : vector<16xi32> to vector<16xi32>
    %add3A_1446 = arith.constant 0 : i32
    %add3A_1447 = arith.addi %mul3A_40, %add3A_1446 : i32
    %add3A_1448 = vector.broadcast %add3A_1447 : i32 to vector<16xi32>
    %add3A_1449 = arith.addi %get3A_1445, %add3A_1448 : vector<16xi32>
    %swap3A_1450 = arith.constant 13 : i32
    %swap3A_1451 = arith.index_cast %swap3A_1450 : i32 to index
    %swap3A_1452 = arith.constant 64 : index
    %swap3A_1453 = tpu.vector_load %arg6[%swap3A_1451, %swap3A_1452] {strides = array<i32>} : memref<36x128xi32, #tpu.memory_space<vmem>>, vector<1x16xi32>,
    %swap3A_1454 = vector.shape_cast %swap3A_1453 : vector<1x16xi32> to vector<16xi32>
    %swap3A_1455 = vector.shape_cast %add3A_1449 : vector<16xi32> to vector<1x16xi32>
    tpu.vector_store %arg6[%swap3A_1451, %swap3A_1452], %swap3A_1455 {strides = array<i32>} : memref<36x128xi32, #tpu.memory_space<vmem>>, vector<1x16xi32>,
    %get3A_1456 = arith.constant 720 : index
    %get3A_1457 = tpu.vector_load %arg5[%get3A_1456] {strides = array<i32>} : memref<1536xi32, #tpu.memory_space<vmem>>, vector<16xi32>,
    %get3A_1458 = vector.shape_cast %get3A_1457 : vector<16xi32> to vector<16xi32>
    %add3A_1459 = arith.constant 0 : i32
    %add3A_1460 = arith.addi %mul3A_40, %add3A_1459 : i32
    %add3A_1461 = vector.broadcast %add3A_1460 : i32 to vector<16xi32>
    %add3A_1462 = arith.addi %get3A_1458, %add3A_1461 : vector<16xi32>
    %swap3A_1463 = arith.constant 13 : i32
    %swap3A_1464 = arith.index_cast %swap3A_1463 : i32 to index
    %swap3A_1465 = arith.constant 80 : index
    %swap3A_1466 = tpu.vector_load %arg6[%swap3A_1464, %swap3A_1465] {strides = array<i32>} : memref<36x128xi32, #tpu.memory_space<vmem>>, vector<1x16xi32>,
    %swap3A_1467 = vector.shape_cast %swap3A_1466 : vector<1x16xi32> to vector<16xi32>
    %swap3A_1468 = vector.shape_cast %add3A_1462 : vector<16xi32> to vector<1x16xi32>
    tpu.vector_store %arg6[%swap3A_1464, %swap3A_1465], %swap3A_1468 {strides = array<i32>} : memref<36x128xi32, #tpu.memory_space<vmem>>, vector<1x16xi32>,
    %get3A_1469 = arith.constant 736 : index
    %get3A_1470 = tpu.vector_load %arg5[%get3A_1469] {strides = array<i32>} : memref<1536xi32, #tpu.memory_space<vmem>>, vector<16xi32>,
    %get3A_1471 = vector.shape_cast %get3A_1470 : vector<16xi32> to vector<16xi32>
    %add3A_1472 = arith.constant 0 : i32
    %add3A_1473 = arith.addi %mul3A_40, %add3A_1472 : i32
    %add3A_1474 = vector.broadcast %add3A_1473 : i32 to vector<16xi32>
    %add3A_1475 = arith.addi %get3A_1471, %add3A_1474 : vector<16xi32>
    %swap3A_1476 = arith.constant 13 : i32
    %swap3A_1477 = arith.index_cast %swap3A_1476 : i32 to index
    %swap3A_1478 = arith.constant 96 : index
    %swap3A_1479 = tpu.vector_load %arg6[%swap3A_1477, %swap3A_1478] {strides = array<i32>} : memref<36x128xi32, #tpu.memory_space<vmem>>, vector<1x16xi32>,
    %swap3A_1480 = vector.shape_cast %swap3A_1479 : vector<1x16xi32> to vector<16xi32>
    %swap3A_1481 = vector.shape_cast %add3A_1475 : vector<16xi32> to vector<1x16xi32>
    tpu.vector_store %arg6[%swap3A_1477, %swap3A_1478], %swap3A_1481 {strides = array<i32>} : memref<36x128xi32, #tpu.memory_space<vmem>>, vector<1x16xi32>,
    %get3A_1482 = arith.constant 752 : index
    %get3A_1483 = tpu.vector_load %arg5[%get3A_1482] {strides = array<i32>} : memref<1536xi32, #tpu.memory_space<vmem>>, vector<16xi32>,
    %get3A_1484 = vector.shape_cast %get3A_1483 : vector<16xi32> to vector<16xi32>
    %add3A_1485 = arith.constant 0 : i32
    %add3A_1486 = arith.addi %mul3A_40, %add3A_1485 : i32
    %add3A_1487 = vector.broadcast %add3A_1486 : i32 to vector<16xi32>
    %add3A_1488 = arith.addi %get3A_1484, %add3A_1487 : vector<16xi32>
    %swap3A_1489 = arith.constant 13 : i32
    %swap3A_1490 = arith.index_cast %swap3A_1489 : i32 to index
    %swap3A_1491 = arith.constant 112 : index
    %swap3A_1492 = tpu.vector_load %arg6[%swap3A_1490, %swap3A_1491] {strides = array<i32>} : memref<36x128xi32, #tpu.memory_space<vmem>>, vector<1x16xi32>,
    %swap3A_1493 = vector.shape_cast %swap3A_1492 : vector<1x16xi32> to vector<16xi32>
    %swap3A_1494 = vector.shape_cast %add3A_1488 : vector<16xi32> to vector<1x16xi32>
    tpu.vector_store %arg6[%swap3A_1490, %swap3A_1491], %swap3A_1494 {strides = array<i32>} : memref<36x128xi32, #tpu.memory_space<vmem>>, vector<1x16xi32>,
    %get3A_1495 = arith.constant 768 : index
    %get3A_1496 = tpu.vector_load %arg5[%get3A_1495] {strides = array<i32>} : memref<1536xi32, #tpu.memory_space<vmem>>, vector<16xi32>,
    %get3A_1497 = vector.shape_cast %get3A_1496 : vector<16xi32> to vector<16xi32>
    %add3A_1498 = arith.constant 0 : i32
    %add3A_1499 = arith.addi %mul3A_40, %add3A_1498 : i32
    %add3A_1500 = vector.broadcast %add3A_1499 : i32 to vector<16xi32>
    %add3A_1501 = arith.addi %get3A_1497, %add3A_1500 : vector<16xi32>
    %swap3A_1502 = arith.constant 14 : i32
    %swap3A_1503 = arith.index_cast %swap3A_1502 : i32 to index
    %swap3A_1504 = arith.constant 0 : index
    %swap3A_1505 = tpu.vector_load %arg6[%swap3A_1503, %swap3A_1504] {strides = array<i32>} : memref<36x128xi32, #tpu.memory_space<vmem>>, vector<1x16xi32>,
    %swap3A_1506 = vector.shape_cast %swap3A_1505 : vector<1x16xi32> to vector<16xi32>
    %swap3A_1507 = vector.shape_cast %add3A_1501 : vector<16xi32> to vector<1x16xi32>
    tpu.vector_store %arg6[%swap3A_1503, %swap3A_1504], %swap3A_1507 {strides = array<i32>} : memref<36x128xi32, #tpu.memory_space<vmem>>, vector<1x16xi32>,
    %get3A_1508 = arith.constant 784 : index
    %get3A_1509 = tpu.vector_load %arg5[%get3A_1508] {strides = array<i32>} : memref<1536xi32, #tpu.memory_space<vmem>>, vector<16xi32>,
    %get3A_1510 = vector.shape_cast %get3A_1509 : vector<16xi32> to vector<16xi32>
    %add3A_1511 = arith.constant 0 : i32
    %add3A_1512 = arith.addi %mul3A_40, %add3A_1511 : i32
    %add3A_1513 = vector.broadcast %add3A_1512 : i32 to vector<16xi32>
    %add3A_1514 = arith.addi %get3A_1510, %add3A_1513 : vector<16xi32>
    %swap3A_1515 = arith.constant 14 : i32
    %swap3A_1516 = arith.index_cast %swap3A_1515 : i32 to index
    %swap3A_1517 = arith.constant 16 : index
    %swap3A_1518 = tpu.vector_load %arg6[%swap3A_1516, %swap3A_1517] {strides = array<i32>} : memref<36x128xi32, #tpu.memory_space<vmem>>, vector<1x16xi32>,
    %swap3A_1519 = vector.shape_cast %swap3A_1518 : vector<1x16xi32> to vector<16xi32>
    %swap3A_1520 = vector.shape_cast %add3A_1514 : vector<16xi32> to vector<1x16xi32>
    tpu.vector_store %arg6[%swap3A_1516, %swap3A_1517], %swap3A_1520 {strides = array<i32>} : memref<36x128xi32, #tpu.memory_space<vmem>>, vector<1x16xi32>,
    %get3A_1521 = arith.constant 800 : index
    %get3A_1522 = tpu.vector_load %arg5[%get3A_1521] {strides = array<i32>} : memref<1536xi32, #tpu.memory_space<vmem>>, vector<16xi32>,
    %get3A_1523 = vector.shape_cast %get3A_1522 : vector<16xi32> to vector<16xi32>
    %add3A_1524 = arith.constant 0 : i32
    %add3A_1525 = arith.addi %mul3A_40, %add3A_1524 : i32
    %add3A_1526 = vector.broadcast %add3A_1525 : i32 to vector<16xi32>
    %add3A_1527 = arith.addi %get3A_1523, %add3A_1526 : vector<16xi32>
    %swap3A_1528 = arith.constant 14 : i32
    %swap3A_1529 = arith.index_cast %swap3A_1528 : i32 to index
    %swap3A_1530 = arith.constant 32 : index
    %swap3A_1531 = tpu.vector_load %arg6[%swap3A_1529, %swap3A_1530] {strides = array<i32>} : memref<36x128xi32, #tpu.memory_space<vmem>>, vector<1x16xi32>,
    %swap3A_1532 = vector.shape_cast %swap3A_1531 : vector<1x16xi32> to vector<16xi32>
    %swap3A_1533 = vector.shape_cast %add3A_1527 : vector<16xi32> to vector<1x16xi32>
    tpu.vector_store %arg6[%swap3A_1529, %swap3A_1530], %swap3A_1533 {strides = array<i32>} : memref<36x128xi32, #tpu.memory_space<vmem>>, vector<1x16xi32>,
    %get3A_1534 = arith.constant 816 : index
    %get3A_1535 = tpu.vector_load %arg5[%get3A_1534] {strides = array<i32>} : memref<1536xi32, #tpu.memory_space<vmem>>, vector<16xi32>,
    %get3A_1536 = vector.shape_cast %get3A_1535 : vector<16xi32> to vector<16xi32>
    %add3A_1537 = arith.constant 0 : i32
    %add3A_1538 = arith.addi %mul3A_40, %add3A_1537 : i32
    %add3A_1539 = vector.broadcast %add3A_1538 : i32 to vector<16xi32>
    %add3A_1540 = arith.addi %get3A_1536, %add3A_1539 : vector<16xi32>
    %swap3A_1541 = arith.constant 14 : i32
    %swap3A_1542 = arith.index_cast %swap3A_1541 : i32 to index
    %swap3A_1543 = arith.constant 48 : index
    %swap3A_1544 = tpu.vector_load %arg6[%swap3A_1542, %swap3A_1543] {strides = array<i32>} : memref<36x128xi32, #tpu.memory_space<vmem>>, vector<1x16xi32>,
    %swap3A_1545 = vector.shape_cast %swap3A_1544 : vector<1x16xi32> to vector<16xi32>
    %swap3A_1546 = vector.shape_cast %add3A_1540 : vector<16xi32> to vector<1x16xi32>
    tpu.vector_store %arg6[%swap3A_1542, %swap3A_1543], %swap3A_1546 {strides = array<i32>} : memref<36x128xi32, #tpu.memory_space<vmem>>, vector<1x16xi32>,
    %get3A_1547 = arith.constant 832 : index
    %get3A_1548 = tpu.vector_load %arg5[%get3A_1547] {strides = array<i32>} : memref<1536xi32, #tpu.memory_space<vmem>>, vector<16xi32>,
    %get3A_1549 = vector.shape_cast %get3A_1548 : vector<16xi32> to vector<16xi32>
    %add3A_1550 = arith.constant 0 : i32
    %add3A_1551 = arith.addi %mul3A_40, %add3A_1550 : i32
    %add3A_1552 = vector.broadcast %add3A_1551 : i32 to vector<16xi32>
    %add3A_1553 = arith.addi %get3A_1549, %add3A_1552 : vector<16xi32>
    %swap3A_1554 = arith.constant 14 : i32
    %swap3A_1555 = arith.index_cast %swap3A_1554 : i32 to index
    %swap3A_1556 = arith.constant 64 : index
    %swap3A_1557 = tpu.vector_load %arg6[%swap3A_1555, %swap3A_1556] {strides = array<i32>} : memref<36x128xi32, #tpu.memory_space<vmem>>, vector<1x16xi32>,
    %swap3A_1558 = vector.shape_cast %swap3A_1557 : vector<1x16xi32> to vector<16xi32>
    %swap3A_1559 = vector.shape_cast %add3A_1553 : vector<16xi32> to vector<1x16xi32>
    tpu.vector_store %arg6[%swap3A_1555, %swap3A_1556], %swap3A_1559 {strides = array<i32>} : memref<36x128xi32, #tpu.memory_space<vmem>>, vector<1x16xi32>,
    %get3A_1560 = arith.constant 848 : index
    %get3A_1561 = tpu.vector_load %arg5[%get3A_1560] {strides = array<i32>} : memref<1536xi32, #tpu.memory_space<vmem>>, vector<16xi32>,
    %get3A_1562 = vector.shape_cast %get3A_1561 : vector<16xi32> to vector<16xi32>
    %add3A_1563 = arith.constant 0 : i32
    %add3A_1564 = arith.addi %mul3A_40, %add3A_1563 : i32
    %add3A_1565 = vector.broadcast %add3A_1564 : i32 to vector<16xi32>
    %add3A_1566 = arith.addi %get3A_1562, %add3A_1565 : vector<16xi32>
    %swap3A_1567 = arith.constant 14 : i32
    %swap3A_1568 = arith.index_cast %swap3A_1567 : i32 to index
    %swap3A_1569 = arith.constant 80 : index
    %swap3A_1570 = tpu.vector_load %arg6[%swap3A_1568, %swap3A_1569] {strides = array<i32>} : memref<36x128xi32, #tpu.memory_space<vmem>>, vector<1x16xi32>,
    %swap3A_1571 = vector.shape_cast %swap3A_1570 : vector<1x16xi32> to vector<16xi32>
    %swap3A_1572 = vector.shape_cast %add3A_1566 : vector<16xi32> to vector<1x16xi32>
    tpu.vector_store %arg6[%swap3A_1568, %swap3A_1569], %swap3A_1572 {strides = array<i32>} : memref<36x128xi32, #tpu.memory_space<vmem>>, vector<1x16xi32>,
    %get3A_1573 = arith.constant 864 : index
    %get3A_1574 = tpu.vector_load %arg5[%get3A_1573] {strides = array<i32>} : memref<1536xi32, #tpu.memory_space<vmem>>, vector<16xi32>,
    %get3A_1575 = vector.shape_cast %get3A_1574 : vector<16xi32> to vector<16xi32>
    %add3A_1576 = arith.constant 0 : i32
    %add3A_1577 = arith.addi %mul3A_40, %add3A_1576 : i32
    %add3A_1578 = vector.broadcast %add3A_1577 : i32 to vector<16xi32>
    %add3A_1579 = arith.addi %get3A_1575, %add3A_1578 : vector<16xi32>
    %swap3A_1580 = arith.constant 14 : i32
    %swap3A_1581 = arith.index_cast %swap3A_1580 : i32 to index
    %swap3A_1582 = arith.constant 96 : index
    %swap3A_1583 = tpu.vector_load %arg6[%swap3A_1581, %swap3A_1582] {strides = array<i32>} : memref<36x128xi32, #tpu.memory_space<vmem>>, vector<1x16xi32>,
    %swap3A_1584 = vector.shape_cast %swap3A_1583 : vector<1x16xi32> to vector<16xi32>
    %swap3A_1585 = vector.shape_cast %add3A_1579 : vector<16xi32> to vector<1x16xi32>
    tpu.vector_store %arg6[%swap3A_1581, %swap3A_1582], %swap3A_1585 {strides = array<i32>} : memref<36x128xi32, #tpu.memory_space<vmem>>, vector<1x16xi32>,
    %get3A_1586 = arith.constant 880 : index
    %get3A_1587 = tpu.vector_load %arg5[%get3A_1586] {strides = array<i32>} : memref<1536xi32, #tpu.memory_space<vmem>>, vector<16xi32>,
    %get3A_1588 = vector.shape_cast %get3A_1587 : vector<16xi32> to vector<16xi32>
    %add3A_1589 = arith.constant 0 : i32
    %add3A_1590 = arith.addi %mul3A_40, %add3A_1589 : i32
    %add3A_1591 = vector.broadcast %add3A_1590 : i32 to vector<16xi32>
    %add3A_1592 = arith.addi %get3A_1588, %add3A_1591 : vector<16xi32>
    %swap3A_1593 = arith.constant 14 : i32
    %swap3A_1594 = arith.index_cast %swap3A_1593 : i32 to index
    %swap3A_1595 = arith.constant 112 : index
    %swap3A_1596 = tpu.vector_load %arg6[%swap3A_1594, %swap3A_1595] {strides = array<i32>} : memref<36x128xi32, #tpu.memory_space<vmem>>, vector<1x16xi32>,
    %swap3A_1597 = vector.shape_cast %swap3A_1596 : vector<1x16xi32> to vector<16xi32>
    %swap3A_1598 = vector.shape_cast %add3A_1592 : vector<16xi32> to vector<1x16xi32>
    tpu.vector_store %arg6[%swap3A_1594, %swap3A_1595], %swap3A_1598 {strides = array<i32>} : memref<36x128xi32, #tpu.memory_space<vmem>>, vector<1x16xi32>,
    %get3A_1599 = arith.constant 896 : index
    %get3A_1600 = tpu.vector_load %arg5[%get3A_1599] {strides = array<i32>} : memref<1536xi32, #tpu.memory_space<vmem>>, vector<16xi32>,
    %get3A_1601 = vector.shape_cast %get3A_1600 : vector<16xi32> to vector<16xi32>
    %add3A_1602 = arith.constant 0 : i32
    %add3A_1603 = arith.addi %mul3A_40, %add3A_1602 : i32
    %add3A_1604 = vector.broadcast %add3A_1603 : i32 to vector<16xi32>
    %add3A_1605 = arith.addi %get3A_1601, %add3A_1604 : vector<16xi32>
    %swap3A_1606 = arith.constant 15 : i32
    %swap3A_1607 = arith.index_cast %swap3A_1606 : i32 to index
    %swap3A_1608 = arith.constant 0 : index
    %swap3A_1609 = tpu.vector_load %arg6[%swap3A_1607, %swap3A_1608] {strides = array<i32>} : memref<36x128xi32, #tpu.memory_space<vmem>>, vector<1x16xi32>,
    %swap3A_1610 = vector.shape_cast %swap3A_1609 : vector<1x16xi32> to vector<16xi32>
    %swap3A_1611 = vector.shape_cast %add3A_1605 : vector<16xi32> to vector<1x16xi32>
    tpu.vector_store %arg6[%swap3A_1607, %swap3A_1608], %swap3A_1611 {strides = array<i32>} : memref<36x128xi32, #tpu.memory_space<vmem>>, vector<1x16xi32>,
    %get3A_1612 = arith.constant 912 : index
    %get3A_1613 = tpu.vector_load %arg5[%get3A_1612] {strides = array<i32>} : memref<1536xi32, #tpu.memory_space<vmem>>, vector<16xi32>,
    %get3A_1614 = vector.shape_cast %get3A_1613 : vector<16xi32> to vector<16xi32>
    %add3A_1615 = arith.constant 0 : i32
    %add3A_1616 = arith.addi %mul3A_40, %add3A_1615 : i32
    %add3A_1617 = vector.broadcast %add3A_1616 : i32 to vector<16xi32>
    %add3A_1618 = arith.addi %get3A_1614, %add3A_1617 : vector<16xi32>
    %swap3A_1619 = arith.constant 15 : i32
    %swap3A_1620 = arith.index_cast %swap3A_1619 : i32 to index
    %swap3A_1621 = arith.constant 16 : index
    %swap3A_1622 = tpu.vector_load %arg6[%swap3A_1620, %swap3A_1621] {strides = array<i32>} : memref<36x128xi32, #tpu.memory_space<vmem>>, vector<1x16xi32>,
    %swap3A_1623 = vector.shape_cast %swap3A_1622 : vector<1x16xi32> to vector<16xi32>
    %swap3A_1624 = vector.shape_cast %add3A_1618 : vector<16xi32> to vector<1x16xi32>
    tpu.vector_store %arg6[%swap3A_1620, %swap3A_1621], %swap3A_1624 {strides = array<i32>} : memref<36x128xi32, #tpu.memory_space<vmem>>, vector<1x16xi32>,
    %get3A_1625 = arith.constant 928 : index
    %get3A_1626 = tpu.vector_load %arg5[%get3A_1625] {strides = array<i32>} : memref<1536xi32, #tpu.memory_space<vmem>>, vector<16xi32>,
    %get3A_1627 = vector.shape_cast %get3A_1626 : vector<16xi32> to vector<16xi32>
    %add3A_1628 = arith.constant 0 : i32
    %add3A_1629 = arith.addi %mul3A_40, %add3A_1628 : i32
    %add3A_1630 = vector.broadcast %add3A_1629 : i32 to vector<16xi32>
    %add3A_1631 = arith.addi %get3A_1627, %add3A_1630 : vector<16xi32>
    %swap3A_1632 = arith.constant 15 : i32
    %swap3A_1633 = arith.index_cast %swap3A_1632 : i32 to index
    %swap3A_1634 = arith.constant 32 : index
    %swap3A_1635 = tpu.vector_load %arg6[%swap3A_1633, %swap3A_1634] {strides = array<i32>} : memref<36x128xi32, #tpu.memory_space<vmem>>, vector<1x16xi32>,
    %swap3A_1636 = vector.shape_cast %swap3A_1635 : vector<1x16xi32> to vector<16xi32>
    %swap3A_1637 = vector.shape_cast %add3A_1631 : vector<16xi32> to vector<1x16xi32>
    tpu.vector_store %arg6[%swap3A_1633, %swap3A_1634], %swap3A_1637 {strides = array<i32>} : memref<36x128xi32, #tpu.memory_space<vmem>>, vector<1x16xi32>,
    %get3A_1638 = arith.constant 944 : index
    %get3A_1639 = tpu.vector_load %arg5[%get3A_1638] {strides = array<i32>} : memref<1536xi32, #tpu.memory_space<vmem>>, vector<16xi32>,
    %get3A_1640 = vector.shape_cast %get3A_1639 : vector<16xi32> to vector<16xi32>
    %add3A_1641 = arith.constant 0 : i32
    %add3A_1642 = arith.addi %mul3A_40, %add3A_1641 : i32
    %add3A_1643 = vector.broadcast %add3A_1642 : i32 to vector<16xi32>
    %add3A_1644 = arith.addi %get3A_1640, %add3A_1643 : vector<16xi32>
    %swap3A_1645 = arith.constant 15 : i32
    %swap3A_1646 = arith.index_cast %swap3A_1645 : i32 to index
    %swap3A_1647 = arith.constant 48 : index
    %swap3A_1648 = tpu.vector_load %arg6[%swap3A_1646, %swap3A_1647] {strides = array<i32>} : memref<36x128xi32, #tpu.memory_space<vmem>>, vector<1x16xi32>,
    %swap3A_1649 = vector.shape_cast %swap3A_1648 : vector<1x16xi32> to vector<16xi32>
    %swap3A_1650 = vector.shape_cast %add3A_1644 : vector<16xi32> to vector<1x16xi32>
    tpu.vector_store %arg6[%swap3A_1646, %swap3A_1647], %swap3A_1650 {strides = array<i32>} : memref<36x128xi32, #tpu.memory_space<vmem>>, vector<1x16xi32>,
    %get3A_1651 = arith.constant 960 : index
    %get3A_1652 = tpu.vector_load %arg5[%get3A_1651] {strides = array<i32>} : memref<1536xi32, #tpu.memory_space<vmem>>, vector<16xi32>,
    %get3A_1653 = vector.shape_cast %get3A_1652 : vector<16xi32> to vector<16xi32>
    %add3A_1654 = arith.constant 0 : i32
    %add3A_1655 = arith.addi %mul3A_40, %add3A_1654 : i32
    %add3A_1656 = vector.broadcast %add3A_1655 : i32 to vector<16xi32>
    %add3A_1657 = arith.addi %get3A_1653, %add3A_1656 : vector<16xi32>
    %swap3A_1658 = arith.constant 15 : i32
    %swap3A_1659 = arith.index_cast %swap3A_1658 : i32 to index
    %swap3A_1660 = arith.constant 64 : index
    %swap3A_1661 = tpu.vector_load %arg6[%swap3A_1659, %swap3A_1660] {strides = array<i32>} : memref<36x128xi32, #tpu.memory_space<vmem>>, vector<1x16xi32>,
    %swap3A_1662 = vector.shape_cast %swap3A_1661 : vector<1x16xi32> to vector<16xi32>
    %swap3A_1663 = vector.shape_cast %add3A_1657 : vector<16xi32> to vector<1x16xi32>
    tpu.vector_store %arg6[%swap3A_1659, %swap3A_1660], %swap3A_1663 {strides = array<i32>} : memref<36x128xi32, #tpu.memory_space<vmem>>, vector<1x16xi32>,
    %get3A_1664 = arith.constant 976 : index
    %get3A_1665 = tpu.vector_load %arg5[%get3A_1664] {strides = array<i32>} : memref<1536xi32, #tpu.memory_space<vmem>>, vector<16xi32>,
    %get3A_1666 = vector.shape_cast %get3A_1665 : vector<16xi32> to vector<16xi32>
    %add3A_1667 = arith.constant 0 : i32
    %add3A_1668 = arith.addi %mul3A_40, %add3A_1667 : i32
    %add3A_1669 = vector.broadcast %add3A_1668 : i32 to vector<16xi32>
    %add3A_1670 = arith.addi %get3A_1666, %add3A_1669 : vector<16xi32>
    %swap3A_1671 = arith.constant 15 : i32
    %swap3A_1672 = arith.index_cast %swap3A_1671 : i32 to index
    %swap3A_1673 = arith.constant 80 : index
    %swap3A_1674 = tpu.vector_load %arg6[%swap3A_1672, %swap3A_1673] {strides = array<i32>} : memref<36x128xi32, #tpu.memory_space<vmem>>, vector<1x16xi32>,
    %swap3A_1675 = vector.shape_cast %swap3A_1674 : vector<1x16xi32> to vector<16xi32>
    %swap3A_1676 = vector.shape_cast %add3A_1670 : vector<16xi32> to vector<1x16xi32>
    tpu.vector_store %arg6[%swap3A_1672, %swap3A_1673], %swap3A_1676 {strides = array<i32>} : memref<36x128xi32, #tpu.memory_space<vmem>>, vector<1x16xi32>,
    %get3A_1677 = arith.constant 992 : index
    %get3A_1678 = tpu.vector_load %arg5[%get3A_1677] {strides = array<i32>} : memref<1536xi32, #tpu.memory_space<vmem>>, vector<16xi32>,
    %get3A_1679 = vector.shape_cast %get3A_1678 : vector<16xi32> to vector<16xi32>
    %add3A_1680 = arith.constant 0 : i32
    %add3A_1681 = arith.addi %mul3A_40, %add3A_1680 : i32
    %add3A_1682 = vector.broadcast %add3A_1681 : i32 to vector<16xi32>
    %add3A_1683 = arith.addi %get3A_1679, %add3A_1682 : vector<16xi32>
    %swap3A_1684 = arith.constant 15 : i32
    %swap3A_1685 = arith.index_cast %swap3A_1684 : i32 to index
    %swap3A_1686 = arith.constant 96 : index
    %swap3A_1687 = tpu.vector_load %arg6[%swap3A_1685, %swap3A_1686] {strides = array<i32>} : memref<36x128xi32, #tpu.memory_space<vmem>>, vector<1x16xi32>,
    %swap3A_1688 = vector.shape_cast %swap3A_1687 : vector<1x16xi32> to vector<16xi32>
    %swap3A_1689 = vector.shape_cast %add3A_1683 : vector<16xi32> to vector<1x16xi32>
    tpu.vector_store %arg6[%swap3A_1685, %swap3A_1686], %swap3A_1689 {strides = array<i32>} : memref<36x128xi32, #tpu.memory_space<vmem>>, vector<1x16xi32>,
    %get3A_1690 = arith.constant 1008 : index
    %get3A_1691 = tpu.vector_load %arg5[%get3A_1690] {strides = array<i32>} : memref<1536xi32, #tpu.memory_space<vmem>>, vector<16xi32>,
    %get3A_1692 = vector.shape_cast %get3A_1691 : vector<16xi32> to vector<16xi32>
    %add3A_1693 = arith.constant 0 : i32
    %add3A_1694 = arith.addi %mul3A_40, %add3A_1693 : i32
    %add3A_1695 = vector.broadcast %add3A_1694 : i32 to vector<16xi32>
    %add3A_1696 = arith.addi %get3A_1692, %add3A_1695 : vector<16xi32>
    %swap3A_1697 = arith.constant 15 : i32
    %swap3A_1698 = arith.index_cast %swap3A_1697 : i32 to index
    %swap3A_1699 = arith.constant 112 : index
    %swap3A_1700 = tpu.vector_load %arg6[%swap3A_1698, %swap3A_1699] {strides = array<i32>} : memref<36x128xi32, #tpu.memory_space<vmem>>, vector<1x16xi32>,
    %swap3A_1701 = vector.shape_cast %swap3A_1700 : vector<1x16xi32> to vector<16xi32>
    %swap3A_1702 = vector.shape_cast %add3A_1696 : vector<16xi32> to vector<1x16xi32>
    tpu.vector_store %arg6[%swap3A_1698, %swap3A_1699], %swap3A_1702 {strides = array<i32>} : memref<36x128xi32, #tpu.memory_space<vmem>>, vector<1x16xi32>,
    %get3A_1703 = arith.constant 512 : index
    %get3A_1704 = tpu.vector_load %arg5[%get3A_1703] {strides = array<i32>} : memref<1536xi32, #tpu.memory_space<vmem>>, vector<16xi32>,
    %get3A_1705 = vector.shape_cast %get3A_1704 : vector<16xi32> to vector<16xi32>
    %add3A_1706 = arith.constant 4096 : i32
    %add3A_1707 = arith.addi %mul3A_40, %add3A_1706 : i32
    %add3A_1708 = vector.broadcast %add3A_1707 : i32 to vector<16xi32>
    %add3A_1709 = arith.addi %get3A_1705, %add3A_1708 : vector<16xi32>
    %swap3A_1710 = arith.constant 16 : i32
    %swap3A_1711 = arith.index_cast %swap3A_1710 : i32 to index
    %swap3A_1712 = arith.constant 0 : index
    %swap3A_1713 = tpu.vector_load %arg6[%swap3A_1711, %swap3A_1712] {strides = array<i32>} : memref<36x128xi32, #tpu.memory_space<vmem>>, vector<1x16xi32>,
    %swap3A_1714 = vector.shape_cast %swap3A_1713 : vector<1x16xi32> to vector<16xi32>
    %swap3A_1715 = vector.shape_cast %add3A_1709 : vector<16xi32> to vector<1x16xi32>
    tpu.vector_store %arg6[%swap3A_1711, %swap3A_1712], %swap3A_1715 {strides = array<i32>} : memref<36x128xi32, #tpu.memory_space<vmem>>, vector<1x16xi32>,
    %get3A_1716 = arith.constant 528 : index
    %get3A_1717 = tpu.vector_load %arg5[%get3A_1716] {strides = array<i32>} : memref<1536xi32, #tpu.memory_space<vmem>>, vector<16xi32>,
    %get3A_1718 = vector.shape_cast %get3A_1717 : vector<16xi32> to vector<16xi32>
    %add3A_1719 = arith.constant 4096 : i32
    %add3A_1720 = arith.addi %mul3A_40, %add3A_1719 : i32
    %add3A_1721 = vector.broadcast %add3A_1720 : i32 to vector<16xi32>
    %add3A_1722 = arith.addi %get3A_1718, %add3A_1721 : vector<16xi32>
    %swap3A_1723 = arith.constant 16 : i32
    %swap3A_1724 = arith.index_cast %swap3A_1723 : i32 to index
    %swap3A_1725 = arith.constant 16 : index
    %swap3A_1726 = tpu.vector_load %arg6[%swap3A_1724, %swap3A_1725] {strides = array<i32>} : memref<36x128xi32, #tpu.memory_space<vmem>>, vector<1x16xi32>,
    %swap3A_1727 = vector.shape_cast %swap3A_1726 : vector<1x16xi32> to vector<16xi32>
    %swap3A_1728 = vector.shape_cast %add3A_1722 : vector<16xi32> to vector<1x16xi32>
    tpu.vector_store %arg6[%swap3A_1724, %swap3A_1725], %swap3A_1728 {strides = array<i32>} : memref<36x128xi32, #tpu.memory_space<vmem>>, vector<1x16xi32>,
    %get3A_1729 = arith.constant 544 : index
    %get3A_1730 = tpu.vector_load %arg5[%get3A_1729] {strides = array<i32>} : memref<1536xi32, #tpu.memory_space<vmem>>, vector<16xi32>,
    %get3A_1731 = vector.shape_cast %get3A_1730 : vector<16xi32> to vector<16xi32>
    %add3A_1732 = arith.constant 4096 : i32
    %add3A_1733 = arith.addi %mul3A_40, %add3A_1732 : i32
    %add3A_1734 = vector.broadcast %add3A_1733 : i32 to vector<16xi32>
    %add3A_1735 = arith.addi %get3A_1731, %add3A_1734 : vector<16xi32>
    %swap3A_1736 = arith.constant 16 : i32
    %swap3A_1737 = arith.index_cast %swap3A_1736 : i32 to index
    %swap3A_1738 = arith.constant 32 : index
    %swap3A_1739 = tpu.vector_load %arg6[%swap3A_1737, %swap3A_1738] {strides = array<i32>} : memref<36x128xi32, #tpu.memory_space<vmem>>, vector<1x16xi32>,
    %swap3A_1740 = vector.shape_cast %swap3A_1739 : vector<1x16xi32> to vector<16xi32>
    %swap3A_1741 = vector.shape_cast %add3A_1735 : vector<16xi32> to vector<1x16xi32>
    tpu.vector_store %arg6[%swap3A_1737, %swap3A_1738], %swap3A_1741 {strides = array<i32>} : memref<36x128xi32, #tpu.memory_space<vmem>>, vector<1x16xi32>,
    %get3A_1742 = arith.constant 560 : index
    %get3A_1743 = tpu.vector_load %arg5[%get3A_1742] {strides = array<i32>} : memref<1536xi32, #tpu.memory_space<vmem>>, vector<16xi32>,
    %get3A_1744 = vector.shape_cast %get3A_1743 : vector<16xi32> to vector<16xi32>
    %add3A_1745 = arith.constant 4096 : i32
    %add3A_1746 = arith.addi %mul3A_40, %add3A_1745 : i32
    %add3A_1747 = vector.broadcast %add3A_1746 : i32 to vector<16xi32>
    %add3A_1748 = arith.addi %get3A_1744, %add3A_1747 : vector<16xi32>
    %swap3A_1749 = arith.constant 16 : i32
    %swap3A_1750 = arith.index_cast %swap3A_1749 : i32 to index
    %swap3A_1751 = arith.constant 48 : index
    %swap3A_1752 = tpu.vector_load %arg6[%swap3A_1750, %swap3A_1751] {strides = array<i32>} : memref<36x128xi32, #tpu.memory_space<vmem>>, vector<1x16xi32>,
    %swap3A_1753 = vector.shape_cast %swap3A_1752 : vector<1x16xi32> to vector<16xi32>
    %swap3A_1754 = vector.shape_cast %add3A_1748 : vector<16xi32> to vector<1x16xi32>
    tpu.vector_store %arg6[%swap3A_1750, %swap3A_1751], %swap3A_1754 {strides = array<i32>} : memref<36x128xi32, #tpu.memory_space<vmem>>, vector<1x16xi32>,
    %get3A_1755 = arith.constant 576 : index
    %get3A_1756 = tpu.vector_load %arg5[%get3A_1755] {strides = array<i32>} : memref<1536xi32, #tpu.memory_space<vmem>>, vector<16xi32>,
    %get3A_1757 = vector.shape_cast %get3A_1756 : vector<16xi32> to vector<16xi32>
    %add3A_1758 = arith.constant 4096 : i32
    %add3A_1759 = arith.addi %mul3A_40, %add3A_1758 : i32
    %add3A_1760 = vector.broadcast %add3A_1759 : i32 to vector<16xi32>
    %add3A_1761 = arith.addi %get3A_1757, %add3A_1760 : vector<16xi32>
    %swap3A_1762 = arith.constant 16 : i32
    %swap3A_1763 = arith.index_cast %swap3A_1762 : i32 to index
    %swap3A_1764 = arith.constant 64 : index
    %swap3A_1765 = tpu.vector_load %arg6[%swap3A_1763, %swap3A_1764] {strides = array<i32>} : memref<36x128xi32, #tpu.memory_space<vmem>>, vector<1x16xi32>,
    %swap3A_1766 = vector.shape_cast %swap3A_1765 : vector<1x16xi32> to vector<16xi32>
    %swap3A_1767 = vector.shape_cast %add3A_1761 : vector<16xi32> to vector<1x16xi32>
    tpu.vector_store %arg6[%swap3A_1763, %swap3A_1764], %swap3A_1767 {strides = array<i32>} : memref<36x128xi32, #tpu.memory_space<vmem>>, vector<1x16xi32>,
    %get3A_1768 = arith.constant 592 : index
    %get3A_1769 = tpu.vector_load %arg5[%get3A_1768] {strides = array<i32>} : memref<1536xi32, #tpu.memory_space<vmem>>, vector<16xi32>,
    %get3A_1770 = vector.shape_cast %get3A_1769 : vector<16xi32> to vector<16xi32>
    %add3A_1771 = arith.constant 4096 : i32
    %add3A_1772 = arith.addi %mul3A_40, %add3A_1771 : i32
    %add3A_1773 = vector.broadcast %add3A_1772 : i32 to vector<16xi32>
    %add3A_1774 = arith.addi %get3A_1770, %add3A_1773 : vector<16xi32>
    %swap3A_1775 = arith.constant 16 : i32
    %swap3A_1776 = arith.index_cast %swap3A_1775 : i32 to index
    %swap3A_1777 = arith.constant 80 : index
    %swap3A_1778 = tpu.vector_load %arg6[%swap3A_1776, %swap3A_1777] {strides = array<i32>} : memref<36x128xi32, #tpu.memory_space<vmem>>, vector<1x16xi32>,
    %swap3A_1779 = vector.shape_cast %swap3A_1778 : vector<1x16xi32> to vector<16xi32>
    %swap3A_1780 = vector.shape_cast %add3A_1774 : vector<16xi32> to vector<1x16xi32>
    tpu.vector_store %arg6[%swap3A_1776, %swap3A_1777], %swap3A_1780 {strides = array<i32>} : memref<36x128xi32, #tpu.memory_space<vmem>>, vector<1x16xi32>,
    %get3A_1781 = arith.constant 608 : index
    %get3A_1782 = tpu.vector_load %arg5[%get3A_1781] {strides = array<i32>} : memref<1536xi32, #tpu.memory_space<vmem>>, vector<16xi32>,
    %get3A_1783 = vector.shape_cast %get3A_1782 : vector<16xi32> to vector<16xi32>
    %add3A_1784 = arith.constant 4096 : i32
    %add3A_1785 = arith.addi %mul3A_40, %add3A_1784 : i32
    %add3A_1786 = vector.broadcast %add3A_1785 : i32 to vector<16xi32>
    %add3A_1787 = arith.addi %get3A_1783, %add3A_1786 : vector<16xi32>
    %swap3A_1788 = arith.constant 16 : i32
    %swap3A_1789 = arith.index_cast %swap3A_1788 : i32 to index
    %swap3A_1790 = arith.constant 96 : index
    %swap3A_1791 = tpu.vector_load %arg6[%swap3A_1789, %swap3A_1790] {strides = array<i32>} : memref<36x128xi32, #tpu.memory_space<vmem>>, vector<1x16xi32>,
    %swap3A_1792 = vector.shape_cast %swap3A_1791 : vector<1x16xi32> to vector<16xi32>
    %swap3A_1793 = vector.shape_cast %add3A_1787 : vector<16xi32> to vector<1x16xi32>
    tpu.vector_store %arg6[%swap3A_1789, %swap3A_1790], %swap3A_1793 {strides = array<i32>} : memref<36x128xi32, #tpu.memory_space<vmem>>, vector<1x16xi32>,
    %get3A_1794 = arith.constant 624 : index
    %get3A_1795 = tpu.vector_load %arg5[%get3A_1794] {strides = array<i32>} : memref<1536xi32, #tpu.memory_space<vmem>>, vector<16xi32>,
    %get3A_1796 = vector.shape_cast %get3A_1795 : vector<16xi32> to vector<16xi32>
    %add3A_1797 = arith.constant 4096 : i32
    %add3A_1798 = arith.addi %mul3A_40, %add3A_1797 : i32
    %add3A_1799 = vector.broadcast %add3A_1798 : i32 to vector<16xi32>
    %add3A_1800 = arith.addi %get3A_1796, %add3A_1799 : vector<16xi32>
    %swap3A_1801 = arith.constant 16 : i32
    %swap3A_1802 = arith.index_cast %swap3A_1801 : i32 to index
    %swap3A_1803 = arith.constant 112 : index
    %swap3A_1804 = tpu.vector_load %arg6[%swap3A_1802, %swap3A_1803] {strides = array<i32>} : memref<36x128xi32, #tpu.memory_space<vmem>>, vector<1x16xi32>,
    %swap3A_1805 = vector.shape_cast %swap3A_1804 : vector<1x16xi32> to vector<16xi32>
    %swap3A_1806 = vector.shape_cast %add3A_1800 : vector<16xi32> to vector<1x16xi32>
    tpu.vector_store %arg6[%swap3A_1802, %swap3A_1803], %swap3A_1806 {strides = array<i32>} : memref<36x128xi32, #tpu.memory_space<vmem>>, vector<1x16xi32>,
    %get3A_1807 = arith.constant 640 : index
    %get3A_1808 = tpu.vector_load %arg5[%get3A_1807] {strides = array<i32>} : memref<1536xi32, #tpu.memory_space<vmem>>, vector<16xi32>,
    %get3A_1809 = vector.shape_cast %get3A_1808 : vector<16xi32> to vector<16xi32>
    %add3A_1810 = arith.constant 4096 : i32
    %add3A_1811 = arith.addi %mul3A_40, %add3A_1810 : i32
    %add3A_1812 = vector.broadcast %add3A_1811 : i32 to vector<16xi32>
    %add3A_1813 = arith.addi %get3A_1809, %add3A_1812 : vector<16xi32>
    %swap3A_1814 = arith.constant 17 : i32
    %swap3A_1815 = arith.index_cast %swap3A_1814 : i32 to index
    %swap3A_1816 = arith.constant 0 : index
    %swap3A_1817 = tpu.vector_load %arg6[%swap3A_1815, %swap3A_1816] {strides = array<i32>} : memref<36x128xi32, #tpu.memory_space<vmem>>, vector<1x16xi32>,
    %swap3A_1818 = vector.shape_cast %swap3A_1817 : vector<1x16xi32> to vector<16xi32>
    %swap3A_1819 = vector.shape_cast %add3A_1813 : vector<16xi32> to vector<1x16xi32>
    tpu.vector_store %arg6[%swap3A_1815, %swap3A_1816], %swap3A_1819 {strides = array<i32>} : memref<36x128xi32, #tpu.memory_space<vmem>>, vector<1x16xi32>,
    %get3A_1820 = arith.constant 656 : index
    %get3A_1821 = tpu.vector_load %arg5[%get3A_1820] {strides = array<i32>} : memref<1536xi32, #tpu.memory_space<vmem>>, vector<16xi32>,
    %get3A_1822 = vector.shape_cast %get3A_1821 : vector<16xi32> to vector<16xi32>
    %add3A_1823 = arith.constant 4096 : i32
    %add3A_1824 = arith.addi %mul3A_40, %add3A_1823 : i32
    %add3A_1825 = vector.broadcast %add3A_1824 : i32 to vector<16xi32>
    %add3A_1826 = arith.addi %get3A_1822, %add3A_1825 : vector<16xi32>
    %swap3A_1827 = arith.constant 17 : i32
    %swap3A_1828 = arith.index_cast %swap3A_1827 : i32 to index
    %swap3A_1829 = arith.constant 16 : index
    %swap3A_1830 = tpu.vector_load %arg6[%swap3A_1828, %swap3A_1829] {strides = array<i32>} : memref<36x128xi32, #tpu.memory_space<vmem>>, vector<1x16xi32>,
    %swap3A_1831 = vector.shape_cast %swap3A_1830 : vector<1x16xi32> to vector<16xi32>
    %swap3A_1832 = vector.shape_cast %add3A_1826 : vector<16xi32> to vector<1x16xi32>
    tpu.vector_store %arg6[%swap3A_1828, %swap3A_1829], %swap3A_1832 {strides = array<i32>} : memref<36x128xi32, #tpu.memory_space<vmem>>, vector<1x16xi32>,
    %get3A_1833 = arith.constant 672 : index
    %get3A_1834 = tpu.vector_load %arg5[%get3A_1833] {strides = array<i32>} : memref<1536xi32, #tpu.memory_space<vmem>>, vector<16xi32>,
    %get3A_1835 = vector.shape_cast %get3A_1834 : vector<16xi32> to vector<16xi32>
    %add3A_1836 = arith.constant 4096 : i32
    %add3A_1837 = arith.addi %mul3A_40, %add3A_1836 : i32
    %add3A_1838 = vector.broadcast %add3A_1837 : i32 to vector<16xi32>
    %add3A_1839 = arith.addi %get3A_1835, %add3A_1838 : vector<16xi32>
    %swap3A_1840 = arith.constant 17 : i32
    %swap3A_1841 = arith.index_cast %swap3A_1840 : i32 to index
    %swap3A_1842 = arith.constant 32 : index
    %swap3A_1843 = tpu.vector_load %arg6[%swap3A_1841, %swap3A_1842] {strides = array<i32>} : memref<36x128xi32, #tpu.memory_space<vmem>>, vector<1x16xi32>,
    %swap3A_1844 = vector.shape_cast %swap3A_1843 : vector<1x16xi32> to vector<16xi32>
    %swap3A_1845 = vector.shape_cast %add3A_1839 : vector<16xi32> to vector<1x16xi32>
    tpu.vector_store %arg6[%swap3A_1841, %swap3A_1842], %swap3A_1845 {strides = array<i32>} : memref<36x128xi32, #tpu.memory_space<vmem>>, vector<1x16xi32>,
    %get3A_1846 = arith.constant 688 : index
    %get3A_1847 = tpu.vector_load %arg5[%get3A_1846] {strides = array<i32>} : memref<1536xi32, #tpu.memory_space<vmem>>, vector<16xi32>,
    %get3A_1848 = vector.shape_cast %get3A_1847 : vector<16xi32> to vector<16xi32>
    %add3A_1849 = arith.constant 4096 : i32
    %add3A_1850 = arith.addi %mul3A_40, %add3A_1849 : i32
    %add3A_1851 = vector.broadcast %add3A_1850 : i32 to vector<16xi32>
    %add3A_1852 = arith.addi %get3A_1848, %add3A_1851 : vector<16xi32>
    %swap3A_1853 = arith.constant 17 : i32
    %swap3A_1854 = arith.index_cast %swap3A_1853 : i32 to index
    %swap3A_1855 = arith.constant 48 : index
    %swap3A_1856 = tpu.vector_load %arg6[%swap3A_1854, %swap3A_1855] {strides = array<i32>} : memref<36x128xi32, #tpu.memory_space<vmem>>, vector<1x16xi32>,
    %swap3A_1857 = vector.shape_cast %swap3A_1856 : vector<1x16xi32> to vector<16xi32>
    %swap3A_1858 = vector.shape_cast %add3A_1852 : vector<16xi32> to vector<1x16xi32>
    tpu.vector_store %arg6[%swap3A_1854, %swap3A_1855], %swap3A_1858 {strides = array<i32>} : memref<36x128xi32, #tpu.memory_space<vmem>>, vector<1x16xi32>,
    %get3A_1859 = arith.constant 704 : index
    %get3A_1860 = tpu.vector_load %arg5[%get3A_1859] {strides = array<i32>} : memref<1536xi32, #tpu.memory_space<vmem>>, vector<16xi32>,
    %get3A_1861 = vector.shape_cast %get3A_1860 : vector<16xi32> to vector<16xi32>
    %add3A_1862 = arith.constant 4096 : i32
    %add3A_1863 = arith.addi %mul3A_40, %add3A_1862 : i32
    %add3A_1864 = vector.broadcast %add3A_1863 : i32 to vector<16xi32>
    %add3A_1865 = arith.addi %get3A_1861, %add3A_1864 : vector<16xi32>
    %swap3A_1866 = arith.constant 17 : i32
    %swap3A_1867 = arith.index_cast %swap3A_1866 : i32 to index
    %swap3A_1868 = arith.constant 64 : index
    %swap3A_1869 = tpu.vector_load %arg6[%swap3A_1867, %swap3A_1868] {strides = array<i32>} : memref<36x128xi32, #tpu.memory_space<vmem>>, vector<1x16xi32>,
    %swap3A_1870 = vector.shape_cast %swap3A_1869 : vector<1x16xi32> to vector<16xi32>
    %swap3A_1871 = vector.shape_cast %add3A_1865 : vector<16xi32> to vector<1x16xi32>
    tpu.vector_store %arg6[%swap3A_1867, %swap3A_1868], %swap3A_1871 {strides = array<i32>} : memref<36x128xi32, #tpu.memory_space<vmem>>, vector<1x16xi32>,
    %get3A_1872 = arith.constant 720 : index
    %get3A_1873 = tpu.vector_load %arg5[%get3A_1872] {strides = array<i32>} : memref<1536xi32, #tpu.memory_space<vmem>>, vector<16xi32>,
    %get3A_1874 = vector.shape_cast %get3A_1873 : vector<16xi32> to vector<16xi32>
    %add3A_1875 = arith.constant 4096 : i32
    %add3A_1876 = arith.addi %mul3A_40, %add3A_1875 : i32
    %add3A_1877 = vector.broadcast %add3A_1876 : i32 to vector<16xi32>
    %add3A_1878 = arith.addi %get3A_1874, %add3A_1877 : vector<16xi32>
    %swap3A_1879 = arith.constant 17 : i32
    %swap3A_1880 = arith.index_cast %swap3A_1879 : i32 to index
    %swap3A_1881 = arith.constant 80 : index
    %swap3A_1882 = tpu.vector_load %arg6[%swap3A_1880, %swap3A_1881] {strides = array<i32>} : memref<36x128xi32, #tpu.memory_space<vmem>>, vector<1x16xi32>,
    %swap3A_1883 = vector.shape_cast %swap3A_1882 : vector<1x16xi32> to vector<16xi32>
    %swap3A_1884 = vector.shape_cast %add3A_1878 : vector<16xi32> to vector<1x16xi32>
    tpu.vector_store %arg6[%swap3A_1880, %swap3A_1881], %swap3A_1884 {strides = array<i32>} : memref<36x128xi32, #tpu.memory_space<vmem>>, vector<1x16xi32>,
    %get3A_1885 = arith.constant 736 : index
    %get3A_1886 = tpu.vector_load %arg5[%get3A_1885] {strides = array<i32>} : memref<1536xi32, #tpu.memory_space<vmem>>, vector<16xi32>,
    %get3A_1887 = vector.shape_cast %get3A_1886 : vector<16xi32> to vector<16xi32>
    %add3A_1888 = arith.constant 4096 : i32
    %add3A_1889 = arith.addi %mul3A_40, %add3A_1888 : i32
    %add3A_1890 = vector.broadcast %add3A_1889 : i32 to vector<16xi32>
    %add3A_1891 = arith.addi %get3A_1887, %add3A_1890 : vector<16xi32>
    %swap3A_1892 = arith.constant 17 : i32
    %swap3A_1893 = arith.index_cast %swap3A_1892 : i32 to index
    %swap3A_1894 = arith.constant 96 : index
    %swap3A_1895 = tpu.vector_load %arg6[%swap3A_1893, %swap3A_1894] {strides = array<i32>} : memref<36x128xi32, #tpu.memory_space<vmem>>, vector<1x16xi32>,
    %swap3A_1896 = vector.shape_cast %swap3A_1895 : vector<1x16xi32> to vector<16xi32>
    %swap3A_1897 = vector.shape_cast %add3A_1891 : vector<16xi32> to vector<1x16xi32>
    tpu.vector_store %arg6[%swap3A_1893, %swap3A_1894], %swap3A_1897 {strides = array<i32>} : memref<36x128xi32, #tpu.memory_space<vmem>>, vector<1x16xi32>,
    %get3A_1898 = arith.constant 752 : index
    %get3A_1899 = tpu.vector_load %arg5[%get3A_1898] {strides = array<i32>} : memref<1536xi32, #tpu.memory_space<vmem>>, vector<16xi32>,
    %get3A_1900 = vector.shape_cast %get3A_1899 : vector<16xi32> to vector<16xi32>
    %add3A_1901 = arith.constant 4096 : i32
    %add3A_1902 = arith.addi %mul3A_40, %add3A_1901 : i32
    %add3A_1903 = vector.broadcast %add3A_1902 : i32 to vector<16xi32>
    %add3A_1904 = arith.addi %get3A_1900, %add3A_1903 : vector<16xi32>
    %swap3A_1905 = arith.constant 17 : i32
    %swap3A_1906 = arith.index_cast %swap3A_1905 : i32 to index
    %swap3A_1907 = arith.constant 112 : index
    %swap3A_1908 = tpu.vector_load %arg6[%swap3A_1906, %swap3A_1907] {strides = array<i32>} : memref<36x128xi32, #tpu.memory_space<vmem>>, vector<1x16xi32>,
    %swap3A_1909 = vector.shape_cast %swap3A_1908 : vector<1x16xi32> to vector<16xi32>
    %swap3A_1910 = vector.shape_cast %add3A_1904 : vector<16xi32> to vector<1x16xi32>
    tpu.vector_store %arg6[%swap3A_1906, %swap3A_1907], %swap3A_1910 {strides = array<i32>} : memref<36x128xi32, #tpu.memory_space<vmem>>, vector<1x16xi32>,
    %get3A_1911 = arith.constant 768 : index
    %get3A_1912 = tpu.vector_load %arg5[%get3A_1911] {strides = array<i32>} : memref<1536xi32, #tpu.memory_space<vmem>>, vector<16xi32>,
    %get3A_1913 = vector.shape_cast %get3A_1912 : vector<16xi32> to vector<16xi32>
    %add3A_1914 = arith.constant 4096 : i32
    %add3A_1915 = arith.addi %mul3A_40, %add3A_1914 : i32
    %add3A_1916 = vector.broadcast %add3A_1915 : i32 to vector<16xi32>
    %add3A_1917 = arith.addi %get3A_1913, %add3A_1916 : vector<16xi32>
    %swap3A_1918 = arith.constant 18 : i32
    %swap3A_1919 = arith.index_cast %swap3A_1918 : i32 to index
    %swap3A_1920 = arith.constant 0 : index
    %swap3A_1921 = tpu.vector_load %arg6[%swap3A_1919, %swap3A_1920] {strides = array<i32>} : memref<36x128xi32, #tpu.memory_space<vmem>>, vector<1x16xi32>,
    %swap3A_1922 = vector.shape_cast %swap3A_1921 : vector<1x16xi32> to vector<16xi32>
    %swap3A_1923 = vector.shape_cast %add3A_1917 : vector<16xi32> to vector<1x16xi32>
    tpu.vector_store %arg6[%swap3A_1919, %swap3A_1920], %swap3A_1923 {strides = array<i32>} : memref<36x128xi32, #tpu.memory_space<vmem>>, vector<1x16xi32>,
    %get3A_1924 = arith.constant 784 : index
    %get3A_1925 = tpu.vector_load %arg5[%get3A_1924] {strides = array<i32>} : memref<1536xi32, #tpu.memory_space<vmem>>, vector<16xi32>,
    %get3A_1926 = vector.shape_cast %get3A_1925 : vector<16xi32> to vector<16xi32>
    %add3A_1927 = arith.constant 4096 : i32
    %add3A_1928 = arith.addi %mul3A_40, %add3A_1927 : i32
    %add3A_1929 = vector.broadcast %add3A_1928 : i32 to vector<16xi32>
    %add3A_1930 = arith.addi %get3A_1926, %add3A_1929 : vector<16xi32>
    %swap3A_1931 = arith.constant 18 : i32
    %swap3A_1932 = arith.index_cast %swap3A_1931 : i32 to index
    %swap3A_1933 = arith.constant 16 : index
    %swap3A_1934 = tpu.vector_load %arg6[%swap3A_1932, %swap3A_1933] {strides = array<i32>} : memref<36x128xi32, #tpu.memory_space<vmem>>, vector<1x16xi32>,
    %swap3A_1935 = vector.shape_cast %swap3A_1934 : vector<1x16xi32> to vector<16xi32>
    %swap3A_1936 = vector.shape_cast %add3A_1930 : vector<16xi32> to vector<1x16xi32>
    tpu.vector_store %arg6[%swap3A_1932, %swap3A_1933], %swap3A_1936 {strides = array<i32>} : memref<36x128xi32, #tpu.memory_space<vmem>>, vector<1x16xi32>,
    %get3A_1937 = arith.constant 800 : index
    %get3A_1938 = tpu.vector_load %arg5[%get3A_1937] {strides = array<i32>} : memref<1536xi32, #tpu.memory_space<vmem>>, vector<16xi32>,
    %get3A_1939 = vector.shape_cast %get3A_1938 : vector<16xi32> to vector<16xi32>
    %add3A_1940 = arith.constant 4096 : i32
    %add3A_1941 = arith.addi %mul3A_40, %add3A_1940 : i32
    %add3A_1942 = vector.broadcast %add3A_1941 : i32 to vector<16xi32>
    %add3A_1943 = arith.addi %get3A_1939, %add3A_1942 : vector<16xi32>
    %swap3A_1944 = arith.constant 18 : i32
    %swap3A_1945 = arith.index_cast %swap3A_1944 : i32 to index
    %swap3A_1946 = arith.constant 32 : index
    %swap3A_1947 = tpu.vector_load %arg6[%swap3A_1945, %swap3A_1946] {strides = array<i32>} : memref<36x128xi32, #tpu.memory_space<vmem>>, vector<1x16xi32>,
    %swap3A_1948 = vector.shape_cast %swap3A_1947 : vector<1x16xi32> to vector<16xi32>
    %swap3A_1949 = vector.shape_cast %add3A_1943 : vector<16xi32> to vector<1x16xi32>
    tpu.vector_store %arg6[%swap3A_1945, %swap3A_1946], %swap3A_1949 {strides = array<i32>} : memref<36x128xi32, #tpu.memory_space<vmem>>, vector<1x16xi32>,
    %get3A_1950 = arith.constant 816 : index
    %get3A_1951 = tpu.vector_load %arg5[%get3A_1950] {strides = array<i32>} : memref<1536xi32, #tpu.memory_space<vmem>>, vector<16xi32>,
    %get3A_1952 = vector.shape_cast %get3A_1951 : vector<16xi32> to vector<16xi32>
    %add3A_1953 = arith.constant 4096 : i32
    %add3A_1954 = arith.addi %mul3A_40, %add3A_1953 : i32
    %add3A_1955 = vector.broadcast %add3A_1954 : i32 to vector<16xi32>
    %add3A_1956 = arith.addi %get3A_1952, %add3A_1955 : vector<16xi32>
    %swap3A_1957 = arith.constant 18 : i32
    %swap3A_1958 = arith.index_cast %swap3A_1957 : i32 to index
    %swap3A_1959 = arith.constant 48 : index
    %swap3A_1960 = tpu.vector_load %arg6[%swap3A_1958, %swap3A_1959] {strides = array<i32>} : memref<36x128xi32, #tpu.memory_space<vmem>>, vector<1x16xi32>,
    %swap3A_1961 = vector.shape_cast %swap3A_1960 : vector<1x16xi32> to vector<16xi32>
    %swap3A_1962 = vector.shape_cast %add3A_1956 : vector<16xi32> to vector<1x16xi32>
    tpu.vector_store %arg6[%swap3A_1958, %swap3A_1959], %swap3A_1962 {strides = array<i32>} : memref<36x128xi32, #tpu.memory_space<vmem>>, vector<1x16xi32>,
    %get3A_1963 = arith.constant 832 : index
    %get3A_1964 = tpu.vector_load %arg5[%get3A_1963] {strides = array<i32>} : memref<1536xi32, #tpu.memory_space<vmem>>, vector<16xi32>,
    %get3A_1965 = vector.shape_cast %get3A_1964 : vector<16xi32> to vector<16xi32>
    %add3A_1966 = arith.constant 4096 : i32
    %add3A_1967 = arith.addi %mul3A_40, %add3A_1966 : i32
    %add3A_1968 = vector.broadcast %add3A_1967 : i32 to vector<16xi32>
    %add3A_1969 = arith.addi %get3A_1965, %add3A_1968 : vector<16xi32>
    %swap3A_1970 = arith.constant 18 : i32
    %swap3A_1971 = arith.index_cast %swap3A_1970 : i32 to index
    %swap3A_1972 = arith.constant 64 : index
    %swap3A_1973 = tpu.vector_load %arg6[%swap3A_1971, %swap3A_1972] {strides = array<i32>} : memref<36x128xi32, #tpu.memory_space<vmem>>, vector<1x16xi32>,
    %swap3A_1974 = vector.shape_cast %swap3A_1973 : vector<1x16xi32> to vector<16xi32>
    %swap3A_1975 = vector.shape_cast %add3A_1969 : vector<16xi32> to vector<1x16xi32>
    tpu.vector_store %arg6[%swap3A_1971, %swap3A_1972], %swap3A_1975 {strides = array<i32>} : memref<36x128xi32, #tpu.memory_space<vmem>>, vector<1x16xi32>,
    %get3A_1976 = arith.constant 848 : index
    %get3A_1977 = tpu.vector_load %arg5[%get3A_1976] {strides = array<i32>} : memref<1536xi32, #tpu.memory_space<vmem>>, vector<16xi32>,
    %get3A_1978 = vector.shape_cast %get3A_1977 : vector<16xi32> to vector<16xi32>
    %add3A_1979 = arith.constant 4096 : i32
    %add3A_1980 = arith.addi %mul3A_40, %add3A_1979 : i32
    %add3A_1981 = vector.broadcast %add3A_1980 : i32 to vector<16xi32>
    %add3A_1982 = arith.addi %get3A_1978, %add3A_1981 : vector<16xi32>
    %swap3A_1983 = arith.constant 18 : i32
    %swap3A_1984 = arith.index_cast %swap3A_1983 : i32 to index
    %swap3A_1985 = arith.constant 80 : index
    %swap3A_1986 = tpu.vector_load %arg6[%swap3A_1984, %swap3A_1985] {strides = array<i32>} : memref<36x128xi32, #tpu.memory_space<vmem>>, vector<1x16xi32>,
    %swap3A_1987 = vector.shape_cast %swap3A_1986 : vector<1x16xi32> to vector<16xi32>
    %swap3A_1988 = vector.shape_cast %add3A_1982 : vector<16xi32> to vector<1x16xi32>
    tpu.vector_store %arg6[%swap3A_1984, %swap3A_1985], %swap3A_1988 {strides = array<i32>} : memref<36x128xi32, #tpu.memory_space<vmem>>, vector<1x16xi32>,
    %get3A_1989 = arith.constant 864 : index
    %get3A_1990 = tpu.vector_load %arg5[%get3A_1989] {strides = array<i32>} : memref<1536xi32, #tpu.memory_space<vmem>>, vector<16xi32>,
    %get3A_1991 = vector.shape_cast %get3A_1990 : vector<16xi32> to vector<16xi32>
    %add3A_1992 = arith.constant 4096 : i32
    %add3A_1993 = arith.addi %mul3A_40, %add3A_1992 : i32
    %add3A_1994 = vector.broadcast %add3A_1993 : i32 to vector<16xi32>
    %add3A_1995 = arith.addi %get3A_1991, %add3A_1994 : vector<16xi32>
    %swap3A_1996 = arith.constant 18 : i32
    %swap3A_1997 = arith.index_cast %swap3A_1996 : i32 to index
    %swap3A_1998 = arith.constant 96 : index
    %swap3A_1999 = tpu.vector_load %arg6[%swap3A_1997, %swap3A_1998] {strides = array<i32>} : memref<36x128xi32, #tpu.memory_space<vmem>>, vector<1x16xi32>,
    %swap3A_2000 = vector.shape_cast %swap3A_1999 : vector<1x16xi32> to vector<16xi32>
    %swap3A_2001 = vector.shape_cast %add3A_1995 : vector<16xi32> to vector<1x16xi32>
    tpu.vector_store %arg6[%swap3A_1997, %swap3A_1998], %swap3A_2001 {strides = array<i32>} : memref<36x128xi32, #tpu.memory_space<vmem>>, vector<1x16xi32>,
    %get3A_2002 = arith.constant 880 : index
    %get3A_2003 = tpu.vector_load %arg5[%get3A_2002] {strides = array<i32>} : memref<1536xi32, #tpu.memory_space<vmem>>, vector<16xi32>,
    %get3A_2004 = vector.shape_cast %get3A_2003 : vector<16xi32> to vector<16xi32>
    %add3A_2005 = arith.constant 4096 : i32
    %add3A_2006 = arith.addi %mul3A_40, %add3A_2005 : i32
    %add3A_2007 = vector.broadcast %add3A_2006 : i32 to vector<16xi32>
    %add3A_2008 = arith.addi %get3A_2004, %add3A_2007 : vector<16xi32>
    %swap3A_2009 = arith.constant 18 : i32
    %swap3A_2010 = arith.index_cast %swap3A_2009 : i32 to index
    %swap3A_2011 = arith.constant 112 : index
    %swap3A_2012 = tpu.vector_load %arg6[%swap3A_2010, %swap3A_2011] {strides = array<i32>} : memref<36x128xi32, #tpu.memory_space<vmem>>, vector<1x16xi32>,
    %swap3A_2013 = vector.shape_cast %swap3A_2012 : vector<1x16xi32> to vector<16xi32>
    %swap3A_2014 = vector.shape_cast %add3A_2008 : vector<16xi32> to vector<1x16xi32>
    tpu.vector_store %arg6[%swap3A_2010, %swap3A_2011], %swap3A_2014 {strides = array<i32>} : memref<36x128xi32, #tpu.memory_space<vmem>>, vector<1x16xi32>,
    %get3A_2015 = arith.constant 896 : index
    %get3A_2016 = tpu.vector_load %arg5[%get3A_2015] {strides = array<i32>} : memref<1536xi32, #tpu.memory_space<vmem>>, vector<16xi32>,
    %get3A_2017 = vector.shape_cast %get3A_2016 : vector<16xi32> to vector<16xi32>
    %add3A_2018 = arith.constant 4096 : i32
    %add3A_2019 = arith.addi %mul3A_40, %add3A_2018 : i32
    %add3A_2020 = vector.broadcast %add3A_2019 : i32 to vector<16xi32>
    %add3A_2021 = arith.addi %get3A_2017, %add3A_2020 : vector<16xi32>
    %swap3A_2022 = arith.constant 19 : i32
    %swap3A_2023 = arith.index_cast %swap3A_2022 : i32 to index
    %swap3A_2024 = arith.constant 0 : index
    %swap3A_2025 = tpu.vector_load %arg6[%swap3A_2023, %swap3A_2024] {strides = array<i32>} : memref<36x128xi32, #tpu.memory_space<vmem>>, vector<1x16xi32>,
    %swap3A_2026 = vector.shape_cast %swap3A_2025 : vector<1x16xi32> to vector<16xi32>
    %swap3A_2027 = vector.shape_cast %add3A_2021 : vector<16xi32> to vector<1x16xi32>
    tpu.vector_store %arg6[%swap3A_2023, %swap3A_2024], %swap3A_2027 {strides = array<i32>} : memref<36x128xi32, #tpu.memory_space<vmem>>, vector<1x16xi32>,
    %get3A_2028 = arith.constant 912 : index
    %get3A_2029 = tpu.vector_load %arg5[%get3A_2028] {strides = array<i32>} : memref<1536xi32, #tpu.memory_space<vmem>>, vector<16xi32>,
    %get3A_2030 = vector.shape_cast %get3A_2029 : vector<16xi32> to vector<16xi32>
    %add3A_2031 = arith.constant 4096 : i32
    %add3A_2032 = arith.addi %mul3A_40, %add3A_2031 : i32
    %add3A_2033 = vector.broadcast %add3A_2032 : i32 to vector<16xi32>
    %add3A_2034 = arith.addi %get3A_2030, %add3A_2033 : vector<16xi32>
    %swap3A_2035 = arith.constant 19 : i32
    %swap3A_2036 = arith.index_cast %swap3A_2035 : i32 to index
    %swap3A_2037 = arith.constant 16 : index
    %swap3A_2038 = tpu.vector_load %arg6[%swap3A_2036, %swap3A_2037] {strides = array<i32>} : memref<36x128xi32, #tpu.memory_space<vmem>>, vector<1x16xi32>,
    %swap3A_2039 = vector.shape_cast %swap3A_2038 : vector<1x16xi32> to vector<16xi32>
    %swap3A_2040 = vector.shape_cast %add3A_2034 : vector<16xi32> to vector<1x16xi32>
    tpu.vector_store %arg6[%swap3A_2036, %swap3A_2037], %swap3A_2040 {strides = array<i32>} : memref<36x128xi32, #tpu.memory_space<vmem>>, vector<1x16xi32>,
    %get3A_2041 = arith.constant 928 : index
    %get3A_2042 = tpu.vector_load %arg5[%get3A_2041] {strides = array<i32>} : memref<1536xi32, #tpu.memory_space<vmem>>, vector<16xi32>,
    %get3A_2043 = vector.shape_cast %get3A_2042 : vector<16xi32> to vector<16xi32>
    %add3A_2044 = arith.constant 4096 : i32
    %add3A_2045 = arith.addi %mul3A_40, %add3A_2044 : i32
    %add3A_2046 = vector.broadcast %add3A_2045 : i32 to vector<16xi32>
    %add3A_2047 = arith.addi %get3A_2043, %add3A_2046 : vector<16xi32>
    %swap3A_2048 = arith.constant 19 : i32
    %swap3A_2049 = arith.index_cast %swap3A_2048 : i32 to index
    %swap3A_2050 = arith.constant 32 : index
    %swap3A_2051 = tpu.vector_load %arg6[%swap3A_2049, %swap3A_2050] {strides = array<i32>} : memref<36x128xi32, #tpu.memory_space<vmem>>, vector<1x16xi32>,
    %swap3A_2052 = vector.shape_cast %swap3A_2051 : vector<1x16xi32> to vector<16xi32>
    %swap3A_2053 = vector.shape_cast %add3A_2047 : vector<16xi32> to vector<1x16xi32>
    tpu.vector_store %arg6[%swap3A_2049, %swap3A_2050], %swap3A_2053 {strides = array<i32>} : memref<36x128xi32, #tpu.memory_space<vmem>>, vector<1x16xi32>,
    %get3A_2054 = arith.constant 944 : index
    %get3A_2055 = tpu.vector_load %arg5[%get3A_2054] {strides = array<i32>} : memref<1536xi32, #tpu.memory_space<vmem>>, vector<16xi32>,
    %get3A_2056 = vector.shape_cast %get3A_2055 : vector<16xi32> to vector<16xi32>
    %add3A_2057 = arith.constant 4096 : i32
    %add3A_2058 = arith.addi %mul3A_40, %add3A_2057 : i32
    %add3A_2059 = vector.broadcast %add3A_2058 : i32 to vector<16xi32>
    %add3A_2060 = arith.addi %get3A_2056, %add3A_2059 : vector<16xi32>
    %swap3A_2061 = arith.constant 19 : i32
    %swap3A_2062 = arith.index_cast %swap3A_2061 : i32 to index
    %swap3A_2063 = arith.constant 48 : index
    %swap3A_2064 = tpu.vector_load %arg6[%swap3A_2062, %swap3A_2063] {strides = array<i32>} : memref<36x128xi32, #tpu.memory_space<vmem>>, vector<1x16xi32>,
    %swap3A_2065 = vector.shape_cast %swap3A_2064 : vector<1x16xi32> to vector<16xi32>
    %swap3A_2066 = vector.shape_cast %add3A_2060 : vector<16xi32> to vector<1x16xi32>
    tpu.vector_store %arg6[%swap3A_2062, %swap3A_2063], %swap3A_2066 {strides = array<i32>} : memref<36x128xi32, #tpu.memory_space<vmem>>, vector<1x16xi32>,
    %get3A_2067 = arith.constant 960 : index
    %get3A_2068 = tpu.vector_load %arg5[%get3A_2067] {strides = array<i32>} : memref<1536xi32, #tpu.memory_space<vmem>>, vector<16xi32>,
    %get3A_2069 = vector.shape_cast %get3A_2068 : vector<16xi32> to vector<16xi32>
    %add3A_2070 = arith.constant 4096 : i32
    %add3A_2071 = arith.addi %mul3A_40, %add3A_2070 : i32
    %add3A_2072 = vector.broadcast %add3A_2071 : i32 to vector<16xi32>
    %add3A_2073 = arith.addi %get3A_2069, %add3A_2072 : vector<16xi32>
    %swap3A_2074 = arith.constant 19 : i32
    %swap3A_2075 = arith.index_cast %swap3A_2074 : i32 to index
    %swap3A_2076 = arith.constant 64 : index
    %swap3A_2077 = tpu.vector_load %arg6[%swap3A_2075, %swap3A_2076] {strides = array<i32>} : memref<36x128xi32, #tpu.memory_space<vmem>>, vector<1x16xi32>,
    %swap3A_2078 = vector.shape_cast %swap3A_2077 : vector<1x16xi32> to vector<16xi32>
    %swap3A_2079 = vector.shape_cast %add3A_2073 : vector<16xi32> to vector<1x16xi32>
    tpu.vector_store %arg6[%swap3A_2075, %swap3A_2076], %swap3A_2079 {strides = array<i32>} : memref<36x128xi32, #tpu.memory_space<vmem>>, vector<1x16xi32>,
    %get3A_2080 = arith.constant 976 : index
    %get3A_2081 = tpu.vector_load %arg5[%get3A_2080] {strides = array<i32>} : memref<1536xi32, #tpu.memory_space<vmem>>, vector<16xi32>,
    %get3A_2082 = vector.shape_cast %get3A_2081 : vector<16xi32> to vector<16xi32>
    %add3A_2083 = arith.constant 4096 : i32
    %add3A_2084 = arith.addi %mul3A_40, %add3A_2083 : i32
    %add3A_2085 = vector.broadcast %add3A_2084 : i32 to vector<16xi32>
    %add3A_2086 = arith.addi %get3A_2082, %add3A_2085 : vector<16xi32>
    %swap3A_2087 = arith.constant 19 : i32
    %swap3A_2088 = arith.index_cast %swap3A_2087 : i32 to index
    %swap3A_2089 = arith.constant 80 : index
    %swap3A_2090 = tpu.vector_load %arg6[%swap3A_2088, %swap3A_2089] {strides = array<i32>} : memref<36x128xi32, #tpu.memory_space<vmem>>, vector<1x16xi32>,
    %swap3A_2091 = vector.shape_cast %swap3A_2090 : vector<1x16xi32> to vector<16xi32>
    %swap3A_2092 = vector.shape_cast %add3A_2086 : vector<16xi32> to vector<1x16xi32>
    tpu.vector_store %arg6[%swap3A_2088, %swap3A_2089], %swap3A_2092 {strides = array<i32>} : memref<36x128xi32, #tpu.memory_space<vmem>>, vector<1x16xi32>,
    %get3A_2093 = arith.constant 992 : index
    %get3A_2094 = tpu.vector_load %arg5[%get3A_2093] {strides = array<i32>} : memref<1536xi32, #tpu.memory_space<vmem>>, vector<16xi32>,
    %get3A_2095 = vector.shape_cast %get3A_2094 : vector<16xi32> to vector<16xi32>
    %add3A_2096 = arith.constant 4096 : i32
    %add3A_2097 = arith.addi %mul3A_40, %add3A_2096 : i32
    %add3A_2098 = vector.broadcast %add3A_2097 : i32 to vector<16xi32>
    %add3A_2099 = arith.addi %get3A_2095, %add3A_2098 : vector<16xi32>
    %swap3A_2100 = arith.constant 19 : i32
    %swap3A_2101 = arith.index_cast %swap3A_2100 : i32 to index
    %swap3A_2102 = arith.constant 96 : index
    %swap3A_2103 = tpu.vector_load %arg6[%swap3A_2101, %swap3A_2102] {strides = array<i32>} : memref<36x128xi32, #tpu.memory_space<vmem>>, vector<1x16xi32>,
    %swap3A_2104 = vector.shape_cast %swap3A_2103 : vector<1x16xi32> to vector<16xi32>
    %swap3A_2105 = vector.shape_cast %add3A_2099 : vector<16xi32> to vector<1x16xi32>
    tpu.vector_store %arg6[%swap3A_2101, %swap3A_2102], %swap3A_2105 {strides = array<i32>} : memref<36x128xi32, #tpu.memory_space<vmem>>, vector<1x16xi32>,
    %get3A_2106 = arith.constant 1008 : index
    %get3A_2107 = tpu.vector_load %arg5[%get3A_2106] {strides = array<i32>} : memref<1536xi32, #tpu.memory_space<vmem>>, vector<16xi32>,
    %get3A_2108 = vector.shape_cast %get3A_2107 : vector<16xi32> to vector<16xi32>
    %add3A_2109 = arith.constant 4096 : i32
    %add3A_2110 = arith.addi %mul3A_40, %add3A_2109 : i32
    %add3A_2111 = vector.broadcast %add3A_2110 : i32 to vector<16xi32>
    %add3A_2112 = arith.addi %get3A_2108, %add3A_2111 : vector<16xi32>
    %swap3A_2113 = arith.constant 19 : i32
    %swap3A_2114 = arith.index_cast %swap3A_2113 : i32 to index
    %swap3A_2115 = arith.constant 112 : index
    %swap3A_2116 = tpu.vector_load %arg6[%swap3A_2114, %swap3A_2115] {strides = array<i32>} : memref<36x128xi32, #tpu.memory_space<vmem>>, vector<1x16xi32>,
    %swap3A_2117 = vector.shape_cast %swap3A_2116 : vector<1x16xi32> to vector<16xi32>
    %swap3A_2118 = vector.shape_cast %add3A_2112 : vector<16xi32> to vector<1x16xi32>
    tpu.vector_store %arg6[%swap3A_2114, %swap3A_2115], %swap3A_2118 {strides = array<i32>} : memref<36x128xi32, #tpu.memory_space<vmem>>, vector<1x16xi32>,
    %get3A_2119 = arith.constant 512 : index
    %get3A_2120 = tpu.vector_load %arg5[%get3A_2119] {strides = array<i32>} : memref<1536xi32, #tpu.memory_space<vmem>>, vector<16xi32>,
    %get3A_2121 = vector.shape_cast %get3A_2120 : vector<16xi32> to vector<16xi32>
    %add3A_2122 = arith.constant 8192 : i32
    %add3A_2123 = arith.addi %mul3A_40, %add3A_2122 : i32
    %add3A_2124 = vector.broadcast %add3A_2123 : i32 to vector<16xi32>
    %add3A_2125 = arith.addi %get3A_2121, %add3A_2124 : vector<16xi32>
    %swap3A_2126 = arith.constant 20 : i32
    %swap3A_2127 = arith.index_cast %swap3A_2126 : i32 to index
    %swap3A_2128 = arith.constant 0 : index
    %swap3A_2129 = tpu.vector_load %arg6[%swap3A_2127, %swap3A_2128] {strides = array<i32>} : memref<36x128xi32, #tpu.memory_space<vmem>>, vector<1x16xi32>,
    %swap3A_2130 = vector.shape_cast %swap3A_2129 : vector<1x16xi32> to vector<16xi32>
    %swap3A_2131 = vector.shape_cast %add3A_2125 : vector<16xi32> to vector<1x16xi32>
    tpu.vector_store %arg6[%swap3A_2127, %swap3A_2128], %swap3A_2131 {strides = array<i32>} : memref<36x128xi32, #tpu.memory_space<vmem>>, vector<1x16xi32>,
    %get3A_2132 = arith.constant 528 : index
    %get3A_2133 = tpu.vector_load %arg5[%get3A_2132] {strides = array<i32>} : memref<1536xi32, #tpu.memory_space<vmem>>, vector<16xi32>,
    %get3A_2134 = vector.shape_cast %get3A_2133 : vector<16xi32> to vector<16xi32>
    %add3A_2135 = arith.constant 8192 : i32
    %add3A_2136 = arith.addi %mul3A_40, %add3A_2135 : i32
    %add3A_2137 = vector.broadcast %add3A_2136 : i32 to vector<16xi32>
    %add3A_2138 = arith.addi %get3A_2134, %add3A_2137 : vector<16xi32>
    %swap3A_2139 = arith.constant 20 : i32
    %swap3A_2140 = arith.index_cast %swap3A_2139 : i32 to index
    %swap3A_2141 = arith.constant 16 : index
    %swap3A_2142 = tpu.vector_load %arg6[%swap3A_2140, %swap3A_2141] {strides = array<i32>} : memref<36x128xi32, #tpu.memory_space<vmem>>, vector<1x16xi32>,
    %swap3A_2143 = vector.shape_cast %swap3A_2142 : vector<1x16xi32> to vector<16xi32>
    %swap3A_2144 = vector.shape_cast %add3A_2138 : vector<16xi32> to vector<1x16xi32>
    tpu.vector_store %arg6[%swap3A_2140, %swap3A_2141], %swap3A_2144 {strides = array<i32>} : memref<36x128xi32, #tpu.memory_space<vmem>>, vector<1x16xi32>,
    %get3A_2145 = arith.constant 544 : index
    %get3A_2146 = tpu.vector_load %arg5[%get3A_2145] {strides = array<i32>} : memref<1536xi32, #tpu.memory_space<vmem>>, vector<16xi32>,
    %get3A_2147 = vector.shape_cast %get3A_2146 : vector<16xi32> to vector<16xi32>
    %add3A_2148 = arith.constant 8192 : i32
    %add3A_2149 = arith.addi %mul3A_40, %add3A_2148 : i32
    %add3A_2150 = vector.broadcast %add3A_2149 : i32 to vector<16xi32>
    %add3A_2151 = arith.addi %get3A_2147, %add3A_2150 : vector<16xi32>
    %swap3A_2152 = arith.constant 20 : i32
    %swap3A_2153 = arith.index_cast %swap3A_2152 : i32 to index
    %swap3A_2154 = arith.constant 32 : index
    %swap3A_2155 = tpu.vector_load %arg6[%swap3A_2153, %swap3A_2154] {strides = array<i32>} : memref<36x128xi32, #tpu.memory_space<vmem>>, vector<1x16xi32>,
    %swap3A_2156 = vector.shape_cast %swap3A_2155 : vector<1x16xi32> to vector<16xi32>
    %swap3A_2157 = vector.shape_cast %add3A_2151 : vector<16xi32> to vector<1x16xi32>
    tpu.vector_store %arg6[%swap3A_2153, %swap3A_2154], %swap3A_2157 {strides = array<i32>} : memref<36x128xi32, #tpu.memory_space<vmem>>, vector<1x16xi32>,
    %get3A_2158 = arith.constant 560 : index
    %get3A_2159 = tpu.vector_load %arg5[%get3A_2158] {strides = array<i32>} : memref<1536xi32, #tpu.memory_space<vmem>>, vector<16xi32>,
    %get3A_2160 = vector.shape_cast %get3A_2159 : vector<16xi32> to vector<16xi32>
    %add3A_2161 = arith.constant 8192 : i32
    %add3A_2162 = arith.addi %mul3A_40, %add3A_2161 : i32
    %add3A_2163 = vector.broadcast %add3A_2162 : i32 to vector<16xi32>
    %add3A_2164 = arith.addi %get3A_2160, %add3A_2163 : vector<16xi32>
    %swap3A_2165 = arith.constant 20 : i32
    %swap3A_2166 = arith.index_cast %swap3A_2165 : i32 to index
    %swap3A_2167 = arith.constant 48 : index
    %swap3A_2168 = tpu.vector_load %arg6[%swap3A_2166, %swap3A_2167] {strides = array<i32>} : memref<36x128xi32, #tpu.memory_space<vmem>>, vector<1x16xi32>,
    %swap3A_2169 = vector.shape_cast %swap3A_2168 : vector<1x16xi32> to vector<16xi32>
    %swap3A_2170 = vector.shape_cast %add3A_2164 : vector<16xi32> to vector<1x16xi32>
    tpu.vector_store %arg6[%swap3A_2166, %swap3A_2167], %swap3A_2170 {strides = array<i32>} : memref<36x128xi32, #tpu.memory_space<vmem>>, vector<1x16xi32>,
    %get3A_2171 = arith.constant 576 : index
    %get3A_2172 = tpu.vector_load %arg5[%get3A_2171] {strides = array<i32>} : memref<1536xi32, #tpu.memory_space<vmem>>, vector<16xi32>,
    %get3A_2173 = vector.shape_cast %get3A_2172 : vector<16xi32> to vector<16xi32>
    %add3A_2174 = arith.constant 8192 : i32
    %add3A_2175 = arith.addi %mul3A_40, %add3A_2174 : i32
    %add3A_2176 = vector.broadcast %add3A_2175 : i32 to vector<16xi32>
    %add3A_2177 = arith.addi %get3A_2173, %add3A_2176 : vector<16xi32>
    %swap3A_2178 = arith.constant 20 : i32
    %swap3A_2179 = arith.index_cast %swap3A_2178 : i32 to index
    %swap3A_2180 = arith.constant 64 : index
    %swap3A_2181 = tpu.vector_load %arg6[%swap3A_2179, %swap3A_2180] {strides = array<i32>} : memref<36x128xi32, #tpu.memory_space<vmem>>, vector<1x16xi32>,
    %swap3A_2182 = vector.shape_cast %swap3A_2181 : vector<1x16xi32> to vector<16xi32>
    %swap3A_2183 = vector.shape_cast %add3A_2177 : vector<16xi32> to vector<1x16xi32>
    tpu.vector_store %arg6[%swap3A_2179, %swap3A_2180], %swap3A_2183 {strides = array<i32>} : memref<36x128xi32, #tpu.memory_space<vmem>>, vector<1x16xi32>,
    %get3A_2184 = arith.constant 592 : index
    %get3A_2185 = tpu.vector_load %arg5[%get3A_2184] {strides = array<i32>} : memref<1536xi32, #tpu.memory_space<vmem>>, vector<16xi32>,
    %get3A_2186 = vector.shape_cast %get3A_2185 : vector<16xi32> to vector<16xi32>
    %add3A_2187 = arith.constant 8192 : i32
    %add3A_2188 = arith.addi %mul3A_40, %add3A_2187 : i32
    %add3A_2189 = vector.broadcast %add3A_2188 : i32 to vector<16xi32>
    %add3A_2190 = arith.addi %get3A_2186, %add3A_2189 : vector<16xi32>
    %swap3A_2191 = arith.constant 20 : i32
    %swap3A_2192 = arith.index_cast %swap3A_2191 : i32 to index
    %swap3A_2193 = arith.constant 80 : index
    %swap3A_2194 = tpu.vector_load %arg6[%swap3A_2192, %swap3A_2193] {strides = array<i32>} : memref<36x128xi32, #tpu.memory_space<vmem>>, vector<1x16xi32>,
    %swap3A_2195 = vector.shape_cast %swap3A_2194 : vector<1x16xi32> to vector<16xi32>
    %swap3A_2196 = vector.shape_cast %add3A_2190 : vector<16xi32> to vector<1x16xi32>
    tpu.vector_store %arg6[%swap3A_2192, %swap3A_2193], %swap3A_2196 {strides = array<i32>} : memref<36x128xi32, #tpu.memory_space<vmem>>, vector<1x16xi32>,
    %get3A_2197 = arith.constant 608 : index
    %get3A_2198 = tpu.vector_load %arg5[%get3A_2197] {strides = array<i32>} : memref<1536xi32, #tpu.memory_space<vmem>>, vector<16xi32>,
    %get3A_2199 = vector.shape_cast %get3A_2198 : vector<16xi32> to vector<16xi32>
    %add3A_2200 = arith.constant 8192 : i32
    %add3A_2201 = arith.addi %mul3A_40, %add3A_2200 : i32
    %add3A_2202 = vector.broadcast %add3A_2201 : i32 to vector<16xi32>
    %add3A_2203 = arith.addi %get3A_2199, %add3A_2202 : vector<16xi32>
    %swap3A_2204 = arith.constant 20 : i32
    %swap3A_2205 = arith.index_cast %swap3A_2204 : i32 to index
    %swap3A_2206 = arith.constant 96 : index
    %swap3A_2207 = tpu.vector_load %arg6[%swap3A_2205, %swap3A_2206] {strides = array<i32>} : memref<36x128xi32, #tpu.memory_space<vmem>>, vector<1x16xi32>,
    %swap3A_2208 = vector.shape_cast %swap3A_2207 : vector<1x16xi32> to vector<16xi32>
    %swap3A_2209 = vector.shape_cast %add3A_2203 : vector<16xi32> to vector<1x16xi32>
    tpu.vector_store %arg6[%swap3A_2205, %swap3A_2206], %swap3A_2209 {strides = array<i32>} : memref<36x128xi32, #tpu.memory_space<vmem>>, vector<1x16xi32>,
    %get3A_2210 = arith.constant 624 : index
    %get3A_2211 = tpu.vector_load %arg5[%get3A_2210] {strides = array<i32>} : memref<1536xi32, #tpu.memory_space<vmem>>, vector<16xi32>,
    %get3A_2212 = vector.shape_cast %get3A_2211 : vector<16xi32> to vector<16xi32>
    %add3A_2213 = arith.constant 8192 : i32
    %add3A_2214 = arith.addi %mul3A_40, %add3A_2213 : i32
    %add3A_2215 = vector.broadcast %add3A_2214 : i32 to vector<16xi32>
    %add3A_2216 = arith.addi %get3A_2212, %add3A_2215 : vector<16xi32>
    %swap3A_2217 = arith.constant 20 : i32
    %swap3A_2218 = arith.index_cast %swap3A_2217 : i32 to index
    %swap3A_2219 = arith.constant 112 : index
    %swap3A_2220 = tpu.vector_load %arg6[%swap3A_2218, %swap3A_2219] {strides = array<i32>} : memref<36x128xi32, #tpu.memory_space<vmem>>, vector<1x16xi32>,
    %swap3A_2221 = vector.shape_cast %swap3A_2220 : vector<1x16xi32> to vector<16xi32>
    %swap3A_2222 = vector.shape_cast %add3A_2216 : vector<16xi32> to vector<1x16xi32>
    tpu.vector_store %arg6[%swap3A_2218, %swap3A_2219], %swap3A_2222 {strides = array<i32>} : memref<36x128xi32, #tpu.memory_space<vmem>>, vector<1x16xi32>,
    %get3A_2223 = arith.constant 640 : index
    %get3A_2224 = tpu.vector_load %arg5[%get3A_2223] {strides = array<i32>} : memref<1536xi32, #tpu.memory_space<vmem>>, vector<16xi32>,
    %get3A_2225 = vector.shape_cast %get3A_2224 : vector<16xi32> to vector<16xi32>
    %add3A_2226 = arith.constant 8192 : i32
    %add3A_2227 = arith.addi %mul3A_40, %add3A_2226 : i32
    %add3A_2228 = vector.broadcast %add3A_2227 : i32 to vector<16xi32>
    %add3A_2229 = arith.addi %get3A_2225, %add3A_2228 : vector<16xi32>
    %swap3A_2230 = arith.constant 21 : i32
    %swap3A_2231 = arith.index_cast %swap3A_2230 : i32 to index
    %swap3A_2232 = arith.constant 0 : index
    %swap3A_2233 = tpu.vector_load %arg6[%swap3A_2231, %swap3A_2232] {strides = array<i32>} : memref<36x128xi32, #tpu.memory_space<vmem>>, vector<1x16xi32>,
    %swap3A_2234 = vector.shape_cast %swap3A_2233 : vector<1x16xi32> to vector<16xi32>
    %swap3A_2235 = vector.shape_cast %add3A_2229 : vector<16xi32> to vector<1x16xi32>
    tpu.vector_store %arg6[%swap3A_2231, %swap3A_2232], %swap3A_2235 {strides = array<i32>} : memref<36x128xi32, #tpu.memory_space<vmem>>, vector<1x16xi32>,
    %get3A_2236 = arith.constant 656 : index
    %get3A_2237 = tpu.vector_load %arg5[%get3A_2236] {strides = array<i32>} : memref<1536xi32, #tpu.memory_space<vmem>>, vector<16xi32>,
    %get3A_2238 = vector.shape_cast %get3A_2237 : vector<16xi32> to vector<16xi32>
    %add3A_2239 = arith.constant 8192 : i32
    %add3A_2240 = arith.addi %mul3A_40, %add3A_2239 : i32
    %add3A_2241 = vector.broadcast %add3A_2240 : i32 to vector<16xi32>
    %add3A_2242 = arith.addi %get3A_2238, %add3A_2241 : vector<16xi32>
    %swap3A_2243 = arith.constant 21 : i32
    %swap3A_2244 = arith.index_cast %swap3A_2243 : i32 to index
    %swap3A_2245 = arith.constant 16 : index
    %swap3A_2246 = tpu.vector_load %arg6[%swap3A_2244, %swap3A_2245] {strides = array<i32>} : memref<36x128xi32, #tpu.memory_space<vmem>>, vector<1x16xi32>,
    %swap3A_2247 = vector.shape_cast %swap3A_2246 : vector<1x16xi32> to vector<16xi32>
    %swap3A_2248 = vector.shape_cast %add3A_2242 : vector<16xi32> to vector<1x16xi32>
    tpu.vector_store %arg6[%swap3A_2244, %swap3A_2245], %swap3A_2248 {strides = array<i32>} : memref<36x128xi32, #tpu.memory_space<vmem>>, vector<1x16xi32>,
    %get3A_2249 = arith.constant 672 : index
    %get3A_2250 = tpu.vector_load %arg5[%get3A_2249] {strides = array<i32>} : memref<1536xi32, #tpu.memory_space<vmem>>, vector<16xi32>,
    %get3A_2251 = vector.shape_cast %get3A_2250 : vector<16xi32> to vector<16xi32>
    %add3A_2252 = arith.constant 8192 : i32
    %add3A_2253 = arith.addi %mul3A_40, %add3A_2252 : i32
    %add3A_2254 = vector.broadcast %add3A_2253 : i32 to vector<16xi32>
    %add3A_2255 = arith.addi %get3A_2251, %add3A_2254 : vector<16xi32>
    %swap3A_2256 = arith.constant 21 : i32
    %swap3A_2257 = arith.index_cast %swap3A_2256 : i32 to index
    %swap3A_2258 = arith.constant 32 : index
    %swap3A_2259 = tpu.vector_load %arg6[%swap3A_2257, %swap3A_2258] {strides = array<i32>} : memref<36x128xi32, #tpu.memory_space<vmem>>, vector<1x16xi32>,
    %swap3A_2260 = vector.shape_cast %swap3A_2259 : vector<1x16xi32> to vector<16xi32>
    %swap3A_2261 = vector.shape_cast %add3A_2255 : vector<16xi32> to vector<1x16xi32>
    tpu.vector_store %arg6[%swap3A_2257, %swap3A_2258], %swap3A_2261 {strides = array<i32>} : memref<36x128xi32, #tpu.memory_space<vmem>>, vector<1x16xi32>,
    %get3A_2262 = arith.constant 688 : index
    %get3A_2263 = tpu.vector_load %arg5[%get3A_2262] {strides = array<i32>} : memref<1536xi32, #tpu.memory_space<vmem>>, vector<16xi32>,
    %get3A_2264 = vector.shape_cast %get3A_2263 : vector<16xi32> to vector<16xi32>
    %add3A_2265 = arith.constant 8192 : i32
    %add3A_2266 = arith.addi %mul3A_40, %add3A_2265 : i32
    %add3A_2267 = vector.broadcast %add3A_2266 : i32 to vector<16xi32>
    %add3A_2268 = arith.addi %get3A_2264, %add3A_2267 : vector<16xi32>
    %swap3A_2269 = arith.constant 21 : i32
    %swap3A_2270 = arith.index_cast %swap3A_2269 : i32 to index
    %swap3A_2271 = arith.constant 48 : index
    %swap3A_2272 = tpu.vector_load %arg6[%swap3A_2270, %swap3A_2271] {strides = array<i32>} : memref<36x128xi32, #tpu.memory_space<vmem>>, vector<1x16xi32>,
    %swap3A_2273 = vector.shape_cast %swap3A_2272 : vector<1x16xi32> to vector<16xi32>
    %swap3A_2274 = vector.shape_cast %add3A_2268 : vector<16xi32> to vector<1x16xi32>
    tpu.vector_store %arg6[%swap3A_2270, %swap3A_2271], %swap3A_2274 {strides = array<i32>} : memref<36x128xi32, #tpu.memory_space<vmem>>, vector<1x16xi32>,
    %get3A_2275 = arith.constant 704 : index
    %get3A_2276 = tpu.vector_load %arg5[%get3A_2275] {strides = array<i32>} : memref<1536xi32, #tpu.memory_space<vmem>>, vector<16xi32>,
    %get3A_2277 = vector.shape_cast %get3A_2276 : vector<16xi32> to vector<16xi32>
    %add3A_2278 = arith.constant 8192 : i32
    %add3A_2279 = arith.addi %mul3A_40, %add3A_2278 : i32
    %add3A_2280 = vector.broadcast %add3A_2279 : i32 to vector<16xi32>
    %add3A_2281 = arith.addi %get3A_2277, %add3A_2280 : vector<16xi32>
    %swap3A_2282 = arith.constant 21 : i32
    %swap3A_2283 = arith.index_cast %swap3A_2282 : i32 to index
    %swap3A_2284 = arith.constant 64 : index
    %swap3A_2285 = tpu.vector_load %arg6[%swap3A_2283, %swap3A_2284] {strides = array<i32>} : memref<36x128xi32, #tpu.memory_space<vmem>>, vector<1x16xi32>,
    %swap3A_2286 = vector.shape_cast %swap3A_2285 : vector<1x16xi32> to vector<16xi32>
    %swap3A_2287 = vector.shape_cast %add3A_2281 : vector<16xi32> to vector<1x16xi32>
    tpu.vector_store %arg6[%swap3A_2283, %swap3A_2284], %swap3A_2287 {strides = array<i32>} : memref<36x128xi32, #tpu.memory_space<vmem>>, vector<1x16xi32>,
    %get3A_2288 = arith.constant 720 : index
    %get3A_2289 = tpu.vector_load %arg5[%get3A_2288] {strides = array<i32>} : memref<1536xi32, #tpu.memory_space<vmem>>, vector<16xi32>,
    %get3A_2290 = vector.shape_cast %get3A_2289 : vector<16xi32> to vector<16xi32>
    %add3A_2291 = arith.constant 8192 : i32
    %add3A_2292 = arith.addi %mul3A_40, %add3A_2291 : i32
    %add3A_2293 = vector.broadcast %add3A_2292 : i32 to vector<16xi32>
    %add3A_2294 = arith.addi %get3A_2290, %add3A_2293 : vector<16xi32>
    %swap3A_2295 = arith.constant 21 : i32
    %swap3A_2296 = arith.index_cast %swap3A_2295 : i32 to index
    %swap3A_2297 = arith.constant 80 : index
    %swap3A_2298 = tpu.vector_load %arg6[%swap3A_2296, %swap3A_2297] {strides = array<i32>} : memref<36x128xi32, #tpu.memory_space<vmem>>, vector<1x16xi32>,
    %swap3A_2299 = vector.shape_cast %swap3A_2298 : vector<1x16xi32> to vector<16xi32>
    %swap3A_2300 = vector.shape_cast %add3A_2294 : vector<16xi32> to vector<1x16xi32>
    tpu.vector_store %arg6[%swap3A_2296, %swap3A_2297], %swap3A_2300 {strides = array<i32>} : memref<36x128xi32, #tpu.memory_space<vmem>>, vector<1x16xi32>,
    %get3A_2301 = arith.constant 736 : index
    %get3A_2302 = tpu.vector_load %arg5[%get3A_2301] {strides = array<i32>} : memref<1536xi32, #tpu.memory_space<vmem>>, vector<16xi32>,
    %get3A_2303 = vector.shape_cast %get3A_2302 : vector<16xi32> to vector<16xi32>
    %add3A_2304 = arith.constant 8192 : i32
    %add3A_2305 = arith.addi %mul3A_40, %add3A_2304 : i32
    %add3A_2306 = vector.broadcast %add3A_2305 : i32 to vector<16xi32>
    %add3A_2307 = arith.addi %get3A_2303, %add3A_2306 : vector<16xi32>
    %swap3A_2308 = arith.constant 21 : i32
    %swap3A_2309 = arith.index_cast %swap3A_2308 : i32 to index
    %swap3A_2310 = arith.constant 96 : index
    %swap3A_2311 = tpu.vector_load %arg6[%swap3A_2309, %swap3A_2310] {strides = array<i32>} : memref<36x128xi32, #tpu.memory_space<vmem>>, vector<1x16xi32>,
    %swap3A_2312 = vector.shape_cast %swap3A_2311 : vector<1x16xi32> to vector<16xi32>
    %swap3A_2313 = vector.shape_cast %add3A_2307 : vector<16xi32> to vector<1x16xi32>
    tpu.vector_store %arg6[%swap3A_2309, %swap3A_2310], %swap3A_2313 {strides = array<i32>} : memref<36x128xi32, #tpu.memory_space<vmem>>, vector<1x16xi32>,
    %get3A_2314 = arith.constant 752 : index
    %get3A_2315 = tpu.vector_load %arg5[%get3A_2314] {strides = array<i32>} : memref<1536xi32, #tpu.memory_space<vmem>>, vector<16xi32>,
    %get3A_2316 = vector.shape_cast %get3A_2315 : vector<16xi32> to vector<16xi32>
    %add3A_2317 = arith.constant 8192 : i32
    %add3A_2318 = arith.addi %mul3A_40, %add3A_2317 : i32
    %add3A_2319 = vector.broadcast %add3A_2318 : i32 to vector<16xi32>
    %add3A_2320 = arith.addi %get3A_2316, %add3A_2319 : vector<16xi32>
    %swap3A_2321 = arith.constant 21 : i32
    %swap3A_2322 = arith.index_cast %swap3A_2321 : i32 to index
    %swap3A_2323 = arith.constant 112 : index
    %swap3A_2324 = tpu.vector_load %arg6[%swap3A_2322, %swap3A_2323] {strides = array<i32>} : memref<36x128xi32, #tpu.memory_space<vmem>>, vector<1x16xi32>,
    %swap3A_2325 = vector.shape_cast %swap3A_2324 : vector<1x16xi32> to vector<16xi32>
    %swap3A_2326 = vector.shape_cast %add3A_2320 : vector<16xi32> to vector<1x16xi32>
    tpu.vector_store %arg6[%swap3A_2322, %swap3A_2323], %swap3A_2326 {strides = array<i32>} : memref<36x128xi32, #tpu.memory_space<vmem>>, vector<1x16xi32>,
    %get3A_2327 = arith.constant 768 : index
    %get3A_2328 = tpu.vector_load %arg5[%get3A_2327] {strides = array<i32>} : memref<1536xi32, #tpu.memory_space<vmem>>, vector<16xi32>,
    %get3A_2329 = vector.shape_cast %get3A_2328 : vector<16xi32> to vector<16xi32>
    %add3A_2330 = arith.constant 8192 : i32
    %add3A_2331 = arith.addi %mul3A_40, %add3A_2330 : i32
    %add3A_2332 = vector.broadcast %add3A_2331 : i32 to vector<16xi32>
    %add3A_2333 = arith.addi %get3A_2329, %add3A_2332 : vector<16xi32>
    %swap3A_2334 = arith.constant 22 : i32
    %swap3A_2335 = arith.index_cast %swap3A_2334 : i32 to index
    %swap3A_2336 = arith.constant 0 : index
    %swap3A_2337 = tpu.vector_load %arg6[%swap3A_2335, %swap3A_2336] {strides = array<i32>} : memref<36x128xi32, #tpu.memory_space<vmem>>, vector<1x16xi32>,
    %swap3A_2338 = vector.shape_cast %swap3A_2337 : vector<1x16xi32> to vector<16xi32>
    %swap3A_2339 = vector.shape_cast %add3A_2333 : vector<16xi32> to vector<1x16xi32>
    tpu.vector_store %arg6[%swap3A_2335, %swap3A_2336], %swap3A_2339 {strides = array<i32>} : memref<36x128xi32, #tpu.memory_space<vmem>>, vector<1x16xi32>,
    %get3A_2340 = arith.constant 784 : index
    %get3A_2341 = tpu.vector_load %arg5[%get3A_2340] {strides = array<i32>} : memref<1536xi32, #tpu.memory_space<vmem>>, vector<16xi32>,
    %get3A_2342 = vector.shape_cast %get3A_2341 : vector<16xi32> to vector<16xi32>
    %add3A_2343 = arith.constant 8192 : i32
    %add3A_2344 = arith.addi %mul3A_40, %add3A_2343 : i32
    %add3A_2345 = vector.broadcast %add3A_2344 : i32 to vector<16xi32>
    %add3A_2346 = arith.addi %get3A_2342, %add3A_2345 : vector<16xi32>
    %swap3A_2347 = arith.constant 22 : i32
    %swap3A_2348 = arith.index_cast %swap3A_2347 : i32 to index
    %swap3A_2349 = arith.constant 16 : index
    %swap3A_2350 = tpu.vector_load %arg6[%swap3A_2348, %swap3A_2349] {strides = array<i32>} : memref<36x128xi32, #tpu.memory_space<vmem>>, vector<1x16xi32>,
    %swap3A_2351 = vector.shape_cast %swap3A_2350 : vector<1x16xi32> to vector<16xi32>
    %swap3A_2352 = vector.shape_cast %add3A_2346 : vector<16xi32> to vector<1x16xi32>
    tpu.vector_store %arg6[%swap3A_2348, %swap3A_2349], %swap3A_2352 {strides = array<i32>} : memref<36x128xi32, #tpu.memory_space<vmem>>, vector<1x16xi32>,
    %get3A_2353 = arith.constant 800 : index
    %get3A_2354 = tpu.vector_load %arg5[%get3A_2353] {strides = array<i32>} : memref<1536xi32, #tpu.memory_space<vmem>>, vector<16xi32>,
    %get3A_2355 = vector.shape_cast %get3A_2354 : vector<16xi32> to vector<16xi32>
    %add3A_2356 = arith.constant 8192 : i32
    %add3A_2357 = arith.addi %mul3A_40, %add3A_2356 : i32
    %add3A_2358 = vector.broadcast %add3A_2357 : i32 to vector<16xi32>
    %add3A_2359 = arith.addi %get3A_2355, %add3A_2358 : vector<16xi32>
    %swap3A_2360 = arith.constant 22 : i32
    %swap3A_2361 = arith.index_cast %swap3A_2360 : i32 to index
    %swap3A_2362 = arith.constant 32 : index
    %swap3A_2363 = tpu.vector_load %arg6[%swap3A_2361, %swap3A_2362] {strides = array<i32>} : memref<36x128xi32, #tpu.memory_space<vmem>>, vector<1x16xi32>,
    %swap3A_2364 = vector.shape_cast %swap3A_2363 : vector<1x16xi32> to vector<16xi32>
    %swap3A_2365 = vector.shape_cast %add3A_2359 : vector<16xi32> to vector<1x16xi32>
    tpu.vector_store %arg6[%swap3A_2361, %swap3A_2362], %swap3A_2365 {strides = array<i32>} : memref<36x128xi32, #tpu.memory_space<vmem>>, vector<1x16xi32>,
    %get3A_2366 = arith.constant 816 : index
    %get3A_2367 = tpu.vector_load %arg5[%get3A_2366] {strides = array<i32>} : memref<1536xi32, #tpu.memory_space<vmem>>, vector<16xi32>,
    %get3A_2368 = vector.shape_cast %get3A_2367 : vector<16xi32> to vector<16xi32>
    %add3A_2369 = arith.constant 8192 : i32
    %add3A_2370 = arith.addi %mul3A_40, %add3A_2369 : i32
    %add3A_2371 = vector.broadcast %add3A_2370 : i32 to vector<16xi32>
    %add3A_2372 = arith.addi %get3A_2368, %add3A_2371 : vector<16xi32>
    %swap3A_2373 = arith.constant 22 : i32
    %swap3A_2374 = arith.index_cast %swap3A_2373 : i32 to index
    %swap3A_2375 = arith.constant 48 : index
    %swap3A_2376 = tpu.vector_load %arg6[%swap3A_2374, %swap3A_2375] {strides = array<i32>} : memref<36x128xi32, #tpu.memory_space<vmem>>, vector<1x16xi32>,
    %swap3A_2377 = vector.shape_cast %swap3A_2376 : vector<1x16xi32> to vector<16xi32>
    %swap3A_2378 = vector.shape_cast %add3A_2372 : vector<16xi32> to vector<1x16xi32>
    tpu.vector_store %arg6[%swap3A_2374, %swap3A_2375], %swap3A_2378 {strides = array<i32>} : memref<36x128xi32, #tpu.memory_space<vmem>>, vector<1x16xi32>,
    %get3A_2379 = arith.constant 832 : index
    %get3A_2380 = tpu.vector_load %arg5[%get3A_2379] {strides = array<i32>} : memref<1536xi32, #tpu.memory_space<vmem>>, vector<16xi32>,
    %get3A_2381 = vector.shape_cast %get3A_2380 : vector<16xi32> to vector<16xi32>
    %add3A_2382 = arith.constant 8192 : i32
    %add3A_2383 = arith.addi %mul3A_40, %add3A_2382 : i32
    %add3A_2384 = vector.broadcast %add3A_2383 : i32 to vector<16xi32>
    %add3A_2385 = arith.addi %get3A_2381, %add3A_2384 : vector<16xi32>
    %swap3A_2386 = arith.constant 22 : i32
    %swap3A_2387 = arith.index_cast %swap3A_2386 : i32 to index
    %swap3A_2388 = arith.constant 64 : index
    %swap3A_2389 = tpu.vector_load %arg6[%swap3A_2387, %swap3A_2388] {strides = array<i32>} : memref<36x128xi32, #tpu.memory_space<vmem>>, vector<1x16xi32>,
    %swap3A_2390 = vector.shape_cast %swap3A_2389 : vector<1x16xi32> to vector<16xi32>
    %swap3A_2391 = vector.shape_cast %add3A_2385 : vector<16xi32> to vector<1x16xi32>
    tpu.vector_store %arg6[%swap3A_2387, %swap3A_2388], %swap3A_2391 {strides = array<i32>} : memref<36x128xi32, #tpu.memory_space<vmem>>, vector<1x16xi32>,
    %get3A_2392 = arith.constant 848 : index
    %get3A_2393 = tpu.vector_load %arg5[%get3A_2392] {strides = array<i32>} : memref<1536xi32, #tpu.memory_space<vmem>>, vector<16xi32>,
    %get3A_2394 = vector.shape_cast %get3A_2393 : vector<16xi32> to vector<16xi32>
    %add3A_2395 = arith.constant 8192 : i32
    %add3A_2396 = arith.addi %mul3A_40, %add3A_2395 : i32
    %add3A_2397 = vector.broadcast %add3A_2396 : i32 to vector<16xi32>
    %add3A_2398 = arith.addi %get3A_2394, %add3A_2397 : vector<16xi32>
    %swap3A_2399 = arith.constant 22 : i32
    %swap3A_2400 = arith.index_cast %swap3A_2399 : i32 to index
    %swap3A_2401 = arith.constant 80 : index
    %swap3A_2402 = tpu.vector_load %arg6[%swap3A_2400, %swap3A_2401] {strides = array<i32>} : memref<36x128xi32, #tpu.memory_space<vmem>>, vector<1x16xi32>,
    %swap3A_2403 = vector.shape_cast %swap3A_2402 : vector<1x16xi32> to vector<16xi32>
    %swap3A_2404 = vector.shape_cast %add3A_2398 : vector<16xi32> to vector<1x16xi32>
    tpu.vector_store %arg6[%swap3A_2400, %swap3A_2401], %swap3A_2404 {strides = array<i32>} : memref<36x128xi32, #tpu.memory_space<vmem>>, vector<1x16xi32>,
    %get3A_2405 = arith.constant 864 : index
    %get3A_2406 = tpu.vector_load %arg5[%get3A_2405] {strides = array<i32>} : memref<1536xi32, #tpu.memory_space<vmem>>, vector<16xi32>,
    %get3A_2407 = vector.shape_cast %get3A_2406 : vector<16xi32> to vector<16xi32>
    %add3A_2408 = arith.constant 8192 : i32
    %add3A_2409 = arith.addi %mul3A_40, %add3A_2408 : i32
    %add3A_2410 = vector.broadcast %add3A_2409 : i32 to vector<16xi32>
    %add3A_2411 = arith.addi %get3A_2407, %add3A_2410 : vector<16xi32>
    %swap3A_2412 = arith.constant 22 : i32
    %swap3A_2413 = arith.index_cast %swap3A_2412 : i32 to index
    %swap3A_2414 = arith.constant 96 : index
    %swap3A_2415 = tpu.vector_load %arg6[%swap3A_2413, %swap3A_2414] {strides = array<i32>} : memref<36x128xi32, #tpu.memory_space<vmem>>, vector<1x16xi32>,
    %swap3A_2416 = vector.shape_cast %swap3A_2415 : vector<1x16xi32> to vector<16xi32>
    %swap3A_2417 = vector.shape_cast %add3A_2411 : vector<16xi32> to vector<1x16xi32>
    tpu.vector_store %arg6[%swap3A_2413, %swap3A_2414], %swap3A_2417 {strides = array<i32>} : memref<36x128xi32, #tpu.memory_space<vmem>>, vector<1x16xi32>,
    %get3A_2418 = arith.constant 880 : index
    %get3A_2419 = tpu.vector_load %arg5[%get3A_2418] {strides = array<i32>} : memref<1536xi32, #tpu.memory_space<vmem>>, vector<16xi32>,
    %get3A_2420 = vector.shape_cast %get3A_2419 : vector<16xi32> to vector<16xi32>
    %add3A_2421 = arith.constant 8192 : i32
    %add3A_2422 = arith.addi %mul3A_40, %add3A_2421 : i32
    %add3A_2423 = vector.broadcast %add3A_2422 : i32 to vector<16xi32>
    %add3A_2424 = arith.addi %get3A_2420, %add3A_2423 : vector<16xi32>
    %swap3A_2425 = arith.constant 22 : i32
    %swap3A_2426 = arith.index_cast %swap3A_2425 : i32 to index
    %swap3A_2427 = arith.constant 112 : index
    %swap3A_2428 = tpu.vector_load %arg6[%swap3A_2426, %swap3A_2427] {strides = array<i32>} : memref<36x128xi32, #tpu.memory_space<vmem>>, vector<1x16xi32>,
    %swap3A_2429 = vector.shape_cast %swap3A_2428 : vector<1x16xi32> to vector<16xi32>
    %swap3A_2430 = vector.shape_cast %add3A_2424 : vector<16xi32> to vector<1x16xi32>
    tpu.vector_store %arg6[%swap3A_2426, %swap3A_2427], %swap3A_2430 {strides = array<i32>} : memref<36x128xi32, #tpu.memory_space<vmem>>, vector<1x16xi32>,
    %get3A_2431 = arith.constant 896 : index
    %get3A_2432 = tpu.vector_load %arg5[%get3A_2431] {strides = array<i32>} : memref<1536xi32, #tpu.memory_space<vmem>>, vector<16xi32>,
    %get3A_2433 = vector.shape_cast %get3A_2432 : vector<16xi32> to vector<16xi32>
    %add3A_2434 = arith.constant 8192 : i32
    %add3A_2435 = arith.addi %mul3A_40, %add3A_2434 : i32
    %add3A_2436 = vector.broadcast %add3A_2435 : i32 to vector<16xi32>
    %add3A_2437 = arith.addi %get3A_2433, %add3A_2436 : vector<16xi32>
    %swap3A_2438 = arith.constant 23 : i32
    %swap3A_2439 = arith.index_cast %swap3A_2438 : i32 to index
    %swap3A_2440 = arith.constant 0 : index
    %swap3A_2441 = tpu.vector_load %arg6[%swap3A_2439, %swap3A_2440] {strides = array<i32>} : memref<36x128xi32, #tpu.memory_space<vmem>>, vector<1x16xi32>,
    %swap3A_2442 = vector.shape_cast %swap3A_2441 : vector<1x16xi32> to vector<16xi32>
    %swap3A_2443 = vector.shape_cast %add3A_2437 : vector<16xi32> to vector<1x16xi32>
    tpu.vector_store %arg6[%swap3A_2439, %swap3A_2440], %swap3A_2443 {strides = array<i32>} : memref<36x128xi32, #tpu.memory_space<vmem>>, vector<1x16xi32>,
    %get3A_2444 = arith.constant 912 : index
    %get3A_2445 = tpu.vector_load %arg5[%get3A_2444] {strides = array<i32>} : memref<1536xi32, #tpu.memory_space<vmem>>, vector<16xi32>,
    %get3A_2446 = vector.shape_cast %get3A_2445 : vector<16xi32> to vector<16xi32>
    %add3A_2447 = arith.constant 8192 : i32
    %add3A_2448 = arith.addi %mul3A_40, %add3A_2447 : i32
    %add3A_2449 = vector.broadcast %add3A_2448 : i32 to vector<16xi32>
    %add3A_2450 = arith.addi %get3A_2446, %add3A_2449 : vector<16xi32>
    %swap3A_2451 = arith.constant 23 : i32
    %swap3A_2452 = arith.index_cast %swap3A_2451 : i32 to index
    %swap3A_2453 = arith.constant 16 : index
    %swap3A_2454 = tpu.vector_load %arg6[%swap3A_2452, %swap3A_2453] {strides = array<i32>} : memref<36x128xi32, #tpu.memory_space<vmem>>, vector<1x16xi32>,
    %swap3A_2455 = vector.shape_cast %swap3A_2454 : vector<1x16xi32> to vector<16xi32>
    %swap3A_2456 = vector.shape_cast %add3A_2450 : vector<16xi32> to vector<1x16xi32>
    tpu.vector_store %arg6[%swap3A_2452, %swap3A_2453], %swap3A_2456 {strides = array<i32>} : memref<36x128xi32, #tpu.memory_space<vmem>>, vector<1x16xi32>,
    %get3A_2457 = arith.constant 928 : index
    %get3A_2458 = tpu.vector_load %arg5[%get3A_2457] {strides = array<i32>} : memref<1536xi32, #tpu.memory_space<vmem>>, vector<16xi32>,
    %get3A_2459 = vector.shape_cast %get3A_2458 : vector<16xi32> to vector<16xi32>
    %add3A_2460 = arith.constant 8192 : i32
    %add3A_2461 = arith.addi %mul3A_40, %add3A_2460 : i32
    %add3A_2462 = vector.broadcast %add3A_2461 : i32 to vector<16xi32>
    %add3A_2463 = arith.addi %get3A_2459, %add3A_2462 : vector<16xi32>
    %swap3A_2464 = arith.constant 23 : i32
    %swap3A_2465 = arith.index_cast %swap3A_2464 : i32 to index
    %swap3A_2466 = arith.constant 32 : index
    %swap3A_2467 = tpu.vector_load %arg6[%swap3A_2465, %swap3A_2466] {strides = array<i32>} : memref<36x128xi32, #tpu.memory_space<vmem>>, vector<1x16xi32>,
    %swap3A_2468 = vector.shape_cast %swap3A_2467 : vector<1x16xi32> to vector<16xi32>
    %swap3A_2469 = vector.shape_cast %add3A_2463 : vector<16xi32> to vector<1x16xi32>
    tpu.vector_store %arg6[%swap3A_2465, %swap3A_2466], %swap3A_2469 {strides = array<i32>} : memref<36x128xi32, #tpu.memory_space<vmem>>, vector<1x16xi32>,
    %get3A_2470 = arith.constant 944 : index
    %get3A_2471 = tpu.vector_load %arg5[%get3A_2470] {strides = array<i32>} : memref<1536xi32, #tpu.memory_space<vmem>>, vector<16xi32>,
    %get3A_2472 = vector.shape_cast %get3A_2471 : vector<16xi32> to vector<16xi32>
    %add3A_2473 = arith.constant 8192 : i32
    %add3A_2474 = arith.addi %mul3A_40, %add3A_2473 : i32
    %add3A_2475 = vector.broadcast %add3A_2474 : i32 to vector<16xi32>
    %add3A_2476 = arith.addi %get3A_2472, %add3A_2475 : vector<16xi32>
    %swap3A_2477 = arith.constant 23 : i32
    %swap3A_2478 = arith.index_cast %swap3A_2477 : i32 to index
    %swap3A_2479 = arith.constant 48 : index
    %swap3A_2480 = tpu.vector_load %arg6[%swap3A_2478, %swap3A_2479] {strides = array<i32>} : memref<36x128xi32, #tpu.memory_space<vmem>>, vector<1x16xi32>,
    %swap3A_2481 = vector.shape_cast %swap3A_2480 : vector<1x16xi32> to vector<16xi32>
    %swap3A_2482 = vector.shape_cast %add3A_2476 : vector<16xi32> to vector<1x16xi32>
    tpu.vector_store %arg6[%swap3A_2478, %swap3A_2479], %swap3A_2482 {strides = array<i32>} : memref<36x128xi32, #tpu.memory_space<vmem>>, vector<1x16xi32>,
    %get3A_2483 = arith.constant 960 : index
    %get3A_2484 = tpu.vector_load %arg5[%get3A_2483] {strides = array<i32>} : memref<1536xi32, #tpu.memory_space<vmem>>, vector<16xi32>,
    %get3A_2485 = vector.shape_cast %get3A_2484 : vector<16xi32> to vector<16xi32>
    %add3A_2486 = arith.constant 8192 : i32
    %add3A_2487 = arith.addi %mul3A_40, %add3A_2486 : i32
    %add3A_2488 = vector.broadcast %add3A_2487 : i32 to vector<16xi32>
    %add3A_2489 = arith.addi %get3A_2485, %add3A_2488 : vector<16xi32>
    %swap3A_2490 = arith.constant 23 : i32
    %swap3A_2491 = arith.index_cast %swap3A_2490 : i32 to index
    %swap3A_2492 = arith.constant 64 : index
    %swap3A_2493 = tpu.vector_load %arg6[%swap3A_2491, %swap3A_2492] {strides = array<i32>} : memref<36x128xi32, #tpu.memory_space<vmem>>, vector<1x16xi32>,
    %swap3A_2494 = vector.shape_cast %swap3A_2493 : vector<1x16xi32> to vector<16xi32>
    %swap3A_2495 = vector.shape_cast %add3A_2489 : vector<16xi32> to vector<1x16xi32>
    tpu.vector_store %arg6[%swap3A_2491, %swap3A_2492], %swap3A_2495 {strides = array<i32>} : memref<36x128xi32, #tpu.memory_space<vmem>>, vector<1x16xi32>,
    %get3A_2496 = arith.constant 976 : index
    %get3A_2497 = tpu.vector_load %arg5[%get3A_2496] {strides = array<i32>} : memref<1536xi32, #tpu.memory_space<vmem>>, vector<16xi32>,
    %get3A_2498 = vector.shape_cast %get3A_2497 : vector<16xi32> to vector<16xi32>
    %add3A_2499 = arith.constant 8192 : i32
    %add3A_2500 = arith.addi %mul3A_40, %add3A_2499 : i32
    %add3A_2501 = vector.broadcast %add3A_2500 : i32 to vector<16xi32>
    %add3A_2502 = arith.addi %get3A_2498, %add3A_2501 : vector<16xi32>
    %swap3A_2503 = arith.constant 23 : i32
    %swap3A_2504 = arith.index_cast %swap3A_2503 : i32 to index
    %swap3A_2505 = arith.constant 80 : index
    %swap3A_2506 = tpu.vector_load %arg6[%swap3A_2504, %swap3A_2505] {strides = array<i32>} : memref<36x128xi32, #tpu.memory_space<vmem>>, vector<1x16xi32>,
    %swap3A_2507 = vector.shape_cast %swap3A_2506 : vector<1x16xi32> to vector<16xi32>
    %swap3A_2508 = vector.shape_cast %add3A_2502 : vector<16xi32> to vector<1x16xi32>
    tpu.vector_store %arg6[%swap3A_2504, %swap3A_2505], %swap3A_2508 {strides = array<i32>} : memref<36x128xi32, #tpu.memory_space<vmem>>, vector<1x16xi32>,
    %get3A_2509 = arith.constant 992 : index
    %get3A_2510 = tpu.vector_load %arg5[%get3A_2509] {strides = array<i32>} : memref<1536xi32, #tpu.memory_space<vmem>>, vector<16xi32>,
    %get3A_2511 = vector.shape_cast %get3A_2510 : vector<16xi32> to vector<16xi32>
    %add3A_2512 = arith.constant 8192 : i32
    %add3A_2513 = arith.addi %mul3A_40, %add3A_2512 : i32
    %add3A_2514 = vector.broadcast %add3A_2513 : i32 to vector<16xi32>
    %add3A_2515 = arith.addi %get3A_2511, %add3A_2514 : vector<16xi32>
    %swap3A_2516 = arith.constant 23 : i32
    %swap3A_2517 = arith.index_cast %swap3A_2516 : i32 to index
    %swap3A_2518 = arith.constant 96 : index
    %swap3A_2519 = tpu.vector_load %arg6[%swap3A_2517, %swap3A_2518] {strides = array<i32>} : memref<36x128xi32, #tpu.memory_space<vmem>>, vector<1x16xi32>,
    %swap3A_2520 = vector.shape_cast %swap3A_2519 : vector<1x16xi32> to vector<16xi32>
    %swap3A_2521 = vector.shape_cast %add3A_2515 : vector<16xi32> to vector<1x16xi32>
    tpu.vector_store %arg6[%swap3A_2517, %swap3A_2518], %swap3A_2521 {strides = array<i32>} : memref<36x128xi32, #tpu.memory_space<vmem>>, vector<1x16xi32>,
    %get3A_2522 = arith.constant 1008 : index
    %get3A_2523 = tpu.vector_load %arg5[%get3A_2522] {strides = array<i32>} : memref<1536xi32, #tpu.memory_space<vmem>>, vector<16xi32>,
    %get3A_2524 = vector.shape_cast %get3A_2523 : vector<16xi32> to vector<16xi32>
    %add3A_2525 = arith.constant 8192 : i32
    %add3A_2526 = arith.addi %mul3A_40, %add3A_2525 : i32
    %add3A_2527 = vector.broadcast %add3A_2526 : i32 to vector<16xi32>
    %add3A_2528 = arith.addi %get3A_2524, %add3A_2527 : vector<16xi32>
    %swap3A_2529 = arith.constant 23 : i32
    %swap3A_2530 = arith.index_cast %swap3A_2529 : i32 to index
    %swap3A_2531 = arith.constant 112 : index
    %swap3A_2532 = tpu.vector_load %arg6[%swap3A_2530, %swap3A_2531] {strides = array<i32>} : memref<36x128xi32, #tpu.memory_space<vmem>>, vector<1x16xi32>,
    %swap3A_2533 = vector.shape_cast %swap3A_2532 : vector<1x16xi32> to vector<16xi32>
    %swap3A_2534 = vector.shape_cast %add3A_2528 : vector<16xi32> to vector<1x16xi32>
    tpu.vector_store %arg6[%swap3A_2530, %swap3A_2531], %swap3A_2534 {strides = array<i32>} : memref<36x128xi32, #tpu.memory_space<vmem>>, vector<1x16xi32>,
    %get3A_2535 = arith.constant 1024 : index
    %get3A_2536 = tpu.vector_load %arg5[%get3A_2535] {strides = array<i32>} : memref<1536xi32, #tpu.memory_space<vmem>>, vector<16xi32>,
    %get3A_2537 = vector.shape_cast %get3A_2536 : vector<16xi32> to vector<16xi32>
    %add3A_2538 = arith.constant 0 : i32
    %add3A_2539 = arith.addi %mul3A_40, %add3A_2538 : i32
    %add3A_2540 = vector.broadcast %add3A_2539 : i32 to vector<16xi32>
    %add3A_2541 = arith.addi %get3A_2537, %add3A_2540 : vector<16xi32>
    %swap3A_2542 = arith.constant 24 : i32
    %swap3A_2543 = arith.index_cast %swap3A_2542 : i32 to index
    %swap3A_2544 = arith.constant 0 : index
    %swap3A_2545 = tpu.vector_load %arg6[%swap3A_2543, %swap3A_2544] {strides = array<i32>} : memref<36x128xi32, #tpu.memory_space<vmem>>, vector<1x16xi32>,
    %swap3A_2546 = vector.shape_cast %swap3A_2545 : vector<1x16xi32> to vector<16xi32>
    %swap3A_2547 = vector.shape_cast %add3A_2541 : vector<16xi32> to vector<1x16xi32>
    tpu.vector_store %arg6[%swap3A_2543, %swap3A_2544], %swap3A_2547 {strides = array<i32>} : memref<36x128xi32, #tpu.memory_space<vmem>>, vector<1x16xi32>,
    %get3A_2548 = arith.constant 1040 : index
    %get3A_2549 = tpu.vector_load %arg5[%get3A_2548] {strides = array<i32>} : memref<1536xi32, #tpu.memory_space<vmem>>, vector<16xi32>,
    %get3A_2550 = vector.shape_cast %get3A_2549 : vector<16xi32> to vector<16xi32>
    %add3A_2551 = arith.constant 0 : i32
    %add3A_2552 = arith.addi %mul3A_40, %add3A_2551 : i32
    %add3A_2553 = vector.broadcast %add3A_2552 : i32 to vector<16xi32>
    %add3A_2554 = arith.addi %get3A_2550, %add3A_2553 : vector<16xi32>
    %swap3A_2555 = arith.constant 24 : i32
    %swap3A_2556 = arith.index_cast %swap3A_2555 : i32 to index
    %swap3A_2557 = arith.constant 16 : index
    %swap3A_2558 = tpu.vector_load %arg6[%swap3A_2556, %swap3A_2557] {strides = array<i32>} : memref<36x128xi32, #tpu.memory_space<vmem>>, vector<1x16xi32>,
    %swap3A_2559 = vector.shape_cast %swap3A_2558 : vector<1x16xi32> to vector<16xi32>
    %swap3A_2560 = vector.shape_cast %add3A_2554 : vector<16xi32> to vector<1x16xi32>
    tpu.vector_store %arg6[%swap3A_2556, %swap3A_2557], %swap3A_2560 {strides = array<i32>} : memref<36x128xi32, #tpu.memory_space<vmem>>, vector<1x16xi32>,
    %get3A_2561 = arith.constant 1056 : index
    %get3A_2562 = tpu.vector_load %arg5[%get3A_2561] {strides = array<i32>} : memref<1536xi32, #tpu.memory_space<vmem>>, vector<16xi32>,
    %get3A_2563 = vector.shape_cast %get3A_2562 : vector<16xi32> to vector<16xi32>
    %add3A_2564 = arith.constant 0 : i32
    %add3A_2565 = arith.addi %mul3A_40, %add3A_2564 : i32
    %add3A_2566 = vector.broadcast %add3A_2565 : i32 to vector<16xi32>
    %add3A_2567 = arith.addi %get3A_2563, %add3A_2566 : vector<16xi32>
    %swap3A_2568 = arith.constant 24 : i32
    %swap3A_2569 = arith.index_cast %swap3A_2568 : i32 to index
    %swap3A_2570 = arith.constant 32 : index
    %swap3A_2571 = tpu.vector_load %arg6[%swap3A_2569, %swap3A_2570] {strides = array<i32>} : memref<36x128xi32, #tpu.memory_space<vmem>>, vector<1x16xi32>,
    %swap3A_2572 = vector.shape_cast %swap3A_2571 : vector<1x16xi32> to vector<16xi32>
    %swap3A_2573 = vector.shape_cast %add3A_2567 : vector<16xi32> to vector<1x16xi32>
    tpu.vector_store %arg6[%swap3A_2569, %swap3A_2570], %swap3A_2573 {strides = array<i32>} : memref<36x128xi32, #tpu.memory_space<vmem>>, vector<1x16xi32>,
    %get3A_2574 = arith.constant 1072 : index
    %get3A_2575 = tpu.vector_load %arg5[%get3A_2574] {strides = array<i32>} : memref<1536xi32, #tpu.memory_space<vmem>>, vector<16xi32>,
    %get3A_2576 = vector.shape_cast %get3A_2575 : vector<16xi32> to vector<16xi32>
    %add3A_2577 = arith.constant 0 : i32
    %add3A_2578 = arith.addi %mul3A_40, %add3A_2577 : i32
    %add3A_2579 = vector.broadcast %add3A_2578 : i32 to vector<16xi32>
    %add3A_2580 = arith.addi %get3A_2576, %add3A_2579 : vector<16xi32>
    %swap3A_2581 = arith.constant 24 : i32
    %swap3A_2582 = arith.index_cast %swap3A_2581 : i32 to index
    %swap3A_2583 = arith.constant 48 : index
    %swap3A_2584 = tpu.vector_load %arg6[%swap3A_2582, %swap3A_2583] {strides = array<i32>} : memref<36x128xi32, #tpu.memory_space<vmem>>, vector<1x16xi32>,
    %swap3A_2585 = vector.shape_cast %swap3A_2584 : vector<1x16xi32> to vector<16xi32>
    %swap3A_2586 = vector.shape_cast %add3A_2580 : vector<16xi32> to vector<1x16xi32>
    tpu.vector_store %arg6[%swap3A_2582, %swap3A_2583], %swap3A_2586 {strides = array<i32>} : memref<36x128xi32, #tpu.memory_space<vmem>>, vector<1x16xi32>,
    %get3A_2587 = arith.constant 1088 : index
    %get3A_2588 = tpu.vector_load %arg5[%get3A_2587] {strides = array<i32>} : memref<1536xi32, #tpu.memory_space<vmem>>, vector<16xi32>,
    %get3A_2589 = vector.shape_cast %get3A_2588 : vector<16xi32> to vector<16xi32>
    %add3A_2590 = arith.constant 0 : i32
    %add3A_2591 = arith.addi %mul3A_40, %add3A_2590 : i32
    %add3A_2592 = vector.broadcast %add3A_2591 : i32 to vector<16xi32>
    %add3A_2593 = arith.addi %get3A_2589, %add3A_2592 : vector<16xi32>
    %swap3A_2594 = arith.constant 24 : i32
    %swap3A_2595 = arith.index_cast %swap3A_2594 : i32 to index
    %swap3A_2596 = arith.constant 64 : index
    %swap3A_2597 = tpu.vector_load %arg6[%swap3A_2595, %swap3A_2596] {strides = array<i32>} : memref<36x128xi32, #tpu.memory_space<vmem>>, vector<1x16xi32>,
    %swap3A_2598 = vector.shape_cast %swap3A_2597 : vector<1x16xi32> to vector<16xi32>
    %swap3A_2599 = vector.shape_cast %add3A_2593 : vector<16xi32> to vector<1x16xi32>
    tpu.vector_store %arg6[%swap3A_2595, %swap3A_2596], %swap3A_2599 {strides = array<i32>} : memref<36x128xi32, #tpu.memory_space<vmem>>, vector<1x16xi32>,
    %get3A_2600 = arith.constant 1104 : index
    %get3A_2601 = tpu.vector_load %arg5[%get3A_2600] {strides = array<i32>} : memref<1536xi32, #tpu.memory_space<vmem>>, vector<16xi32>,
    %get3A_2602 = vector.shape_cast %get3A_2601 : vector<16xi32> to vector<16xi32>
    %add3A_2603 = arith.constant 0 : i32
    %add3A_2604 = arith.addi %mul3A_40, %add3A_2603 : i32
    %add3A_2605 = vector.broadcast %add3A_2604 : i32 to vector<16xi32>
    %add3A_2606 = arith.addi %get3A_2602, %add3A_2605 : vector<16xi32>
    %swap3A_2607 = arith.constant 24 : i32
    %swap3A_2608 = arith.index_cast %swap3A_2607 : i32 to index
    %swap3A_2609 = arith.constant 80 : index
    %swap3A_2610 = tpu.vector_load %arg6[%swap3A_2608, %swap3A_2609] {strides = array<i32>} : memref<36x128xi32, #tpu.memory_space<vmem>>, vector<1x16xi32>,
    %swap3A_2611 = vector.shape_cast %swap3A_2610 : vector<1x16xi32> to vector<16xi32>
    %swap3A_2612 = vector.shape_cast %add3A_2606 : vector<16xi32> to vector<1x16xi32>
    tpu.vector_store %arg6[%swap3A_2608, %swap3A_2609], %swap3A_2612 {strides = array<i32>} : memref<36x128xi32, #tpu.memory_space<vmem>>, vector<1x16xi32>,
    %get3A_2613 = arith.constant 1120 : index
    %get3A_2614 = tpu.vector_load %arg5[%get3A_2613] {strides = array<i32>} : memref<1536xi32, #tpu.memory_space<vmem>>, vector<16xi32>,
    %get3A_2615 = vector.shape_cast %get3A_2614 : vector<16xi32> to vector<16xi32>
    %add3A_2616 = arith.constant 0 : i32
    %add3A_2617 = arith.addi %mul3A_40, %add3A_2616 : i32
    %add3A_2618 = vector.broadcast %add3A_2617 : i32 to vector<16xi32>
    %add3A_2619 = arith.addi %get3A_2615, %add3A_2618 : vector<16xi32>
    %swap3A_2620 = arith.constant 24 : i32
    %swap3A_2621 = arith.index_cast %swap3A_2620 : i32 to index
    %swap3A_2622 = arith.constant 96 : index
    %swap3A_2623 = tpu.vector_load %arg6[%swap3A_2621, %swap3A_2622] {strides = array<i32>} : memref<36x128xi32, #tpu.memory_space<vmem>>, vector<1x16xi32>,
    %swap3A_2624 = vector.shape_cast %swap3A_2623 : vector<1x16xi32> to vector<16xi32>
    %swap3A_2625 = vector.shape_cast %add3A_2619 : vector<16xi32> to vector<1x16xi32>
    tpu.vector_store %arg6[%swap3A_2621, %swap3A_2622], %swap3A_2625 {strides = array<i32>} : memref<36x128xi32, #tpu.memory_space<vmem>>, vector<1x16xi32>,
    %get3A_2626 = arith.constant 1136 : index
    %get3A_2627 = tpu.vector_load %arg5[%get3A_2626] {strides = array<i32>} : memref<1536xi32, #tpu.memory_space<vmem>>, vector<16xi32>,
    %get3A_2628 = vector.shape_cast %get3A_2627 : vector<16xi32> to vector<16xi32>
    %add3A_2629 = arith.constant 0 : i32
    %add3A_2630 = arith.addi %mul3A_40, %add3A_2629 : i32
    %add3A_2631 = vector.broadcast %add3A_2630 : i32 to vector<16xi32>
    %add3A_2632 = arith.addi %get3A_2628, %add3A_2631 : vector<16xi32>
    %swap3A_2633 = arith.constant 24 : i32
    %swap3A_2634 = arith.index_cast %swap3A_2633 : i32 to index
    %swap3A_2635 = arith.constant 112 : index
    %swap3A_2636 = tpu.vector_load %arg6[%swap3A_2634, %swap3A_2635] {strides = array<i32>} : memref<36x128xi32, #tpu.memory_space<vmem>>, vector<1x16xi32>,
    %swap3A_2637 = vector.shape_cast %swap3A_2636 : vector<1x16xi32> to vector<16xi32>
    %swap3A_2638 = vector.shape_cast %add3A_2632 : vector<16xi32> to vector<1x16xi32>
    tpu.vector_store %arg6[%swap3A_2634, %swap3A_2635], %swap3A_2638 {strides = array<i32>} : memref<36x128xi32, #tpu.memory_space<vmem>>, vector<1x16xi32>,
    %get3A_2639 = arith.constant 1152 : index
    %get3A_2640 = tpu.vector_load %arg5[%get3A_2639] {strides = array<i32>} : memref<1536xi32, #tpu.memory_space<vmem>>, vector<16xi32>,
    %get3A_2641 = vector.shape_cast %get3A_2640 : vector<16xi32> to vector<16xi32>
    %add3A_2642 = arith.constant 0 : i32
    %add3A_2643 = arith.addi %mul3A_40, %add3A_2642 : i32
    %add3A_2644 = vector.broadcast %add3A_2643 : i32 to vector<16xi32>
    %add3A_2645 = arith.addi %get3A_2641, %add3A_2644 : vector<16xi32>
    %swap3A_2646 = arith.constant 25 : i32
    %swap3A_2647 = arith.index_cast %swap3A_2646 : i32 to index
    %swap3A_2648 = arith.constant 0 : index
    %swap3A_2649 = tpu.vector_load %arg6[%swap3A_2647, %swap3A_2648] {strides = array<i32>} : memref<36x128xi32, #tpu.memory_space<vmem>>, vector<1x16xi32>,
    %swap3A_2650 = vector.shape_cast %swap3A_2649 : vector<1x16xi32> to vector<16xi32>
    %swap3A_2651 = vector.shape_cast %add3A_2645 : vector<16xi32> to vector<1x16xi32>
    tpu.vector_store %arg6[%swap3A_2647, %swap3A_2648], %swap3A_2651 {strides = array<i32>} : memref<36x128xi32, #tpu.memory_space<vmem>>, vector<1x16xi32>,
    %get3A_2652 = arith.constant 1168 : index
    %get3A_2653 = tpu.vector_load %arg5[%get3A_2652] {strides = array<i32>} : memref<1536xi32, #tpu.memory_space<vmem>>, vector<16xi32>,
    %get3A_2654 = vector.shape_cast %get3A_2653 : vector<16xi32> to vector<16xi32>
    %add3A_2655 = arith.constant 0 : i32
    %add3A_2656 = arith.addi %mul3A_40, %add3A_2655 : i32
    %add3A_2657 = vector.broadcast %add3A_2656 : i32 to vector<16xi32>
    %add3A_2658 = arith.addi %get3A_2654, %add3A_2657 : vector<16xi32>
    %swap3A_2659 = arith.constant 25 : i32
    %swap3A_2660 = arith.index_cast %swap3A_2659 : i32 to index
    %swap3A_2661 = arith.constant 16 : index
    %swap3A_2662 = tpu.vector_load %arg6[%swap3A_2660, %swap3A_2661] {strides = array<i32>} : memref<36x128xi32, #tpu.memory_space<vmem>>, vector<1x16xi32>,
    %swap3A_2663 = vector.shape_cast %swap3A_2662 : vector<1x16xi32> to vector<16xi32>
    %swap3A_2664 = vector.shape_cast %add3A_2658 : vector<16xi32> to vector<1x16xi32>
    tpu.vector_store %arg6[%swap3A_2660, %swap3A_2661], %swap3A_2664 {strides = array<i32>} : memref<36x128xi32, #tpu.memory_space<vmem>>, vector<1x16xi32>,
    %get3A_2665 = arith.constant 1184 : index
    %get3A_2666 = tpu.vector_load %arg5[%get3A_2665] {strides = array<i32>} : memref<1536xi32, #tpu.memory_space<vmem>>, vector<16xi32>,
    %get3A_2667 = vector.shape_cast %get3A_2666 : vector<16xi32> to vector<16xi32>
    %add3A_2668 = arith.constant 0 : i32
    %add3A_2669 = arith.addi %mul3A_40, %add3A_2668 : i32
    %add3A_2670 = vector.broadcast %add3A_2669 : i32 to vector<16xi32>
    %add3A_2671 = arith.addi %get3A_2667, %add3A_2670 : vector<16xi32>
    %swap3A_2672 = arith.constant 25 : i32
    %swap3A_2673 = arith.index_cast %swap3A_2672 : i32 to index
    %swap3A_2674 = arith.constant 32 : index
    %swap3A_2675 = tpu.vector_load %arg6[%swap3A_2673, %swap3A_2674] {strides = array<i32>} : memref<36x128xi32, #tpu.memory_space<vmem>>, vector<1x16xi32>,
    %swap3A_2676 = vector.shape_cast %swap3A_2675 : vector<1x16xi32> to vector<16xi32>
    %swap3A_2677 = vector.shape_cast %add3A_2671 : vector<16xi32> to vector<1x16xi32>
    tpu.vector_store %arg6[%swap3A_2673, %swap3A_2674], %swap3A_2677 {strides = array<i32>} : memref<36x128xi32, #tpu.memory_space<vmem>>, vector<1x16xi32>,
    %get3A_2678 = arith.constant 1200 : index
    %get3A_2679 = tpu.vector_load %arg5[%get3A_2678] {strides = array<i32>} : memref<1536xi32, #tpu.memory_space<vmem>>, vector<16xi32>,
    %get3A_2680 = vector.shape_cast %get3A_2679 : vector<16xi32> to vector<16xi32>
    %add3A_2681 = arith.constant 0 : i32
    %add3A_2682 = arith.addi %mul3A_40, %add3A_2681 : i32
    %add3A_2683 = vector.broadcast %add3A_2682 : i32 to vector<16xi32>
    %add3A_2684 = arith.addi %get3A_2680, %add3A_2683 : vector<16xi32>
    %swap3A_2685 = arith.constant 25 : i32
    %swap3A_2686 = arith.index_cast %swap3A_2685 : i32 to index
    %swap3A_2687 = arith.constant 48 : index
    %swap3A_2688 = tpu.vector_load %arg6[%swap3A_2686, %swap3A_2687] {strides = array<i32>} : memref<36x128xi32, #tpu.memory_space<vmem>>, vector<1x16xi32>,
    %swap3A_2689 = vector.shape_cast %swap3A_2688 : vector<1x16xi32> to vector<16xi32>
    %swap3A_2690 = vector.shape_cast %add3A_2684 : vector<16xi32> to vector<1x16xi32>
    tpu.vector_store %arg6[%swap3A_2686, %swap3A_2687], %swap3A_2690 {strides = array<i32>} : memref<36x128xi32, #tpu.memory_space<vmem>>, vector<1x16xi32>,
    %get3A_2691 = arith.constant 1216 : index
    %get3A_2692 = tpu.vector_load %arg5[%get3A_2691] {strides = array<i32>} : memref<1536xi32, #tpu.memory_space<vmem>>, vector<16xi32>,
    %get3A_2693 = vector.shape_cast %get3A_2692 : vector<16xi32> to vector<16xi32>
    %add3A_2694 = arith.constant 0 : i32
    %add3A_2695 = arith.addi %mul3A_40, %add3A_2694 : i32
    %add3A_2696 = vector.broadcast %add3A_2695 : i32 to vector<16xi32>
    %add3A_2697 = arith.addi %get3A_2693, %add3A_2696 : vector<16xi32>
    %swap3A_2698 = arith.constant 25 : i32
    %swap3A_2699 = arith.index_cast %swap3A_2698 : i32 to index
    %swap3A_2700 = arith.constant 64 : index
    %swap3A_2701 = tpu.vector_load %arg6[%swap3A_2699, %swap3A_2700] {strides = array<i32>} : memref<36x128xi32, #tpu.memory_space<vmem>>, vector<1x16xi32>,
    %swap3A_2702 = vector.shape_cast %swap3A_2701 : vector<1x16xi32> to vector<16xi32>
    %swap3A_2703 = vector.shape_cast %add3A_2697 : vector<16xi32> to vector<1x16xi32>
    tpu.vector_store %arg6[%swap3A_2699, %swap3A_2700], %swap3A_2703 {strides = array<i32>} : memref<36x128xi32, #tpu.memory_space<vmem>>, vector<1x16xi32>,
    %get3A_2704 = arith.constant 1232 : index
    %get3A_2705 = tpu.vector_load %arg5[%get3A_2704] {strides = array<i32>} : memref<1536xi32, #tpu.memory_space<vmem>>, vector<16xi32>,
    %get3A_2706 = vector.shape_cast %get3A_2705 : vector<16xi32> to vector<16xi32>
    %add3A_2707 = arith.constant 0 : i32
    %add3A_2708 = arith.addi %mul3A_40, %add3A_2707 : i32
    %add3A_2709 = vector.broadcast %add3A_2708 : i32 to vector<16xi32>
    %add3A_2710 = arith.addi %get3A_2706, %add3A_2709 : vector<16xi32>
    %swap3A_2711 = arith.constant 25 : i32
    %swap3A_2712 = arith.index_cast %swap3A_2711 : i32 to index
    %swap3A_2713 = arith.constant 80 : index
    %swap3A_2714 = tpu.vector_load %arg6[%swap3A_2712, %swap3A_2713] {strides = array<i32>} : memref<36x128xi32, #tpu.memory_space<vmem>>, vector<1x16xi32>,
    %swap3A_2715 = vector.shape_cast %swap3A_2714 : vector<1x16xi32> to vector<16xi32>
    %swap3A_2716 = vector.shape_cast %add3A_2710 : vector<16xi32> to vector<1x16xi32>
    tpu.vector_store %arg6[%swap3A_2712, %swap3A_2713], %swap3A_2716 {strides = array<i32>} : memref<36x128xi32, #tpu.memory_space<vmem>>, vector<1x16xi32>,
    %get3A_2717 = arith.constant 1248 : index
    %get3A_2718 = tpu.vector_load %arg5[%get3A_2717] {strides = array<i32>} : memref<1536xi32, #tpu.memory_space<vmem>>, vector<16xi32>,
    %get3A_2719 = vector.shape_cast %get3A_2718 : vector<16xi32> to vector<16xi32>
    %add3A_2720 = arith.constant 0 : i32
    %add3A_2721 = arith.addi %mul3A_40, %add3A_2720 : i32
    %add3A_2722 = vector.broadcast %add3A_2721 : i32 to vector<16xi32>
    %add3A_2723 = arith.addi %get3A_2719, %add3A_2722 : vector<16xi32>
    %swap3A_2724 = arith.constant 25 : i32
    %swap3A_2725 = arith.index_cast %swap3A_2724 : i32 to index
    %swap3A_2726 = arith.constant 96 : index
    %swap3A_2727 = tpu.vector_load %arg6[%swap3A_2725, %swap3A_2726] {strides = array<i32>} : memref<36x128xi32, #tpu.memory_space<vmem>>, vector<1x16xi32>,
    %swap3A_2728 = vector.shape_cast %swap3A_2727 : vector<1x16xi32> to vector<16xi32>
    %swap3A_2729 = vector.shape_cast %add3A_2723 : vector<16xi32> to vector<1x16xi32>
    tpu.vector_store %arg6[%swap3A_2725, %swap3A_2726], %swap3A_2729 {strides = array<i32>} : memref<36x128xi32, #tpu.memory_space<vmem>>, vector<1x16xi32>,
    %get3A_2730 = arith.constant 1264 : index
    %get3A_2731 = tpu.vector_load %arg5[%get3A_2730] {strides = array<i32>} : memref<1536xi32, #tpu.memory_space<vmem>>, vector<16xi32>,
    %get3A_2732 = vector.shape_cast %get3A_2731 : vector<16xi32> to vector<16xi32>
    %add3A_2733 = arith.constant 0 : i32
    %add3A_2734 = arith.addi %mul3A_40, %add3A_2733 : i32
    %add3A_2735 = vector.broadcast %add3A_2734 : i32 to vector<16xi32>
    %add3A_2736 = arith.addi %get3A_2732, %add3A_2735 : vector<16xi32>
    %swap3A_2737 = arith.constant 25 : i32
    %swap3A_2738 = arith.index_cast %swap3A_2737 : i32 to index
    %swap3A_2739 = arith.constant 112 : index
    %swap3A_2740 = tpu.vector_load %arg6[%swap3A_2738, %swap3A_2739] {strides = array<i32>} : memref<36x128xi32, #tpu.memory_space<vmem>>, vector<1x16xi32>,
    %swap3A_2741 = vector.shape_cast %swap3A_2740 : vector<1x16xi32> to vector<16xi32>
    %swap3A_2742 = vector.shape_cast %add3A_2736 : vector<16xi32> to vector<1x16xi32>
    tpu.vector_store %arg6[%swap3A_2738, %swap3A_2739], %swap3A_2742 {strides = array<i32>} : memref<36x128xi32, #tpu.memory_space<vmem>>, vector<1x16xi32>,
    %get3A_2743 = arith.constant 1280 : index
    %get3A_2744 = tpu.vector_load %arg5[%get3A_2743] {strides = array<i32>} : memref<1536xi32, #tpu.memory_space<vmem>>, vector<16xi32>,
    %get3A_2745 = vector.shape_cast %get3A_2744 : vector<16xi32> to vector<16xi32>
    %add3A_2746 = arith.constant 0 : i32
    %add3A_2747 = arith.addi %mul3A_40, %add3A_2746 : i32
    %add3A_2748 = vector.broadcast %add3A_2747 : i32 to vector<16xi32>
    %add3A_2749 = arith.addi %get3A_2745, %add3A_2748 : vector<16xi32>
    %swap3A_2750 = arith.constant 26 : i32
    %swap3A_2751 = arith.index_cast %swap3A_2750 : i32 to index
    %swap3A_2752 = arith.constant 0 : index
    %swap3A_2753 = tpu.vector_load %arg6[%swap3A_2751, %swap3A_2752] {strides = array<i32>} : memref<36x128xi32, #tpu.memory_space<vmem>>, vector<1x16xi32>,
    %swap3A_2754 = vector.shape_cast %swap3A_2753 : vector<1x16xi32> to vector<16xi32>
    %swap3A_2755 = vector.shape_cast %add3A_2749 : vector<16xi32> to vector<1x16xi32>
    tpu.vector_store %arg6[%swap3A_2751, %swap3A_2752], %swap3A_2755 {strides = array<i32>} : memref<36x128xi32, #tpu.memory_space<vmem>>, vector<1x16xi32>,
    %get3A_2756 = arith.constant 1296 : index
    %get3A_2757 = tpu.vector_load %arg5[%get3A_2756] {strides = array<i32>} : memref<1536xi32, #tpu.memory_space<vmem>>, vector<16xi32>,
    %get3A_2758 = vector.shape_cast %get3A_2757 : vector<16xi32> to vector<16xi32>
    %add3A_2759 = arith.constant 0 : i32
    %add3A_2760 = arith.addi %mul3A_40, %add3A_2759 : i32
    %add3A_2761 = vector.broadcast %add3A_2760 : i32 to vector<16xi32>
    %add3A_2762 = arith.addi %get3A_2758, %add3A_2761 : vector<16xi32>
    %swap3A_2763 = arith.constant 26 : i32
    %swap3A_2764 = arith.index_cast %swap3A_2763 : i32 to index
    %swap3A_2765 = arith.constant 16 : index
    %swap3A_2766 = tpu.vector_load %arg6[%swap3A_2764, %swap3A_2765] {strides = array<i32>} : memref<36x128xi32, #tpu.memory_space<vmem>>, vector<1x16xi32>,
    %swap3A_2767 = vector.shape_cast %swap3A_2766 : vector<1x16xi32> to vector<16xi32>
    %swap3A_2768 = vector.shape_cast %add3A_2762 : vector<16xi32> to vector<1x16xi32>
    tpu.vector_store %arg6[%swap3A_2764, %swap3A_2765], %swap3A_2768 {strides = array<i32>} : memref<36x128xi32, #tpu.memory_space<vmem>>, vector<1x16xi32>,
    %get3A_2769 = arith.constant 1312 : index
    %get3A_2770 = tpu.vector_load %arg5[%get3A_2769] {strides = array<i32>} : memref<1536xi32, #tpu.memory_space<vmem>>, vector<16xi32>,
    %get3A_2771 = vector.shape_cast %get3A_2770 : vector<16xi32> to vector<16xi32>
    %add3A_2772 = arith.constant 0 : i32
    %add3A_2773 = arith.addi %mul3A_40, %add3A_2772 : i32
    %add3A_2774 = vector.broadcast %add3A_2773 : i32 to vector<16xi32>
    %add3A_2775 = arith.addi %get3A_2771, %add3A_2774 : vector<16xi32>
    %swap3A_2776 = arith.constant 26 : i32
    %swap3A_2777 = arith.index_cast %swap3A_2776 : i32 to index
    %swap3A_2778 = arith.constant 32 : index
    %swap3A_2779 = tpu.vector_load %arg6[%swap3A_2777, %swap3A_2778] {strides = array<i32>} : memref<36x128xi32, #tpu.memory_space<vmem>>, vector<1x16xi32>,
    %swap3A_2780 = vector.shape_cast %swap3A_2779 : vector<1x16xi32> to vector<16xi32>
    %swap3A_2781 = vector.shape_cast %add3A_2775 : vector<16xi32> to vector<1x16xi32>
    tpu.vector_store %arg6[%swap3A_2777, %swap3A_2778], %swap3A_2781 {strides = array<i32>} : memref<36x128xi32, #tpu.memory_space<vmem>>, vector<1x16xi32>,
    %get3A_2782 = arith.constant 1328 : index
    %get3A_2783 = tpu.vector_load %arg5[%get3A_2782] {strides = array<i32>} : memref<1536xi32, #tpu.memory_space<vmem>>, vector<16xi32>,
    %get3A_2784 = vector.shape_cast %get3A_2783 : vector<16xi32> to vector<16xi32>
    %add3A_2785 = arith.constant 0 : i32
    %add3A_2786 = arith.addi %mul3A_40, %add3A_2785 : i32
    %add3A_2787 = vector.broadcast %add3A_2786 : i32 to vector<16xi32>
    %add3A_2788 = arith.addi %get3A_2784, %add3A_2787 : vector<16xi32>
    %swap3A_2789 = arith.constant 26 : i32
    %swap3A_2790 = arith.index_cast %swap3A_2789 : i32 to index
    %swap3A_2791 = arith.constant 48 : index
    %swap3A_2792 = tpu.vector_load %arg6[%swap3A_2790, %swap3A_2791] {strides = array<i32>} : memref<36x128xi32, #tpu.memory_space<vmem>>, vector<1x16xi32>,
    %swap3A_2793 = vector.shape_cast %swap3A_2792 : vector<1x16xi32> to vector<16xi32>
    %swap3A_2794 = vector.shape_cast %add3A_2788 : vector<16xi32> to vector<1x16xi32>
    tpu.vector_store %arg6[%swap3A_2790, %swap3A_2791], %swap3A_2794 {strides = array<i32>} : memref<36x128xi32, #tpu.memory_space<vmem>>, vector<1x16xi32>,
    %get3A_2795 = arith.constant 1344 : index
    %get3A_2796 = tpu.vector_load %arg5[%get3A_2795] {strides = array<i32>} : memref<1536xi32, #tpu.memory_space<vmem>>, vector<16xi32>,
    %get3A_2797 = vector.shape_cast %get3A_2796 : vector<16xi32> to vector<16xi32>
    %add3A_2798 = arith.constant 0 : i32
    %add3A_2799 = arith.addi %mul3A_40, %add3A_2798 : i32
    %add3A_2800 = vector.broadcast %add3A_2799 : i32 to vector<16xi32>
    %add3A_2801 = arith.addi %get3A_2797, %add3A_2800 : vector<16xi32>
    %swap3A_2802 = arith.constant 26 : i32
    %swap3A_2803 = arith.index_cast %swap3A_2802 : i32 to index
    %swap3A_2804 = arith.constant 64 : index
    %swap3A_2805 = tpu.vector_load %arg6[%swap3A_2803, %swap3A_2804] {strides = array<i32>} : memref<36x128xi32, #tpu.memory_space<vmem>>, vector<1x16xi32>,
    %swap3A_2806 = vector.shape_cast %swap3A_2805 : vector<1x16xi32> to vector<16xi32>
    %swap3A_2807 = vector.shape_cast %add3A_2801 : vector<16xi32> to vector<1x16xi32>
    tpu.vector_store %arg6[%swap3A_2803, %swap3A_2804], %swap3A_2807 {strides = array<i32>} : memref<36x128xi32, #tpu.memory_space<vmem>>, vector<1x16xi32>,
    %get3A_2808 = arith.constant 1360 : index
    %get3A_2809 = tpu.vector_load %arg5[%get3A_2808] {strides = array<i32>} : memref<1536xi32, #tpu.memory_space<vmem>>, vector<16xi32>,
    %get3A_2810 = vector.shape_cast %get3A_2809 : vector<16xi32> to vector<16xi32>
    %add3A_2811 = arith.constant 0 : i32
    %add3A_2812 = arith.addi %mul3A_40, %add3A_2811 : i32
    %add3A_2813 = vector.broadcast %add3A_2812 : i32 to vector<16xi32>
    %add3A_2814 = arith.addi %get3A_2810, %add3A_2813 : vector<16xi32>
    %swap3A_2815 = arith.constant 26 : i32
    %swap3A_2816 = arith.index_cast %swap3A_2815 : i32 to index
    %swap3A_2817 = arith.constant 80 : index
    %swap3A_2818 = tpu.vector_load %arg6[%swap3A_2816, %swap3A_2817] {strides = array<i32>} : memref<36x128xi32, #tpu.memory_space<vmem>>, vector<1x16xi32>,
    %swap3A_2819 = vector.shape_cast %swap3A_2818 : vector<1x16xi32> to vector<16xi32>
    %swap3A_2820 = vector.shape_cast %add3A_2814 : vector<16xi32> to vector<1x16xi32>
    tpu.vector_store %arg6[%swap3A_2816, %swap3A_2817], %swap3A_2820 {strides = array<i32>} : memref<36x128xi32, #tpu.memory_space<vmem>>, vector<1x16xi32>,
    %get3A_2821 = arith.constant 1376 : index
    %get3A_2822 = tpu.vector_load %arg5[%get3A_2821] {strides = array<i32>} : memref<1536xi32, #tpu.memory_space<vmem>>, vector<16xi32>,
    %get3A_2823 = vector.shape_cast %get3A_2822 : vector<16xi32> to vector<16xi32>
    %add3A_2824 = arith.constant 0 : i32
    %add3A_2825 = arith.addi %mul3A_40, %add3A_2824 : i32
    %add3A_2826 = vector.broadcast %add3A_2825 : i32 to vector<16xi32>
    %add3A_2827 = arith.addi %get3A_2823, %add3A_2826 : vector<16xi32>
    %swap3A_2828 = arith.constant 26 : i32
    %swap3A_2829 = arith.index_cast %swap3A_2828 : i32 to index
    %swap3A_2830 = arith.constant 96 : index
    %swap3A_2831 = tpu.vector_load %arg6[%swap3A_2829, %swap3A_2830] {strides = array<i32>} : memref<36x128xi32, #tpu.memory_space<vmem>>, vector<1x16xi32>,
    %swap3A_2832 = vector.shape_cast %swap3A_2831 : vector<1x16xi32> to vector<16xi32>
    %swap3A_2833 = vector.shape_cast %add3A_2827 : vector<16xi32> to vector<1x16xi32>
    tpu.vector_store %arg6[%swap3A_2829, %swap3A_2830], %swap3A_2833 {strides = array<i32>} : memref<36x128xi32, #tpu.memory_space<vmem>>, vector<1x16xi32>,
    %get3A_2834 = arith.constant 1392 : index
    %get3A_2835 = tpu.vector_load %arg5[%get3A_2834] {strides = array<i32>} : memref<1536xi32, #tpu.memory_space<vmem>>, vector<16xi32>,
    %get3A_2836 = vector.shape_cast %get3A_2835 : vector<16xi32> to vector<16xi32>
    %add3A_2837 = arith.constant 0 : i32
    %add3A_2838 = arith.addi %mul3A_40, %add3A_2837 : i32
    %add3A_2839 = vector.broadcast %add3A_2838 : i32 to vector<16xi32>
    %add3A_2840 = arith.addi %get3A_2836, %add3A_2839 : vector<16xi32>
    %swap3A_2841 = arith.constant 26 : i32
    %swap3A_2842 = arith.index_cast %swap3A_2841 : i32 to index
    %swap3A_2843 = arith.constant 112 : index
    %swap3A_2844 = tpu.vector_load %arg6[%swap3A_2842, %swap3A_2843] {strides = array<i32>} : memref<36x128xi32, #tpu.memory_space<vmem>>, vector<1x16xi32>,
    %swap3A_2845 = vector.shape_cast %swap3A_2844 : vector<1x16xi32> to vector<16xi32>
    %swap3A_2846 = vector.shape_cast %add3A_2840 : vector<16xi32> to vector<1x16xi32>
    tpu.vector_store %arg6[%swap3A_2842, %swap3A_2843], %swap3A_2846 {strides = array<i32>} : memref<36x128xi32, #tpu.memory_space<vmem>>, vector<1x16xi32>,
    %get3A_2847 = arith.constant 1408 : index
    %get3A_2848 = tpu.vector_load %arg5[%get3A_2847] {strides = array<i32>} : memref<1536xi32, #tpu.memory_space<vmem>>, vector<16xi32>,
    %get3A_2849 = vector.shape_cast %get3A_2848 : vector<16xi32> to vector<16xi32>
    %add3A_2850 = arith.constant 0 : i32
    %add3A_2851 = arith.addi %mul3A_40, %add3A_2850 : i32
    %add3A_2852 = vector.broadcast %add3A_2851 : i32 to vector<16xi32>
    %add3A_2853 = arith.addi %get3A_2849, %add3A_2852 : vector<16xi32>
    %swap3A_2854 = arith.constant 27 : i32
    %swap3A_2855 = arith.index_cast %swap3A_2854 : i32 to index
    %swap3A_2856 = arith.constant 0 : index
    %swap3A_2857 = tpu.vector_load %arg6[%swap3A_2855, %swap3A_2856] {strides = array<i32>} : memref<36x128xi32, #tpu.memory_space<vmem>>, vector<1x16xi32>,
    %swap3A_2858 = vector.shape_cast %swap3A_2857 : vector<1x16xi32> to vector<16xi32>
    %swap3A_2859 = vector.shape_cast %add3A_2853 : vector<16xi32> to vector<1x16xi32>
    tpu.vector_store %arg6[%swap3A_2855, %swap3A_2856], %swap3A_2859 {strides = array<i32>} : memref<36x128xi32, #tpu.memory_space<vmem>>, vector<1x16xi32>,
    %get3A_2860 = arith.constant 1424 : index
    %get3A_2861 = tpu.vector_load %arg5[%get3A_2860] {strides = array<i32>} : memref<1536xi32, #tpu.memory_space<vmem>>, vector<16xi32>,
    %get3A_2862 = vector.shape_cast %get3A_2861 : vector<16xi32> to vector<16xi32>
    %add3A_2863 = arith.constant 0 : i32
    %add3A_2864 = arith.addi %mul3A_40, %add3A_2863 : i32
    %add3A_2865 = vector.broadcast %add3A_2864 : i32 to vector<16xi32>
    %add3A_2866 = arith.addi %get3A_2862, %add3A_2865 : vector<16xi32>
    %swap3A_2867 = arith.constant 27 : i32
    %swap3A_2868 = arith.index_cast %swap3A_2867 : i32 to index
    %swap3A_2869 = arith.constant 16 : index
    %swap3A_2870 = tpu.vector_load %arg6[%swap3A_2868, %swap3A_2869] {strides = array<i32>} : memref<36x128xi32, #tpu.memory_space<vmem>>, vector<1x16xi32>,
    %swap3A_2871 = vector.shape_cast %swap3A_2870 : vector<1x16xi32> to vector<16xi32>
    %swap3A_2872 = vector.shape_cast %add3A_2866 : vector<16xi32> to vector<1x16xi32>
    tpu.vector_store %arg6[%swap3A_2868, %swap3A_2869], %swap3A_2872 {strides = array<i32>} : memref<36x128xi32, #tpu.memory_space<vmem>>, vector<1x16xi32>,
    %get3A_2873 = arith.constant 1440 : index
    %get3A_2874 = tpu.vector_load %arg5[%get3A_2873] {strides = array<i32>} : memref<1536xi32, #tpu.memory_space<vmem>>, vector<16xi32>,
    %get3A_2875 = vector.shape_cast %get3A_2874 : vector<16xi32> to vector<16xi32>
    %add3A_2876 = arith.constant 0 : i32
    %add3A_2877 = arith.addi %mul3A_40, %add3A_2876 : i32
    %add3A_2878 = vector.broadcast %add3A_2877 : i32 to vector<16xi32>
    %add3A_2879 = arith.addi %get3A_2875, %add3A_2878 : vector<16xi32>
    %swap3A_2880 = arith.constant 27 : i32
    %swap3A_2881 = arith.index_cast %swap3A_2880 : i32 to index
    %swap3A_2882 = arith.constant 32 : index
    %swap3A_2883 = tpu.vector_load %arg6[%swap3A_2881, %swap3A_2882] {strides = array<i32>} : memref<36x128xi32, #tpu.memory_space<vmem>>, vector<1x16xi32>,
    %swap3A_2884 = vector.shape_cast %swap3A_2883 : vector<1x16xi32> to vector<16xi32>
    %swap3A_2885 = vector.shape_cast %add3A_2879 : vector<16xi32> to vector<1x16xi32>
    tpu.vector_store %arg6[%swap3A_2881, %swap3A_2882], %swap3A_2885 {strides = array<i32>} : memref<36x128xi32, #tpu.memory_space<vmem>>, vector<1x16xi32>,
    %get3A_2886 = arith.constant 1456 : index
    %get3A_2887 = tpu.vector_load %arg5[%get3A_2886] {strides = array<i32>} : memref<1536xi32, #tpu.memory_space<vmem>>, vector<16xi32>,
    %get3A_2888 = vector.shape_cast %get3A_2887 : vector<16xi32> to vector<16xi32>
    %add3A_2889 = arith.constant 0 : i32
    %add3A_2890 = arith.addi %mul3A_40, %add3A_2889 : i32
    %add3A_2891 = vector.broadcast %add3A_2890 : i32 to vector<16xi32>
    %add3A_2892 = arith.addi %get3A_2888, %add3A_2891 : vector<16xi32>
    %swap3A_2893 = arith.constant 27 : i32
    %swap3A_2894 = arith.index_cast %swap3A_2893 : i32 to index
    %swap3A_2895 = arith.constant 48 : index
    %swap3A_2896 = tpu.vector_load %arg6[%swap3A_2894, %swap3A_2895] {strides = array<i32>} : memref<36x128xi32, #tpu.memory_space<vmem>>, vector<1x16xi32>,
    %swap3A_2897 = vector.shape_cast %swap3A_2896 : vector<1x16xi32> to vector<16xi32>
    %swap3A_2898 = vector.shape_cast %add3A_2892 : vector<16xi32> to vector<1x16xi32>
    tpu.vector_store %arg6[%swap3A_2894, %swap3A_2895], %swap3A_2898 {strides = array<i32>} : memref<36x128xi32, #tpu.memory_space<vmem>>, vector<1x16xi32>,
    %get3A_2899 = arith.constant 1472 : index
    %get3A_2900 = tpu.vector_load %arg5[%get3A_2899] {strides = array<i32>} : memref<1536xi32, #tpu.memory_space<vmem>>, vector<16xi32>,
    %get3A_2901 = vector.shape_cast %get3A_2900 : vector<16xi32> to vector<16xi32>
    %add3A_2902 = arith.constant 0 : i32
    %add3A_2903 = arith.addi %mul3A_40, %add3A_2902 : i32
    %add3A_2904 = vector.broadcast %add3A_2903 : i32 to vector<16xi32>
    %add3A_2905 = arith.addi %get3A_2901, %add3A_2904 : vector<16xi32>
    %swap3A_2906 = arith.constant 27 : i32
    %swap3A_2907 = arith.index_cast %swap3A_2906 : i32 to index
    %swap3A_2908 = arith.constant 64 : index
    %swap3A_2909 = tpu.vector_load %arg6[%swap3A_2907, %swap3A_2908] {strides = array<i32>} : memref<36x128xi32, #tpu.memory_space<vmem>>, vector<1x16xi32>,
    %swap3A_2910 = vector.shape_cast %swap3A_2909 : vector<1x16xi32> to vector<16xi32>
    %swap3A_2911 = vector.shape_cast %add3A_2905 : vector<16xi32> to vector<1x16xi32>
    tpu.vector_store %arg6[%swap3A_2907, %swap3A_2908], %swap3A_2911 {strides = array<i32>} : memref<36x128xi32, #tpu.memory_space<vmem>>, vector<1x16xi32>,
    %get3A_2912 = arith.constant 1488 : index
    %get3A_2913 = tpu.vector_load %arg5[%get3A_2912] {strides = array<i32>} : memref<1536xi32, #tpu.memory_space<vmem>>, vector<16xi32>,
    %get3A_2914 = vector.shape_cast %get3A_2913 : vector<16xi32> to vector<16xi32>
    %add3A_2915 = arith.constant 0 : i32
    %add3A_2916 = arith.addi %mul3A_40, %add3A_2915 : i32
    %add3A_2917 = vector.broadcast %add3A_2916 : i32 to vector<16xi32>
    %add3A_2918 = arith.addi %get3A_2914, %add3A_2917 : vector<16xi32>
    %swap3A_2919 = arith.constant 27 : i32
    %swap3A_2920 = arith.index_cast %swap3A_2919 : i32 to index
    %swap3A_2921 = arith.constant 80 : index
    %swap3A_2922 = tpu.vector_load %arg6[%swap3A_2920, %swap3A_2921] {strides = array<i32>} : memref<36x128xi32, #tpu.memory_space<vmem>>, vector<1x16xi32>,
    %swap3A_2923 = vector.shape_cast %swap3A_2922 : vector<1x16xi32> to vector<16xi32>
    %swap3A_2924 = vector.shape_cast %add3A_2918 : vector<16xi32> to vector<1x16xi32>
    tpu.vector_store %arg6[%swap3A_2920, %swap3A_2921], %swap3A_2924 {strides = array<i32>} : memref<36x128xi32, #tpu.memory_space<vmem>>, vector<1x16xi32>,
    %get3A_2925 = arith.constant 1504 : index
    %get3A_2926 = tpu.vector_load %arg5[%get3A_2925] {strides = array<i32>} : memref<1536xi32, #tpu.memory_space<vmem>>, vector<16xi32>,
    %get3A_2927 = vector.shape_cast %get3A_2926 : vector<16xi32> to vector<16xi32>
    %add3A_2928 = arith.constant 0 : i32
    %add3A_2929 = arith.addi %mul3A_40, %add3A_2928 : i32
    %add3A_2930 = vector.broadcast %add3A_2929 : i32 to vector<16xi32>
    %add3A_2931 = arith.addi %get3A_2927, %add3A_2930 : vector<16xi32>
    %swap3A_2932 = arith.constant 27 : i32
    %swap3A_2933 = arith.index_cast %swap3A_2932 : i32 to index
    %swap3A_2934 = arith.constant 96 : index
    %swap3A_2935 = tpu.vector_load %arg6[%swap3A_2933, %swap3A_2934] {strides = array<i32>} : memref<36x128xi32, #tpu.memory_space<vmem>>, vector<1x16xi32>,
    %swap3A_2936 = vector.shape_cast %swap3A_2935 : vector<1x16xi32> to vector<16xi32>
    %swap3A_2937 = vector.shape_cast %add3A_2931 : vector<16xi32> to vector<1x16xi32>
    tpu.vector_store %arg6[%swap3A_2933, %swap3A_2934], %swap3A_2937 {strides = array<i32>} : memref<36x128xi32, #tpu.memory_space<vmem>>, vector<1x16xi32>,
    %get3A_2938 = arith.constant 1520 : index
    %get3A_2939 = tpu.vector_load %arg5[%get3A_2938] {strides = array<i32>} : memref<1536xi32, #tpu.memory_space<vmem>>, vector<16xi32>,
    %get3A_2940 = vector.shape_cast %get3A_2939 : vector<16xi32> to vector<16xi32>
    %add3A_2941 = arith.constant 0 : i32
    %add3A_2942 = arith.addi %mul3A_40, %add3A_2941 : i32
    %add3A_2943 = vector.broadcast %add3A_2942 : i32 to vector<16xi32>
    %add3A_2944 = arith.addi %get3A_2940, %add3A_2943 : vector<16xi32>
    %swap3A_2945 = arith.constant 27 : i32
    %swap3A_2946 = arith.index_cast %swap3A_2945 : i32 to index
    %swap3A_2947 = arith.constant 112 : index
    %swap3A_2948 = tpu.vector_load %arg6[%swap3A_2946, %swap3A_2947] {strides = array<i32>} : memref<36x128xi32, #tpu.memory_space<vmem>>, vector<1x16xi32>,
    %swap3A_2949 = vector.shape_cast %swap3A_2948 : vector<1x16xi32> to vector<16xi32>
    %swap3A_2950 = vector.shape_cast %add3A_2944 : vector<16xi32> to vector<1x16xi32>
    tpu.vector_store %arg6[%swap3A_2946, %swap3A_2947], %swap3A_2950 {strides = array<i32>} : memref<36x128xi32, #tpu.memory_space<vmem>>, vector<1x16xi32>,
    %get3A_2951 = arith.constant 1024 : index
    %get3A_2952 = tpu.vector_load %arg5[%get3A_2951] {strides = array<i32>} : memref<1536xi32, #tpu.memory_space<vmem>>, vector<16xi32>,
    %get3A_2953 = vector.shape_cast %get3A_2952 : vector<16xi32> to vector<16xi32>
    %add3A_2954 = arith.constant 4096 : i32
    %add3A_2955 = arith.addi %mul3A_40, %add3A_2954 : i32
    %add3A_2956 = vector.broadcast %add3A_2955 : i32 to vector<16xi32>
    %add3A_2957 = arith.addi %get3A_2953, %add3A_2956 : vector<16xi32>
    %swap3A_2958 = arith.constant 28 : i32
    %swap3A_2959 = arith.index_cast %swap3A_2958 : i32 to index
    %swap3A_2960 = arith.constant 0 : index
    %swap3A_2961 = tpu.vector_load %arg6[%swap3A_2959, %swap3A_2960] {strides = array<i32>} : memref<36x128xi32, #tpu.memory_space<vmem>>, vector<1x16xi32>,
    %swap3A_2962 = vector.shape_cast %swap3A_2961 : vector<1x16xi32> to vector<16xi32>
    %swap3A_2963 = vector.shape_cast %add3A_2957 : vector<16xi32> to vector<1x16xi32>
    tpu.vector_store %arg6[%swap3A_2959, %swap3A_2960], %swap3A_2963 {strides = array<i32>} : memref<36x128xi32, #tpu.memory_space<vmem>>, vector<1x16xi32>,
    %get3A_2964 = arith.constant 1040 : index
    %get3A_2965 = tpu.vector_load %arg5[%get3A_2964] {strides = array<i32>} : memref<1536xi32, #tpu.memory_space<vmem>>, vector<16xi32>,
    %get3A_2966 = vector.shape_cast %get3A_2965 : vector<16xi32> to vector<16xi32>
    %add3A_2967 = arith.constant 4096 : i32
    %add3A_2968 = arith.addi %mul3A_40, %add3A_2967 : i32
    %add3A_2969 = vector.broadcast %add3A_2968 : i32 to vector<16xi32>
    %add3A_2970 = arith.addi %get3A_2966, %add3A_2969 : vector<16xi32>
    %swap3A_2971 = arith.constant 28 : i32
    %swap3A_2972 = arith.index_cast %swap3A_2971 : i32 to index
    %swap3A_2973 = arith.constant 16 : index
    %swap3A_2974 = tpu.vector_load %arg6[%swap3A_2972, %swap3A_2973] {strides = array<i32>} : memref<36x128xi32, #tpu.memory_space<vmem>>, vector<1x16xi32>,
    %swap3A_2975 = vector.shape_cast %swap3A_2974 : vector<1x16xi32> to vector<16xi32>
    %swap3A_2976 = vector.shape_cast %add3A_2970 : vector<16xi32> to vector<1x16xi32>
    tpu.vector_store %arg6[%swap3A_2972, %swap3A_2973], %swap3A_2976 {strides = array<i32>} : memref<36x128xi32, #tpu.memory_space<vmem>>, vector<1x16xi32>,
    %get3A_2977 = arith.constant 1056 : index
    %get3A_2978 = tpu.vector_load %arg5[%get3A_2977] {strides = array<i32>} : memref<1536xi32, #tpu.memory_space<vmem>>, vector<16xi32>,
    %get3A_2979 = vector.shape_cast %get3A_2978 : vector<16xi32> to vector<16xi32>
    %add3A_2980 = arith.constant 4096 : i32
    %add3A_2981 = arith.addi %mul3A_40, %add3A_2980 : i32
    %add3A_2982 = vector.broadcast %add3A_2981 : i32 to vector<16xi32>
    %add3A_2983 = arith.addi %get3A_2979, %add3A_2982 : vector<16xi32>
    %swap3A_2984 = arith.constant 28 : i32
    %swap3A_2985 = arith.index_cast %swap3A_2984 : i32 to index
    %swap3A_2986 = arith.constant 32 : index
    %swap3A_2987 = tpu.vector_load %arg6[%swap3A_2985, %swap3A_2986] {strides = array<i32>} : memref<36x128xi32, #tpu.memory_space<vmem>>, vector<1x16xi32>,
    %swap3A_2988 = vector.shape_cast %swap3A_2987 : vector<1x16xi32> to vector<16xi32>
    %swap3A_2989 = vector.shape_cast %add3A_2983 : vector<16xi32> to vector<1x16xi32>
    tpu.vector_store %arg6[%swap3A_2985, %swap3A_2986], %swap3A_2989 {strides = array<i32>} : memref<36x128xi32, #tpu.memory_space<vmem>>, vector<1x16xi32>,
    %get3A_2990 = arith.constant 1072 : index
    %get3A_2991 = tpu.vector_load %arg5[%get3A_2990] {strides = array<i32>} : memref<1536xi32, #tpu.memory_space<vmem>>, vector<16xi32>,
    %get3A_2992 = vector.shape_cast %get3A_2991 : vector<16xi32> to vector<16xi32>
    %add3A_2993 = arith.constant 4096 : i32
    %add3A_2994 = arith.addi %mul3A_40, %add3A_2993 : i32
    %add3A_2995 = vector.broadcast %add3A_2994 : i32 to vector<16xi32>
    %add3A_2996 = arith.addi %get3A_2992, %add3A_2995 : vector<16xi32>
    %swap3A_2997 = arith.constant 28 : i32
    %swap3A_2998 = arith.index_cast %swap3A_2997 : i32 to index
    %swap3A_2999 = arith.constant 48 : index
    %swap3A_3000 = tpu.vector_load %arg6[%swap3A_2998, %swap3A_2999] {strides = array<i32>} : memref<36x128xi32, #tpu.memory_space<vmem>>, vector<1x16xi32>,
    %swap3A_3001 = vector.shape_cast %swap3A_3000 : vector<1x16xi32> to vector<16xi32>
    %swap3A_3002 = vector.shape_cast %add3A_2996 : vector<16xi32> to vector<1x16xi32>
    tpu.vector_store %arg6[%swap3A_2998, %swap3A_2999], %swap3A_3002 {strides = array<i32>} : memref<36x128xi32, #tpu.memory_space<vmem>>, vector<1x16xi32>,
    %get3A_3003 = arith.constant 1088 : index
    %get3A_3004 = tpu.vector_load %arg5[%get3A_3003] {strides = array<i32>} : memref<1536xi32, #tpu.memory_space<vmem>>, vector<16xi32>,
    %get3A_3005 = vector.shape_cast %get3A_3004 : vector<16xi32> to vector<16xi32>
    %add3A_3006 = arith.constant 4096 : i32
    %add3A_3007 = arith.addi %mul3A_40, %add3A_3006 : i32
    %add3A_3008 = vector.broadcast %add3A_3007 : i32 to vector<16xi32>
    %add3A_3009 = arith.addi %get3A_3005, %add3A_3008 : vector<16xi32>
    %swap3A_3010 = arith.constant 28 : i32
    %swap3A_3011 = arith.index_cast %swap3A_3010 : i32 to index
    %swap3A_3012 = arith.constant 64 : index
    %swap3A_3013 = tpu.vector_load %arg6[%swap3A_3011, %swap3A_3012] {strides = array<i32>} : memref<36x128xi32, #tpu.memory_space<vmem>>, vector<1x16xi32>,
    %swap3A_3014 = vector.shape_cast %swap3A_3013 : vector<1x16xi32> to vector<16xi32>
    %swap3A_3015 = vector.shape_cast %add3A_3009 : vector<16xi32> to vector<1x16xi32>
    tpu.vector_store %arg6[%swap3A_3011, %swap3A_3012], %swap3A_3015 {strides = array<i32>} : memref<36x128xi32, #tpu.memory_space<vmem>>, vector<1x16xi32>,
    %get3A_3016 = arith.constant 1104 : index
    %get3A_3017 = tpu.vector_load %arg5[%get3A_3016] {strides = array<i32>} : memref<1536xi32, #tpu.memory_space<vmem>>, vector<16xi32>,
    %get3A_3018 = vector.shape_cast %get3A_3017 : vector<16xi32> to vector<16xi32>
    %add3A_3019 = arith.constant 4096 : i32
    %add3A_3020 = arith.addi %mul3A_40, %add3A_3019 : i32
    %add3A_3021 = vector.broadcast %add3A_3020 : i32 to vector<16xi32>
    %add3A_3022 = arith.addi %get3A_3018, %add3A_3021 : vector<16xi32>
    %swap3A_3023 = arith.constant 28 : i32
    %swap3A_3024 = arith.index_cast %swap3A_3023 : i32 to index
    %swap3A_3025 = arith.constant 80 : index
    %swap3A_3026 = tpu.vector_load %arg6[%swap3A_3024, %swap3A_3025] {strides = array<i32>} : memref<36x128xi32, #tpu.memory_space<vmem>>, vector<1x16xi32>,
    %swap3A_3027 = vector.shape_cast %swap3A_3026 : vector<1x16xi32> to vector<16xi32>
    %swap3A_3028 = vector.shape_cast %add3A_3022 : vector<16xi32> to vector<1x16xi32>
    tpu.vector_store %arg6[%swap3A_3024, %swap3A_3025], %swap3A_3028 {strides = array<i32>} : memref<36x128xi32, #tpu.memory_space<vmem>>, vector<1x16xi32>,
    %get3A_3029 = arith.constant 1120 : index
    %get3A_3030 = tpu.vector_load %arg5[%get3A_3029] {strides = array<i32>} : memref<1536xi32, #tpu.memory_space<vmem>>, vector<16xi32>,
    %get3A_3031 = vector.shape_cast %get3A_3030 : vector<16xi32> to vector<16xi32>
    %add3A_3032 = arith.constant 4096 : i32
    %add3A_3033 = arith.addi %mul3A_40, %add3A_3032 : i32
    %add3A_3034 = vector.broadcast %add3A_3033 : i32 to vector<16xi32>
    %add3A_3035 = arith.addi %get3A_3031, %add3A_3034 : vector<16xi32>
    %swap3A_3036 = arith.constant 28 : i32
    %swap3A_3037 = arith.index_cast %swap3A_3036 : i32 to index
    %swap3A_3038 = arith.constant 96 : index
    %swap3A_3039 = tpu.vector_load %arg6[%swap3A_3037, %swap3A_3038] {strides = array<i32>} : memref<36x128xi32, #tpu.memory_space<vmem>>, vector<1x16xi32>,
    %swap3A_3040 = vector.shape_cast %swap3A_3039 : vector<1x16xi32> to vector<16xi32>
    %swap3A_3041 = vector.shape_cast %add3A_3035 : vector<16xi32> to vector<1x16xi32>
    tpu.vector_store %arg6[%swap3A_3037, %swap3A_3038], %swap3A_3041 {strides = array<i32>} : memref<36x128xi32, #tpu.memory_space<vmem>>, vector<1x16xi32>,
    %get3A_3042 = arith.constant 1136 : index
    %get3A_3043 = tpu.vector_load %arg5[%get3A_3042] {strides = array<i32>} : memref<1536xi32, #tpu.memory_space<vmem>>, vector<16xi32>,
    %get3A_3044 = vector.shape_cast %get3A_3043 : vector<16xi32> to vector<16xi32>
    %add3A_3045 = arith.constant 4096 : i32
    %add3A_3046 = arith.addi %mul3A_40, %add3A_3045 : i32
    %add3A_3047 = vector.broadcast %add3A_3046 : i32 to vector<16xi32>
    %add3A_3048 = arith.addi %get3A_3044, %add3A_3047 : vector<16xi32>
    %swap3A_3049 = arith.constant 28 : i32
    %swap3A_3050 = arith.index_cast %swap3A_3049 : i32 to index
    %swap3A_3051 = arith.constant 112 : index
    %swap3A_3052 = tpu.vector_load %arg6[%swap3A_3050, %swap3A_3051] {strides = array<i32>} : memref<36x128xi32, #tpu.memory_space<vmem>>, vector<1x16xi32>,
    %swap3A_3053 = vector.shape_cast %swap3A_3052 : vector<1x16xi32> to vector<16xi32>
    %swap3A_3054 = vector.shape_cast %add3A_3048 : vector<16xi32> to vector<1x16xi32>
    tpu.vector_store %arg6[%swap3A_3050, %swap3A_3051], %swap3A_3054 {strides = array<i32>} : memref<36x128xi32, #tpu.memory_space<vmem>>, vector<1x16xi32>,
    %get3A_3055 = arith.constant 1152 : index
    %get3A_3056 = tpu.vector_load %arg5[%get3A_3055] {strides = array<i32>} : memref<1536xi32, #tpu.memory_space<vmem>>, vector<16xi32>,
    %get3A_3057 = vector.shape_cast %get3A_3056 : vector<16xi32> to vector<16xi32>
    %add3A_3058 = arith.constant 4096 : i32
    %add3A_3059 = arith.addi %mul3A_40, %add3A_3058 : i32
    %add3A_3060 = vector.broadcast %add3A_3059 : i32 to vector<16xi32>
    %add3A_3061 = arith.addi %get3A_3057, %add3A_3060 : vector<16xi32>
    %swap3A_3062 = arith.constant 29 : i32
    %swap3A_3063 = arith.index_cast %swap3A_3062 : i32 to index
    %swap3A_3064 = arith.constant 0 : index
    %swap3A_3065 = tpu.vector_load %arg6[%swap3A_3063, %swap3A_3064] {strides = array<i32>} : memref<36x128xi32, #tpu.memory_space<vmem>>, vector<1x16xi32>,
    %swap3A_3066 = vector.shape_cast %swap3A_3065 : vector<1x16xi32> to vector<16xi32>
    %swap3A_3067 = vector.shape_cast %add3A_3061 : vector<16xi32> to vector<1x16xi32>
    tpu.vector_store %arg6[%swap3A_3063, %swap3A_3064], %swap3A_3067 {strides = array<i32>} : memref<36x128xi32, #tpu.memory_space<vmem>>, vector<1x16xi32>,
    %get3A_3068 = arith.constant 1168 : index
    %get3A_3069 = tpu.vector_load %arg5[%get3A_3068] {strides = array<i32>} : memref<1536xi32, #tpu.memory_space<vmem>>, vector<16xi32>,
    %get3A_3070 = vector.shape_cast %get3A_3069 : vector<16xi32> to vector<16xi32>
    %add3A_3071 = arith.constant 4096 : i32
    %add3A_3072 = arith.addi %mul3A_40, %add3A_3071 : i32
    %add3A_3073 = vector.broadcast %add3A_3072 : i32 to vector<16xi32>
    %add3A_3074 = arith.addi %get3A_3070, %add3A_3073 : vector<16xi32>
    %swap3A_3075 = arith.constant 29 : i32
    %swap3A_3076 = arith.index_cast %swap3A_3075 : i32 to index
    %swap3A_3077 = arith.constant 16 : index
    %swap3A_3078 = tpu.vector_load %arg6[%swap3A_3076, %swap3A_3077] {strides = array<i32>} : memref<36x128xi32, #tpu.memory_space<vmem>>, vector<1x16xi32>,
    %swap3A_3079 = vector.shape_cast %swap3A_3078 : vector<1x16xi32> to vector<16xi32>
    %swap3A_3080 = vector.shape_cast %add3A_3074 : vector<16xi32> to vector<1x16xi32>
    tpu.vector_store %arg6[%swap3A_3076, %swap3A_3077], %swap3A_3080 {strides = array<i32>} : memref<36x128xi32, #tpu.memory_space<vmem>>, vector<1x16xi32>,
    %get3A_3081 = arith.constant 1184 : index
    %get3A_3082 = tpu.vector_load %arg5[%get3A_3081] {strides = array<i32>} : memref<1536xi32, #tpu.memory_space<vmem>>, vector<16xi32>,
    %get3A_3083 = vector.shape_cast %get3A_3082 : vector<16xi32> to vector<16xi32>
    %add3A_3084 = arith.constant 4096 : i32
    %add3A_3085 = arith.addi %mul3A_40, %add3A_3084 : i32
    %add3A_3086 = vector.broadcast %add3A_3085 : i32 to vector<16xi32>
    %add3A_3087 = arith.addi %get3A_3083, %add3A_3086 : vector<16xi32>
    %swap3A_3088 = arith.constant 29 : i32
    %swap3A_3089 = arith.index_cast %swap3A_3088 : i32 to index
    %swap3A_3090 = arith.constant 32 : index
    %swap3A_3091 = tpu.vector_load %arg6[%swap3A_3089, %swap3A_3090] {strides = array<i32>} : memref<36x128xi32, #tpu.memory_space<vmem>>, vector<1x16xi32>,
    %swap3A_3092 = vector.shape_cast %swap3A_3091 : vector<1x16xi32> to vector<16xi32>
    %swap3A_3093 = vector.shape_cast %add3A_3087 : vector<16xi32> to vector<1x16xi32>
    tpu.vector_store %arg6[%swap3A_3089, %swap3A_3090], %swap3A_3093 {strides = array<i32>} : memref<36x128xi32, #tpu.memory_space<vmem>>, vector<1x16xi32>,
    %get3A_3094 = arith.constant 1200 : index
    %get3A_3095 = tpu.vector_load %arg5[%get3A_3094] {strides = array<i32>} : memref<1536xi32, #tpu.memory_space<vmem>>, vector<16xi32>,
    %get3A_3096 = vector.shape_cast %get3A_3095 : vector<16xi32> to vector<16xi32>
    %add3A_3097 = arith.constant 4096 : i32
    %add3A_3098 = arith.addi %mul3A_40, %add3A_3097 : i32
    %add3A_3099 = vector.broadcast %add3A_3098 : i32 to vector<16xi32>
    %add3A_3100 = arith.addi %get3A_3096, %add3A_3099 : vector<16xi32>
    %swap3A_3101 = arith.constant 29 : i32
    %swap3A_3102 = arith.index_cast %swap3A_3101 : i32 to index
    %swap3A_3103 = arith.constant 48 : index
    %swap3A_3104 = tpu.vector_load %arg6[%swap3A_3102, %swap3A_3103] {strides = array<i32>} : memref<36x128xi32, #tpu.memory_space<vmem>>, vector<1x16xi32>,
    %swap3A_3105 = vector.shape_cast %swap3A_3104 : vector<1x16xi32> to vector<16xi32>
    %swap3A_3106 = vector.shape_cast %add3A_3100 : vector<16xi32> to vector<1x16xi32>
    tpu.vector_store %arg6[%swap3A_3102, %swap3A_3103], %swap3A_3106 {strides = array<i32>} : memref<36x128xi32, #tpu.memory_space<vmem>>, vector<1x16xi32>,
    %get3A_3107 = arith.constant 1216 : index
    %get3A_3108 = tpu.vector_load %arg5[%get3A_3107] {strides = array<i32>} : memref<1536xi32, #tpu.memory_space<vmem>>, vector<16xi32>,
    %get3A_3109 = vector.shape_cast %get3A_3108 : vector<16xi32> to vector<16xi32>
    %add3A_3110 = arith.constant 4096 : i32
    %add3A_3111 = arith.addi %mul3A_40, %add3A_3110 : i32
    %add3A_3112 = vector.broadcast %add3A_3111 : i32 to vector<16xi32>
    %add3A_3113 = arith.addi %get3A_3109, %add3A_3112 : vector<16xi32>
    %swap3A_3114 = arith.constant 29 : i32
    %swap3A_3115 = arith.index_cast %swap3A_3114 : i32 to index
    %swap3A_3116 = arith.constant 64 : index
    %swap3A_3117 = tpu.vector_load %arg6[%swap3A_3115, %swap3A_3116] {strides = array<i32>} : memref<36x128xi32, #tpu.memory_space<vmem>>, vector<1x16xi32>,
    %swap3A_3118 = vector.shape_cast %swap3A_3117 : vector<1x16xi32> to vector<16xi32>
    %swap3A_3119 = vector.shape_cast %add3A_3113 : vector<16xi32> to vector<1x16xi32>
    tpu.vector_store %arg6[%swap3A_3115, %swap3A_3116], %swap3A_3119 {strides = array<i32>} : memref<36x128xi32, #tpu.memory_space<vmem>>, vector<1x16xi32>,
    %get3A_3120 = arith.constant 1232 : index
    %get3A_3121 = tpu.vector_load %arg5[%get3A_3120] {strides = array<i32>} : memref<1536xi32, #tpu.memory_space<vmem>>, vector<16xi32>,
    %get3A_3122 = vector.shape_cast %get3A_3121 : vector<16xi32> to vector<16xi32>
    %add3A_3123 = arith.constant 4096 : i32
    %add3A_3124 = arith.addi %mul3A_40, %add3A_3123 : i32
    %add3A_3125 = vector.broadcast %add3A_3124 : i32 to vector<16xi32>
    %add3A_3126 = arith.addi %get3A_3122, %add3A_3125 : vector<16xi32>
    %swap3A_3127 = arith.constant 29 : i32
    %swap3A_3128 = arith.index_cast %swap3A_3127 : i32 to index
    %swap3A_3129 = arith.constant 80 : index
    %swap3A_3130 = tpu.vector_load %arg6[%swap3A_3128, %swap3A_3129] {strides = array<i32>} : memref<36x128xi32, #tpu.memory_space<vmem>>, vector<1x16xi32>,
    %swap3A_3131 = vector.shape_cast %swap3A_3130 : vector<1x16xi32> to vector<16xi32>
    %swap3A_3132 = vector.shape_cast %add3A_3126 : vector<16xi32> to vector<1x16xi32>
    tpu.vector_store %arg6[%swap3A_3128, %swap3A_3129], %swap3A_3132 {strides = array<i32>} : memref<36x128xi32, #tpu.memory_space<vmem>>, vector<1x16xi32>,
    %get3A_3133 = arith.constant 1248 : index
    %get3A_3134 = tpu.vector_load %arg5[%get3A_3133] {strides = array<i32>} : memref<1536xi32, #tpu.memory_space<vmem>>, vector<16xi32>,
    %get3A_3135 = vector.shape_cast %get3A_3134 : vector<16xi32> to vector<16xi32>
    %add3A_3136 = arith.constant 4096 : i32
    %add3A_3137 = arith.addi %mul3A_40, %add3A_3136 : i32
    %add3A_3138 = vector.broadcast %add3A_3137 : i32 to vector<16xi32>
    %add3A_3139 = arith.addi %get3A_3135, %add3A_3138 : vector<16xi32>
    %swap3A_3140 = arith.constant 29 : i32
    %swap3A_3141 = arith.index_cast %swap3A_3140 : i32 to index
    %swap3A_3142 = arith.constant 96 : index
    %swap3A_3143 = tpu.vector_load %arg6[%swap3A_3141, %swap3A_3142] {strides = array<i32>} : memref<36x128xi32, #tpu.memory_space<vmem>>, vector<1x16xi32>,
    %swap3A_3144 = vector.shape_cast %swap3A_3143 : vector<1x16xi32> to vector<16xi32>
    %swap3A_3145 = vector.shape_cast %add3A_3139 : vector<16xi32> to vector<1x16xi32>
    tpu.vector_store %arg6[%swap3A_3141, %swap3A_3142], %swap3A_3145 {strides = array<i32>} : memref<36x128xi32, #tpu.memory_space<vmem>>, vector<1x16xi32>,
    %get3A_3146 = arith.constant 1264 : index
    %get3A_3147 = tpu.vector_load %arg5[%get3A_3146] {strides = array<i32>} : memref<1536xi32, #tpu.memory_space<vmem>>, vector<16xi32>,
    %get3A_3148 = vector.shape_cast %get3A_3147 : vector<16xi32> to vector<16xi32>
    %add3A_3149 = arith.constant 4096 : i32
    %add3A_3150 = arith.addi %mul3A_40, %add3A_3149 : i32
    %add3A_3151 = vector.broadcast %add3A_3150 : i32 to vector<16xi32>
    %add3A_3152 = arith.addi %get3A_3148, %add3A_3151 : vector<16xi32>
    %swap3A_3153 = arith.constant 29 : i32
    %swap3A_3154 = arith.index_cast %swap3A_3153 : i32 to index
    %swap3A_3155 = arith.constant 112 : index
    %swap3A_3156 = tpu.vector_load %arg6[%swap3A_3154, %swap3A_3155] {strides = array<i32>} : memref<36x128xi32, #tpu.memory_space<vmem>>, vector<1x16xi32>,
    %swap3A_3157 = vector.shape_cast %swap3A_3156 : vector<1x16xi32> to vector<16xi32>
    %swap3A_3158 = vector.shape_cast %add3A_3152 : vector<16xi32> to vector<1x16xi32>
    tpu.vector_store %arg6[%swap3A_3154, %swap3A_3155], %swap3A_3158 {strides = array<i32>} : memref<36x128xi32, #tpu.memory_space<vmem>>, vector<1x16xi32>,
    %get3A_3159 = arith.constant 1280 : index
    %get3A_3160 = tpu.vector_load %arg5[%get3A_3159] {strides = array<i32>} : memref<1536xi32, #tpu.memory_space<vmem>>, vector<16xi32>,
    %get3A_3161 = vector.shape_cast %get3A_3160 : vector<16xi32> to vector<16xi32>
    %add3A_3162 = arith.constant 4096 : i32
    %add3A_3163 = arith.addi %mul3A_40, %add3A_3162 : i32
    %add3A_3164 = vector.broadcast %add3A_3163 : i32 to vector<16xi32>
    %add3A_3165 = arith.addi %get3A_3161, %add3A_3164 : vector<16xi32>
    %swap3A_3166 = arith.constant 30 : i32
    %swap3A_3167 = arith.index_cast %swap3A_3166 : i32 to index
    %swap3A_3168 = arith.constant 0 : index
    %swap3A_3169 = tpu.vector_load %arg6[%swap3A_3167, %swap3A_3168] {strides = array<i32>} : memref<36x128xi32, #tpu.memory_space<vmem>>, vector<1x16xi32>,
    %swap3A_3170 = vector.shape_cast %swap3A_3169 : vector<1x16xi32> to vector<16xi32>
    %swap3A_3171 = vector.shape_cast %add3A_3165 : vector<16xi32> to vector<1x16xi32>
    tpu.vector_store %arg6[%swap3A_3167, %swap3A_3168], %swap3A_3171 {strides = array<i32>} : memref<36x128xi32, #tpu.memory_space<vmem>>, vector<1x16xi32>,
    %get3A_3172 = arith.constant 1296 : index
    %get3A_3173 = tpu.vector_load %arg5[%get3A_3172] {strides = array<i32>} : memref<1536xi32, #tpu.memory_space<vmem>>, vector<16xi32>,
    %get3A_3174 = vector.shape_cast %get3A_3173 : vector<16xi32> to vector<16xi32>
    %add3A_3175 = arith.constant 4096 : i32
    %add3A_3176 = arith.addi %mul3A_40, %add3A_3175 : i32
    %add3A_3177 = vector.broadcast %add3A_3176 : i32 to vector<16xi32>
    %add3A_3178 = arith.addi %get3A_3174, %add3A_3177 : vector<16xi32>
    %swap3A_3179 = arith.constant 30 : i32
    %swap3A_3180 = arith.index_cast %swap3A_3179 : i32 to index
    %swap3A_3181 = arith.constant 16 : index
    %swap3A_3182 = tpu.vector_load %arg6[%swap3A_3180, %swap3A_3181] {strides = array<i32>} : memref<36x128xi32, #tpu.memory_space<vmem>>, vector<1x16xi32>,
    %swap3A_3183 = vector.shape_cast %swap3A_3182 : vector<1x16xi32> to vector<16xi32>
    %swap3A_3184 = vector.shape_cast %add3A_3178 : vector<16xi32> to vector<1x16xi32>
    tpu.vector_store %arg6[%swap3A_3180, %swap3A_3181], %swap3A_3184 {strides = array<i32>} : memref<36x128xi32, #tpu.memory_space<vmem>>, vector<1x16xi32>,
    %get3A_3185 = arith.constant 1312 : index
    %get3A_3186 = tpu.vector_load %arg5[%get3A_3185] {strides = array<i32>} : memref<1536xi32, #tpu.memory_space<vmem>>, vector<16xi32>,
    %get3A_3187 = vector.shape_cast %get3A_3186 : vector<16xi32> to vector<16xi32>
    %add3A_3188 = arith.constant 4096 : i32
    %add3A_3189 = arith.addi %mul3A_40, %add3A_3188 : i32
    %add3A_3190 = vector.broadcast %add3A_3189 : i32 to vector<16xi32>
    %add3A_3191 = arith.addi %get3A_3187, %add3A_3190 : vector<16xi32>
    %swap3A_3192 = arith.constant 30 : i32
    %swap3A_3193 = arith.index_cast %swap3A_3192 : i32 to index
    %swap3A_3194 = arith.constant 32 : index
    %swap3A_3195 = tpu.vector_load %arg6[%swap3A_3193, %swap3A_3194] {strides = array<i32>} : memref<36x128xi32, #tpu.memory_space<vmem>>, vector<1x16xi32>,
    %swap3A_3196 = vector.shape_cast %swap3A_3195 : vector<1x16xi32> to vector<16xi32>
    %swap3A_3197 = vector.shape_cast %add3A_3191 : vector<16xi32> to vector<1x16xi32>
    tpu.vector_store %arg6[%swap3A_3193, %swap3A_3194], %swap3A_3197 {strides = array<i32>} : memref<36x128xi32, #tpu.memory_space<vmem>>, vector<1x16xi32>,
    %get3A_3198 = arith.constant 1328 : index
    %get3A_3199 = tpu.vector_load %arg5[%get3A_3198] {strides = array<i32>} : memref<1536xi32, #tpu.memory_space<vmem>>, vector<16xi32>,
    %get3A_3200 = vector.shape_cast %get3A_3199 : vector<16xi32> to vector<16xi32>
    %add3A_3201 = arith.constant 4096 : i32
    %add3A_3202 = arith.addi %mul3A_40, %add3A_3201 : i32
    %add3A_3203 = vector.broadcast %add3A_3202 : i32 to vector<16xi32>
    %add3A_3204 = arith.addi %get3A_3200, %add3A_3203 : vector<16xi32>
    %swap3A_3205 = arith.constant 30 : i32
    %swap3A_3206 = arith.index_cast %swap3A_3205 : i32 to index
    %swap3A_3207 = arith.constant 48 : index
    %swap3A_3208 = tpu.vector_load %arg6[%swap3A_3206, %swap3A_3207] {strides = array<i32>} : memref<36x128xi32, #tpu.memory_space<vmem>>, vector<1x16xi32>,
    %swap3A_3209 = vector.shape_cast %swap3A_3208 : vector<1x16xi32> to vector<16xi32>
    %swap3A_3210 = vector.shape_cast %add3A_3204 : vector<16xi32> to vector<1x16xi32>
    tpu.vector_store %arg6[%swap3A_3206, %swap3A_3207], %swap3A_3210 {strides = array<i32>} : memref<36x128xi32, #tpu.memory_space<vmem>>, vector<1x16xi32>,
    %get3A_3211 = arith.constant 1344 : index
    %get3A_3212 = tpu.vector_load %arg5[%get3A_3211] {strides = array<i32>} : memref<1536xi32, #tpu.memory_space<vmem>>, vector<16xi32>,
    %get3A_3213 = vector.shape_cast %get3A_3212 : vector<16xi32> to vector<16xi32>
    %add3A_3214 = arith.constant 4096 : i32
    %add3A_3215 = arith.addi %mul3A_40, %add3A_3214 : i32
    %add3A_3216 = vector.broadcast %add3A_3215 : i32 to vector<16xi32>
    %add3A_3217 = arith.addi %get3A_3213, %add3A_3216 : vector<16xi32>
    %swap3A_3218 = arith.constant 30 : i32
    %swap3A_3219 = arith.index_cast %swap3A_3218 : i32 to index
    %swap3A_3220 = arith.constant 64 : index
    %swap3A_3221 = tpu.vector_load %arg6[%swap3A_3219, %swap3A_3220] {strides = array<i32>} : memref<36x128xi32, #tpu.memory_space<vmem>>, vector<1x16xi32>,
    %swap3A_3222 = vector.shape_cast %swap3A_3221 : vector<1x16xi32> to vector<16xi32>
    %swap3A_3223 = vector.shape_cast %add3A_3217 : vector<16xi32> to vector<1x16xi32>
    tpu.vector_store %arg6[%swap3A_3219, %swap3A_3220], %swap3A_3223 {strides = array<i32>} : memref<36x128xi32, #tpu.memory_space<vmem>>, vector<1x16xi32>,
    %get3A_3224 = arith.constant 1360 : index
    %get3A_3225 = tpu.vector_load %arg5[%get3A_3224] {strides = array<i32>} : memref<1536xi32, #tpu.memory_space<vmem>>, vector<16xi32>,
    %get3A_3226 = vector.shape_cast %get3A_3225 : vector<16xi32> to vector<16xi32>
    %add3A_3227 = arith.constant 4096 : i32
    %add3A_3228 = arith.addi %mul3A_40, %add3A_3227 : i32
    %add3A_3229 = vector.broadcast %add3A_3228 : i32 to vector<16xi32>
    %add3A_3230 = arith.addi %get3A_3226, %add3A_3229 : vector<16xi32>
    %swap3A_3231 = arith.constant 30 : i32
    %swap3A_3232 = arith.index_cast %swap3A_3231 : i32 to index
    %swap3A_3233 = arith.constant 80 : index
    %swap3A_3234 = tpu.vector_load %arg6[%swap3A_3232, %swap3A_3233] {strides = array<i32>} : memref<36x128xi32, #tpu.memory_space<vmem>>, vector<1x16xi32>,
    %swap3A_3235 = vector.shape_cast %swap3A_3234 : vector<1x16xi32> to vector<16xi32>
    %swap3A_3236 = vector.shape_cast %add3A_3230 : vector<16xi32> to vector<1x16xi32>
    tpu.vector_store %arg6[%swap3A_3232, %swap3A_3233], %swap3A_3236 {strides = array<i32>} : memref<36x128xi32, #tpu.memory_space<vmem>>, vector<1x16xi32>,
    %get3A_3237 = arith.constant 1376 : index
    %get3A_3238 = tpu.vector_load %arg5[%get3A_3237] {strides = array<i32>} : memref<1536xi32, #tpu.memory_space<vmem>>, vector<16xi32>,
    %get3A_3239 = vector.shape_cast %get3A_3238 : vector<16xi32> to vector<16xi32>
    %add3A_3240 = arith.constant 4096 : i32
    %add3A_3241 = arith.addi %mul3A_40, %add3A_3240 : i32
    %add3A_3242 = vector.broadcast %add3A_3241 : i32 to vector<16xi32>
    %add3A_3243 = arith.addi %get3A_3239, %add3A_3242 : vector<16xi32>
    %swap3A_3244 = arith.constant 30 : i32
    %swap3A_3245 = arith.index_cast %swap3A_3244 : i32 to index
    %swap3A_3246 = arith.constant 96 : index
    %swap3A_3247 = tpu.vector_load %arg6[%swap3A_3245, %swap3A_3246] {strides = array<i32>} : memref<36x128xi32, #tpu.memory_space<vmem>>, vector<1x16xi32>,
    %swap3A_3248 = vector.shape_cast %swap3A_3247 : vector<1x16xi32> to vector<16xi32>
    %swap3A_3249 = vector.shape_cast %add3A_3243 : vector<16xi32> to vector<1x16xi32>
    tpu.vector_store %arg6[%swap3A_3245, %swap3A_3246], %swap3A_3249 {strides = array<i32>} : memref<36x128xi32, #tpu.memory_space<vmem>>, vector<1x16xi32>,
    %get3A_3250 = arith.constant 1392 : index
    %get3A_3251 = tpu.vector_load %arg5[%get3A_3250] {strides = array<i32>} : memref<1536xi32, #tpu.memory_space<vmem>>, vector<16xi32>,
    %get3A_3252 = vector.shape_cast %get3A_3251 : vector<16xi32> to vector<16xi32>
    %add3A_3253 = arith.constant 4096 : i32
    %add3A_3254 = arith.addi %mul3A_40, %add3A_3253 : i32
    %add3A_3255 = vector.broadcast %add3A_3254 : i32 to vector<16xi32>
    %add3A_3256 = arith.addi %get3A_3252, %add3A_3255 : vector<16xi32>
    %swap3A_3257 = arith.constant 30 : i32
    %swap3A_3258 = arith.index_cast %swap3A_3257 : i32 to index
    %swap3A_3259 = arith.constant 112 : index
    %swap3A_3260 = tpu.vector_load %arg6[%swap3A_3258, %swap3A_3259] {strides = array<i32>} : memref<36x128xi32, #tpu.memory_space<vmem>>, vector<1x16xi32>,
    %swap3A_3261 = vector.shape_cast %swap3A_3260 : vector<1x16xi32> to vector<16xi32>
    %swap3A_3262 = vector.shape_cast %add3A_3256 : vector<16xi32> to vector<1x16xi32>
    tpu.vector_store %arg6[%swap3A_3258, %swap3A_3259], %swap3A_3262 {strides = array<i32>} : memref<36x128xi32, #tpu.memory_space<vmem>>, vector<1x16xi32>,
    %get3A_3263 = arith.constant 1408 : index
    %get3A_3264 = tpu.vector_load %arg5[%get3A_3263] {strides = array<i32>} : memref<1536xi32, #tpu.memory_space<vmem>>, vector<16xi32>,
    %get3A_3265 = vector.shape_cast %get3A_3264 : vector<16xi32> to vector<16xi32>
    %add3A_3266 = arith.constant 4096 : i32
    %add3A_3267 = arith.addi %mul3A_40, %add3A_3266 : i32
    %add3A_3268 = vector.broadcast %add3A_3267 : i32 to vector<16xi32>
    %add3A_3269 = arith.addi %get3A_3265, %add3A_3268 : vector<16xi32>
    %swap3A_3270 = arith.constant 31 : i32
    %swap3A_3271 = arith.index_cast %swap3A_3270 : i32 to index
    %swap3A_3272 = arith.constant 0 : index
    %swap3A_3273 = tpu.vector_load %arg6[%swap3A_3271, %swap3A_3272] {strides = array<i32>} : memref<36x128xi32, #tpu.memory_space<vmem>>, vector<1x16xi32>,
    %swap3A_3274 = vector.shape_cast %swap3A_3273 : vector<1x16xi32> to vector<16xi32>
    %swap3A_3275 = vector.shape_cast %add3A_3269 : vector<16xi32> to vector<1x16xi32>
    tpu.vector_store %arg6[%swap3A_3271, %swap3A_3272], %swap3A_3275 {strides = array<i32>} : memref<36x128xi32, #tpu.memory_space<vmem>>, vector<1x16xi32>,
    %get3A_3276 = arith.constant 1424 : index
    %get3A_3277 = tpu.vector_load %arg5[%get3A_3276] {strides = array<i32>} : memref<1536xi32, #tpu.memory_space<vmem>>, vector<16xi32>,
    %get3A_3278 = vector.shape_cast %get3A_3277 : vector<16xi32> to vector<16xi32>
    %add3A_3279 = arith.constant 4096 : i32
    %add3A_3280 = arith.addi %mul3A_40, %add3A_3279 : i32
    %add3A_3281 = vector.broadcast %add3A_3280 : i32 to vector<16xi32>
    %add3A_3282 = arith.addi %get3A_3278, %add3A_3281 : vector<16xi32>
    %swap3A_3283 = arith.constant 31 : i32
    %swap3A_3284 = arith.index_cast %swap3A_3283 : i32 to index
    %swap3A_3285 = arith.constant 16 : index
    %swap3A_3286 = tpu.vector_load %arg6[%swap3A_3284, %swap3A_3285] {strides = array<i32>} : memref<36x128xi32, #tpu.memory_space<vmem>>, vector<1x16xi32>,
    %swap3A_3287 = vector.shape_cast %swap3A_3286 : vector<1x16xi32> to vector<16xi32>
    %swap3A_3288 = vector.shape_cast %add3A_3282 : vector<16xi32> to vector<1x16xi32>
    tpu.vector_store %arg6[%swap3A_3284, %swap3A_3285], %swap3A_3288 {strides = array<i32>} : memref<36x128xi32, #tpu.memory_space<vmem>>, vector<1x16xi32>,
    %get3A_3289 = arith.constant 1440 : index
    %get3A_3290 = tpu.vector_load %arg5[%get3A_3289] {strides = array<i32>} : memref<1536xi32, #tpu.memory_space<vmem>>, vector<16xi32>,
    %get3A_3291 = vector.shape_cast %get3A_3290 : vector<16xi32> to vector<16xi32>
    %add3A_3292 = arith.constant 4096 : i32
    %add3A_3293 = arith.addi %mul3A_40, %add3A_3292 : i32
    %add3A_3294 = vector.broadcast %add3A_3293 : i32 to vector<16xi32>
    %add3A_3295 = arith.addi %get3A_3291, %add3A_3294 : vector<16xi32>
    %swap3A_3296 = arith.constant 31 : i32
    %swap3A_3297 = arith.index_cast %swap3A_3296 : i32 to index
    %swap3A_3298 = arith.constant 32 : index
    %swap3A_3299 = tpu.vector_load %arg6[%swap3A_3297, %swap3A_3298] {strides = array<i32>} : memref<36x128xi32, #tpu.memory_space<vmem>>, vector<1x16xi32>,
    %swap3A_3300 = vector.shape_cast %swap3A_3299 : vector<1x16xi32> to vector<16xi32>
    %swap3A_3301 = vector.shape_cast %add3A_3295 : vector<16xi32> to vector<1x16xi32>
    tpu.vector_store %arg6[%swap3A_3297, %swap3A_3298], %swap3A_3301 {strides = array<i32>} : memref<36x128xi32, #tpu.memory_space<vmem>>, vector<1x16xi32>,
    %get3A_3302 = arith.constant 1456 : index
    %get3A_3303 = tpu.vector_load %arg5[%get3A_3302] {strides = array<i32>} : memref<1536xi32, #tpu.memory_space<vmem>>, vector<16xi32>,
    %get3A_3304 = vector.shape_cast %get3A_3303 : vector<16xi32> to vector<16xi32>
    %add3A_3305 = arith.constant 4096 : i32
    %add3A_3306 = arith.addi %mul3A_40, %add3A_3305 : i32
    %add3A_3307 = vector.broadcast %add3A_3306 : i32 to vector<16xi32>
    %add3A_3308 = arith.addi %get3A_3304, %add3A_3307 : vector<16xi32>
    %swap3A_3309 = arith.constant 31 : i32
    %swap3A_3310 = arith.index_cast %swap3A_3309 : i32 to index
    %swap3A_3311 = arith.constant 48 : index
    %swap3A_3312 = tpu.vector_load %arg6[%swap3A_3310, %swap3A_3311] {strides = array<i32>} : memref<36x128xi32, #tpu.memory_space<vmem>>, vector<1x16xi32>,
    %swap3A_3313 = vector.shape_cast %swap3A_3312 : vector<1x16xi32> to vector<16xi32>
    %swap3A_3314 = vector.shape_cast %add3A_3308 : vector<16xi32> to vector<1x16xi32>
    tpu.vector_store %arg6[%swap3A_3310, %swap3A_3311], %swap3A_3314 {strides = array<i32>} : memref<36x128xi32, #tpu.memory_space<vmem>>, vector<1x16xi32>,
    %get3A_3315 = arith.constant 1472 : index
    %get3A_3316 = tpu.vector_load %arg5[%get3A_3315] {strides = array<i32>} : memref<1536xi32, #tpu.memory_space<vmem>>, vector<16xi32>,
    %get3A_3317 = vector.shape_cast %get3A_3316 : vector<16xi32> to vector<16xi32>
    %add3A_3318 = arith.constant 4096 : i32
    %add3A_3319 = arith.addi %mul3A_40, %add3A_3318 : i32
    %add3A_3320 = vector.broadcast %add3A_3319 : i32 to vector<16xi32>
    %add3A_3321 = arith.addi %get3A_3317, %add3A_3320 : vector<16xi32>
    %swap3A_3322 = arith.constant 31 : i32
    %swap3A_3323 = arith.index_cast %swap3A_3322 : i32 to index
    %swap3A_3324 = arith.constant 64 : index
    %swap3A_3325 = tpu.vector_load %arg6[%swap3A_3323, %swap3A_3324] {strides = array<i32>} : memref<36x128xi32, #tpu.memory_space<vmem>>, vector<1x16xi32>,
    %swap3A_3326 = vector.shape_cast %swap3A_3325 : vector<1x16xi32> to vector<16xi32>
    %swap3A_3327 = vector.shape_cast %add3A_3321 : vector<16xi32> to vector<1x16xi32>
    tpu.vector_store %arg6[%swap3A_3323, %swap3A_3324], %swap3A_3327 {strides = array<i32>} : memref<36x128xi32, #tpu.memory_space<vmem>>, vector<1x16xi32>,
    %get3A_3328 = arith.constant 1488 : index
    %get3A_3329 = tpu.vector_load %arg5[%get3A_3328] {strides = array<i32>} : memref<1536xi32, #tpu.memory_space<vmem>>, vector<16xi32>,
    %get3A_3330 = vector.shape_cast %get3A_3329 : vector<16xi32> to vector<16xi32>
    %add3A_3331 = arith.constant 4096 : i32
    %add3A_3332 = arith.addi %mul3A_40, %add3A_3331 : i32
    %add3A_3333 = vector.broadcast %add3A_3332 : i32 to vector<16xi32>
    %add3A_3334 = arith.addi %get3A_3330, %add3A_3333 : vector<16xi32>
    %swap3A_3335 = arith.constant 31 : i32
    %swap3A_3336 = arith.index_cast %swap3A_3335 : i32 to index
    %swap3A_3337 = arith.constant 80 : index
    %swap3A_3338 = tpu.vector_load %arg6[%swap3A_3336, %swap3A_3337] {strides = array<i32>} : memref<36x128xi32, #tpu.memory_space<vmem>>, vector<1x16xi32>,
    %swap3A_3339 = vector.shape_cast %swap3A_3338 : vector<1x16xi32> to vector<16xi32>
    %swap3A_3340 = vector.shape_cast %add3A_3334 : vector<16xi32> to vector<1x16xi32>
    tpu.vector_store %arg6[%swap3A_3336, %swap3A_3337], %swap3A_3340 {strides = array<i32>} : memref<36x128xi32, #tpu.memory_space<vmem>>, vector<1x16xi32>,
    %get3A_3341 = arith.constant 1504 : index
    %get3A_3342 = tpu.vector_load %arg5[%get3A_3341] {strides = array<i32>} : memref<1536xi32, #tpu.memory_space<vmem>>, vector<16xi32>,
    %get3A_3343 = vector.shape_cast %get3A_3342 : vector<16xi32> to vector<16xi32>
    %add3A_3344 = arith.constant 4096 : i32
    %add3A_3345 = arith.addi %mul3A_40, %add3A_3344 : i32
    %add3A_3346 = vector.broadcast %add3A_3345 : i32 to vector<16xi32>
    %add3A_3347 = arith.addi %get3A_3343, %add3A_3346 : vector<16xi32>
    %swap3A_3348 = arith.constant 31 : i32
    %swap3A_3349 = arith.index_cast %swap3A_3348 : i32 to index
    %swap3A_3350 = arith.constant 96 : index
    %swap3A_3351 = tpu.vector_load %arg6[%swap3A_3349, %swap3A_3350] {strides = array<i32>} : memref<36x128xi32, #tpu.memory_space<vmem>>, vector<1x16xi32>,
    %swap3A_3352 = vector.shape_cast %swap3A_3351 : vector<1x16xi32> to vector<16xi32>
    %swap3A_3353 = vector.shape_cast %add3A_3347 : vector<16xi32> to vector<1x16xi32>
    tpu.vector_store %arg6[%swap3A_3349, %swap3A_3350], %swap3A_3353 {strides = array<i32>} : memref<36x128xi32, #tpu.memory_space<vmem>>, vector<1x16xi32>,
    %get3A_3354 = arith.constant 1520 : index
    %get3A_3355 = tpu.vector_load %arg5[%get3A_3354] {strides = array<i32>} : memref<1536xi32, #tpu.memory_space<vmem>>, vector<16xi32>,
    %get3A_3356 = vector.shape_cast %get3A_3355 : vector<16xi32> to vector<16xi32>
    %add3A_3357 = arith.constant 4096 : i32
    %add3A_3358 = arith.addi %mul3A_40, %add3A_3357 : i32
    %add3A_3359 = vector.broadcast %add3A_3358 : i32 to vector<16xi32>
    %add3A_3360 = arith.addi %get3A_3356, %add3A_3359 : vector<16xi32>
    %swap3A_3361 = arith.constant 31 : i32
    %swap3A_3362 = arith.index_cast %swap3A_3361 : i32 to index
    %swap3A_3363 = arith.constant 112 : index
    %swap3A_3364 = tpu.vector_load %arg6[%swap3A_3362, %swap3A_3363] {strides = array<i32>} : memref<36x128xi32, #tpu.memory_space<vmem>>, vector<1x16xi32>,
    %swap3A_3365 = vector.shape_cast %swap3A_3364 : vector<1x16xi32> to vector<16xi32>
    %swap3A_3366 = vector.shape_cast %add3A_3360 : vector<16xi32> to vector<1x16xi32>
    tpu.vector_store %arg6[%swap3A_3362, %swap3A_3363], %swap3A_3366 {strides = array<i32>} : memref<36x128xi32, #tpu.memory_space<vmem>>, vector<1x16xi32>,
    %get3A_3367 = arith.constant 1024 : index
    %get3A_3368 = tpu.vector_load %arg5[%get3A_3367] {strides = array<i32>} : memref<1536xi32, #tpu.memory_space<vmem>>, vector<16xi32>,
    %get3A_3369 = vector.shape_cast %get3A_3368 : vector<16xi32> to vector<16xi32>
    %add3A_3370 = arith.constant 8192 : i32
    %add3A_3371 = arith.addi %mul3A_40, %add3A_3370 : i32
    %add3A_3372 = vector.broadcast %add3A_3371 : i32 to vector<16xi32>
    %add3A_3373 = arith.addi %get3A_3369, %add3A_3372 : vector<16xi32>
    %swap3A_3374 = arith.constant 32 : i32
    %swap3A_3375 = arith.index_cast %swap3A_3374 : i32 to index
    %swap3A_3376 = arith.constant 0 : index
    %swap3A_3377 = tpu.vector_load %arg6[%swap3A_3375, %swap3A_3376] {strides = array<i32>} : memref<36x128xi32, #tpu.memory_space<vmem>>, vector<1x16xi32>,
    %swap3A_3378 = vector.shape_cast %swap3A_3377 : vector<1x16xi32> to vector<16xi32>
    %swap3A_3379 = vector.shape_cast %add3A_3373 : vector<16xi32> to vector<1x16xi32>
    tpu.vector_store %arg6[%swap3A_3375, %swap3A_3376], %swap3A_3379 {strides = array<i32>} : memref<36x128xi32, #tpu.memory_space<vmem>>, vector<1x16xi32>,
    %get3A_3380 = arith.constant 1040 : index
    %get3A_3381 = tpu.vector_load %arg5[%get3A_3380] {strides = array<i32>} : memref<1536xi32, #tpu.memory_space<vmem>>, vector<16xi32>,
    %get3A_3382 = vector.shape_cast %get3A_3381 : vector<16xi32> to vector<16xi32>
    %add3A_3383 = arith.constant 8192 : i32
    %add3A_3384 = arith.addi %mul3A_40, %add3A_3383 : i32
    %add3A_3385 = vector.broadcast %add3A_3384 : i32 to vector<16xi32>
    %add3A_3386 = arith.addi %get3A_3382, %add3A_3385 : vector<16xi32>
    %swap3A_3387 = arith.constant 32 : i32
    %swap3A_3388 = arith.index_cast %swap3A_3387 : i32 to index
    %swap3A_3389 = arith.constant 16 : index
    %swap3A_3390 = tpu.vector_load %arg6[%swap3A_3388, %swap3A_3389] {strides = array<i32>} : memref<36x128xi32, #tpu.memory_space<vmem>>, vector<1x16xi32>,
    %swap3A_3391 = vector.shape_cast %swap3A_3390 : vector<1x16xi32> to vector<16xi32>
    %swap3A_3392 = vector.shape_cast %add3A_3386 : vector<16xi32> to vector<1x16xi32>
    tpu.vector_store %arg6[%swap3A_3388, %swap3A_3389], %swap3A_3392 {strides = array<i32>} : memref<36x128xi32, #tpu.memory_space<vmem>>, vector<1x16xi32>,
    %get3A_3393 = arith.constant 1056 : index
    %get3A_3394 = tpu.vector_load %arg5[%get3A_3393] {strides = array<i32>} : memref<1536xi32, #tpu.memory_space<vmem>>, vector<16xi32>,
    %get3A_3395 = vector.shape_cast %get3A_3394 : vector<16xi32> to vector<16xi32>
    %add3A_3396 = arith.constant 8192 : i32
    %add3A_3397 = arith.addi %mul3A_40, %add3A_3396 : i32
    %add3A_3398 = vector.broadcast %add3A_3397 : i32 to vector<16xi32>
    %add3A_3399 = arith.addi %get3A_3395, %add3A_3398 : vector<16xi32>
    %swap3A_3400 = arith.constant 32 : i32
    %swap3A_3401 = arith.index_cast %swap3A_3400 : i32 to index
    %swap3A_3402 = arith.constant 32 : index
    %swap3A_3403 = tpu.vector_load %arg6[%swap3A_3401, %swap3A_3402] {strides = array<i32>} : memref<36x128xi32, #tpu.memory_space<vmem>>, vector<1x16xi32>,
    %swap3A_3404 = vector.shape_cast %swap3A_3403 : vector<1x16xi32> to vector<16xi32>
    %swap3A_3405 = vector.shape_cast %add3A_3399 : vector<16xi32> to vector<1x16xi32>
    tpu.vector_store %arg6[%swap3A_3401, %swap3A_3402], %swap3A_3405 {strides = array<i32>} : memref<36x128xi32, #tpu.memory_space<vmem>>, vector<1x16xi32>,
    %get3A_3406 = arith.constant 1072 : index
    %get3A_3407 = tpu.vector_load %arg5[%get3A_3406] {strides = array<i32>} : memref<1536xi32, #tpu.memory_space<vmem>>, vector<16xi32>,
    %get3A_3408 = vector.shape_cast %get3A_3407 : vector<16xi32> to vector<16xi32>
    %add3A_3409 = arith.constant 8192 : i32
    %add3A_3410 = arith.addi %mul3A_40, %add3A_3409 : i32
    %add3A_3411 = vector.broadcast %add3A_3410 : i32 to vector<16xi32>
    %add3A_3412 = arith.addi %get3A_3408, %add3A_3411 : vector<16xi32>
    %swap3A_3413 = arith.constant 32 : i32
    %swap3A_3414 = arith.index_cast %swap3A_3413 : i32 to index
    %swap3A_3415 = arith.constant 48 : index
    %swap3A_3416 = tpu.vector_load %arg6[%swap3A_3414, %swap3A_3415] {strides = array<i32>} : memref<36x128xi32, #tpu.memory_space<vmem>>, vector<1x16xi32>,
    %swap3A_3417 = vector.shape_cast %swap3A_3416 : vector<1x16xi32> to vector<16xi32>
    %swap3A_3418 = vector.shape_cast %add3A_3412 : vector<16xi32> to vector<1x16xi32>
    tpu.vector_store %arg6[%swap3A_3414, %swap3A_3415], %swap3A_3418 {strides = array<i32>} : memref<36x128xi32, #tpu.memory_space<vmem>>, vector<1x16xi32>,
    %get3A_3419 = arith.constant 1088 : index
    %get3A_3420 = tpu.vector_load %arg5[%get3A_3419] {strides = array<i32>} : memref<1536xi32, #tpu.memory_space<vmem>>, vector<16xi32>,
    %get3A_3421 = vector.shape_cast %get3A_3420 : vector<16xi32> to vector<16xi32>
    %add3A_3422 = arith.constant 8192 : i32
    %add3A_3423 = arith.addi %mul3A_40, %add3A_3422 : i32
    %add3A_3424 = vector.broadcast %add3A_3423 : i32 to vector<16xi32>
    %add3A_3425 = arith.addi %get3A_3421, %add3A_3424 : vector<16xi32>
    %swap3A_3426 = arith.constant 32 : i32
    %swap3A_3427 = arith.index_cast %swap3A_3426 : i32 to index
    %swap3A_3428 = arith.constant 64 : index
    %swap3A_3429 = tpu.vector_load %arg6[%swap3A_3427, %swap3A_3428] {strides = array<i32>} : memref<36x128xi32, #tpu.memory_space<vmem>>, vector<1x16xi32>,
    %swap3A_3430 = vector.shape_cast %swap3A_3429 : vector<1x16xi32> to vector<16xi32>
    %swap3A_3431 = vector.shape_cast %add3A_3425 : vector<16xi32> to vector<1x16xi32>
    tpu.vector_store %arg6[%swap3A_3427, %swap3A_3428], %swap3A_3431 {strides = array<i32>} : memref<36x128xi32, #tpu.memory_space<vmem>>, vector<1x16xi32>,
    %get3A_3432 = arith.constant 1104 : index
    %get3A_3433 = tpu.vector_load %arg5[%get3A_3432] {strides = array<i32>} : memref<1536xi32, #tpu.memory_space<vmem>>, vector<16xi32>,
    %get3A_3434 = vector.shape_cast %get3A_3433 : vector<16xi32> to vector<16xi32>
    %add3A_3435 = arith.constant 8192 : i32
    %add3A_3436 = arith.addi %mul3A_40, %add3A_3435 : i32
    %add3A_3437 = vector.broadcast %add3A_3436 : i32 to vector<16xi32>
    %add3A_3438 = arith.addi %get3A_3434, %add3A_3437 : vector<16xi32>
    %swap3A_3439 = arith.constant 32 : i32
    %swap3A_3440 = arith.index_cast %swap3A_3439 : i32 to index
    %swap3A_3441 = arith.constant 80 : index
    %swap3A_3442 = tpu.vector_load %arg6[%swap3A_3440, %swap3A_3441] {strides = array<i32>} : memref<36x128xi32, #tpu.memory_space<vmem>>, vector<1x16xi32>,
    %swap3A_3443 = vector.shape_cast %swap3A_3442 : vector<1x16xi32> to vector<16xi32>
    %swap3A_3444 = vector.shape_cast %add3A_3438 : vector<16xi32> to vector<1x16xi32>
    tpu.vector_store %arg6[%swap3A_3440, %swap3A_3441], %swap3A_3444 {strides = array<i32>} : memref<36x128xi32, #tpu.memory_space<vmem>>, vector<1x16xi32>,
    %get3A_3445 = arith.constant 1120 : index
    %get3A_3446 = tpu.vector_load %arg5[%get3A_3445] {strides = array<i32>} : memref<1536xi32, #tpu.memory_space<vmem>>, vector<16xi32>,
    %get3A_3447 = vector.shape_cast %get3A_3446 : vector<16xi32> to vector<16xi32>
    %add3A_3448 = arith.constant 8192 : i32
    %add3A_3449 = arith.addi %mul3A_40, %add3A_3448 : i32
    %add3A_3450 = vector.broadcast %add3A_3449 : i32 to vector<16xi32>
    %add3A_3451 = arith.addi %get3A_3447, %add3A_3450 : vector<16xi32>
    %swap3A_3452 = arith.constant 32 : i32
    %swap3A_3453 = arith.index_cast %swap3A_3452 : i32 to index
    %swap3A_3454 = arith.constant 96 : index
    %swap3A_3455 = tpu.vector_load %arg6[%swap3A_3453, %swap3A_3454] {strides = array<i32>} : memref<36x128xi32, #tpu.memory_space<vmem>>, vector<1x16xi32>,
    %swap3A_3456 = vector.shape_cast %swap3A_3455 : vector<1x16xi32> to vector<16xi32>
    %swap3A_3457 = vector.shape_cast %add3A_3451 : vector<16xi32> to vector<1x16xi32>
    tpu.vector_store %arg6[%swap3A_3453, %swap3A_3454], %swap3A_3457 {strides = array<i32>} : memref<36x128xi32, #tpu.memory_space<vmem>>, vector<1x16xi32>,
    %get3A_3458 = arith.constant 1136 : index
    %get3A_3459 = tpu.vector_load %arg5[%get3A_3458] {strides = array<i32>} : memref<1536xi32, #tpu.memory_space<vmem>>, vector<16xi32>,
    %get3A_3460 = vector.shape_cast %get3A_3459 : vector<16xi32> to vector<16xi32>
    %add3A_3461 = arith.constant 8192 : i32
    %add3A_3462 = arith.addi %mul3A_40, %add3A_3461 : i32
    %add3A_3463 = vector.broadcast %add3A_3462 : i32 to vector<16xi32>
    %add3A_3464 = arith.addi %get3A_3460, %add3A_3463 : vector<16xi32>
    %swap3A_3465 = arith.constant 32 : i32
    %swap3A_3466 = arith.index_cast %swap3A_3465 : i32 to index
    %swap3A_3467 = arith.constant 112 : index
    %swap3A_3468 = tpu.vector_load %arg6[%swap3A_3466, %swap3A_3467] {strides = array<i32>} : memref<36x128xi32, #tpu.memory_space<vmem>>, vector<1x16xi32>,
    %swap3A_3469 = vector.shape_cast %swap3A_3468 : vector<1x16xi32> to vector<16xi32>
    %swap3A_3470 = vector.shape_cast %add3A_3464 : vector<16xi32> to vector<1x16xi32>
    tpu.vector_store %arg6[%swap3A_3466, %swap3A_3467], %swap3A_3470 {strides = array<i32>} : memref<36x128xi32, #tpu.memory_space<vmem>>, vector<1x16xi32>,
    %get3A_3471 = arith.constant 1152 : index
    %get3A_3472 = tpu.vector_load %arg5[%get3A_3471] {strides = array<i32>} : memref<1536xi32, #tpu.memory_space<vmem>>, vector<16xi32>,
    %get3A_3473 = vector.shape_cast %get3A_3472 : vector<16xi32> to vector<16xi32>
    %add3A_3474 = arith.constant 8192 : i32
    %add3A_3475 = arith.addi %mul3A_40, %add3A_3474 : i32
    %add3A_3476 = vector.broadcast %add3A_3475 : i32 to vector<16xi32>
    %add3A_3477 = arith.addi %get3A_3473, %add3A_3476 : vector<16xi32>
    %swap3A_3478 = arith.constant 33 : i32
    %swap3A_3479 = arith.index_cast %swap3A_3478 : i32 to index
    %swap3A_3480 = arith.constant 0 : index
    %swap3A_3481 = tpu.vector_load %arg6[%swap3A_3479, %swap3A_3480] {strides = array<i32>} : memref<36x128xi32, #tpu.memory_space<vmem>>, vector<1x16xi32>,
    %swap3A_3482 = vector.shape_cast %swap3A_3481 : vector<1x16xi32> to vector<16xi32>
    %swap3A_3483 = vector.shape_cast %add3A_3477 : vector<16xi32> to vector<1x16xi32>
    tpu.vector_store %arg6[%swap3A_3479, %swap3A_3480], %swap3A_3483 {strides = array<i32>} : memref<36x128xi32, #tpu.memory_space<vmem>>, vector<1x16xi32>,
    %get3A_3484 = arith.constant 1168 : index
    %get3A_3485 = tpu.vector_load %arg5[%get3A_3484] {strides = array<i32>} : memref<1536xi32, #tpu.memory_space<vmem>>, vector<16xi32>,
    %get3A_3486 = vector.shape_cast %get3A_3485 : vector<16xi32> to vector<16xi32>
    %add3A_3487 = arith.constant 8192 : i32
    %add3A_3488 = arith.addi %mul3A_40, %add3A_3487 : i32
    %add3A_3489 = vector.broadcast %add3A_3488 : i32 to vector<16xi32>
    %add3A_3490 = arith.addi %get3A_3486, %add3A_3489 : vector<16xi32>
    %swap3A_3491 = arith.constant 33 : i32
    %swap3A_3492 = arith.index_cast %swap3A_3491 : i32 to index
    %swap3A_3493 = arith.constant 16 : index
    %swap3A_3494 = tpu.vector_load %arg6[%swap3A_3492, %swap3A_3493] {strides = array<i32>} : memref<36x128xi32, #tpu.memory_space<vmem>>, vector<1x16xi32>,
    %swap3A_3495 = vector.shape_cast %swap3A_3494 : vector<1x16xi32> to vector<16xi32>
    %swap3A_3496 = vector.shape_cast %add3A_3490 : vector<16xi32> to vector<1x16xi32>
    tpu.vector_store %arg6[%swap3A_3492, %swap3A_3493], %swap3A_3496 {strides = array<i32>} : memref<36x128xi32, #tpu.memory_space<vmem>>, vector<1x16xi32>,
    %get3A_3497 = arith.constant 1184 : index
    %get3A_3498 = tpu.vector_load %arg5[%get3A_3497] {strides = array<i32>} : memref<1536xi32, #tpu.memory_space<vmem>>, vector<16xi32>,
    %get3A_3499 = vector.shape_cast %get3A_3498 : vector<16xi32> to vector<16xi32>
    %add3A_3500 = arith.constant 8192 : i32
    %add3A_3501 = arith.addi %mul3A_40, %add3A_3500 : i32
    %add3A_3502 = vector.broadcast %add3A_3501 : i32 to vector<16xi32>
    %add3A_3503 = arith.addi %get3A_3499, %add3A_3502 : vector<16xi32>
    %swap3A_3504 = arith.constant 33 : i32
    %swap3A_3505 = arith.index_cast %swap3A_3504 : i32 to index
    %swap3A_3506 = arith.constant 32 : index
    %swap3A_3507 = tpu.vector_load %arg6[%swap3A_3505, %swap3A_3506] {strides = array<i32>} : memref<36x128xi32, #tpu.memory_space<vmem>>, vector<1x16xi32>,
    %swap3A_3508 = vector.shape_cast %swap3A_3507 : vector<1x16xi32> to vector<16xi32>
    %swap3A_3509 = vector.shape_cast %add3A_3503 : vector<16xi32> to vector<1x16xi32>
    tpu.vector_store %arg6[%swap3A_3505, %swap3A_3506], %swap3A_3509 {strides = array<i32>} : memref<36x128xi32, #tpu.memory_space<vmem>>, vector<1x16xi32>,
    %get3A_3510 = arith.constant 1200 : index
    %get3A_3511 = tpu.vector_load %arg5[%get3A_3510] {strides = array<i32>} : memref<1536xi32, #tpu.memory_space<vmem>>, vector<16xi32>,
    %get3A_3512 = vector.shape_cast %get3A_3511 : vector<16xi32> to vector<16xi32>
    %add3A_3513 = arith.constant 8192 : i32
    %add3A_3514 = arith.addi %mul3A_40, %add3A_3513 : i32
    %add3A_3515 = vector.broadcast %add3A_3514 : i32 to vector<16xi32>
    %add3A_3516 = arith.addi %get3A_3512, %add3A_3515 : vector<16xi32>
    %swap3A_3517 = arith.constant 33 : i32
    %swap3A_3518 = arith.index_cast %swap3A_3517 : i32 to index
    %swap3A_3519 = arith.constant 48 : index
    %swap3A_3520 = tpu.vector_load %arg6[%swap3A_3518, %swap3A_3519] {strides = array<i32>} : memref<36x128xi32, #tpu.memory_space<vmem>>, vector<1x16xi32>,
    %swap3A_3521 = vector.shape_cast %swap3A_3520 : vector<1x16xi32> to vector<16xi32>
    %swap3A_3522 = vector.shape_cast %add3A_3516 : vector<16xi32> to vector<1x16xi32>
    tpu.vector_store %arg6[%swap3A_3518, %swap3A_3519], %swap3A_3522 {strides = array<i32>} : memref<36x128xi32, #tpu.memory_space<vmem>>, vector<1x16xi32>,
    %get3A_3523 = arith.constant 1216 : index
    %get3A_3524 = tpu.vector_load %arg5[%get3A_3523] {strides = array<i32>} : memref<1536xi32, #tpu.memory_space<vmem>>, vector<16xi32>,
    %get3A_3525 = vector.shape_cast %get3A_3524 : vector<16xi32> to vector<16xi32>
    %add3A_3526 = arith.constant 8192 : i32
    %add3A_3527 = arith.addi %mul3A_40, %add3A_3526 : i32
    %add3A_3528 = vector.broadcast %add3A_3527 : i32 to vector<16xi32>
    %add3A_3529 = arith.addi %get3A_3525, %add3A_3528 : vector<16xi32>
    %swap3A_3530 = arith.constant 33 : i32
    %swap3A_3531 = arith.index_cast %swap3A_3530 : i32 to index
    %swap3A_3532 = arith.constant 64 : index
    %swap3A_3533 = tpu.vector_load %arg6[%swap3A_3531, %swap3A_3532] {strides = array<i32>} : memref<36x128xi32, #tpu.memory_space<vmem>>, vector<1x16xi32>,
    %swap3A_3534 = vector.shape_cast %swap3A_3533 : vector<1x16xi32> to vector<16xi32>
    %swap3A_3535 = vector.shape_cast %add3A_3529 : vector<16xi32> to vector<1x16xi32>
    tpu.vector_store %arg6[%swap3A_3531, %swap3A_3532], %swap3A_3535 {strides = array<i32>} : memref<36x128xi32, #tpu.memory_space<vmem>>, vector<1x16xi32>,
    %get3A_3536 = arith.constant 1232 : index
    %get3A_3537 = tpu.vector_load %arg5[%get3A_3536] {strides = array<i32>} : memref<1536xi32, #tpu.memory_space<vmem>>, vector<16xi32>,
    %get3A_3538 = vector.shape_cast %get3A_3537 : vector<16xi32> to vector<16xi32>
    %add3A_3539 = arith.constant 8192 : i32
    %add3A_3540 = arith.addi %mul3A_40, %add3A_3539 : i32
    %add3A_3541 = vector.broadcast %add3A_3540 : i32 to vector<16xi32>
    %add3A_3542 = arith.addi %get3A_3538, %add3A_3541 : vector<16xi32>
    %swap3A_3543 = arith.constant 33 : i32
    %swap3A_3544 = arith.index_cast %swap3A_3543 : i32 to index
    %swap3A_3545 = arith.constant 80 : index
    %swap3A_3546 = tpu.vector_load %arg6[%swap3A_3544, %swap3A_3545] {strides = array<i32>} : memref<36x128xi32, #tpu.memory_space<vmem>>, vector<1x16xi32>,
    %swap3A_3547 = vector.shape_cast %swap3A_3546 : vector<1x16xi32> to vector<16xi32>
    %swap3A_3548 = vector.shape_cast %add3A_3542 : vector<16xi32> to vector<1x16xi32>
    tpu.vector_store %arg6[%swap3A_3544, %swap3A_3545], %swap3A_3548 {strides = array<i32>} : memref<36x128xi32, #tpu.memory_space<vmem>>, vector<1x16xi32>,
    %get3A_3549 = arith.constant 1248 : index
    %get3A_3550 = tpu.vector_load %arg5[%get3A_3549] {strides = array<i32>} : memref<1536xi32, #tpu.memory_space<vmem>>, vector<16xi32>,
    %get3A_3551 = vector.shape_cast %get3A_3550 : vector<16xi32> to vector<16xi32>
    %add3A_3552 = arith.constant 8192 : i32
    %add3A_3553 = arith.addi %mul3A_40, %add3A_3552 : i32
    %add3A_3554 = vector.broadcast %add3A_3553 : i32 to vector<16xi32>
    %add3A_3555 = arith.addi %get3A_3551, %add3A_3554 : vector<16xi32>
    %swap3A_3556 = arith.constant 33 : i32
    %swap3A_3557 = arith.index_cast %swap3A_3556 : i32 to index
    %swap3A_3558 = arith.constant 96 : index
    %swap3A_3559 = tpu.vector_load %arg6[%swap3A_3557, %swap3A_3558] {strides = array<i32>} : memref<36x128xi32, #tpu.memory_space<vmem>>, vector<1x16xi32>,
    %swap3A_3560 = vector.shape_cast %swap3A_3559 : vector<1x16xi32> to vector<16xi32>
    %swap3A_3561 = vector.shape_cast %add3A_3555 : vector<16xi32> to vector<1x16xi32>
    tpu.vector_store %arg6[%swap3A_3557, %swap3A_3558], %swap3A_3561 {strides = array<i32>} : memref<36x128xi32, #tpu.memory_space<vmem>>, vector<1x16xi32>,
    %get3A_3562 = arith.constant 1264 : index
    %get3A_3563 = tpu.vector_load %arg5[%get3A_3562] {strides = array<i32>} : memref<1536xi32, #tpu.memory_space<vmem>>, vector<16xi32>,
    %get3A_3564 = vector.shape_cast %get3A_3563 : vector<16xi32> to vector<16xi32>
    %add3A_3565 = arith.constant 8192 : i32
    %add3A_3566 = arith.addi %mul3A_40, %add3A_3565 : i32
    %add3A_3567 = vector.broadcast %add3A_3566 : i32 to vector<16xi32>
    %add3A_3568 = arith.addi %get3A_3564, %add3A_3567 : vector<16xi32>
    %swap3A_3569 = arith.constant 33 : i32
    %swap3A_3570 = arith.index_cast %swap3A_3569 : i32 to index
    %swap3A_3571 = arith.constant 112 : index
    %swap3A_3572 = tpu.vector_load %arg6[%swap3A_3570, %swap3A_3571] {strides = array<i32>} : memref<36x128xi32, #tpu.memory_space<vmem>>, vector<1x16xi32>,
    %swap3A_3573 = vector.shape_cast %swap3A_3572 : vector<1x16xi32> to vector<16xi32>
    %swap3A_3574 = vector.shape_cast %add3A_3568 : vector<16xi32> to vector<1x16xi32>
    tpu.vector_store %arg6[%swap3A_3570, %swap3A_3571], %swap3A_3574 {strides = array<i32>} : memref<36x128xi32, #tpu.memory_space<vmem>>, vector<1x16xi32>,
    %get3A_3575 = arith.constant 1280 : index
    %get3A_3576 = tpu.vector_load %arg5[%get3A_3575] {strides = array<i32>} : memref<1536xi32, #tpu.memory_space<vmem>>, vector<16xi32>,
    %get3A_3577 = vector.shape_cast %get3A_3576 : vector<16xi32> to vector<16xi32>
    %add3A_3578 = arith.constant 8192 : i32
    %add3A_3579 = arith.addi %mul3A_40, %add3A_3578 : i32
    %add3A_3580 = vector.broadcast %add3A_3579 : i32 to vector<16xi32>
    %add3A_3581 = arith.addi %get3A_3577, %add3A_3580 : vector<16xi32>
    %swap3A_3582 = arith.constant 34 : i32
    %swap3A_3583 = arith.index_cast %swap3A_3582 : i32 to index
    %swap3A_3584 = arith.constant 0 : index
    %swap3A_3585 = tpu.vector_load %arg6[%swap3A_3583, %swap3A_3584] {strides = array<i32>} : memref<36x128xi32, #tpu.memory_space<vmem>>, vector<1x16xi32>,
    %swap3A_3586 = vector.shape_cast %swap3A_3585 : vector<1x16xi32> to vector<16xi32>
    %swap3A_3587 = vector.shape_cast %add3A_3581 : vector<16xi32> to vector<1x16xi32>
    tpu.vector_store %arg6[%swap3A_3583, %swap3A_3584], %swap3A_3587 {strides = array<i32>} : memref<36x128xi32, #tpu.memory_space<vmem>>, vector<1x16xi32>,
    %get3A_3588 = arith.constant 1296 : index
    %get3A_3589 = tpu.vector_load %arg5[%get3A_3588] {strides = array<i32>} : memref<1536xi32, #tpu.memory_space<vmem>>, vector<16xi32>,
    %get3A_3590 = vector.shape_cast %get3A_3589 : vector<16xi32> to vector<16xi32>
    %add3A_3591 = arith.constant 8192 : i32
    %add3A_3592 = arith.addi %mul3A_40, %add3A_3591 : i32
    %add3A_3593 = vector.broadcast %add3A_3592 : i32 to vector<16xi32>
    %add3A_3594 = arith.addi %get3A_3590, %add3A_3593 : vector<16xi32>
    %swap3A_3595 = arith.constant 34 : i32
    %swap3A_3596 = arith.index_cast %swap3A_3595 : i32 to index
    %swap3A_3597 = arith.constant 16 : index
    %swap3A_3598 = tpu.vector_load %arg6[%swap3A_3596, %swap3A_3597] {strides = array<i32>} : memref<36x128xi32, #tpu.memory_space<vmem>>, vector<1x16xi32>,
    %swap3A_3599 = vector.shape_cast %swap3A_3598 : vector<1x16xi32> to vector<16xi32>
    %swap3A_3600 = vector.shape_cast %add3A_3594 : vector<16xi32> to vector<1x16xi32>
    tpu.vector_store %arg6[%swap3A_3596, %swap3A_3597], %swap3A_3600 {strides = array<i32>} : memref<36x128xi32, #tpu.memory_space<vmem>>, vector<1x16xi32>,
    %get3A_3601 = arith.constant 1312 : index
    %get3A_3602 = tpu.vector_load %arg5[%get3A_3601] {strides = array<i32>} : memref<1536xi32, #tpu.memory_space<vmem>>, vector<16xi32>,
    %get3A_3603 = vector.shape_cast %get3A_3602 : vector<16xi32> to vector<16xi32>
    %add3A_3604 = arith.constant 8192 : i32
    %add3A_3605 = arith.addi %mul3A_40, %add3A_3604 : i32
    %add3A_3606 = vector.broadcast %add3A_3605 : i32 to vector<16xi32>
    %add3A_3607 = arith.addi %get3A_3603, %add3A_3606 : vector<16xi32>
    %swap3A_3608 = arith.constant 34 : i32
    %swap3A_3609 = arith.index_cast %swap3A_3608 : i32 to index
    %swap3A_3610 = arith.constant 32 : index
    %swap3A_3611 = tpu.vector_load %arg6[%swap3A_3609, %swap3A_3610] {strides = array<i32>} : memref<36x128xi32, #tpu.memory_space<vmem>>, vector<1x16xi32>,
    %swap3A_3612 = vector.shape_cast %swap3A_3611 : vector<1x16xi32> to vector<16xi32>
    %swap3A_3613 = vector.shape_cast %add3A_3607 : vector<16xi32> to vector<1x16xi32>
    tpu.vector_store %arg6[%swap3A_3609, %swap3A_3610], %swap3A_3613 {strides = array<i32>} : memref<36x128xi32, #tpu.memory_space<vmem>>, vector<1x16xi32>,
    %get3A_3614 = arith.constant 1328 : index
    %get3A_3615 = tpu.vector_load %arg5[%get3A_3614] {strides = array<i32>} : memref<1536xi32, #tpu.memory_space<vmem>>, vector<16xi32>,
    %get3A_3616 = vector.shape_cast %get3A_3615 : vector<16xi32> to vector<16xi32>
    %add3A_3617 = arith.constant 8192 : i32
    %add3A_3618 = arith.addi %mul3A_40, %add3A_3617 : i32
    %add3A_3619 = vector.broadcast %add3A_3618 : i32 to vector<16xi32>
    %add3A_3620 = arith.addi %get3A_3616, %add3A_3619 : vector<16xi32>
    %swap3A_3621 = arith.constant 34 : i32
    %swap3A_3622 = arith.index_cast %swap3A_3621 : i32 to index
    %swap3A_3623 = arith.constant 48 : index
    %swap3A_3624 = tpu.vector_load %arg6[%swap3A_3622, %swap3A_3623] {strides = array<i32>} : memref<36x128xi32, #tpu.memory_space<vmem>>, vector<1x16xi32>,
    %swap3A_3625 = vector.shape_cast %swap3A_3624 : vector<1x16xi32> to vector<16xi32>
    %swap3A_3626 = vector.shape_cast %add3A_3620 : vector<16xi32> to vector<1x16xi32>
    tpu.vector_store %arg6[%swap3A_3622, %swap3A_3623], %swap3A_3626 {strides = array<i32>} : memref<36x128xi32, #tpu.memory_space<vmem>>, vector<1x16xi32>,
    %get3A_3627 = arith.constant 1344 : index
    %get3A_3628 = tpu.vector_load %arg5[%get3A_3627] {strides = array<i32>} : memref<1536xi32, #tpu.memory_space<vmem>>, vector<16xi32>,
    %get3A_3629 = vector.shape_cast %get3A_3628 : vector<16xi32> to vector<16xi32>
    %add3A_3630 = arith.constant 8192 : i32
    %add3A_3631 = arith.addi %mul3A_40, %add3A_3630 : i32
    %add3A_3632 = vector.broadcast %add3A_3631 : i32 to vector<16xi32>
    %add3A_3633 = arith.addi %get3A_3629, %add3A_3632 : vector<16xi32>
    %swap3A_3634 = arith.constant 34 : i32
    %swap3A_3635 = arith.index_cast %swap3A_3634 : i32 to index
    %swap3A_3636 = arith.constant 64 : index
    %swap3A_3637 = tpu.vector_load %arg6[%swap3A_3635, %swap3A_3636] {strides = array<i32>} : memref<36x128xi32, #tpu.memory_space<vmem>>, vector<1x16xi32>,
    %swap3A_3638 = vector.shape_cast %swap3A_3637 : vector<1x16xi32> to vector<16xi32>
    %swap3A_3639 = vector.shape_cast %add3A_3633 : vector<16xi32> to vector<1x16xi32>
    tpu.vector_store %arg6[%swap3A_3635, %swap3A_3636], %swap3A_3639 {strides = array<i32>} : memref<36x128xi32, #tpu.memory_space<vmem>>, vector<1x16xi32>,
    %get3A_3640 = arith.constant 1360 : index
    %get3A_3641 = tpu.vector_load %arg5[%get3A_3640] {strides = array<i32>} : memref<1536xi32, #tpu.memory_space<vmem>>, vector<16xi32>,
    %get3A_3642 = vector.shape_cast %get3A_3641 : vector<16xi32> to vector<16xi32>
    %add3A_3643 = arith.constant 8192 : i32
    %add3A_3644 = arith.addi %mul3A_40, %add3A_3643 : i32
    %add3A_3645 = vector.broadcast %add3A_3644 : i32 to vector<16xi32>
    %add3A_3646 = arith.addi %get3A_3642, %add3A_3645 : vector<16xi32>
    %swap3A_3647 = arith.constant 34 : i32
    %swap3A_3648 = arith.index_cast %swap3A_3647 : i32 to index
    %swap3A_3649 = arith.constant 80 : index
    %swap3A_3650 = tpu.vector_load %arg6[%swap3A_3648, %swap3A_3649] {strides = array<i32>} : memref<36x128xi32, #tpu.memory_space<vmem>>, vector<1x16xi32>,
    %swap3A_3651 = vector.shape_cast %swap3A_3650 : vector<1x16xi32> to vector<16xi32>
    %swap3A_3652 = vector.shape_cast %add3A_3646 : vector<16xi32> to vector<1x16xi32>
    tpu.vector_store %arg6[%swap3A_3648, %swap3A_3649], %swap3A_3652 {strides = array<i32>} : memref<36x128xi32, #tpu.memory_space<vmem>>, vector<1x16xi32>,
    %get3A_3653 = arith.constant 1376 : index
    %get3A_3654 = tpu.vector_load %arg5[%get3A_3653] {strides = array<i32>} : memref<1536xi32, #tpu.memory_space<vmem>>, vector<16xi32>,
    %get3A_3655 = vector.shape_cast %get3A_3654 : vector<16xi32> to vector<16xi32>
    %add3A_3656 = arith.constant 8192 : i32
    %add3A_3657 = arith.addi %mul3A_40, %add3A_3656 : i32
    %add3A_3658 = vector.broadcast %add3A_3657 : i32 to vector<16xi32>
    %add3A_3659 = arith.addi %get3A_3655, %add3A_3658 : vector<16xi32>
    %swap3A_3660 = arith.constant 34 : i32
    %swap3A_3661 = arith.index_cast %swap3A_3660 : i32 to index
    %swap3A_3662 = arith.constant 96 : index
    %swap3A_3663 = tpu.vector_load %arg6[%swap3A_3661, %swap3A_3662] {strides = array<i32>} : memref<36x128xi32, #tpu.memory_space<vmem>>, vector<1x16xi32>,
    %swap3A_3664 = vector.shape_cast %swap3A_3663 : vector<1x16xi32> to vector<16xi32>
    %swap3A_3665 = vector.shape_cast %add3A_3659 : vector<16xi32> to vector<1x16xi32>
    tpu.vector_store %arg6[%swap3A_3661, %swap3A_3662], %swap3A_3665 {strides = array<i32>} : memref<36x128xi32, #tpu.memory_space<vmem>>, vector<1x16xi32>,
    %get3A_3666 = arith.constant 1392 : index
    %get3A_3667 = tpu.vector_load %arg5[%get3A_3666] {strides = array<i32>} : memref<1536xi32, #tpu.memory_space<vmem>>, vector<16xi32>,
    %get3A_3668 = vector.shape_cast %get3A_3667 : vector<16xi32> to vector<16xi32>
    %add3A_3669 = arith.constant 8192 : i32
    %add3A_3670 = arith.addi %mul3A_40, %add3A_3669 : i32
    %add3A_3671 = vector.broadcast %add3A_3670 : i32 to vector<16xi32>
    %add3A_3672 = arith.addi %get3A_3668, %add3A_3671 : vector<16xi32>
    %swap3A_3673 = arith.constant 34 : i32
    %swap3A_3674 = arith.index_cast %swap3A_3673 : i32 to index
    %swap3A_3675 = arith.constant 112 : index
    %swap3A_3676 = tpu.vector_load %arg6[%swap3A_3674, %swap3A_3675] {strides = array<i32>} : memref<36x128xi32, #tpu.memory_space<vmem>>, vector<1x16xi32>,
    %swap3A_3677 = vector.shape_cast %swap3A_3676 : vector<1x16xi32> to vector<16xi32>
    %swap3A_3678 = vector.shape_cast %add3A_3672 : vector<16xi32> to vector<1x16xi32>
    tpu.vector_store %arg6[%swap3A_3674, %swap3A_3675], %swap3A_3678 {strides = array<i32>} : memref<36x128xi32, #tpu.memory_space<vmem>>, vector<1x16xi32>,
    %get3A_3679 = arith.constant 1408 : index
    %get3A_3680 = tpu.vector_load %arg5[%get3A_3679] {strides = array<i32>} : memref<1536xi32, #tpu.memory_space<vmem>>, vector<16xi32>,
    %get3A_3681 = vector.shape_cast %get3A_3680 : vector<16xi32> to vector<16xi32>
    %add3A_3682 = arith.constant 8192 : i32
    %add3A_3683 = arith.addi %mul3A_40, %add3A_3682 : i32
    %add3A_3684 = vector.broadcast %add3A_3683 : i32 to vector<16xi32>
    %add3A_3685 = arith.addi %get3A_3681, %add3A_3684 : vector<16xi32>
    %swap3A_3686 = arith.constant 35 : i32
    %swap3A_3687 = arith.index_cast %swap3A_3686 : i32 to index
    %swap3A_3688 = arith.constant 0 : index
    %swap3A_3689 = tpu.vector_load %arg6[%swap3A_3687, %swap3A_3688] {strides = array<i32>} : memref<36x128xi32, #tpu.memory_space<vmem>>, vector<1x16xi32>,
    %swap3A_3690 = vector.shape_cast %swap3A_3689 : vector<1x16xi32> to vector<16xi32>
    %swap3A_3691 = vector.shape_cast %add3A_3685 : vector<16xi32> to vector<1x16xi32>
    tpu.vector_store %arg6[%swap3A_3687, %swap3A_3688], %swap3A_3691 {strides = array<i32>} : memref<36x128xi32, #tpu.memory_space<vmem>>, vector<1x16xi32>,
    %get3A_3692 = arith.constant 1424 : index
    %get3A_3693 = tpu.vector_load %arg5[%get3A_3692] {strides = array<i32>} : memref<1536xi32, #tpu.memory_space<vmem>>, vector<16xi32>,
    %get3A_3694 = vector.shape_cast %get3A_3693 : vector<16xi32> to vector<16xi32>
    %add3A_3695 = arith.constant 8192 : i32
    %add3A_3696 = arith.addi %mul3A_40, %add3A_3695 : i32
    %add3A_3697 = vector.broadcast %add3A_3696 : i32 to vector<16xi32>
    %add3A_3698 = arith.addi %get3A_3694, %add3A_3697 : vector<16xi32>
    %swap3A_3699 = arith.constant 35 : i32
    %swap3A_3700 = arith.index_cast %swap3A_3699 : i32 to index
    %swap3A_3701 = arith.constant 16 : index
    %swap3A_3702 = tpu.vector_load %arg6[%swap3A_3700, %swap3A_3701] {strides = array<i32>} : memref<36x128xi32, #tpu.memory_space<vmem>>, vector<1x16xi32>,
    %swap3A_3703 = vector.shape_cast %swap3A_3702 : vector<1x16xi32> to vector<16xi32>
    %swap3A_3704 = vector.shape_cast %add3A_3698 : vector<16xi32> to vector<1x16xi32>
    tpu.vector_store %arg6[%swap3A_3700, %swap3A_3701], %swap3A_3704 {strides = array<i32>} : memref<36x128xi32, #tpu.memory_space<vmem>>, vector<1x16xi32>,
    %get3A_3705 = arith.constant 1440 : index
    %get3A_3706 = tpu.vector_load %arg5[%get3A_3705] {strides = array<i32>} : memref<1536xi32, #tpu.memory_space<vmem>>, vector<16xi32>,
    %get3A_3707 = vector.shape_cast %get3A_3706 : vector<16xi32> to vector<16xi32>
    %add3A_3708 = arith.constant 8192 : i32
    %add3A_3709 = arith.addi %mul3A_40, %add3A_3708 : i32
    %add3A_3710 = vector.broadcast %add3A_3709 : i32 to vector<16xi32>
    %add3A_3711 = arith.addi %get3A_3707, %add3A_3710 : vector<16xi32>
    %swap3A_3712 = arith.constant 35 : i32
    %swap3A_3713 = arith.index_cast %swap3A_3712 : i32 to index
    %swap3A_3714 = arith.constant 32 : index
    %swap3A_3715 = tpu.vector_load %arg6[%swap3A_3713, %swap3A_3714] {strides = array<i32>} : memref<36x128xi32, #tpu.memory_space<vmem>>, vector<1x16xi32>,
    %swap3A_3716 = vector.shape_cast %swap3A_3715 : vector<1x16xi32> to vector<16xi32>
    %swap3A_3717 = vector.shape_cast %add3A_3711 : vector<16xi32> to vector<1x16xi32>
    tpu.vector_store %arg6[%swap3A_3713, %swap3A_3714], %swap3A_3717 {strides = array<i32>} : memref<36x128xi32, #tpu.memory_space<vmem>>, vector<1x16xi32>,
    %get3A_3718 = arith.constant 1456 : index
    %get3A_3719 = tpu.vector_load %arg5[%get3A_3718] {strides = array<i32>} : memref<1536xi32, #tpu.memory_space<vmem>>, vector<16xi32>,
    %get3A_3720 = vector.shape_cast %get3A_3719 : vector<16xi32> to vector<16xi32>
    %add3A_3721 = arith.constant 8192 : i32
    %add3A_3722 = arith.addi %mul3A_40, %add3A_3721 : i32
    %add3A_3723 = vector.broadcast %add3A_3722 : i32 to vector<16xi32>
    %add3A_3724 = arith.addi %get3A_3720, %add3A_3723 : vector<16xi32>
    %swap3A_3725 = arith.constant 35 : i32
    %swap3A_3726 = arith.index_cast %swap3A_3725 : i32 to index
    %swap3A_3727 = arith.constant 48 : index
    %swap3A_3728 = tpu.vector_load %arg6[%swap3A_3726, %swap3A_3727] {strides = array<i32>} : memref<36x128xi32, #tpu.memory_space<vmem>>, vector<1x16xi32>,
    %swap3A_3729 = vector.shape_cast %swap3A_3728 : vector<1x16xi32> to vector<16xi32>
    %swap3A_3730 = vector.shape_cast %add3A_3724 : vector<16xi32> to vector<1x16xi32>
    tpu.vector_store %arg6[%swap3A_3726, %swap3A_3727], %swap3A_3730 {strides = array<i32>} : memref<36x128xi32, #tpu.memory_space<vmem>>, vector<1x16xi32>,
    %get3A_3731 = arith.constant 1472 : index
    %get3A_3732 = tpu.vector_load %arg5[%get3A_3731] {strides = array<i32>} : memref<1536xi32, #tpu.memory_space<vmem>>, vector<16xi32>,
    %get3A_3733 = vector.shape_cast %get3A_3732 : vector<16xi32> to vector<16xi32>
    %add3A_3734 = arith.constant 8192 : i32
    %add3A_3735 = arith.addi %mul3A_40, %add3A_3734 : i32
    %add3A_3736 = vector.broadcast %add3A_3735 : i32 to vector<16xi32>
    %add3A_3737 = arith.addi %get3A_3733, %add3A_3736 : vector<16xi32>
    %swap3A_3738 = arith.constant 35 : i32
    %swap3A_3739 = arith.index_cast %swap3A_3738 : i32 to index
    %swap3A_3740 = arith.constant 64 : index
    %swap3A_3741 = tpu.vector_load %arg6[%swap3A_3739, %swap3A_3740] {strides = array<i32>} : memref<36x128xi32, #tpu.memory_space<vmem>>, vector<1x16xi32>,
    %swap3A_3742 = vector.shape_cast %swap3A_3741 : vector<1x16xi32> to vector<16xi32>
    %swap3A_3743 = vector.shape_cast %add3A_3737 : vector<16xi32> to vector<1x16xi32>
    tpu.vector_store %arg6[%swap3A_3739, %swap3A_3740], %swap3A_3743 {strides = array<i32>} : memref<36x128xi32, #tpu.memory_space<vmem>>, vector<1x16xi32>,
    %get3A_3744 = arith.constant 1488 : index
    %get3A_3745 = tpu.vector_load %arg5[%get3A_3744] {strides = array<i32>} : memref<1536xi32, #tpu.memory_space<vmem>>, vector<16xi32>,
    %get3A_3746 = vector.shape_cast %get3A_3745 : vector<16xi32> to vector<16xi32>
    %add3A_3747 = arith.constant 8192 : i32
    %add3A_3748 = arith.addi %mul3A_40, %add3A_3747 : i32
    %add3A_3749 = vector.broadcast %add3A_3748 : i32 to vector<16xi32>
    %add3A_3750 = arith.addi %get3A_3746, %add3A_3749 : vector<16xi32>
    %swap3A_3751 = arith.constant 35 : i32
    %swap3A_3752 = arith.index_cast %swap3A_3751 : i32 to index
    %swap3A_3753 = arith.constant 80 : index
    %swap3A_3754 = tpu.vector_load %arg6[%swap3A_3752, %swap3A_3753] {strides = array<i32>} : memref<36x128xi32, #tpu.memory_space<vmem>>, vector<1x16xi32>,
    %swap3A_3755 = vector.shape_cast %swap3A_3754 : vector<1x16xi32> to vector<16xi32>
    %swap3A_3756 = vector.shape_cast %add3A_3750 : vector<16xi32> to vector<1x16xi32>
    tpu.vector_store %arg6[%swap3A_3752, %swap3A_3753], %swap3A_3756 {strides = array<i32>} : memref<36x128xi32, #tpu.memory_space<vmem>>, vector<1x16xi32>,
    %get3A_3757 = arith.constant 1504 : index
    %get3A_3758 = tpu.vector_load %arg5[%get3A_3757] {strides = array<i32>} : memref<1536xi32, #tpu.memory_space<vmem>>, vector<16xi32>,
    %get3A_3759 = vector.shape_cast %get3A_3758 : vector<16xi32> to vector<16xi32>
    %add3A_3760 = arith.constant 8192 : i32
    %add3A_3761 = arith.addi %mul3A_40, %add3A_3760 : i32
    %add3A_3762 = vector.broadcast %add3A_3761 : i32 to vector<16xi32>
    %add3A_3763 = arith.addi %get3A_3759, %add3A_3762 : vector<16xi32>
    %swap3A_3764 = arith.constant 35 : i32
    %swap3A_3765 = arith.index_cast %swap3A_3764 : i32 to index
    %swap3A_3766 = arith.constant 96 : index
    %swap3A_3767 = tpu.vector_load %arg6[%swap3A_3765, %swap3A_3766] {strides = array<i32>} : memref<36x128xi32, #tpu.memory_space<vmem>>, vector<1x16xi32>,
    %swap3A_3768 = vector.shape_cast %swap3A_3767 : vector<1x16xi32> to vector<16xi32>
    %swap3A_3769 = vector.shape_cast %add3A_3763 : vector<16xi32> to vector<1x16xi32>
    tpu.vector_store %arg6[%swap3A_3765, %swap3A_3766], %swap3A_3769 {strides = array<i32>} : memref<36x128xi32, #tpu.memory_space<vmem>>, vector<1x16xi32>,
    %get3A_3770 = arith.constant 1520 : index
    %get3A_3771 = tpu.vector_load %arg5[%get3A_3770] {strides = array<i32>} : memref<1536xi32, #tpu.memory_space<vmem>>, vector<16xi32>,
    %get3A_3772 = vector.shape_cast %get3A_3771 : vector<16xi32> to vector<16xi32>
    %add3A_3773 = arith.constant 8192 : i32
    %add3A_3774 = arith.addi %mul3A_40, %add3A_3773 : i32
    %add3A_3775 = vector.broadcast %add3A_3774 : i32 to vector<16xi32>
    %add3A_3776 = arith.addi %get3A_3772, %add3A_3775 : vector<16xi32>
    %swap3A_3777 = arith.constant 35 : i32
    %swap3A_3778 = arith.index_cast %swap3A_3777 : i32 to index
    %swap3A_3779 = arith.constant 112 : index
    %swap3A_3780 = tpu.vector_load %arg6[%swap3A_3778, %swap3A_3779] {strides = array<i32>} : memref<36x128xi32, #tpu.memory_space<vmem>>, vector<1x16xi32>,
    %swap3A_3781 = vector.shape_cast %swap3A_3780 : vector<1x16xi32> to vector<16xi32>
    %swap3A_3782 = vector.shape_cast %add3A_3776 : vector<16xi32> to vector<1x16xi32>
    tpu.vector_store %arg6[%swap3A_3778, %swap3A_3779], %swap3A_3782 {strides = array<i32>} : memref<36x128xi32, #tpu.memory_space<vmem>>, vector<1x16xi32>,
    %dma_start3A = arith.constant 0 : i32
    %dma_start3A_3783 = arith.constant 0 : i32
    %dma_start3A_3784 = tpu.memref_slice %arg7[%dma_start3A_3783] : memref<4608xf32, #tpu.memory_space<vmem>> -> memref<128xf32, #tpu.memory_space<vmem>>
    %dma_start3A_3785 = arith.constant 0 : i32
    %dma_start3A_3786 = tpu.memref_slice %arg6[%dma_start3A, %dma_start3A_3785] : memref<36x128xi32, #tpu.memory_space<vmem>> -> memref<1x128xi32, #tpu.memory_space<vmem>>
    %dma_start3A_3787 = tpu.memref_squeeze %dma_start3A_3786 : memref<1x128xi32, #tpu.memory_space<vmem>> -> memref<128xi32, #tpu.memory_space<vmem>>
    %dma_start3A_3788 = arith.constant 0 : i32
    %dma_start3A_3789 = tpu.memref_slice %arg2[%dma_start3A_3788] : memref<49152xf32, #tpu.memory_space<hbm>> -> memref<49152xf32, #tpu.memory_space<hbm>>
    tpu.enqueue_indirect_dma source(%dma_start3A_3789 : memref<49152xf32, #tpu.memory_space<hbm>>) target(%dma_start3A_3784 : memref<128xf32, #tpu.memory_space<vmem>>) offsets(%dma_start3A_3787 : memref<128xi32, #tpu.memory_space<vmem>>) semaphore(%arg8 : memref<!tpu.dma_semaphore, #tpu.memory_space<semaphore_mem>>)
    %dma_start3A_3790 = arith.constant 1 : i32
    %dma_start3A_3791 = arith.constant 128 : i32
    %dma_start3A_3792 = tpu.memref_slice %arg7[%dma_start3A_3791] : memref<4608xf32, #tpu.memory_space<vmem>> -> memref<128xf32, #tpu.memory_space<vmem>>
    %dma_start3A_3793 = arith.constant 0 : i32
    %dma_start3A_3794 = tpu.memref_slice %arg6[%dma_start3A_3790, %dma_start3A_3793] : memref<36x128xi32, #tpu.memory_space<vmem>> -> memref<1x128xi32, #tpu.memory_space<vmem>>
    %dma_start3A_3795 = tpu.memref_squeeze %dma_start3A_3794 : memref<1x128xi32, #tpu.memory_space<vmem>> -> memref<128xi32, #tpu.memory_space<vmem>>
    %dma_start3A_3796 = arith.constant 0 : i32
    %dma_start3A_3797 = tpu.memref_slice %arg2[%dma_start3A_3796] : memref<49152xf32, #tpu.memory_space<hbm>> -> memref<49152xf32, #tpu.memory_space<hbm>>
    tpu.enqueue_indirect_dma source(%dma_start3A_3797 : memref<49152xf32, #tpu.memory_space<hbm>>) target(%dma_start3A_3792 : memref<128xf32, #tpu.memory_space<vmem>>) offsets(%dma_start3A_3795 : memref<128xi32, #tpu.memory_space<vmem>>) semaphore(%arg8 : memref<!tpu.dma_semaphore, #tpu.memory_space<semaphore_mem>>)
    %dma_start3A_3798 = arith.constant 2 : i32
    %dma_start3A_3799 = arith.constant 256 : i32
    %dma_start3A_3800 = tpu.memref_slice %arg7[%dma_start3A_3799] : memref<4608xf32, #tpu.memory_space<vmem>> -> memref<128xf32, #tpu.memory_space<vmem>>
    %dma_start3A_3801 = arith.constant 0 : i32
    %dma_start3A_3802 = tpu.memref_slice %arg6[%dma_start3A_3798, %dma_start3A_3801] : memref<36x128xi32, #tpu.memory_space<vmem>> -> memref<1x128xi32, #tpu.memory_space<vmem>>
    %dma_start3A_3803 = tpu.memref_squeeze %dma_start3A_3802 : memref<1x128xi32, #tpu.memory_space<vmem>> -> memref<128xi32, #tpu.memory_space<vmem>>
    %dma_start3A_3804 = arith.constant 0 : i32
    %dma_start3A_3805 = tpu.memref_slice %arg2[%dma_start3A_3804] : memref<49152xf32, #tpu.memory_space<hbm>> -> memref<49152xf32, #tpu.memory_space<hbm>>
    tpu.enqueue_indirect_dma source(%dma_start3A_3805 : memref<49152xf32, #tpu.memory_space<hbm>>) target(%dma_start3A_3800 : memref<128xf32, #tpu.memory_space<vmem>>) offsets(%dma_start3A_3803 : memref<128xi32, #tpu.memory_space<vmem>>) semaphore(%arg8 : memref<!tpu.dma_semaphore, #tpu.memory_space<semaphore_mem>>)
    %dma_start3A_3806 = arith.constant 3 : i32
    %dma_start3A_3807 = arith.constant 384 : i32
    %dma_start3A_3808 = tpu.memref_slice %arg7[%dma_start3A_3807] : memref<4608xf32, #tpu.memory_space<vmem>> -> memref<128xf32, #tpu.memory_space<vmem>>
    %dma_start3A_3809 = arith.constant 0 : i32
    %dma_start3A_3810 = tpu.memref_slice %arg6[%dma_start3A_3806, %dma_start3A_3809] : memref<36x128xi32, #tpu.memory_space<vmem>> -> memref<1x128xi32, #tpu.memory_space<vmem>>
    %dma_start3A_3811 = tpu.memref_squeeze %dma_start3A_3810 : memref<1x128xi32, #tpu.memory_space<vmem>> -> memref<128xi32, #tpu.memory_space<vmem>>
    %dma_start3A_3812 = arith.constant 0 : i32
    %dma_start3A_3813 = tpu.memref_slice %arg2[%dma_start3A_3812] : memref<49152xf32, #tpu.memory_space<hbm>> -> memref<49152xf32, #tpu.memory_space<hbm>>
    tpu.enqueue_indirect_dma source(%dma_start3A_3813 : memref<49152xf32, #tpu.memory_space<hbm>>) target(%dma_start3A_3808 : memref<128xf32, #tpu.memory_space<vmem>>) offsets(%dma_start3A_3811 : memref<128xi32, #tpu.memory_space<vmem>>) semaphore(%arg8 : memref<!tpu.dma_semaphore, #tpu.memory_space<semaphore_mem>>)
    %dma_start3A_3814 = arith.constant 4 : i32
    %dma_start3A_3815 = arith.constant 512 : i32
    %dma_start3A_3816 = tpu.memref_slice %arg7[%dma_start3A_3815] : memref<4608xf32, #tpu.memory_space<vmem>> -> memref<128xf32, #tpu.memory_space<vmem>>
    %dma_start3A_3817 = arith.constant 0 : i32
    %dma_start3A_3818 = tpu.memref_slice %arg6[%dma_start3A_3814, %dma_start3A_3817] : memref<36x128xi32, #tpu.memory_space<vmem>> -> memref<1x128xi32, #tpu.memory_space<vmem>>
    %dma_start3A_3819 = tpu.memref_squeeze %dma_start3A_3818 : memref<1x128xi32, #tpu.memory_space<vmem>> -> memref<128xi32, #tpu.memory_space<vmem>>
    %dma_start3A_3820 = arith.constant 0 : i32
    %dma_start3A_3821 = tpu.memref_slice %arg2[%dma_start3A_3820] : memref<49152xf32, #tpu.memory_space<hbm>> -> memref<49152xf32, #tpu.memory_space<hbm>>
    tpu.enqueue_indirect_dma source(%dma_start3A_3821 : memref<49152xf32, #tpu.memory_space<hbm>>) target(%dma_start3A_3816 : memref<128xf32, #tpu.memory_space<vmem>>) offsets(%dma_start3A_3819 : memref<128xi32, #tpu.memory_space<vmem>>) semaphore(%arg8 : memref<!tpu.dma_semaphore, #tpu.memory_space<semaphore_mem>>)
    %dma_start3A_3822 = arith.constant 5 : i32
    %dma_start3A_3823 = arith.constant 640 : i32
    %dma_start3A_3824 = tpu.memref_slice %arg7[%dma_start3A_3823] : memref<4608xf32, #tpu.memory_space<vmem>> -> memref<128xf32, #tpu.memory_space<vmem>>
    %dma_start3A_3825 = arith.constant 0 : i32
    %dma_start3A_3826 = tpu.memref_slice %arg6[%dma_start3A_3822, %dma_start3A_3825] : memref<36x128xi32, #tpu.memory_space<vmem>> -> memref<1x128xi32, #tpu.memory_space<vmem>>
    %dma_start3A_3827 = tpu.memref_squeeze %dma_start3A_3826 : memref<1x128xi32, #tpu.memory_space<vmem>> -> memref<128xi32, #tpu.memory_space<vmem>>
    %dma_start3A_3828 = arith.constant 0 : i32
    %dma_start3A_3829 = tpu.memref_slice %arg2[%dma_start3A_3828] : memref<49152xf32, #tpu.memory_space<hbm>> -> memref<49152xf32, #tpu.memory_space<hbm>>
    tpu.enqueue_indirect_dma source(%dma_start3A_3829 : memref<49152xf32, #tpu.memory_space<hbm>>) target(%dma_start3A_3824 : memref<128xf32, #tpu.memory_space<vmem>>) offsets(%dma_start3A_3827 : memref<128xi32, #tpu.memory_space<vmem>>) semaphore(%arg8 : memref<!tpu.dma_semaphore, #tpu.memory_space<semaphore_mem>>)
    %dma_start3A_3830 = arith.constant 6 : i32
    %dma_start3A_3831 = arith.constant 768 : i32
    %dma_start3A_3832 = tpu.memref_slice %arg7[%dma_start3A_3831] : memref<4608xf32, #tpu.memory_space<vmem>> -> memref<128xf32, #tpu.memory_space<vmem>>
    %dma_start3A_3833 = arith.constant 0 : i32
    %dma_start3A_3834 = tpu.memref_slice %arg6[%dma_start3A_3830, %dma_start3A_3833] : memref<36x128xi32, #tpu.memory_space<vmem>> -> memref<1x128xi32, #tpu.memory_space<vmem>>
    %dma_start3A_3835 = tpu.memref_squeeze %dma_start3A_3834 : memref<1x128xi32, #tpu.memory_space<vmem>> -> memref<128xi32, #tpu.memory_space<vmem>>
    %dma_start3A_3836 = arith.constant 0 : i32
    %dma_start3A_3837 = tpu.memref_slice %arg2[%dma_start3A_3836] : memref<49152xf32, #tpu.memory_space<hbm>> -> memref<49152xf32, #tpu.memory_space<hbm>>
    tpu.enqueue_indirect_dma source(%dma_start3A_3837 : memref<49152xf32, #tpu.memory_space<hbm>>) target(%dma_start3A_3832 : memref<128xf32, #tpu.memory_space<vmem>>) offsets(%dma_start3A_3835 : memref<128xi32, #tpu.memory_space<vmem>>) semaphore(%arg8 : memref<!tpu.dma_semaphore, #tpu.memory_space<semaphore_mem>>)
    %dma_start3A_3838 = arith.constant 7 : i32
    %dma_start3A_3839 = arith.constant 896 : i32
    %dma_start3A_3840 = tpu.memref_slice %arg7[%dma_start3A_3839] : memref<4608xf32, #tpu.memory_space<vmem>> -> memref<128xf32, #tpu.memory_space<vmem>>
    %dma_start3A_3841 = arith.constant 0 : i32
    %dma_start3A_3842 = tpu.memref_slice %arg6[%dma_start3A_3838, %dma_start3A_3841] : memref<36x128xi32, #tpu.memory_space<vmem>> -> memref<1x128xi32, #tpu.memory_space<vmem>>
    %dma_start3A_3843 = tpu.memref_squeeze %dma_start3A_3842 : memref<1x128xi32, #tpu.memory_space<vmem>> -> memref<128xi32, #tpu.memory_space<vmem>>
    %dma_start3A_3844 = arith.constant 0 : i32
    %dma_start3A_3845 = tpu.memref_slice %arg2[%dma_start3A_3844] : memref<49152xf32, #tpu.memory_space<hbm>> -> memref<49152xf32, #tpu.memory_space<hbm>>
    tpu.enqueue_indirect_dma source(%dma_start3A_3845 : memref<49152xf32, #tpu.memory_space<hbm>>) target(%dma_start3A_3840 : memref<128xf32, #tpu.memory_space<vmem>>) offsets(%dma_start3A_3843 : memref<128xi32, #tpu.memory_space<vmem>>) semaphore(%arg8 : memref<!tpu.dma_semaphore, #tpu.memory_space<semaphore_mem>>)
    %dma_start3A_3846 = arith.constant 8 : i32
    %dma_start3A_3847 = arith.constant 1024 : i32
    %dma_start3A_3848 = tpu.memref_slice %arg7[%dma_start3A_3847] : memref<4608xf32, #tpu.memory_space<vmem>> -> memref<128xf32, #tpu.memory_space<vmem>>
    %dma_start3A_3849 = arith.constant 0 : i32
    %dma_start3A_3850 = tpu.memref_slice %arg6[%dma_start3A_3846, %dma_start3A_3849] : memref<36x128xi32, #tpu.memory_space<vmem>> -> memref<1x128xi32, #tpu.memory_space<vmem>>
    %dma_start3A_3851 = tpu.memref_squeeze %dma_start3A_3850 : memref<1x128xi32, #tpu.memory_space<vmem>> -> memref<128xi32, #tpu.memory_space<vmem>>
    %dma_start3A_3852 = arith.constant 0 : i32
    %dma_start3A_3853 = tpu.memref_slice %arg2[%dma_start3A_3852] : memref<49152xf32, #tpu.memory_space<hbm>> -> memref<49152xf32, #tpu.memory_space<hbm>>
    tpu.enqueue_indirect_dma source(%dma_start3A_3853 : memref<49152xf32, #tpu.memory_space<hbm>>) target(%dma_start3A_3848 : memref<128xf32, #tpu.memory_space<vmem>>) offsets(%dma_start3A_3851 : memref<128xi32, #tpu.memory_space<vmem>>) semaphore(%arg8 : memref<!tpu.dma_semaphore, #tpu.memory_space<semaphore_mem>>)
    %dma_start3A_3854 = arith.constant 9 : i32
    %dma_start3A_3855 = arith.constant 1152 : i32
    %dma_start3A_3856 = tpu.memref_slice %arg7[%dma_start3A_3855] : memref<4608xf32, #tpu.memory_space<vmem>> -> memref<128xf32, #tpu.memory_space<vmem>>
    %dma_start3A_3857 = arith.constant 0 : i32
    %dma_start3A_3858 = tpu.memref_slice %arg6[%dma_start3A_3854, %dma_start3A_3857] : memref<36x128xi32, #tpu.memory_space<vmem>> -> memref<1x128xi32, #tpu.memory_space<vmem>>
    %dma_start3A_3859 = tpu.memref_squeeze %dma_start3A_3858 : memref<1x128xi32, #tpu.memory_space<vmem>> -> memref<128xi32, #tpu.memory_space<vmem>>
    %dma_start3A_3860 = arith.constant 0 : i32
    %dma_start3A_3861 = tpu.memref_slice %arg2[%dma_start3A_3860] : memref<49152xf32, #tpu.memory_space<hbm>> -> memref<49152xf32, #tpu.memory_space<hbm>>
    tpu.enqueue_indirect_dma source(%dma_start3A_3861 : memref<49152xf32, #tpu.memory_space<hbm>>) target(%dma_start3A_3856 : memref<128xf32, #tpu.memory_space<vmem>>) offsets(%dma_start3A_3859 : memref<128xi32, #tpu.memory_space<vmem>>) semaphore(%arg8 : memref<!tpu.dma_semaphore, #tpu.memory_space<semaphore_mem>>)
    %dma_start3A_3862 = arith.constant 10 : i32
    %dma_start3A_3863 = arith.constant 1280 : i32
    %dma_start3A_3864 = tpu.memref_slice %arg7[%dma_start3A_3863] : memref<4608xf32, #tpu.memory_space<vmem>> -> memref<128xf32, #tpu.memory_space<vmem>>
    %dma_start3A_3865 = arith.constant 0 : i32
    %dma_start3A_3866 = tpu.memref_slice %arg6[%dma_start3A_3862, %dma_start3A_3865] : memref<36x128xi32, #tpu.memory_space<vmem>> -> memref<1x128xi32, #tpu.memory_space<vmem>>
    %dma_start3A_3867 = tpu.memref_squeeze %dma_start3A_3866 : memref<1x128xi32, #tpu.memory_space<vmem>> -> memref<128xi32, #tpu.memory_space<vmem>>
    %dma_start3A_3868 = arith.constant 0 : i32
    %dma_start3A_3869 = tpu.memref_slice %arg2[%dma_start3A_3868] : memref<49152xf32, #tpu.memory_space<hbm>> -> memref<49152xf32, #tpu.memory_space<hbm>>
    tpu.enqueue_indirect_dma source(%dma_start3A_3869 : memref<49152xf32, #tpu.memory_space<hbm>>) target(%dma_start3A_3864 : memref<128xf32, #tpu.memory_space<vmem>>) offsets(%dma_start3A_3867 : memref<128xi32, #tpu.memory_space<vmem>>) semaphore(%arg8 : memref<!tpu.dma_semaphore, #tpu.memory_space<semaphore_mem>>)
    %dma_start3A_3870 = arith.constant 11 : i32
    %dma_start3A_3871 = arith.constant 1408 : i32
    %dma_start3A_3872 = tpu.memref_slice %arg7[%dma_start3A_3871] : memref<4608xf32, #tpu.memory_space<vmem>> -> memref<128xf32, #tpu.memory_space<vmem>>
    %dma_start3A_3873 = arith.constant 0 : i32
    %dma_start3A_3874 = tpu.memref_slice %arg6[%dma_start3A_3870, %dma_start3A_3873] : memref<36x128xi32, #tpu.memory_space<vmem>> -> memref<1x128xi32, #tpu.memory_space<vmem>>
    %dma_start3A_3875 = tpu.memref_squeeze %dma_start3A_3874 : memref<1x128xi32, #tpu.memory_space<vmem>> -> memref<128xi32, #tpu.memory_space<vmem>>
    %dma_start3A_3876 = arith.constant 0 : i32
    %dma_start3A_3877 = tpu.memref_slice %arg2[%dma_start3A_3876] : memref<49152xf32, #tpu.memory_space<hbm>> -> memref<49152xf32, #tpu.memory_space<hbm>>
    tpu.enqueue_indirect_dma source(%dma_start3A_3877 : memref<49152xf32, #tpu.memory_space<hbm>>) target(%dma_start3A_3872 : memref<128xf32, #tpu.memory_space<vmem>>) offsets(%dma_start3A_3875 : memref<128xi32, #tpu.memory_space<vmem>>) semaphore(%arg8 : memref<!tpu.dma_semaphore, #tpu.memory_space<semaphore_mem>>)
    %dma_start3A_3878 = arith.constant 12 : i32
    %dma_start3A_3879 = arith.constant 1536 : i32
    %dma_start3A_3880 = tpu.memref_slice %arg7[%dma_start3A_3879] : memref<4608xf32, #tpu.memory_space<vmem>> -> memref<128xf32, #tpu.memory_space<vmem>>
    %dma_start3A_3881 = arith.constant 0 : i32
    %dma_start3A_3882 = tpu.memref_slice %arg6[%dma_start3A_3878, %dma_start3A_3881] : memref<36x128xi32, #tpu.memory_space<vmem>> -> memref<1x128xi32, #tpu.memory_space<vmem>>
    %dma_start3A_3883 = tpu.memref_squeeze %dma_start3A_3882 : memref<1x128xi32, #tpu.memory_space<vmem>> -> memref<128xi32, #tpu.memory_space<vmem>>
    %dma_start3A_3884 = arith.constant 0 : i32
    %dma_start3A_3885 = tpu.memref_slice %arg2[%dma_start3A_3884] : memref<49152xf32, #tpu.memory_space<hbm>> -> memref<49152xf32, #tpu.memory_space<hbm>>
    tpu.enqueue_indirect_dma source(%dma_start3A_3885 : memref<49152xf32, #tpu.memory_space<hbm>>) target(%dma_start3A_3880 : memref<128xf32, #tpu.memory_space<vmem>>) offsets(%dma_start3A_3883 : memref<128xi32, #tpu.memory_space<vmem>>) semaphore(%arg8 : memref<!tpu.dma_semaphore, #tpu.memory_space<semaphore_mem>>)
    %dma_start3A_3886 = arith.constant 13 : i32
    %dma_start3A_3887 = arith.constant 1664 : i32
    %dma_start3A_3888 = tpu.memref_slice %arg7[%dma_start3A_3887] : memref<4608xf32, #tpu.memory_space<vmem>> -> memref<128xf32, #tpu.memory_space<vmem>>
    %dma_start3A_3889 = arith.constant 0 : i32
    %dma_start3A_3890 = tpu.memref_slice %arg6[%dma_start3A_3886, %dma_start3A_3889] : memref<36x128xi32, #tpu.memory_space<vmem>> -> memref<1x128xi32, #tpu.memory_space<vmem>>
    %dma_start3A_3891 = tpu.memref_squeeze %dma_start3A_3890 : memref<1x128xi32, #tpu.memory_space<vmem>> -> memref<128xi32, #tpu.memory_space<vmem>>
    %dma_start3A_3892 = arith.constant 0 : i32
    %dma_start3A_3893 = tpu.memref_slice %arg2[%dma_start3A_3892] : memref<49152xf32, #tpu.memory_space<hbm>> -> memref<49152xf32, #tpu.memory_space<hbm>>
    tpu.enqueue_indirect_dma source(%dma_start3A_3893 : memref<49152xf32, #tpu.memory_space<hbm>>) target(%dma_start3A_3888 : memref<128xf32, #tpu.memory_space<vmem>>) offsets(%dma_start3A_3891 : memref<128xi32, #tpu.memory_space<vmem>>) semaphore(%arg8 : memref<!tpu.dma_semaphore, #tpu.memory_space<semaphore_mem>>)
    %dma_start3A_3894 = arith.constant 14 : i32
    %dma_start3A_3895 = arith.constant 1792 : i32
    %dma_start3A_3896 = tpu.memref_slice %arg7[%dma_start3A_3895] : memref<4608xf32, #tpu.memory_space<vmem>> -> memref<128xf32, #tpu.memory_space<vmem>>
    %dma_start3A_3897 = arith.constant 0 : i32
    %dma_start3A_3898 = tpu.memref_slice %arg6[%dma_start3A_3894, %dma_start3A_3897] : memref<36x128xi32, #tpu.memory_space<vmem>> -> memref<1x128xi32, #tpu.memory_space<vmem>>
    %dma_start3A_3899 = tpu.memref_squeeze %dma_start3A_3898 : memref<1x128xi32, #tpu.memory_space<vmem>> -> memref<128xi32, #tpu.memory_space<vmem>>
    %dma_start3A_3900 = arith.constant 0 : i32
    %dma_start3A_3901 = tpu.memref_slice %arg2[%dma_start3A_3900] : memref<49152xf32, #tpu.memory_space<hbm>> -> memref<49152xf32, #tpu.memory_space<hbm>>
    tpu.enqueue_indirect_dma source(%dma_start3A_3901 : memref<49152xf32, #tpu.memory_space<hbm>>) target(%dma_start3A_3896 : memref<128xf32, #tpu.memory_space<vmem>>) offsets(%dma_start3A_3899 : memref<128xi32, #tpu.memory_space<vmem>>) semaphore(%arg8 : memref<!tpu.dma_semaphore, #tpu.memory_space<semaphore_mem>>)
    %dma_start3A_3902 = arith.constant 15 : i32
    %dma_start3A_3903 = arith.constant 1920 : i32
    %dma_start3A_3904 = tpu.memref_slice %arg7[%dma_start3A_3903] : memref<4608xf32, #tpu.memory_space<vmem>> -> memref<128xf32, #tpu.memory_space<vmem>>
    %dma_start3A_3905 = arith.constant 0 : i32
    %dma_start3A_3906 = tpu.memref_slice %arg6[%dma_start3A_3902, %dma_start3A_3905] : memref<36x128xi32, #tpu.memory_space<vmem>> -> memref<1x128xi32, #tpu.memory_space<vmem>>
    %dma_start3A_3907 = tpu.memref_squeeze %dma_start3A_3906 : memref<1x128xi32, #tpu.memory_space<vmem>> -> memref<128xi32, #tpu.memory_space<vmem>>
    %dma_start3A_3908 = arith.constant 0 : i32
    %dma_start3A_3909 = tpu.memref_slice %arg2[%dma_start3A_3908] : memref<49152xf32, #tpu.memory_space<hbm>> -> memref<49152xf32, #tpu.memory_space<hbm>>
    tpu.enqueue_indirect_dma source(%dma_start3A_3909 : memref<49152xf32, #tpu.memory_space<hbm>>) target(%dma_start3A_3904 : memref<128xf32, #tpu.memory_space<vmem>>) offsets(%dma_start3A_3907 : memref<128xi32, #tpu.memory_space<vmem>>) semaphore(%arg8 : memref<!tpu.dma_semaphore, #tpu.memory_space<semaphore_mem>>)
    %dma_start3A_3910 = arith.constant 16 : i32
    %dma_start3A_3911 = arith.constant 2048 : i32
    %dma_start3A_3912 = tpu.memref_slice %arg7[%dma_start3A_3911] : memref<4608xf32, #tpu.memory_space<vmem>> -> memref<128xf32, #tpu.memory_space<vmem>>
    %dma_start3A_3913 = arith.constant 0 : i32
    %dma_start3A_3914 = tpu.memref_slice %arg6[%dma_start3A_3910, %dma_start3A_3913] : memref<36x128xi32, #tpu.memory_space<vmem>> -> memref<1x128xi32, #tpu.memory_space<vmem>>
    %dma_start3A_3915 = tpu.memref_squeeze %dma_start3A_3914 : memref<1x128xi32, #tpu.memory_space<vmem>> -> memref<128xi32, #tpu.memory_space<vmem>>
    %dma_start3A_3916 = arith.constant 0 : i32
    %dma_start3A_3917 = tpu.memref_slice %arg2[%dma_start3A_3916] : memref<49152xf32, #tpu.memory_space<hbm>> -> memref<49152xf32, #tpu.memory_space<hbm>>
    tpu.enqueue_indirect_dma source(%dma_start3A_3917 : memref<49152xf32, #tpu.memory_space<hbm>>) target(%dma_start3A_3912 : memref<128xf32, #tpu.memory_space<vmem>>) offsets(%dma_start3A_3915 : memref<128xi32, #tpu.memory_space<vmem>>) semaphore(%arg8 : memref<!tpu.dma_semaphore, #tpu.memory_space<semaphore_mem>>)
    %dma_start3A_3918 = arith.constant 17 : i32
    %dma_start3A_3919 = arith.constant 2176 : i32
    %dma_start3A_3920 = tpu.memref_slice %arg7[%dma_start3A_3919] : memref<4608xf32, #tpu.memory_space<vmem>> -> memref<128xf32, #tpu.memory_space<vmem>>
    %dma_start3A_3921 = arith.constant 0 : i32
    %dma_start3A_3922 = tpu.memref_slice %arg6[%dma_start3A_3918, %dma_start3A_3921] : memref<36x128xi32, #tpu.memory_space<vmem>> -> memref<1x128xi32, #tpu.memory_space<vmem>>
    %dma_start3A_3923 = tpu.memref_squeeze %dma_start3A_3922 : memref<1x128xi32, #tpu.memory_space<vmem>> -> memref<128xi32, #tpu.memory_space<vmem>>
    %dma_start3A_3924 = arith.constant 0 : i32
    %dma_start3A_3925 = tpu.memref_slice %arg2[%dma_start3A_3924] : memref<49152xf32, #tpu.memory_space<hbm>> -> memref<49152xf32, #tpu.memory_space<hbm>>
    tpu.enqueue_indirect_dma source(%dma_start3A_3925 : memref<49152xf32, #tpu.memory_space<hbm>>) target(%dma_start3A_3920 : memref<128xf32, #tpu.memory_space<vmem>>) offsets(%dma_start3A_3923 : memref<128xi32, #tpu.memory_space<vmem>>) semaphore(%arg8 : memref<!tpu.dma_semaphore, #tpu.memory_space<semaphore_mem>>)
    %dma_start3A_3926 = arith.constant 18 : i32
    %dma_start3A_3927 = arith.constant 2304 : i32
    %dma_start3A_3928 = tpu.memref_slice %arg7[%dma_start3A_3927] : memref<4608xf32, #tpu.memory_space<vmem>> -> memref<128xf32, #tpu.memory_space<vmem>>
    %dma_start3A_3929 = arith.constant 0 : i32
    %dma_start3A_3930 = tpu.memref_slice %arg6[%dma_start3A_3926, %dma_start3A_3929] : memref<36x128xi32, #tpu.memory_space<vmem>> -> memref<1x128xi32, #tpu.memory_space<vmem>>
    %dma_start3A_3931 = tpu.memref_squeeze %dma_start3A_3930 : memref<1x128xi32, #tpu.memory_space<vmem>> -> memref<128xi32, #tpu.memory_space<vmem>>
    %dma_start3A_3932 = arith.constant 0 : i32
    %dma_start3A_3933 = tpu.memref_slice %arg2[%dma_start3A_3932] : memref<49152xf32, #tpu.memory_space<hbm>> -> memref<49152xf32, #tpu.memory_space<hbm>>
    tpu.enqueue_indirect_dma source(%dma_start3A_3933 : memref<49152xf32, #tpu.memory_space<hbm>>) target(%dma_start3A_3928 : memref<128xf32, #tpu.memory_space<vmem>>) offsets(%dma_start3A_3931 : memref<128xi32, #tpu.memory_space<vmem>>) semaphore(%arg8 : memref<!tpu.dma_semaphore, #tpu.memory_space<semaphore_mem>>)
    %dma_start3A_3934 = arith.constant 19 : i32
    %dma_start3A_3935 = arith.constant 2432 : i32
    %dma_start3A_3936 = tpu.memref_slice %arg7[%dma_start3A_3935] : memref<4608xf32, #tpu.memory_space<vmem>> -> memref<128xf32, #tpu.memory_space<vmem>>
    %dma_start3A_3937 = arith.constant 0 : i32
    %dma_start3A_3938 = tpu.memref_slice %arg6[%dma_start3A_3934, %dma_start3A_3937] : memref<36x128xi32, #tpu.memory_space<vmem>> -> memref<1x128xi32, #tpu.memory_space<vmem>>
    %dma_start3A_3939 = tpu.memref_squeeze %dma_start3A_3938 : memref<1x128xi32, #tpu.memory_space<vmem>> -> memref<128xi32, #tpu.memory_space<vmem>>
    %dma_start3A_3940 = arith.constant 0 : i32
    %dma_start3A_3941 = tpu.memref_slice %arg2[%dma_start3A_3940] : memref<49152xf32, #tpu.memory_space<hbm>> -> memref<49152xf32, #tpu.memory_space<hbm>>
    tpu.enqueue_indirect_dma source(%dma_start3A_3941 : memref<49152xf32, #tpu.memory_space<hbm>>) target(%dma_start3A_3936 : memref<128xf32, #tpu.memory_space<vmem>>) offsets(%dma_start3A_3939 : memref<128xi32, #tpu.memory_space<vmem>>) semaphore(%arg8 : memref<!tpu.dma_semaphore, #tpu.memory_space<semaphore_mem>>)
    %dma_start3A_3942 = arith.constant 20 : i32
    %dma_start3A_3943 = arith.constant 2560 : i32
    %dma_start3A_3944 = tpu.memref_slice %arg7[%dma_start3A_3943] : memref<4608xf32, #tpu.memory_space<vmem>> -> memref<128xf32, #tpu.memory_space<vmem>>
    %dma_start3A_3945 = arith.constant 0 : i32
    %dma_start3A_3946 = tpu.memref_slice %arg6[%dma_start3A_3942, %dma_start3A_3945] : memref<36x128xi32, #tpu.memory_space<vmem>> -> memref<1x128xi32, #tpu.memory_space<vmem>>
    %dma_start3A_3947 = tpu.memref_squeeze %dma_start3A_3946 : memref<1x128xi32, #tpu.memory_space<vmem>> -> memref<128xi32, #tpu.memory_space<vmem>>
    %dma_start3A_3948 = arith.constant 0 : i32
    %dma_start3A_3949 = tpu.memref_slice %arg2[%dma_start3A_3948] : memref<49152xf32, #tpu.memory_space<hbm>> -> memref<49152xf32, #tpu.memory_space<hbm>>
    tpu.enqueue_indirect_dma source(%dma_start3A_3949 : memref<49152xf32, #tpu.memory_space<hbm>>) target(%dma_start3A_3944 : memref<128xf32, #tpu.memory_space<vmem>>) offsets(%dma_start3A_3947 : memref<128xi32, #tpu.memory_space<vmem>>) semaphore(%arg8 : memref<!tpu.dma_semaphore, #tpu.memory_space<semaphore_mem>>)
    %dma_start3A_3950 = arith.constant 21 : i32
    %dma_start3A_3951 = arith.constant 2688 : i32
    %dma_start3A_3952 = tpu.memref_slice %arg7[%dma_start3A_3951] : memref<4608xf32, #tpu.memory_space<vmem>> -> memref<128xf32, #tpu.memory_space<vmem>>
    %dma_start3A_3953 = arith.constant 0 : i32
    %dma_start3A_3954 = tpu.memref_slice %arg6[%dma_start3A_3950, %dma_start3A_3953] : memref<36x128xi32, #tpu.memory_space<vmem>> -> memref<1x128xi32, #tpu.memory_space<vmem>>
    %dma_start3A_3955 = tpu.memref_squeeze %dma_start3A_3954 : memref<1x128xi32, #tpu.memory_space<vmem>> -> memref<128xi32, #tpu.memory_space<vmem>>
    %dma_start3A_3956 = arith.constant 0 : i32
    %dma_start3A_3957 = tpu.memref_slice %arg2[%dma_start3A_3956] : memref<49152xf32, #tpu.memory_space<hbm>> -> memref<49152xf32, #tpu.memory_space<hbm>>
    tpu.enqueue_indirect_dma source(%dma_start3A_3957 : memref<49152xf32, #tpu.memory_space<hbm>>) target(%dma_start3A_3952 : memref<128xf32, #tpu.memory_space<vmem>>) offsets(%dma_start3A_3955 : memref<128xi32, #tpu.memory_space<vmem>>) semaphore(%arg8 : memref<!tpu.dma_semaphore, #tpu.memory_space<semaphore_mem>>)
    %dma_start3A_3958 = arith.constant 22 : i32
    %dma_start3A_3959 = arith.constant 2816 : i32
    %dma_start3A_3960 = tpu.memref_slice %arg7[%dma_start3A_3959] : memref<4608xf32, #tpu.memory_space<vmem>> -> memref<128xf32, #tpu.memory_space<vmem>>
    %dma_start3A_3961 = arith.constant 0 : i32
    %dma_start3A_3962 = tpu.memref_slice %arg6[%dma_start3A_3958, %dma_start3A_3961] : memref<36x128xi32, #tpu.memory_space<vmem>> -> memref<1x128xi32, #tpu.memory_space<vmem>>
    %dma_start3A_3963 = tpu.memref_squeeze %dma_start3A_3962 : memref<1x128xi32, #tpu.memory_space<vmem>> -> memref<128xi32, #tpu.memory_space<vmem>>
    %dma_start3A_3964 = arith.constant 0 : i32
    %dma_start3A_3965 = tpu.memref_slice %arg2[%dma_start3A_3964] : memref<49152xf32, #tpu.memory_space<hbm>> -> memref<49152xf32, #tpu.memory_space<hbm>>
    tpu.enqueue_indirect_dma source(%dma_start3A_3965 : memref<49152xf32, #tpu.memory_space<hbm>>) target(%dma_start3A_3960 : memref<128xf32, #tpu.memory_space<vmem>>) offsets(%dma_start3A_3963 : memref<128xi32, #tpu.memory_space<vmem>>) semaphore(%arg8 : memref<!tpu.dma_semaphore, #tpu.memory_space<semaphore_mem>>)
    %dma_start3A_3966 = arith.constant 23 : i32
    %dma_start3A_3967 = arith.constant 2944 : i32
    %dma_start3A_3968 = tpu.memref_slice %arg7[%dma_start3A_3967] : memref<4608xf32, #tpu.memory_space<vmem>> -> memref<128xf32, #tpu.memory_space<vmem>>
    %dma_start3A_3969 = arith.constant 0 : i32
    %dma_start3A_3970 = tpu.memref_slice %arg6[%dma_start3A_3966, %dma_start3A_3969] : memref<36x128xi32, #tpu.memory_space<vmem>> -> memref<1x128xi32, #tpu.memory_space<vmem>>
    %dma_start3A_3971 = tpu.memref_squeeze %dma_start3A_3970 : memref<1x128xi32, #tpu.memory_space<vmem>> -> memref<128xi32, #tpu.memory_space<vmem>>
    %dma_start3A_3972 = arith.constant 0 : i32
    %dma_start3A_3973 = tpu.memref_slice %arg2[%dma_start3A_3972] : memref<49152xf32, #tpu.memory_space<hbm>> -> memref<49152xf32, #tpu.memory_space<hbm>>
    tpu.enqueue_indirect_dma source(%dma_start3A_3973 : memref<49152xf32, #tpu.memory_space<hbm>>) target(%dma_start3A_3968 : memref<128xf32, #tpu.memory_space<vmem>>) offsets(%dma_start3A_3971 : memref<128xi32, #tpu.memory_space<vmem>>) semaphore(%arg8 : memref<!tpu.dma_semaphore, #tpu.memory_space<semaphore_mem>>)
    %dma_start3A_3974 = arith.constant 24 : i32
    %dma_start3A_3975 = arith.constant 3072 : i32
    %dma_start3A_3976 = tpu.memref_slice %arg7[%dma_start3A_3975] : memref<4608xf32, #tpu.memory_space<vmem>> -> memref<128xf32, #tpu.memory_space<vmem>>
    %dma_start3A_3977 = arith.constant 0 : i32
    %dma_start3A_3978 = tpu.memref_slice %arg6[%dma_start3A_3974, %dma_start3A_3977] : memref<36x128xi32, #tpu.memory_space<vmem>> -> memref<1x128xi32, #tpu.memory_space<vmem>>
    %dma_start3A_3979 = tpu.memref_squeeze %dma_start3A_3978 : memref<1x128xi32, #tpu.memory_space<vmem>> -> memref<128xi32, #tpu.memory_space<vmem>>
    %dma_start3A_3980 = arith.constant 0 : i32
    %dma_start3A_3981 = tpu.memref_slice %arg2[%dma_start3A_3980] : memref<49152xf32, #tpu.memory_space<hbm>> -> memref<49152xf32, #tpu.memory_space<hbm>>
    tpu.enqueue_indirect_dma source(%dma_start3A_3981 : memref<49152xf32, #tpu.memory_space<hbm>>) target(%dma_start3A_3976 : memref<128xf32, #tpu.memory_space<vmem>>) offsets(%dma_start3A_3979 : memref<128xi32, #tpu.memory_space<vmem>>) semaphore(%arg8 : memref<!tpu.dma_semaphore, #tpu.memory_space<semaphore_mem>>)
    %dma_start3A_3982 = arith.constant 25 : i32
    %dma_start3A_3983 = arith.constant 3200 : i32
    %dma_start3A_3984 = tpu.memref_slice %arg7[%dma_start3A_3983] : memref<4608xf32, #tpu.memory_space<vmem>> -> memref<128xf32, #tpu.memory_space<vmem>>
    %dma_start3A_3985 = arith.constant 0 : i32
    %dma_start3A_3986 = tpu.memref_slice %arg6[%dma_start3A_3982, %dma_start3A_3985] : memref<36x128xi32, #tpu.memory_space<vmem>> -> memref<1x128xi32, #tpu.memory_space<vmem>>
    %dma_start3A_3987 = tpu.memref_squeeze %dma_start3A_3986 : memref<1x128xi32, #tpu.memory_space<vmem>> -> memref<128xi32, #tpu.memory_space<vmem>>
    %dma_start3A_3988 = arith.constant 0 : i32
    %dma_start3A_3989 = tpu.memref_slice %arg2[%dma_start3A_3988] : memref<49152xf32, #tpu.memory_space<hbm>> -> memref<49152xf32, #tpu.memory_space<hbm>>
    tpu.enqueue_indirect_dma source(%dma_start3A_3989 : memref<49152xf32, #tpu.memory_space<hbm>>) target(%dma_start3A_3984 : memref<128xf32, #tpu.memory_space<vmem>>) offsets(%dma_start3A_3987 : memref<128xi32, #tpu.memory_space<vmem>>) semaphore(%arg8 : memref<!tpu.dma_semaphore, #tpu.memory_space<semaphore_mem>>)
    %dma_start3A_3990 = arith.constant 26 : i32
    %dma_start3A_3991 = arith.constant 3328 : i32
    %dma_start3A_3992 = tpu.memref_slice %arg7[%dma_start3A_3991] : memref<4608xf32, #tpu.memory_space<vmem>> -> memref<128xf32, #tpu.memory_space<vmem>>
    %dma_start3A_3993 = arith.constant 0 : i32
    %dma_start3A_3994 = tpu.memref_slice %arg6[%dma_start3A_3990, %dma_start3A_3993] : memref<36x128xi32, #tpu.memory_space<vmem>> -> memref<1x128xi32, #tpu.memory_space<vmem>>
    %dma_start3A_3995 = tpu.memref_squeeze %dma_start3A_3994 : memref<1x128xi32, #tpu.memory_space<vmem>> -> memref<128xi32, #tpu.memory_space<vmem>>
    %dma_start3A_3996 = arith.constant 0 : i32
    %dma_start3A_3997 = tpu.memref_slice %arg2[%dma_start3A_3996] : memref<49152xf32, #tpu.memory_space<hbm>> -> memref<49152xf32, #tpu.memory_space<hbm>>
    tpu.enqueue_indirect_dma source(%dma_start3A_3997 : memref<49152xf32, #tpu.memory_space<hbm>>) target(%dma_start3A_3992 : memref<128xf32, #tpu.memory_space<vmem>>) offsets(%dma_start3A_3995 : memref<128xi32, #tpu.memory_space<vmem>>) semaphore(%arg8 : memref<!tpu.dma_semaphore, #tpu.memory_space<semaphore_mem>>)
    %dma_start3A_3998 = arith.constant 27 : i32
    %dma_start3A_3999 = arith.constant 3456 : i32
    %dma_start3A_4000 = tpu.memref_slice %arg7[%dma_start3A_3999] : memref<4608xf32, #tpu.memory_space<vmem>> -> memref<128xf32, #tpu.memory_space<vmem>>
    %dma_start3A_4001 = arith.constant 0 : i32
    %dma_start3A_4002 = tpu.memref_slice %arg6[%dma_start3A_3998, %dma_start3A_4001] : memref<36x128xi32, #tpu.memory_space<vmem>> -> memref<1x128xi32, #tpu.memory_space<vmem>>
    %dma_start3A_4003 = tpu.memref_squeeze %dma_start3A_4002 : memref<1x128xi32, #tpu.memory_space<vmem>> -> memref<128xi32, #tpu.memory_space<vmem>>
    %dma_start3A_4004 = arith.constant 0 : i32
    %dma_start3A_4005 = tpu.memref_slice %arg2[%dma_start3A_4004] : memref<49152xf32, #tpu.memory_space<hbm>> -> memref<49152xf32, #tpu.memory_space<hbm>>
    tpu.enqueue_indirect_dma source(%dma_start3A_4005 : memref<49152xf32, #tpu.memory_space<hbm>>) target(%dma_start3A_4000 : memref<128xf32, #tpu.memory_space<vmem>>) offsets(%dma_start3A_4003 : memref<128xi32, #tpu.memory_space<vmem>>) semaphore(%arg8 : memref<!tpu.dma_semaphore, #tpu.memory_space<semaphore_mem>>)
    %dma_start3A_4006 = arith.constant 28 : i32
    %dma_start3A_4007 = arith.constant 3584 : i32
    %dma_start3A_4008 = tpu.memref_slice %arg7[%dma_start3A_4007] : memref<4608xf32, #tpu.memory_space<vmem>> -> memref<128xf32, #tpu.memory_space<vmem>>
    %dma_start3A_4009 = arith.constant 0 : i32
    %dma_start3A_4010 = tpu.memref_slice %arg6[%dma_start3A_4006, %dma_start3A_4009] : memref<36x128xi32, #tpu.memory_space<vmem>> -> memref<1x128xi32, #tpu.memory_space<vmem>>
    %dma_start3A_4011 = tpu.memref_squeeze %dma_start3A_4010 : memref<1x128xi32, #tpu.memory_space<vmem>> -> memref<128xi32, #tpu.memory_space<vmem>>
    %dma_start3A_4012 = arith.constant 0 : i32
    %dma_start3A_4013 = tpu.memref_slice %arg2[%dma_start3A_4012] : memref<49152xf32, #tpu.memory_space<hbm>> -> memref<49152xf32, #tpu.memory_space<hbm>>
    tpu.enqueue_indirect_dma source(%dma_start3A_4013 : memref<49152xf32, #tpu.memory_space<hbm>>) target(%dma_start3A_4008 : memref<128xf32, #tpu.memory_space<vmem>>) offsets(%dma_start3A_4011 : memref<128xi32, #tpu.memory_space<vmem>>) semaphore(%arg8 : memref<!tpu.dma_semaphore, #tpu.memory_space<semaphore_mem>>)
    %dma_start3A_4014 = arith.constant 29 : i32
    %dma_start3A_4015 = arith.constant 3712 : i32
    %dma_start3A_4016 = tpu.memref_slice %arg7[%dma_start3A_4015] : memref<4608xf32, #tpu.memory_space<vmem>> -> memref<128xf32, #tpu.memory_space<vmem>>
    %dma_start3A_4017 = arith.constant 0 : i32
    %dma_start3A_4018 = tpu.memref_slice %arg6[%dma_start3A_4014, %dma_start3A_4017] : memref<36x128xi32, #tpu.memory_space<vmem>> -> memref<1x128xi32, #tpu.memory_space<vmem>>
    %dma_start3A_4019 = tpu.memref_squeeze %dma_start3A_4018 : memref<1x128xi32, #tpu.memory_space<vmem>> -> memref<128xi32, #tpu.memory_space<vmem>>
    %dma_start3A_4020 = arith.constant 0 : i32
    %dma_start3A_4021 = tpu.memref_slice %arg2[%dma_start3A_4020] : memref<49152xf32, #tpu.memory_space<hbm>> -> memref<49152xf32, #tpu.memory_space<hbm>>
    tpu.enqueue_indirect_dma source(%dma_start3A_4021 : memref<49152xf32, #tpu.memory_space<hbm>>) target(%dma_start3A_4016 : memref<128xf32, #tpu.memory_space<vmem>>) offsets(%dma_start3A_4019 : memref<128xi32, #tpu.memory_space<vmem>>) semaphore(%arg8 : memref<!tpu.dma_semaphore, #tpu.memory_space<semaphore_mem>>)
    %dma_start3A_4022 = arith.constant 30 : i32
    %dma_start3A_4023 = arith.constant 3840 : i32
    %dma_start3A_4024 = tpu.memref_slice %arg7[%dma_start3A_4023] : memref<4608xf32, #tpu.memory_space<vmem>> -> memref<128xf32, #tpu.memory_space<vmem>>
    %dma_start3A_4025 = arith.constant 0 : i32
    %dma_start3A_4026 = tpu.memref_slice %arg6[%dma_start3A_4022, %dma_start3A_4025] : memref<36x128xi32, #tpu.memory_space<vmem>> -> memref<1x128xi32, #tpu.memory_space<vmem>>
    %dma_start3A_4027 = tpu.memref_squeeze %dma_start3A_4026 : memref<1x128xi32, #tpu.memory_space<vmem>> -> memref<128xi32, #tpu.memory_space<vmem>>
    %dma_start3A_4028 = arith.constant 0 : i32
    %dma_start3A_4029 = tpu.memref_slice %arg2[%dma_start3A_4028] : memref<49152xf32, #tpu.memory_space<hbm>> -> memref<49152xf32, #tpu.memory_space<hbm>>
    tpu.enqueue_indirect_dma source(%dma_start3A_4029 : memref<49152xf32, #tpu.memory_space<hbm>>) target(%dma_start3A_4024 : memref<128xf32, #tpu.memory_space<vmem>>) offsets(%dma_start3A_4027 : memref<128xi32, #tpu.memory_space<vmem>>) semaphore(%arg8 : memref<!tpu.dma_semaphore, #tpu.memory_space<semaphore_mem>>)
    %dma_start3A_4030 = arith.constant 31 : i32
    %dma_start3A_4031 = arith.constant 3968 : i32
    %dma_start3A_4032 = tpu.memref_slice %arg7[%dma_start3A_4031] : memref<4608xf32, #tpu.memory_space<vmem>> -> memref<128xf32, #tpu.memory_space<vmem>>
    %dma_start3A_4033 = arith.constant 0 : i32
    %dma_start3A_4034 = tpu.memref_slice %arg6[%dma_start3A_4030, %dma_start3A_4033] : memref<36x128xi32, #tpu.memory_space<vmem>> -> memref<1x128xi32, #tpu.memory_space<vmem>>
    %dma_start3A_4035 = tpu.memref_squeeze %dma_start3A_4034 : memref<1x128xi32, #tpu.memory_space<vmem>> -> memref<128xi32, #tpu.memory_space<vmem>>
    %dma_start3A_4036 = arith.constant 0 : i32
    %dma_start3A_4037 = tpu.memref_slice %arg2[%dma_start3A_4036] : memref<49152xf32, #tpu.memory_space<hbm>> -> memref<49152xf32, #tpu.memory_space<hbm>>
    tpu.enqueue_indirect_dma source(%dma_start3A_4037 : memref<49152xf32, #tpu.memory_space<hbm>>) target(%dma_start3A_4032 : memref<128xf32, #tpu.memory_space<vmem>>) offsets(%dma_start3A_4035 : memref<128xi32, #tpu.memory_space<vmem>>) semaphore(%arg8 : memref<!tpu.dma_semaphore, #tpu.memory_space<semaphore_mem>>)
    %dma_start3A_4038 = arith.constant 32 : i32
    %dma_start3A_4039 = arith.constant 4096 : i32
    %dma_start3A_4040 = tpu.memref_slice %arg7[%dma_start3A_4039] : memref<4608xf32, #tpu.memory_space<vmem>> -> memref<128xf32, #tpu.memory_space<vmem>>
    %dma_start3A_4041 = arith.constant 0 : i32
    %dma_start3A_4042 = tpu.memref_slice %arg6[%dma_start3A_4038, %dma_start3A_4041] : memref<36x128xi32, #tpu.memory_space<vmem>> -> memref<1x128xi32, #tpu.memory_space<vmem>>
    %dma_start3A_4043 = tpu.memref_squeeze %dma_start3A_4042 : memref<1x128xi32, #tpu.memory_space<vmem>> -> memref<128xi32, #tpu.memory_space<vmem>>
    %dma_start3A_4044 = arith.constant 0 : i32
    %dma_start3A_4045 = tpu.memref_slice %arg2[%dma_start3A_4044] : memref<49152xf32, #tpu.memory_space<hbm>> -> memref<49152xf32, #tpu.memory_space<hbm>>
    tpu.enqueue_indirect_dma source(%dma_start3A_4045 : memref<49152xf32, #tpu.memory_space<hbm>>) target(%dma_start3A_4040 : memref<128xf32, #tpu.memory_space<vmem>>) offsets(%dma_start3A_4043 : memref<128xi32, #tpu.memory_space<vmem>>) semaphore(%arg8 : memref<!tpu.dma_semaphore, #tpu.memory_space<semaphore_mem>>)
    %dma_start3A_4046 = arith.constant 33 : i32
    %dma_start3A_4047 = arith.constant 4224 : i32
    %dma_start3A_4048 = tpu.memref_slice %arg7[%dma_start3A_4047] : memref<4608xf32, #tpu.memory_space<vmem>> -> memref<128xf32, #tpu.memory_space<vmem>>
    %dma_start3A_4049 = arith.constant 0 : i32
    %dma_start3A_4050 = tpu.memref_slice %arg6[%dma_start3A_4046, %dma_start3A_4049] : memref<36x128xi32, #tpu.memory_space<vmem>> -> memref<1x128xi32, #tpu.memory_space<vmem>>
    %dma_start3A_4051 = tpu.memref_squeeze %dma_start3A_4050 : memref<1x128xi32, #tpu.memory_space<vmem>> -> memref<128xi32, #tpu.memory_space<vmem>>
    %dma_start3A_4052 = arith.constant 0 : i32
    %dma_start3A_4053 = tpu.memref_slice %arg2[%dma_start3A_4052] : memref<49152xf32, #tpu.memory_space<hbm>> -> memref<49152xf32, #tpu.memory_space<hbm>>
    tpu.enqueue_indirect_dma source(%dma_start3A_4053 : memref<49152xf32, #tpu.memory_space<hbm>>) target(%dma_start3A_4048 : memref<128xf32, #tpu.memory_space<vmem>>) offsets(%dma_start3A_4051 : memref<128xi32, #tpu.memory_space<vmem>>) semaphore(%arg8 : memref<!tpu.dma_semaphore, #tpu.memory_space<semaphore_mem>>)
    %dma_start3A_4054 = arith.constant 34 : i32
    %dma_start3A_4055 = arith.constant 4352 : i32
    %dma_start3A_4056 = tpu.memref_slice %arg7[%dma_start3A_4055] : memref<4608xf32, #tpu.memory_space<vmem>> -> memref<128xf32, #tpu.memory_space<vmem>>
    %dma_start3A_4057 = arith.constant 0 : i32
    %dma_start3A_4058 = tpu.memref_slice %arg6[%dma_start3A_4054, %dma_start3A_4057] : memref<36x128xi32, #tpu.memory_space<vmem>> -> memref<1x128xi32, #tpu.memory_space<vmem>>
    %dma_start3A_4059 = tpu.memref_squeeze %dma_start3A_4058 : memref<1x128xi32, #tpu.memory_space<vmem>> -> memref<128xi32, #tpu.memory_space<vmem>>
    %dma_start3A_4060 = arith.constant 0 : i32
    %dma_start3A_4061 = tpu.memref_slice %arg2[%dma_start3A_4060] : memref<49152xf32, #tpu.memory_space<hbm>> -> memref<49152xf32, #tpu.memory_space<hbm>>
    tpu.enqueue_indirect_dma source(%dma_start3A_4061 : memref<49152xf32, #tpu.memory_space<hbm>>) target(%dma_start3A_4056 : memref<128xf32, #tpu.memory_space<vmem>>) offsets(%dma_start3A_4059 : memref<128xi32, #tpu.memory_space<vmem>>) semaphore(%arg8 : memref<!tpu.dma_semaphore, #tpu.memory_space<semaphore_mem>>)
    %dma_start3A_4062 = arith.constant 35 : i32
    %dma_start3A_4063 = arith.constant 4480 : i32
    %dma_start3A_4064 = tpu.memref_slice %arg7[%dma_start3A_4063] : memref<4608xf32, #tpu.memory_space<vmem>> -> memref<128xf32, #tpu.memory_space<vmem>>
    %dma_start3A_4065 = arith.constant 0 : i32
    %dma_start3A_4066 = tpu.memref_slice %arg6[%dma_start3A_4062, %dma_start3A_4065] : memref<36x128xi32, #tpu.memory_space<vmem>> -> memref<1x128xi32, #tpu.memory_space<vmem>>
    %dma_start3A_4067 = tpu.memref_squeeze %dma_start3A_4066 : memref<1x128xi32, #tpu.memory_space<vmem>> -> memref<128xi32, #tpu.memory_space<vmem>>
    %dma_start3A_4068 = arith.constant 0 : i32
    %dma_start3A_4069 = tpu.memref_slice %arg2[%dma_start3A_4068] : memref<49152xf32, #tpu.memory_space<hbm>> -> memref<49152xf32, #tpu.memory_space<hbm>>
    tpu.enqueue_indirect_dma source(%dma_start3A_4069 : memref<49152xf32, #tpu.memory_space<hbm>>) target(%dma_start3A_4064 : memref<128xf32, #tpu.memory_space<vmem>>) offsets(%dma_start3A_4067 : memref<128xi32, #tpu.memory_space<vmem>>) semaphore(%arg8 : memref<!tpu.dma_semaphore, #tpu.memory_space<semaphore_mem>>)
    %dma_wait3A = arith.constant 0 : i32
    %dma_wait3A_4070 = arith.constant 0 : i32
    %dma_wait3A_4071 = tpu.memref_slice %arg7[%dma_wait3A_4070] : memref<4608xf32, #tpu.memory_space<vmem>> -> memref<128xf32, #tpu.memory_space<vmem>>
    %dma_wait3A_4072 = arith.constant 0 : i32
    %dma_wait3A_4073 = tpu.memref_slice %arg6[%dma_wait3A, %dma_wait3A_4072] : memref<36x128xi32, #tpu.memory_space<vmem>> -> memref<1x128xi32, #tpu.memory_space<vmem>>
    %dma_wait3A_4074 = tpu.memref_squeeze %dma_wait3A_4073 : memref<1x128xi32, #tpu.memory_space<vmem>> -> memref<128xi32, #tpu.memory_space<vmem>>
    %dma_wait3A_4075 = arith.constant 0 : i32
    %dma_wait3A_4076 = tpu.memref_slice %arg2[%dma_wait3A_4075] : memref<49152xf32, #tpu.memory_space<hbm>> -> memref<49152xf32, #tpu.memory_space<hbm>>
    tpu.wait_indirect_dma semaphore(%arg8 : memref<!tpu.dma_semaphore, #tpu.memory_space<semaphore_mem>>) src(%dma_wait3A_4076 : memref<49152xf32, #tpu.memory_space<hbm>>) dst(%dma_wait3A_4071 : memref<128xf32, #tpu.memory_space<vmem>>)
    %dma_wait3A_4077 = arith.constant 1 : i32
    %dma_wait3A_4078 = arith.constant 128 : i32
    %dma_wait3A_4079 = tpu.memref_slice %arg7[%dma_wait3A_4078] : memref<4608xf32, #tpu.memory_space<vmem>> -> memref<128xf32, #tpu.memory_space<vmem>>
    %dma_wait3A_4080 = arith.constant 0 : i32
    %dma_wait3A_4081 = tpu.memref_slice %arg6[%dma_wait3A_4077, %dma_wait3A_4080] : memref<36x128xi32, #tpu.memory_space<vmem>> -> memref<1x128xi32, #tpu.memory_space<vmem>>
    %dma_wait3A_4082 = tpu.memref_squeeze %dma_wait3A_4081 : memref<1x128xi32, #tpu.memory_space<vmem>> -> memref<128xi32, #tpu.memory_space<vmem>>
    %dma_wait3A_4083 = arith.constant 0 : i32
    %dma_wait3A_4084 = tpu.memref_slice %arg2[%dma_wait3A_4083] : memref<49152xf32, #tpu.memory_space<hbm>> -> memref<49152xf32, #tpu.memory_space<hbm>>
    tpu.wait_indirect_dma semaphore(%arg8 : memref<!tpu.dma_semaphore, #tpu.memory_space<semaphore_mem>>) src(%dma_wait3A_4084 : memref<49152xf32, #tpu.memory_space<hbm>>) dst(%dma_wait3A_4079 : memref<128xf32, #tpu.memory_space<vmem>>)
    %dma_wait3A_4085 = arith.constant 2 : i32
    %dma_wait3A_4086 = arith.constant 256 : i32
    %dma_wait3A_4087 = tpu.memref_slice %arg7[%dma_wait3A_4086] : memref<4608xf32, #tpu.memory_space<vmem>> -> memref<128xf32, #tpu.memory_space<vmem>>
    %dma_wait3A_4088 = arith.constant 0 : i32
    %dma_wait3A_4089 = tpu.memref_slice %arg6[%dma_wait3A_4085, %dma_wait3A_4088] : memref<36x128xi32, #tpu.memory_space<vmem>> -> memref<1x128xi32, #tpu.memory_space<vmem>>
    %dma_wait3A_4090 = tpu.memref_squeeze %dma_wait3A_4089 : memref<1x128xi32, #tpu.memory_space<vmem>> -> memref<128xi32, #tpu.memory_space<vmem>>
    %dma_wait3A_4091 = arith.constant 0 : i32
    %dma_wait3A_4092 = tpu.memref_slice %arg2[%dma_wait3A_4091] : memref<49152xf32, #tpu.memory_space<hbm>> -> memref<49152xf32, #tpu.memory_space<hbm>>
    tpu.wait_indirect_dma semaphore(%arg8 : memref<!tpu.dma_semaphore, #tpu.memory_space<semaphore_mem>>) src(%dma_wait3A_4092 : memref<49152xf32, #tpu.memory_space<hbm>>) dst(%dma_wait3A_4087 : memref<128xf32, #tpu.memory_space<vmem>>)
    %dma_wait3A_4093 = arith.constant 3 : i32
    %dma_wait3A_4094 = arith.constant 384 : i32
    %dma_wait3A_4095 = tpu.memref_slice %arg7[%dma_wait3A_4094] : memref<4608xf32, #tpu.memory_space<vmem>> -> memref<128xf32, #tpu.memory_space<vmem>>
    %dma_wait3A_4096 = arith.constant 0 : i32
    %dma_wait3A_4097 = tpu.memref_slice %arg6[%dma_wait3A_4093, %dma_wait3A_4096] : memref<36x128xi32, #tpu.memory_space<vmem>> -> memref<1x128xi32, #tpu.memory_space<vmem>>
    %dma_wait3A_4098 = tpu.memref_squeeze %dma_wait3A_4097 : memref<1x128xi32, #tpu.memory_space<vmem>> -> memref<128xi32, #tpu.memory_space<vmem>>
    %dma_wait3A_4099 = arith.constant 0 : i32
    %dma_wait3A_4100 = tpu.memref_slice %arg2[%dma_wait3A_4099] : memref<49152xf32, #tpu.memory_space<hbm>> -> memref<49152xf32, #tpu.memory_space<hbm>>
    tpu.wait_indirect_dma semaphore(%arg8 : memref<!tpu.dma_semaphore, #tpu.memory_space<semaphore_mem>>) src(%dma_wait3A_4100 : memref<49152xf32, #tpu.memory_space<hbm>>) dst(%dma_wait3A_4095 : memref<128xf32, #tpu.memory_space<vmem>>)
    %dma_wait3A_4101 = arith.constant 4 : i32
    %dma_wait3A_4102 = arith.constant 512 : i32
    %dma_wait3A_4103 = tpu.memref_slice %arg7[%dma_wait3A_4102] : memref<4608xf32, #tpu.memory_space<vmem>> -> memref<128xf32, #tpu.memory_space<vmem>>
    %dma_wait3A_4104 = arith.constant 0 : i32
    %dma_wait3A_4105 = tpu.memref_slice %arg6[%dma_wait3A_4101, %dma_wait3A_4104] : memref<36x128xi32, #tpu.memory_space<vmem>> -> memref<1x128xi32, #tpu.memory_space<vmem>>
    %dma_wait3A_4106 = tpu.memref_squeeze %dma_wait3A_4105 : memref<1x128xi32, #tpu.memory_space<vmem>> -> memref<128xi32, #tpu.memory_space<vmem>>
    %dma_wait3A_4107 = arith.constant 0 : i32
    %dma_wait3A_4108 = tpu.memref_slice %arg2[%dma_wait3A_4107] : memref<49152xf32, #tpu.memory_space<hbm>> -> memref<49152xf32, #tpu.memory_space<hbm>>
    tpu.wait_indirect_dma semaphore(%arg8 : memref<!tpu.dma_semaphore, #tpu.memory_space<semaphore_mem>>) src(%dma_wait3A_4108 : memref<49152xf32, #tpu.memory_space<hbm>>) dst(%dma_wait3A_4103 : memref<128xf32, #tpu.memory_space<vmem>>)
    %dma_wait3A_4109 = arith.constant 5 : i32
    %dma_wait3A_4110 = arith.constant 640 : i32
    %dma_wait3A_4111 = tpu.memref_slice %arg7[%dma_wait3A_4110] : memref<4608xf32, #tpu.memory_space<vmem>> -> memref<128xf32, #tpu.memory_space<vmem>>
    %dma_wait3A_4112 = arith.constant 0 : i32
    %dma_wait3A_4113 = tpu.memref_slice %arg6[%dma_wait3A_4109, %dma_wait3A_4112] : memref<36x128xi32, #tpu.memory_space<vmem>> -> memref<1x128xi32, #tpu.memory_space<vmem>>
    %dma_wait3A_4114 = tpu.memref_squeeze %dma_wait3A_4113 : memref<1x128xi32, #tpu.memory_space<vmem>> -> memref<128xi32, #tpu.memory_space<vmem>>
    %dma_wait3A_4115 = arith.constant 0 : i32
    %dma_wait3A_4116 = tpu.memref_slice %arg2[%dma_wait3A_4115] : memref<49152xf32, #tpu.memory_space<hbm>> -> memref<49152xf32, #tpu.memory_space<hbm>>
    tpu.wait_indirect_dma semaphore(%arg8 : memref<!tpu.dma_semaphore, #tpu.memory_space<semaphore_mem>>) src(%dma_wait3A_4116 : memref<49152xf32, #tpu.memory_space<hbm>>) dst(%dma_wait3A_4111 : memref<128xf32, #tpu.memory_space<vmem>>)
    %dma_wait3A_4117 = arith.constant 6 : i32
    %dma_wait3A_4118 = arith.constant 768 : i32
    %dma_wait3A_4119 = tpu.memref_slice %arg7[%dma_wait3A_4118] : memref<4608xf32, #tpu.memory_space<vmem>> -> memref<128xf32, #tpu.memory_space<vmem>>
    %dma_wait3A_4120 = arith.constant 0 : i32
    %dma_wait3A_4121 = tpu.memref_slice %arg6[%dma_wait3A_4117, %dma_wait3A_4120] : memref<36x128xi32, #tpu.memory_space<vmem>> -> memref<1x128xi32, #tpu.memory_space<vmem>>
    %dma_wait3A_4122 = tpu.memref_squeeze %dma_wait3A_4121 : memref<1x128xi32, #tpu.memory_space<vmem>> -> memref<128xi32, #tpu.memory_space<vmem>>
    %dma_wait3A_4123 = arith.constant 0 : i32
    %dma_wait3A_4124 = tpu.memref_slice %arg2[%dma_wait3A_4123] : memref<49152xf32, #tpu.memory_space<hbm>> -> memref<49152xf32, #tpu.memory_space<hbm>>
    tpu.wait_indirect_dma semaphore(%arg8 : memref<!tpu.dma_semaphore, #tpu.memory_space<semaphore_mem>>) src(%dma_wait3A_4124 : memref<49152xf32, #tpu.memory_space<hbm>>) dst(%dma_wait3A_4119 : memref<128xf32, #tpu.memory_space<vmem>>)
    %dma_wait3A_4125 = arith.constant 7 : i32
    %dma_wait3A_4126 = arith.constant 896 : i32
    %dma_wait3A_4127 = tpu.memref_slice %arg7[%dma_wait3A_4126] : memref<4608xf32, #tpu.memory_space<vmem>> -> memref<128xf32, #tpu.memory_space<vmem>>
    %dma_wait3A_4128 = arith.constant 0 : i32
    %dma_wait3A_4129 = tpu.memref_slice %arg6[%dma_wait3A_4125, %dma_wait3A_4128] : memref<36x128xi32, #tpu.memory_space<vmem>> -> memref<1x128xi32, #tpu.memory_space<vmem>>
    %dma_wait3A_4130 = tpu.memref_squeeze %dma_wait3A_4129 : memref<1x128xi32, #tpu.memory_space<vmem>> -> memref<128xi32, #tpu.memory_space<vmem>>
    %dma_wait3A_4131 = arith.constant 0 : i32
    %dma_wait3A_4132 = tpu.memref_slice %arg2[%dma_wait3A_4131] : memref<49152xf32, #tpu.memory_space<hbm>> -> memref<49152xf32, #tpu.memory_space<hbm>>
    tpu.wait_indirect_dma semaphore(%arg8 : memref<!tpu.dma_semaphore, #tpu.memory_space<semaphore_mem>>) src(%dma_wait3A_4132 : memref<49152xf32, #tpu.memory_space<hbm>>) dst(%dma_wait3A_4127 : memref<128xf32, #tpu.memory_space<vmem>>)
    %dma_wait3A_4133 = arith.constant 8 : i32
    %dma_wait3A_4134 = arith.constant 1024 : i32
    %dma_wait3A_4135 = tpu.memref_slice %arg7[%dma_wait3A_4134] : memref<4608xf32, #tpu.memory_space<vmem>> -> memref<128xf32, #tpu.memory_space<vmem>>
    %dma_wait3A_4136 = arith.constant 0 : i32
    %dma_wait3A_4137 = tpu.memref_slice %arg6[%dma_wait3A_4133, %dma_wait3A_4136] : memref<36x128xi32, #tpu.memory_space<vmem>> -> memref<1x128xi32, #tpu.memory_space<vmem>>
    %dma_wait3A_4138 = tpu.memref_squeeze %dma_wait3A_4137 : memref<1x128xi32, #tpu.memory_space<vmem>> -> memref<128xi32, #tpu.memory_space<vmem>>
    %dma_wait3A_4139 = arith.constant 0 : i32
    %dma_wait3A_4140 = tpu.memref_slice %arg2[%dma_wait3A_4139] : memref<49152xf32, #tpu.memory_space<hbm>> -> memref<49152xf32, #tpu.memory_space<hbm>>
    tpu.wait_indirect_dma semaphore(%arg8 : memref<!tpu.dma_semaphore, #tpu.memory_space<semaphore_mem>>) src(%dma_wait3A_4140 : memref<49152xf32, #tpu.memory_space<hbm>>) dst(%dma_wait3A_4135 : memref<128xf32, #tpu.memory_space<vmem>>)
    %dma_wait3A_4141 = arith.constant 9 : i32
    %dma_wait3A_4142 = arith.constant 1152 : i32
    %dma_wait3A_4143 = tpu.memref_slice %arg7[%dma_wait3A_4142] : memref<4608xf32, #tpu.memory_space<vmem>> -> memref<128xf32, #tpu.memory_space<vmem>>
    %dma_wait3A_4144 = arith.constant 0 : i32
    %dma_wait3A_4145 = tpu.memref_slice %arg6[%dma_wait3A_4141, %dma_wait3A_4144] : memref<36x128xi32, #tpu.memory_space<vmem>> -> memref<1x128xi32, #tpu.memory_space<vmem>>
    %dma_wait3A_4146 = tpu.memref_squeeze %dma_wait3A_4145 : memref<1x128xi32, #tpu.memory_space<vmem>> -> memref<128xi32, #tpu.memory_space<vmem>>
    %dma_wait3A_4147 = arith.constant 0 : i32
    %dma_wait3A_4148 = tpu.memref_slice %arg2[%dma_wait3A_4147] : memref<49152xf32, #tpu.memory_space<hbm>> -> memref<49152xf32, #tpu.memory_space<hbm>>
    tpu.wait_indirect_dma semaphore(%arg8 : memref<!tpu.dma_semaphore, #tpu.memory_space<semaphore_mem>>) src(%dma_wait3A_4148 : memref<49152xf32, #tpu.memory_space<hbm>>) dst(%dma_wait3A_4143 : memref<128xf32, #tpu.memory_space<vmem>>)
    %dma_wait3A_4149 = arith.constant 10 : i32
    %dma_wait3A_4150 = arith.constant 1280 : i32
    %dma_wait3A_4151 = tpu.memref_slice %arg7[%dma_wait3A_4150] : memref<4608xf32, #tpu.memory_space<vmem>> -> memref<128xf32, #tpu.memory_space<vmem>>
    %dma_wait3A_4152 = arith.constant 0 : i32
    %dma_wait3A_4153 = tpu.memref_slice %arg6[%dma_wait3A_4149, %dma_wait3A_4152] : memref<36x128xi32, #tpu.memory_space<vmem>> -> memref<1x128xi32, #tpu.memory_space<vmem>>
    %dma_wait3A_4154 = tpu.memref_squeeze %dma_wait3A_4153 : memref<1x128xi32, #tpu.memory_space<vmem>> -> memref<128xi32, #tpu.memory_space<vmem>>
    %dma_wait3A_4155 = arith.constant 0 : i32
    %dma_wait3A_4156 = tpu.memref_slice %arg2[%dma_wait3A_4155] : memref<49152xf32, #tpu.memory_space<hbm>> -> memref<49152xf32, #tpu.memory_space<hbm>>
    tpu.wait_indirect_dma semaphore(%arg8 : memref<!tpu.dma_semaphore, #tpu.memory_space<semaphore_mem>>) src(%dma_wait3A_4156 : memref<49152xf32, #tpu.memory_space<hbm>>) dst(%dma_wait3A_4151 : memref<128xf32, #tpu.memory_space<vmem>>)
    %dma_wait3A_4157 = arith.constant 11 : i32
    %dma_wait3A_4158 = arith.constant 1408 : i32
    %dma_wait3A_4159 = tpu.memref_slice %arg7[%dma_wait3A_4158] : memref<4608xf32, #tpu.memory_space<vmem>> -> memref<128xf32, #tpu.memory_space<vmem>>
    %dma_wait3A_4160 = arith.constant 0 : i32
    %dma_wait3A_4161 = tpu.memref_slice %arg6[%dma_wait3A_4157, %dma_wait3A_4160] : memref<36x128xi32, #tpu.memory_space<vmem>> -> memref<1x128xi32, #tpu.memory_space<vmem>>
    %dma_wait3A_4162 = tpu.memref_squeeze %dma_wait3A_4161 : memref<1x128xi32, #tpu.memory_space<vmem>> -> memref<128xi32, #tpu.memory_space<vmem>>
    %dma_wait3A_4163 = arith.constant 0 : i32
    %dma_wait3A_4164 = tpu.memref_slice %arg2[%dma_wait3A_4163] : memref<49152xf32, #tpu.memory_space<hbm>> -> memref<49152xf32, #tpu.memory_space<hbm>>
    tpu.wait_indirect_dma semaphore(%arg8 : memref<!tpu.dma_semaphore, #tpu.memory_space<semaphore_mem>>) src(%dma_wait3A_4164 : memref<49152xf32, #tpu.memory_space<hbm>>) dst(%dma_wait3A_4159 : memref<128xf32, #tpu.memory_space<vmem>>)
    %dma_wait3A_4165 = arith.constant 12 : i32
    %dma_wait3A_4166 = arith.constant 1536 : i32
    %dma_wait3A_4167 = tpu.memref_slice %arg7[%dma_wait3A_4166] : memref<4608xf32, #tpu.memory_space<vmem>> -> memref<128xf32, #tpu.memory_space<vmem>>
    %dma_wait3A_4168 = arith.constant 0 : i32
    %dma_wait3A_4169 = tpu.memref_slice %arg6[%dma_wait3A_4165, %dma_wait3A_4168] : memref<36x128xi32, #tpu.memory_space<vmem>> -> memref<1x128xi32, #tpu.memory_space<vmem>>
    %dma_wait3A_4170 = tpu.memref_squeeze %dma_wait3A_4169 : memref<1x128xi32, #tpu.memory_space<vmem>> -> memref<128xi32, #tpu.memory_space<vmem>>
    %dma_wait3A_4171 = arith.constant 0 : i32
    %dma_wait3A_4172 = tpu.memref_slice %arg2[%dma_wait3A_4171] : memref<49152xf32, #tpu.memory_space<hbm>> -> memref<49152xf32, #tpu.memory_space<hbm>>
    tpu.wait_indirect_dma semaphore(%arg8 : memref<!tpu.dma_semaphore, #tpu.memory_space<semaphore_mem>>) src(%dma_wait3A_4172 : memref<49152xf32, #tpu.memory_space<hbm>>) dst(%dma_wait3A_4167 : memref<128xf32, #tpu.memory_space<vmem>>)
    %dma_wait3A_4173 = arith.constant 13 : i32
    %dma_wait3A_4174 = arith.constant 1664 : i32
    %dma_wait3A_4175 = tpu.memref_slice %arg7[%dma_wait3A_4174] : memref<4608xf32, #tpu.memory_space<vmem>> -> memref<128xf32, #tpu.memory_space<vmem>>
    %dma_wait3A_4176 = arith.constant 0 : i32
    %dma_wait3A_4177 = tpu.memref_slice %arg6[%dma_wait3A_4173, %dma_wait3A_4176] : memref<36x128xi32, #tpu.memory_space<vmem>> -> memref<1x128xi32, #tpu.memory_space<vmem>>
    %dma_wait3A_4178 = tpu.memref_squeeze %dma_wait3A_4177 : memref<1x128xi32, #tpu.memory_space<vmem>> -> memref<128xi32, #tpu.memory_space<vmem>>
    %dma_wait3A_4179 = arith.constant 0 : i32
    %dma_wait3A_4180 = tpu.memref_slice %arg2[%dma_wait3A_4179] : memref<49152xf32, #tpu.memory_space<hbm>> -> memref<49152xf32, #tpu.memory_space<hbm>>
    tpu.wait_indirect_dma semaphore(%arg8 : memref<!tpu.dma_semaphore, #tpu.memory_space<semaphore_mem>>) src(%dma_wait3A_4180 : memref<49152xf32, #tpu.memory_space<hbm>>) dst(%dma_wait3A_4175 : memref<128xf32, #tpu.memory_space<vmem>>)
    %dma_wait3A_4181 = arith.constant 14 : i32
    %dma_wait3A_4182 = arith.constant 1792 : i32
    %dma_wait3A_4183 = tpu.memref_slice %arg7[%dma_wait3A_4182] : memref<4608xf32, #tpu.memory_space<vmem>> -> memref<128xf32, #tpu.memory_space<vmem>>
    %dma_wait3A_4184 = arith.constant 0 : i32
    %dma_wait3A_4185 = tpu.memref_slice %arg6[%dma_wait3A_4181, %dma_wait3A_4184] : memref<36x128xi32, #tpu.memory_space<vmem>> -> memref<1x128xi32, #tpu.memory_space<vmem>>
    %dma_wait3A_4186 = tpu.memref_squeeze %dma_wait3A_4185 : memref<1x128xi32, #tpu.memory_space<vmem>> -> memref<128xi32, #tpu.memory_space<vmem>>
    %dma_wait3A_4187 = arith.constant 0 : i32
    %dma_wait3A_4188 = tpu.memref_slice %arg2[%dma_wait3A_4187] : memref<49152xf32, #tpu.memory_space<hbm>> -> memref<49152xf32, #tpu.memory_space<hbm>>
    tpu.wait_indirect_dma semaphore(%arg8 : memref<!tpu.dma_semaphore, #tpu.memory_space<semaphore_mem>>) src(%dma_wait3A_4188 : memref<49152xf32, #tpu.memory_space<hbm>>) dst(%dma_wait3A_4183 : memref<128xf32, #tpu.memory_space<vmem>>)
    %dma_wait3A_4189 = arith.constant 15 : i32
    %dma_wait3A_4190 = arith.constant 1920 : i32
    %dma_wait3A_4191 = tpu.memref_slice %arg7[%dma_wait3A_4190] : memref<4608xf32, #tpu.memory_space<vmem>> -> memref<128xf32, #tpu.memory_space<vmem>>
    %dma_wait3A_4192 = arith.constant 0 : i32
    %dma_wait3A_4193 = tpu.memref_slice %arg6[%dma_wait3A_4189, %dma_wait3A_4192] : memref<36x128xi32, #tpu.memory_space<vmem>> -> memref<1x128xi32, #tpu.memory_space<vmem>>
    %dma_wait3A_4194 = tpu.memref_squeeze %dma_wait3A_4193 : memref<1x128xi32, #tpu.memory_space<vmem>> -> memref<128xi32, #tpu.memory_space<vmem>>
    %dma_wait3A_4195 = arith.constant 0 : i32
    %dma_wait3A_4196 = tpu.memref_slice %arg2[%dma_wait3A_4195] : memref<49152xf32, #tpu.memory_space<hbm>> -> memref<49152xf32, #tpu.memory_space<hbm>>
    tpu.wait_indirect_dma semaphore(%arg8 : memref<!tpu.dma_semaphore, #tpu.memory_space<semaphore_mem>>) src(%dma_wait3A_4196 : memref<49152xf32, #tpu.memory_space<hbm>>) dst(%dma_wait3A_4191 : memref<128xf32, #tpu.memory_space<vmem>>)
    %dma_wait3A_4197 = arith.constant 16 : i32
    %dma_wait3A_4198 = arith.constant 2048 : i32
    %dma_wait3A_4199 = tpu.memref_slice %arg7[%dma_wait3A_4198] : memref<4608xf32, #tpu.memory_space<vmem>> -> memref<128xf32, #tpu.memory_space<vmem>>
    %dma_wait3A_4200 = arith.constant 0 : i32
    %dma_wait3A_4201 = tpu.memref_slice %arg6[%dma_wait3A_4197, %dma_wait3A_4200] : memref<36x128xi32, #tpu.memory_space<vmem>> -> memref<1x128xi32, #tpu.memory_space<vmem>>
    %dma_wait3A_4202 = tpu.memref_squeeze %dma_wait3A_4201 : memref<1x128xi32, #tpu.memory_space<vmem>> -> memref<128xi32, #tpu.memory_space<vmem>>
    %dma_wait3A_4203 = arith.constant 0 : i32
    %dma_wait3A_4204 = tpu.memref_slice %arg2[%dma_wait3A_4203] : memref<49152xf32, #tpu.memory_space<hbm>> -> memref<49152xf32, #tpu.memory_space<hbm>>
    tpu.wait_indirect_dma semaphore(%arg8 : memref<!tpu.dma_semaphore, #tpu.memory_space<semaphore_mem>>) src(%dma_wait3A_4204 : memref<49152xf32, #tpu.memory_space<hbm>>) dst(%dma_wait3A_4199 : memref<128xf32, #tpu.memory_space<vmem>>)
    %dma_wait3A_4205 = arith.constant 17 : i32
    %dma_wait3A_4206 = arith.constant 2176 : i32
    %dma_wait3A_4207 = tpu.memref_slice %arg7[%dma_wait3A_4206] : memref<4608xf32, #tpu.memory_space<vmem>> -> memref<128xf32, #tpu.memory_space<vmem>>
    %dma_wait3A_4208 = arith.constant 0 : i32
    %dma_wait3A_4209 = tpu.memref_slice %arg6[%dma_wait3A_4205, %dma_wait3A_4208] : memref<36x128xi32, #tpu.memory_space<vmem>> -> memref<1x128xi32, #tpu.memory_space<vmem>>
    %dma_wait3A_4210 = tpu.memref_squeeze %dma_wait3A_4209 : memref<1x128xi32, #tpu.memory_space<vmem>> -> memref<128xi32, #tpu.memory_space<vmem>>
    %dma_wait3A_4211 = arith.constant 0 : i32
    %dma_wait3A_4212 = tpu.memref_slice %arg2[%dma_wait3A_4211] : memref<49152xf32, #tpu.memory_space<hbm>> -> memref<49152xf32, #tpu.memory_space<hbm>>
    tpu.wait_indirect_dma semaphore(%arg8 : memref<!tpu.dma_semaphore, #tpu.memory_space<semaphore_mem>>) src(%dma_wait3A_4212 : memref<49152xf32, #tpu.memory_space<hbm>>) dst(%dma_wait3A_4207 : memref<128xf32, #tpu.memory_space<vmem>>)
    %dma_wait3A_4213 = arith.constant 18 : i32
    %dma_wait3A_4214 = arith.constant 2304 : i32
    %dma_wait3A_4215 = tpu.memref_slice %arg7[%dma_wait3A_4214] : memref<4608xf32, #tpu.memory_space<vmem>> -> memref<128xf32, #tpu.memory_space<vmem>>
    %dma_wait3A_4216 = arith.constant 0 : i32
    %dma_wait3A_4217 = tpu.memref_slice %arg6[%dma_wait3A_4213, %dma_wait3A_4216] : memref<36x128xi32, #tpu.memory_space<vmem>> -> memref<1x128xi32, #tpu.memory_space<vmem>>
    %dma_wait3A_4218 = tpu.memref_squeeze %dma_wait3A_4217 : memref<1x128xi32, #tpu.memory_space<vmem>> -> memref<128xi32, #tpu.memory_space<vmem>>
    %dma_wait3A_4219 = arith.constant 0 : i32
    %dma_wait3A_4220 = tpu.memref_slice %arg2[%dma_wait3A_4219] : memref<49152xf32, #tpu.memory_space<hbm>> -> memref<49152xf32, #tpu.memory_space<hbm>>
    tpu.wait_indirect_dma semaphore(%arg8 : memref<!tpu.dma_semaphore, #tpu.memory_space<semaphore_mem>>) src(%dma_wait3A_4220 : memref<49152xf32, #tpu.memory_space<hbm>>) dst(%dma_wait3A_4215 : memref<128xf32, #tpu.memory_space<vmem>>)
    %dma_wait3A_4221 = arith.constant 19 : i32
    %dma_wait3A_4222 = arith.constant 2432 : i32
    %dma_wait3A_4223 = tpu.memref_slice %arg7[%dma_wait3A_4222] : memref<4608xf32, #tpu.memory_space<vmem>> -> memref<128xf32, #tpu.memory_space<vmem>>
    %dma_wait3A_4224 = arith.constant 0 : i32
    %dma_wait3A_4225 = tpu.memref_slice %arg6[%dma_wait3A_4221, %dma_wait3A_4224] : memref<36x128xi32, #tpu.memory_space<vmem>> -> memref<1x128xi32, #tpu.memory_space<vmem>>
    %dma_wait3A_4226 = tpu.memref_squeeze %dma_wait3A_4225 : memref<1x128xi32, #tpu.memory_space<vmem>> -> memref<128xi32, #tpu.memory_space<vmem>>
    %dma_wait3A_4227 = arith.constant 0 : i32
    %dma_wait3A_4228 = tpu.memref_slice %arg2[%dma_wait3A_4227] : memref<49152xf32, #tpu.memory_space<hbm>> -> memref<49152xf32, #tpu.memory_space<hbm>>
    tpu.wait_indirect_dma semaphore(%arg8 : memref<!tpu.dma_semaphore, #tpu.memory_space<semaphore_mem>>) src(%dma_wait3A_4228 : memref<49152xf32, #tpu.memory_space<hbm>>) dst(%dma_wait3A_4223 : memref<128xf32, #tpu.memory_space<vmem>>)
    %dma_wait3A_4229 = arith.constant 20 : i32
    %dma_wait3A_4230 = arith.constant 2560 : i32
    %dma_wait3A_4231 = tpu.memref_slice %arg7[%dma_wait3A_4230] : memref<4608xf32, #tpu.memory_space<vmem>> -> memref<128xf32, #tpu.memory_space<vmem>>
    %dma_wait3A_4232 = arith.constant 0 : i32
    %dma_wait3A_4233 = tpu.memref_slice %arg6[%dma_wait3A_4229, %dma_wait3A_4232] : memref<36x128xi32, #tpu.memory_space<vmem>> -> memref<1x128xi32, #tpu.memory_space<vmem>>
    %dma_wait3A_4234 = tpu.memref_squeeze %dma_wait3A_4233 : memref<1x128xi32, #tpu.memory_space<vmem>> -> memref<128xi32, #tpu.memory_space<vmem>>
    %dma_wait3A_4235 = arith.constant 0 : i32
    %dma_wait3A_4236 = tpu.memref_slice %arg2[%dma_wait3A_4235] : memref<49152xf32, #tpu.memory_space<hbm>> -> memref<49152xf32, #tpu.memory_space<hbm>>
    tpu.wait_indirect_dma semaphore(%arg8 : memref<!tpu.dma_semaphore, #tpu.memory_space<semaphore_mem>>) src(%dma_wait3A_4236 : memref<49152xf32, #tpu.memory_space<hbm>>) dst(%dma_wait3A_4231 : memref<128xf32, #tpu.memory_space<vmem>>)
    %dma_wait3A_4237 = arith.constant 21 : i32
    %dma_wait3A_4238 = arith.constant 2688 : i32
    %dma_wait3A_4239 = tpu.memref_slice %arg7[%dma_wait3A_4238] : memref<4608xf32, #tpu.memory_space<vmem>> -> memref<128xf32, #tpu.memory_space<vmem>>
    %dma_wait3A_4240 = arith.constant 0 : i32
    %dma_wait3A_4241 = tpu.memref_slice %arg6[%dma_wait3A_4237, %dma_wait3A_4240] : memref<36x128xi32, #tpu.memory_space<vmem>> -> memref<1x128xi32, #tpu.memory_space<vmem>>
    %dma_wait3A_4242 = tpu.memref_squeeze %dma_wait3A_4241 : memref<1x128xi32, #tpu.memory_space<vmem>> -> memref<128xi32, #tpu.memory_space<vmem>>
    %dma_wait3A_4243 = arith.constant 0 : i32
    %dma_wait3A_4244 = tpu.memref_slice %arg2[%dma_wait3A_4243] : memref<49152xf32, #tpu.memory_space<hbm>> -> memref<49152xf32, #tpu.memory_space<hbm>>
    tpu.wait_indirect_dma semaphore(%arg8 : memref<!tpu.dma_semaphore, #tpu.memory_space<semaphore_mem>>) src(%dma_wait3A_4244 : memref<49152xf32, #tpu.memory_space<hbm>>) dst(%dma_wait3A_4239 : memref<128xf32, #tpu.memory_space<vmem>>)
    %dma_wait3A_4245 = arith.constant 22 : i32
    %dma_wait3A_4246 = arith.constant 2816 : i32
    %dma_wait3A_4247 = tpu.memref_slice %arg7[%dma_wait3A_4246] : memref<4608xf32, #tpu.memory_space<vmem>> -> memref<128xf32, #tpu.memory_space<vmem>>
    %dma_wait3A_4248 = arith.constant 0 : i32
    %dma_wait3A_4249 = tpu.memref_slice %arg6[%dma_wait3A_4245, %dma_wait3A_4248] : memref<36x128xi32, #tpu.memory_space<vmem>> -> memref<1x128xi32, #tpu.memory_space<vmem>>
    %dma_wait3A_4250 = tpu.memref_squeeze %dma_wait3A_4249 : memref<1x128xi32, #tpu.memory_space<vmem>> -> memref<128xi32, #tpu.memory_space<vmem>>
    %dma_wait3A_4251 = arith.constant 0 : i32
    %dma_wait3A_4252 = tpu.memref_slice %arg2[%dma_wait3A_4251] : memref<49152xf32, #tpu.memory_space<hbm>> -> memref<49152xf32, #tpu.memory_space<hbm>>
    tpu.wait_indirect_dma semaphore(%arg8 : memref<!tpu.dma_semaphore, #tpu.memory_space<semaphore_mem>>) src(%dma_wait3A_4252 : memref<49152xf32, #tpu.memory_space<hbm>>) dst(%dma_wait3A_4247 : memref<128xf32, #tpu.memory_space<vmem>>)
    %dma_wait3A_4253 = arith.constant 23 : i32
    %dma_wait3A_4254 = arith.constant 2944 : i32
    %dma_wait3A_4255 = tpu.memref_slice %arg7[%dma_wait3A_4254] : memref<4608xf32, #tpu.memory_space<vmem>> -> memref<128xf32, #tpu.memory_space<vmem>>
    %dma_wait3A_4256 = arith.constant 0 : i32
    %dma_wait3A_4257 = tpu.memref_slice %arg6[%dma_wait3A_4253, %dma_wait3A_4256] : memref<36x128xi32, #tpu.memory_space<vmem>> -> memref<1x128xi32, #tpu.memory_space<vmem>>
    %dma_wait3A_4258 = tpu.memref_squeeze %dma_wait3A_4257 : memref<1x128xi32, #tpu.memory_space<vmem>> -> memref<128xi32, #tpu.memory_space<vmem>>
    %dma_wait3A_4259 = arith.constant 0 : i32
    %dma_wait3A_4260 = tpu.memref_slice %arg2[%dma_wait3A_4259] : memref<49152xf32, #tpu.memory_space<hbm>> -> memref<49152xf32, #tpu.memory_space<hbm>>
    tpu.wait_indirect_dma semaphore(%arg8 : memref<!tpu.dma_semaphore, #tpu.memory_space<semaphore_mem>>) src(%dma_wait3A_4260 : memref<49152xf32, #tpu.memory_space<hbm>>) dst(%dma_wait3A_4255 : memref<128xf32, #tpu.memory_space<vmem>>)
    %dma_wait3A_4261 = arith.constant 24 : i32
    %dma_wait3A_4262 = arith.constant 3072 : i32
    %dma_wait3A_4263 = tpu.memref_slice %arg7[%dma_wait3A_4262] : memref<4608xf32, #tpu.memory_space<vmem>> -> memref<128xf32, #tpu.memory_space<vmem>>
    %dma_wait3A_4264 = arith.constant 0 : i32
    %dma_wait3A_4265 = tpu.memref_slice %arg6[%dma_wait3A_4261, %dma_wait3A_4264] : memref<36x128xi32, #tpu.memory_space<vmem>> -> memref<1x128xi32, #tpu.memory_space<vmem>>
    %dma_wait3A_4266 = tpu.memref_squeeze %dma_wait3A_4265 : memref<1x128xi32, #tpu.memory_space<vmem>> -> memref<128xi32, #tpu.memory_space<vmem>>
    %dma_wait3A_4267 = arith.constant 0 : i32
    %dma_wait3A_4268 = tpu.memref_slice %arg2[%dma_wait3A_4267] : memref<49152xf32, #tpu.memory_space<hbm>> -> memref<49152xf32, #tpu.memory_space<hbm>>
    tpu.wait_indirect_dma semaphore(%arg8 : memref<!tpu.dma_semaphore, #tpu.memory_space<semaphore_mem>>) src(%dma_wait3A_4268 : memref<49152xf32, #tpu.memory_space<hbm>>) dst(%dma_wait3A_4263 : memref<128xf32, #tpu.memory_space<vmem>>)
    %dma_wait3A_4269 = arith.constant 25 : i32
    %dma_wait3A_4270 = arith.constant 3200 : i32
    %dma_wait3A_4271 = tpu.memref_slice %arg7[%dma_wait3A_4270] : memref<4608xf32, #tpu.memory_space<vmem>> -> memref<128xf32, #tpu.memory_space<vmem>>
    %dma_wait3A_4272 = arith.constant 0 : i32
    %dma_wait3A_4273 = tpu.memref_slice %arg6[%dma_wait3A_4269, %dma_wait3A_4272] : memref<36x128xi32, #tpu.memory_space<vmem>> -> memref<1x128xi32, #tpu.memory_space<vmem>>
    %dma_wait3A_4274 = tpu.memref_squeeze %dma_wait3A_4273 : memref<1x128xi32, #tpu.memory_space<vmem>> -> memref<128xi32, #tpu.memory_space<vmem>>
    %dma_wait3A_4275 = arith.constant 0 : i32
    %dma_wait3A_4276 = tpu.memref_slice %arg2[%dma_wait3A_4275] : memref<49152xf32, #tpu.memory_space<hbm>> -> memref<49152xf32, #tpu.memory_space<hbm>>
    tpu.wait_indirect_dma semaphore(%arg8 : memref<!tpu.dma_semaphore, #tpu.memory_space<semaphore_mem>>) src(%dma_wait3A_4276 : memref<49152xf32, #tpu.memory_space<hbm>>) dst(%dma_wait3A_4271 : memref<128xf32, #tpu.memory_space<vmem>>)
    %dma_wait3A_4277 = arith.constant 26 : i32
    %dma_wait3A_4278 = arith.constant 3328 : i32
    %dma_wait3A_4279 = tpu.memref_slice %arg7[%dma_wait3A_4278] : memref<4608xf32, #tpu.memory_space<vmem>> -> memref<128xf32, #tpu.memory_space<vmem>>
    %dma_wait3A_4280 = arith.constant 0 : i32
    %dma_wait3A_4281 = tpu.memref_slice %arg6[%dma_wait3A_4277, %dma_wait3A_4280] : memref<36x128xi32, #tpu.memory_space<vmem>> -> memref<1x128xi32, #tpu.memory_space<vmem>>
    %dma_wait3A_4282 = tpu.memref_squeeze %dma_wait3A_4281 : memref<1x128xi32, #tpu.memory_space<vmem>> -> memref<128xi32, #tpu.memory_space<vmem>>
    %dma_wait3A_4283 = arith.constant 0 : i32
    %dma_wait3A_4284 = tpu.memref_slice %arg2[%dma_wait3A_4283] : memref<49152xf32, #tpu.memory_space<hbm>> -> memref<49152xf32, #tpu.memory_space<hbm>>
    tpu.wait_indirect_dma semaphore(%arg8 : memref<!tpu.dma_semaphore, #tpu.memory_space<semaphore_mem>>) src(%dma_wait3A_4284 : memref<49152xf32, #tpu.memory_space<hbm>>) dst(%dma_wait3A_4279 : memref<128xf32, #tpu.memory_space<vmem>>)
    %dma_wait3A_4285 = arith.constant 27 : i32
    %dma_wait3A_4286 = arith.constant 3456 : i32
    %dma_wait3A_4287 = tpu.memref_slice %arg7[%dma_wait3A_4286] : memref<4608xf32, #tpu.memory_space<vmem>> -> memref<128xf32, #tpu.memory_space<vmem>>
    %dma_wait3A_4288 = arith.constant 0 : i32
    %dma_wait3A_4289 = tpu.memref_slice %arg6[%dma_wait3A_4285, %dma_wait3A_4288] : memref<36x128xi32, #tpu.memory_space<vmem>> -> memref<1x128xi32, #tpu.memory_space<vmem>>
    %dma_wait3A_4290 = tpu.memref_squeeze %dma_wait3A_4289 : memref<1x128xi32, #tpu.memory_space<vmem>> -> memref<128xi32, #tpu.memory_space<vmem>>
    %dma_wait3A_4291 = arith.constant 0 : i32
    %dma_wait3A_4292 = tpu.memref_slice %arg2[%dma_wait3A_4291] : memref<49152xf32, #tpu.memory_space<hbm>> -> memref<49152xf32, #tpu.memory_space<hbm>>
    tpu.wait_indirect_dma semaphore(%arg8 : memref<!tpu.dma_semaphore, #tpu.memory_space<semaphore_mem>>) src(%dma_wait3A_4292 : memref<49152xf32, #tpu.memory_space<hbm>>) dst(%dma_wait3A_4287 : memref<128xf32, #tpu.memory_space<vmem>>)
    %dma_wait3A_4293 = arith.constant 28 : i32
    %dma_wait3A_4294 = arith.constant 3584 : i32
    %dma_wait3A_4295 = tpu.memref_slice %arg7[%dma_wait3A_4294] : memref<4608xf32, #tpu.memory_space<vmem>> -> memref<128xf32, #tpu.memory_space<vmem>>
    %dma_wait3A_4296 = arith.constant 0 : i32
    %dma_wait3A_4297 = tpu.memref_slice %arg6[%dma_wait3A_4293, %dma_wait3A_4296] : memref<36x128xi32, #tpu.memory_space<vmem>> -> memref<1x128xi32, #tpu.memory_space<vmem>>
    %dma_wait3A_4298 = tpu.memref_squeeze %dma_wait3A_4297 : memref<1x128xi32, #tpu.memory_space<vmem>> -> memref<128xi32, #tpu.memory_space<vmem>>
    %dma_wait3A_4299 = arith.constant 0 : i32
    %dma_wait3A_4300 = tpu.memref_slice %arg2[%dma_wait3A_4299] : memref<49152xf32, #tpu.memory_space<hbm>> -> memref<49152xf32, #tpu.memory_space<hbm>>
    tpu.wait_indirect_dma semaphore(%arg8 : memref<!tpu.dma_semaphore, #tpu.memory_space<semaphore_mem>>) src(%dma_wait3A_4300 : memref<49152xf32, #tpu.memory_space<hbm>>) dst(%dma_wait3A_4295 : memref<128xf32, #tpu.memory_space<vmem>>)
    %dma_wait3A_4301 = arith.constant 29 : i32
    %dma_wait3A_4302 = arith.constant 3712 : i32
    %dma_wait3A_4303 = tpu.memref_slice %arg7[%dma_wait3A_4302] : memref<4608xf32, #tpu.memory_space<vmem>> -> memref<128xf32, #tpu.memory_space<vmem>>
    %dma_wait3A_4304 = arith.constant 0 : i32
    %dma_wait3A_4305 = tpu.memref_slice %arg6[%dma_wait3A_4301, %dma_wait3A_4304] : memref<36x128xi32, #tpu.memory_space<vmem>> -> memref<1x128xi32, #tpu.memory_space<vmem>>
    %dma_wait3A_4306 = tpu.memref_squeeze %dma_wait3A_4305 : memref<1x128xi32, #tpu.memory_space<vmem>> -> memref<128xi32, #tpu.memory_space<vmem>>
    %dma_wait3A_4307 = arith.constant 0 : i32
    %dma_wait3A_4308 = tpu.memref_slice %arg2[%dma_wait3A_4307] : memref<49152xf32, #tpu.memory_space<hbm>> -> memref<49152xf32, #tpu.memory_space<hbm>>
    tpu.wait_indirect_dma semaphore(%arg8 : memref<!tpu.dma_semaphore, #tpu.memory_space<semaphore_mem>>) src(%dma_wait3A_4308 : memref<49152xf32, #tpu.memory_space<hbm>>) dst(%dma_wait3A_4303 : memref<128xf32, #tpu.memory_space<vmem>>)
    %dma_wait3A_4309 = arith.constant 30 : i32
    %dma_wait3A_4310 = arith.constant 3840 : i32
    %dma_wait3A_4311 = tpu.memref_slice %arg7[%dma_wait3A_4310] : memref<4608xf32, #tpu.memory_space<vmem>> -> memref<128xf32, #tpu.memory_space<vmem>>
    %dma_wait3A_4312 = arith.constant 0 : i32
    %dma_wait3A_4313 = tpu.memref_slice %arg6[%dma_wait3A_4309, %dma_wait3A_4312] : memref<36x128xi32, #tpu.memory_space<vmem>> -> memref<1x128xi32, #tpu.memory_space<vmem>>
    %dma_wait3A_4314 = tpu.memref_squeeze %dma_wait3A_4313 : memref<1x128xi32, #tpu.memory_space<vmem>> -> memref<128xi32, #tpu.memory_space<vmem>>
    %dma_wait3A_4315 = arith.constant 0 : i32
    %dma_wait3A_4316 = tpu.memref_slice %arg2[%dma_wait3A_4315] : memref<49152xf32, #tpu.memory_space<hbm>> -> memref<49152xf32, #tpu.memory_space<hbm>>
    tpu.wait_indirect_dma semaphore(%arg8 : memref<!tpu.dma_semaphore, #tpu.memory_space<semaphore_mem>>) src(%dma_wait3A_4316 : memref<49152xf32, #tpu.memory_space<hbm>>) dst(%dma_wait3A_4311 : memref<128xf32, #tpu.memory_space<vmem>>)
    %dma_wait3A_4317 = arith.constant 31 : i32
    %dma_wait3A_4318 = arith.constant 3968 : i32
    %dma_wait3A_4319 = tpu.memref_slice %arg7[%dma_wait3A_4318] : memref<4608xf32, #tpu.memory_space<vmem>> -> memref<128xf32, #tpu.memory_space<vmem>>
    %dma_wait3A_4320 = arith.constant 0 : i32
    %dma_wait3A_4321 = tpu.memref_slice %arg6[%dma_wait3A_4317, %dma_wait3A_4320] : memref<36x128xi32, #tpu.memory_space<vmem>> -> memref<1x128xi32, #tpu.memory_space<vmem>>
    %dma_wait3A_4322 = tpu.memref_squeeze %dma_wait3A_4321 : memref<1x128xi32, #tpu.memory_space<vmem>> -> memref<128xi32, #tpu.memory_space<vmem>>
    %dma_wait3A_4323 = arith.constant 0 : i32
    %dma_wait3A_4324 = tpu.memref_slice %arg2[%dma_wait3A_4323] : memref<49152xf32, #tpu.memory_space<hbm>> -> memref<49152xf32, #tpu.memory_space<hbm>>
    tpu.wait_indirect_dma semaphore(%arg8 : memref<!tpu.dma_semaphore, #tpu.memory_space<semaphore_mem>>) src(%dma_wait3A_4324 : memref<49152xf32, #tpu.memory_space<hbm>>) dst(%dma_wait3A_4319 : memref<128xf32, #tpu.memory_space<vmem>>)
    %dma_wait3A_4325 = arith.constant 32 : i32
    %dma_wait3A_4326 = arith.constant 4096 : i32
    %dma_wait3A_4327 = tpu.memref_slice %arg7[%dma_wait3A_4326] : memref<4608xf32, #tpu.memory_space<vmem>> -> memref<128xf32, #tpu.memory_space<vmem>>
    %dma_wait3A_4328 = arith.constant 0 : i32
    %dma_wait3A_4329 = tpu.memref_slice %arg6[%dma_wait3A_4325, %dma_wait3A_4328] : memref<36x128xi32, #tpu.memory_space<vmem>> -> memref<1x128xi32, #tpu.memory_space<vmem>>
    %dma_wait3A_4330 = tpu.memref_squeeze %dma_wait3A_4329 : memref<1x128xi32, #tpu.memory_space<vmem>> -> memref<128xi32, #tpu.memory_space<vmem>>
    %dma_wait3A_4331 = arith.constant 0 : i32
    %dma_wait3A_4332 = tpu.memref_slice %arg2[%dma_wait3A_4331] : memref<49152xf32, #tpu.memory_space<hbm>> -> memref<49152xf32, #tpu.memory_space<hbm>>
    tpu.wait_indirect_dma semaphore(%arg8 : memref<!tpu.dma_semaphore, #tpu.memory_space<semaphore_mem>>) src(%dma_wait3A_4332 : memref<49152xf32, #tpu.memory_space<hbm>>) dst(%dma_wait3A_4327 : memref<128xf32, #tpu.memory_space<vmem>>)
    %dma_wait3A_4333 = arith.constant 33 : i32
    %dma_wait3A_4334 = arith.constant 4224 : i32
    %dma_wait3A_4335 = tpu.memref_slice %arg7[%dma_wait3A_4334] : memref<4608xf32, #tpu.memory_space<vmem>> -> memref<128xf32, #tpu.memory_space<vmem>>
    %dma_wait3A_4336 = arith.constant 0 : i32
    %dma_wait3A_4337 = tpu.memref_slice %arg6[%dma_wait3A_4333, %dma_wait3A_4336] : memref<36x128xi32, #tpu.memory_space<vmem>> -> memref<1x128xi32, #tpu.memory_space<vmem>>
    %dma_wait3A_4338 = tpu.memref_squeeze %dma_wait3A_4337 : memref<1x128xi32, #tpu.memory_space<vmem>> -> memref<128xi32, #tpu.memory_space<vmem>>
    %dma_wait3A_4339 = arith.constant 0 : i32
    %dma_wait3A_4340 = tpu.memref_slice %arg2[%dma_wait3A_4339] : memref<49152xf32, #tpu.memory_space<hbm>> -> memref<49152xf32, #tpu.memory_space<hbm>>
    tpu.wait_indirect_dma semaphore(%arg8 : memref<!tpu.dma_semaphore, #tpu.memory_space<semaphore_mem>>) src(%dma_wait3A_4340 : memref<49152xf32, #tpu.memory_space<hbm>>) dst(%dma_wait3A_4335 : memref<128xf32, #tpu.memory_space<vmem>>)
    %dma_wait3A_4341 = arith.constant 34 : i32
    %dma_wait3A_4342 = arith.constant 4352 : i32
    %dma_wait3A_4343 = tpu.memref_slice %arg7[%dma_wait3A_4342] : memref<4608xf32, #tpu.memory_space<vmem>> -> memref<128xf32, #tpu.memory_space<vmem>>
    %dma_wait3A_4344 = arith.constant 0 : i32
    %dma_wait3A_4345 = tpu.memref_slice %arg6[%dma_wait3A_4341, %dma_wait3A_4344] : memref<36x128xi32, #tpu.memory_space<vmem>> -> memref<1x128xi32, #tpu.memory_space<vmem>>
    %dma_wait3A_4346 = tpu.memref_squeeze %dma_wait3A_4345 : memref<1x128xi32, #tpu.memory_space<vmem>> -> memref<128xi32, #tpu.memory_space<vmem>>
    %dma_wait3A_4347 = arith.constant 0 : i32
    %dma_wait3A_4348 = tpu.memref_slice %arg2[%dma_wait3A_4347] : memref<49152xf32, #tpu.memory_space<hbm>> -> memref<49152xf32, #tpu.memory_space<hbm>>
    tpu.wait_indirect_dma semaphore(%arg8 : memref<!tpu.dma_semaphore, #tpu.memory_space<semaphore_mem>>) src(%dma_wait3A_4348 : memref<49152xf32, #tpu.memory_space<hbm>>) dst(%dma_wait3A_4343 : memref<128xf32, #tpu.memory_space<vmem>>)
    %dma_wait3A_4349 = arith.constant 35 : i32
    %dma_wait3A_4350 = arith.constant 4480 : i32
    %dma_wait3A_4351 = tpu.memref_slice %arg7[%dma_wait3A_4350] : memref<4608xf32, #tpu.memory_space<vmem>> -> memref<128xf32, #tpu.memory_space<vmem>>
    %dma_wait3A_4352 = arith.constant 0 : i32
    %dma_wait3A_4353 = tpu.memref_slice %arg6[%dma_wait3A_4349, %dma_wait3A_4352] : memref<36x128xi32, #tpu.memory_space<vmem>> -> memref<1x128xi32, #tpu.memory_space<vmem>>
    %dma_wait3A_4354 = tpu.memref_squeeze %dma_wait3A_4353 : memref<1x128xi32, #tpu.memory_space<vmem>> -> memref<128xi32, #tpu.memory_space<vmem>>
    %dma_wait3A_4355 = arith.constant 0 : i32
    %dma_wait3A_4356 = tpu.memref_slice %arg2[%dma_wait3A_4355] : memref<49152xf32, #tpu.memory_space<hbm>> -> memref<49152xf32, #tpu.memory_space<hbm>>
    tpu.wait_indirect_dma semaphore(%arg8 : memref<!tpu.dma_semaphore, #tpu.memory_space<semaphore_mem>>) src(%dma_wait3A_4356 : memref<49152xf32, #tpu.memory_space<hbm>>) dst(%dma_wait3A_4351 : memref<128xf32, #tpu.memory_space<vmem>>)
    %add3A_4357 = arith.constant 0 : i32
    %add3A_4358 = arith.addi %add3A_4357, %mul3A_32 : i32
    "tpu.region"() ({
      %run_scoped3A = tpu.sem_alloc : memref<!tpu.dma_semaphore, #tpu.memory_space<semaphore_mem>>
      %dma_start3A_4375 = arith.constant 0 : i32
      %dma_start3A_4376 = tpu.memref_slice %arg7[%dma_start3A_4375] : memref<4608xf32, #tpu.memory_space<vmem>> -> memref<512xf32, #tpu.memory_space<vmem>>
      %dma_start3A_4377 = tpu.memref_slice %arg4[%select_n3A, %add3A_4358] : memref<4x36864xf32, #tpu.memory_space<hbm>> -> memref<1x512xf32, #tpu.memory_space<hbm>>
      %dma_start3A_4378 = tpu.memref_squeeze %dma_start3A_4377 : memref<1x512xf32, #tpu.memory_space<hbm>> -> memref<512xf32, #tpu.memory_space<hbm>>
      %dma_start3A_4379 = tpu.memref_slice %arg4[%select_n3A, %add3A_4358] : memref<4x36864xf32, #tpu.memory_space<hbm>> -> memref<1x512xf32, #tpu.memory_space<hbm>>
      %dma_start3A_4380 = tpu.memref_squeeze %dma_start3A_4379 : memref<1x512xf32, #tpu.memory_space<hbm>> -> memref<512xf32, #tpu.memory_space<hbm>>
      %dma_start3A_4381 = arith.constant 0 : i32
      %dma_start3A_4382 = tpu.memref_slice %arg7[%dma_start3A_4381] : memref<4608xf32, #tpu.memory_space<vmem>> -> memref<512xf32, #tpu.memory_space<vmem>>
      tpu.enqueue_dma source(%dma_start3A_4382 : memref<512xf32, #tpu.memory_space<vmem>>) target(%dma_start3A_4380 : memref<512xf32, #tpu.memory_space<hbm>>) target_semaphore(%run_scoped3A : memref<!tpu.dma_semaphore, #tpu.memory_space<semaphore_mem>>)
      %dma_wait3A_4383 = arith.constant 0 : i32
      %dma_wait3A_4384 = tpu.memref_slice %arg7[%dma_wait3A_4383] : memref<4608xf32, #tpu.memory_space<vmem>> -> memref<512xf32, #tpu.memory_space<vmem>>
      %dma_wait3A_4385 = tpu.memref_slice %arg4[%select_n3A, %add3A_4358] : memref<4x36864xf32, #tpu.memory_space<hbm>> -> memref<1x512xf32, #tpu.memory_space<hbm>>
      %dma_wait3A_4386 = tpu.memref_squeeze %dma_wait3A_4385 : memref<1x512xf32, #tpu.memory_space<hbm>> -> memref<512xf32, #tpu.memory_space<hbm>>
      %dma_wait3A_4387 = tpu.memref_slice %arg4[%select_n3A, %add3A_4358] : memref<4x36864xf32, #tpu.memory_space<hbm>> -> memref<1x512xf32, #tpu.memory_space<hbm>>
      %dma_wait3A_4388 = tpu.memref_squeeze %dma_wait3A_4387 : memref<1x512xf32, #tpu.memory_space<hbm>> -> memref<512xf32, #tpu.memory_space<hbm>>
      %dma_wait3A_4389 = arith.constant 0 : i32
      %dma_wait3A_4390 = tpu.memref_slice %arg7[%dma_wait3A_4389] : memref<4608xf32, #tpu.memory_space<vmem>> -> memref<512xf32, #tpu.memory_space<vmem>>
      tpu.wait_dma2 semaphore(%run_scoped3A : memref<!tpu.dma_semaphore, #tpu.memory_space<semaphore_mem>>) src(%dma_wait3A_4390 : memref<512xf32, #tpu.memory_space<vmem>>) dst(%dma_wait3A_4388 : memref<512xf32, #tpu.memory_space<hbm>>)
      tpu.yield
    }) : () -> ()
    %add3A_4359 = arith.constant 4096 : i32
    %add3A_4360 = arith.addi %add3A_4359, %mul3A_32 : i32
    "tpu.region"() ({
      %run_scoped3A = tpu.sem_alloc : memref<!tpu.dma_semaphore, #tpu.memory_space<semaphore_mem>>
      %dma_start3A_4375 = arith.constant 512 : i32
      %dma_start3A_4376 = tpu.memref_slice %arg7[%dma_start3A_4375] : memref<4608xf32, #tpu.memory_space<vmem>> -> memref<512xf32, #tpu.memory_space<vmem>>
      %dma_start3A_4377 = tpu.memref_slice %arg4[%select_n3A, %add3A_4360] : memref<4x36864xf32, #tpu.memory_space<hbm>> -> memref<1x512xf32, #tpu.memory_space<hbm>>
      %dma_start3A_4378 = tpu.memref_squeeze %dma_start3A_4377 : memref<1x512xf32, #tpu.memory_space<hbm>> -> memref<512xf32, #tpu.memory_space<hbm>>
      %dma_start3A_4379 = tpu.memref_slice %arg4[%select_n3A, %add3A_4360] : memref<4x36864xf32, #tpu.memory_space<hbm>> -> memref<1x512xf32, #tpu.memory_space<hbm>>
      %dma_start3A_4380 = tpu.memref_squeeze %dma_start3A_4379 : memref<1x512xf32, #tpu.memory_space<hbm>> -> memref<512xf32, #tpu.memory_space<hbm>>
      %dma_start3A_4381 = arith.constant 512 : i32
      %dma_start3A_4382 = tpu.memref_slice %arg7[%dma_start3A_4381] : memref<4608xf32, #tpu.memory_space<vmem>> -> memref<512xf32, #tpu.memory_space<vmem>>
      tpu.enqueue_dma source(%dma_start3A_4382 : memref<512xf32, #tpu.memory_space<vmem>>) target(%dma_start3A_4380 : memref<512xf32, #tpu.memory_space<hbm>>) target_semaphore(%run_scoped3A : memref<!tpu.dma_semaphore, #tpu.memory_space<semaphore_mem>>)
      %dma_wait3A_4383 = arith.constant 512 : i32
      %dma_wait3A_4384 = tpu.memref_slice %arg7[%dma_wait3A_4383] : memref<4608xf32, #tpu.memory_space<vmem>> -> memref<512xf32, #tpu.memory_space<vmem>>
      %dma_wait3A_4385 = tpu.memref_slice %arg4[%select_n3A, %add3A_4360] : memref<4x36864xf32, #tpu.memory_space<hbm>> -> memref<1x512xf32, #tpu.memory_space<hbm>>
      %dma_wait3A_4386 = tpu.memref_squeeze %dma_wait3A_4385 : memref<1x512xf32, #tpu.memory_space<hbm>> -> memref<512xf32, #tpu.memory_space<hbm>>
      %dma_wait3A_4387 = tpu.memref_slice %arg4[%select_n3A, %add3A_4360] : memref<4x36864xf32, #tpu.memory_space<hbm>> -> memref<1x512xf32, #tpu.memory_space<hbm>>
      %dma_wait3A_4388 = tpu.memref_squeeze %dma_wait3A_4387 : memref<1x512xf32, #tpu.memory_space<hbm>> -> memref<512xf32, #tpu.memory_space<hbm>>
      %dma_wait3A_4389 = arith.constant 512 : i32
      %dma_wait3A_4390 = tpu.memref_slice %arg7[%dma_wait3A_4389] : memref<4608xf32, #tpu.memory_space<vmem>> -> memref<512xf32, #tpu.memory_space<vmem>>
      tpu.wait_dma2 semaphore(%run_scoped3A : memref<!tpu.dma_semaphore, #tpu.memory_space<semaphore_mem>>) src(%dma_wait3A_4390 : memref<512xf32, #tpu.memory_space<vmem>>) dst(%dma_wait3A_4388 : memref<512xf32, #tpu.memory_space<hbm>>)
      tpu.yield
    }) : () -> ()
    %add3A_4361 = arith.constant 8192 : i32
    %add3A_4362 = arith.addi %add3A_4361, %mul3A_32 : i32
    "tpu.region"() ({
      %run_scoped3A = tpu.sem_alloc : memref<!tpu.dma_semaphore, #tpu.memory_space<semaphore_mem>>
      %dma_start3A_4375 = arith.constant 1024 : i32
      %dma_start3A_4376 = tpu.memref_slice %arg7[%dma_start3A_4375] : memref<4608xf32, #tpu.memory_space<vmem>> -> memref<512xf32, #tpu.memory_space<vmem>>
      %dma_start3A_4377 = tpu.memref_slice %arg4[%select_n3A, %add3A_4362] : memref<4x36864xf32, #tpu.memory_space<hbm>> -> memref<1x512xf32, #tpu.memory_space<hbm>>
      %dma_start3A_4378 = tpu.memref_squeeze %dma_start3A_4377 : memref<1x512xf32, #tpu.memory_space<hbm>> -> memref<512xf32, #tpu.memory_space<hbm>>
      %dma_start3A_4379 = tpu.memref_slice %arg4[%select_n3A, %add3A_4362] : memref<4x36864xf32, #tpu.memory_space<hbm>> -> memref<1x512xf32, #tpu.memory_space<hbm>>
      %dma_start3A_4380 = tpu.memref_squeeze %dma_start3A_4379 : memref<1x512xf32, #tpu.memory_space<hbm>> -> memref<512xf32, #tpu.memory_space<hbm>>
      %dma_start3A_4381 = arith.constant 1024 : i32
      %dma_start3A_4382 = tpu.memref_slice %arg7[%dma_start3A_4381] : memref<4608xf32, #tpu.memory_space<vmem>> -> memref<512xf32, #tpu.memory_space<vmem>>
      tpu.enqueue_dma source(%dma_start3A_4382 : memref<512xf32, #tpu.memory_space<vmem>>) target(%dma_start3A_4380 : memref<512xf32, #tpu.memory_space<hbm>>) target_semaphore(%run_scoped3A : memref<!tpu.dma_semaphore, #tpu.memory_space<semaphore_mem>>)
      %dma_wait3A_4383 = arith.constant 1024 : i32
      %dma_wait3A_4384 = tpu.memref_slice %arg7[%dma_wait3A_4383] : memref<4608xf32, #tpu.memory_space<vmem>> -> memref<512xf32, #tpu.memory_space<vmem>>
      %dma_wait3A_4385 = tpu.memref_slice %arg4[%select_n3A, %add3A_4362] : memref<4x36864xf32, #tpu.memory_space<hbm>> -> memref<1x512xf32, #tpu.memory_space<hbm>>
      %dma_wait3A_4386 = tpu.memref_squeeze %dma_wait3A_4385 : memref<1x512xf32, #tpu.memory_space<hbm>> -> memref<512xf32, #tpu.memory_space<hbm>>
      %dma_wait3A_4387 = tpu.memref_slice %arg4[%select_n3A, %add3A_4362] : memref<4x36864xf32, #tpu.memory_space<hbm>> -> memref<1x512xf32, #tpu.memory_space<hbm>>
      %dma_wait3A_4388 = tpu.memref_squeeze %dma_wait3A_4387 : memref<1x512xf32, #tpu.memory_space<hbm>> -> memref<512xf32, #tpu.memory_space<hbm>>
      %dma_wait3A_4389 = arith.constant 1024 : i32
      %dma_wait3A_4390 = tpu.memref_slice %arg7[%dma_wait3A_4389] : memref<4608xf32, #tpu.memory_space<vmem>> -> memref<512xf32, #tpu.memory_space<vmem>>
      tpu.wait_dma2 semaphore(%run_scoped3A : memref<!tpu.dma_semaphore, #tpu.memory_space<semaphore_mem>>) src(%dma_wait3A_4390 : memref<512xf32, #tpu.memory_space<vmem>>) dst(%dma_wait3A_4388 : memref<512xf32, #tpu.memory_space<hbm>>)
      tpu.yield
    }) : () -> ()
    %add3A_4363 = arith.constant 12288 : i32
    %add3A_4364 = arith.addi %add3A_4363, %mul3A_32 : i32
    "tpu.region"() ({
      %run_scoped3A = tpu.sem_alloc : memref<!tpu.dma_semaphore, #tpu.memory_space<semaphore_mem>>
      %dma_start3A_4375 = arith.constant 1536 : i32
      %dma_start3A_4376 = tpu.memref_slice %arg7[%dma_start3A_4375] : memref<4608xf32, #tpu.memory_space<vmem>> -> memref<512xf32, #tpu.memory_space<vmem>>
      %dma_start3A_4377 = tpu.memref_slice %arg4[%select_n3A, %add3A_4364] : memref<4x36864xf32, #tpu.memory_space<hbm>> -> memref<1x512xf32, #tpu.memory_space<hbm>>
      %dma_start3A_4378 = tpu.memref_squeeze %dma_start3A_4377 : memref<1x512xf32, #tpu.memory_space<hbm>> -> memref<512xf32, #tpu.memory_space<hbm>>
      %dma_start3A_4379 = tpu.memref_slice %arg4[%select_n3A, %add3A_4364] : memref<4x36864xf32, #tpu.memory_space<hbm>> -> memref<1x512xf32, #tpu.memory_space<hbm>>
      %dma_start3A_4380 = tpu.memref_squeeze %dma_start3A_4379 : memref<1x512xf32, #tpu.memory_space<hbm>> -> memref<512xf32, #tpu.memory_space<hbm>>
      %dma_start3A_4381 = arith.constant 1536 : i32
      %dma_start3A_4382 = tpu.memref_slice %arg7[%dma_start3A_4381] : memref<4608xf32, #tpu.memory_space<vmem>> -> memref<512xf32, #tpu.memory_space<vmem>>
      tpu.enqueue_dma source(%dma_start3A_4382 : memref<512xf32, #tpu.memory_space<vmem>>) target(%dma_start3A_4380 : memref<512xf32, #tpu.memory_space<hbm>>) target_semaphore(%run_scoped3A : memref<!tpu.dma_semaphore, #tpu.memory_space<semaphore_mem>>)
      %dma_wait3A_4383 = arith.constant 1536 : i32
      %dma_wait3A_4384 = tpu.memref_slice %arg7[%dma_wait3A_4383] : memref<4608xf32, #tpu.memory_space<vmem>> -> memref<512xf32, #tpu.memory_space<vmem>>
      %dma_wait3A_4385 = tpu.memref_slice %arg4[%select_n3A, %add3A_4364] : memref<4x36864xf32, #tpu.memory_space<hbm>> -> memref<1x512xf32, #tpu.memory_space<hbm>>
      %dma_wait3A_4386 = tpu.memref_squeeze %dma_wait3A_4385 : memref<1x512xf32, #tpu.memory_space<hbm>> -> memref<512xf32, #tpu.memory_space<hbm>>
      %dma_wait3A_4387 = tpu.memref_slice %arg4[%select_n3A, %add3A_4364] : memref<4x36864xf32, #tpu.memory_space<hbm>> -> memref<1x512xf32, #tpu.memory_space<hbm>>
      %dma_wait3A_4388 = tpu.memref_squeeze %dma_wait3A_4387 : memref<1x512xf32, #tpu.memory_space<hbm>> -> memref<512xf32, #tpu.memory_space<hbm>>
      %dma_wait3A_4389 = arith.constant 1536 : i32
      %dma_wait3A_4390 = tpu.memref_slice %arg7[%dma_wait3A_4389] : memref<4608xf32, #tpu.memory_space<vmem>> -> memref<512xf32, #tpu.memory_space<vmem>>
      tpu.wait_dma2 semaphore(%run_scoped3A : memref<!tpu.dma_semaphore, #tpu.memory_space<semaphore_mem>>) src(%dma_wait3A_4390 : memref<512xf32, #tpu.memory_space<vmem>>) dst(%dma_wait3A_4388 : memref<512xf32, #tpu.memory_space<hbm>>)
      tpu.yield
    }) : () -> ()
    %add3A_4365 = arith.constant 16384 : i32
    %add3A_4366 = arith.addi %add3A_4365, %mul3A_32 : i32
    "tpu.region"() ({
      %run_scoped3A = tpu.sem_alloc : memref<!tpu.dma_semaphore, #tpu.memory_space<semaphore_mem>>
      %dma_start3A_4375 = arith.constant 2048 : i32
      %dma_start3A_4376 = tpu.memref_slice %arg7[%dma_start3A_4375] : memref<4608xf32, #tpu.memory_space<vmem>> -> memref<512xf32, #tpu.memory_space<vmem>>
      %dma_start3A_4377 = tpu.memref_slice %arg4[%select_n3A, %add3A_4366] : memref<4x36864xf32, #tpu.memory_space<hbm>> -> memref<1x512xf32, #tpu.memory_space<hbm>>
      %dma_start3A_4378 = tpu.memref_squeeze %dma_start3A_4377 : memref<1x512xf32, #tpu.memory_space<hbm>> -> memref<512xf32, #tpu.memory_space<hbm>>
      %dma_start3A_4379 = tpu.memref_slice %arg4[%select_n3A, %add3A_4366] : memref<4x36864xf32, #tpu.memory_space<hbm>> -> memref<1x512xf32, #tpu.memory_space<hbm>>
      %dma_start3A_4380 = tpu.memref_squeeze %dma_start3A_4379 : memref<1x512xf32, #tpu.memory_space<hbm>> -> memref<512xf32, #tpu.memory_space<hbm>>
      %dma_start3A_4381 = arith.constant 2048 : i32
      %dma_start3A_4382 = tpu.memref_slice %arg7[%dma_start3A_4381] : memref<4608xf32, #tpu.memory_space<vmem>> -> memref<512xf32, #tpu.memory_space<vmem>>
      tpu.enqueue_dma source(%dma_start3A_4382 : memref<512xf32, #tpu.memory_space<vmem>>) target(%dma_start3A_4380 : memref<512xf32, #tpu.memory_space<hbm>>) target_semaphore(%run_scoped3A : memref<!tpu.dma_semaphore, #tpu.memory_space<semaphore_mem>>)
      %dma_wait3A_4383 = arith.constant 2048 : i32
      %dma_wait3A_4384 = tpu.memref_slice %arg7[%dma_wait3A_4383] : memref<4608xf32, #tpu.memory_space<vmem>> -> memref<512xf32, #tpu.memory_space<vmem>>
      %dma_wait3A_4385 = tpu.memref_slice %arg4[%select_n3A, %add3A_4366] : memref<4x36864xf32, #tpu.memory_space<hbm>> -> memref<1x512xf32, #tpu.memory_space<hbm>>
      %dma_wait3A_4386 = tpu.memref_squeeze %dma_wait3A_4385 : memref<1x512xf32, #tpu.memory_space<hbm>> -> memref<512xf32, #tpu.memory_space<hbm>>
      %dma_wait3A_4387 = tpu.memref_slice %arg4[%select_n3A, %add3A_4366] : memref<4x36864xf32, #tpu.memory_space<hbm>> -> memref<1x512xf32, #tpu.memory_space<hbm>>
      %dma_wait3A_4388 = tpu.memref_squeeze %dma_wait3A_4387 : memref<1x512xf32, #tpu.memory_space<hbm>> -> memref<512xf32, #tpu.memory_space<hbm>>
      %dma_wait3A_4389 = arith.constant 2048 : i32
      %dma_wait3A_4390 = tpu.memref_slice %arg7[%dma_wait3A_4389] : memref<4608xf32, #tpu.memory_space<vmem>> -> memref<512xf32, #tpu.memory_space<vmem>>
      tpu.wait_dma2 semaphore(%run_scoped3A : memref<!tpu.dma_semaphore, #tpu.memory_space<semaphore_mem>>) src(%dma_wait3A_4390 : memref<512xf32, #tpu.memory_space<vmem>>) dst(%dma_wait3A_4388 : memref<512xf32, #tpu.memory_space<hbm>>)
      tpu.yield
    }) : () -> ()
    %add3A_4367 = arith.constant 20480 : i32
    %add3A_4368 = arith.addi %add3A_4367, %mul3A_32 : i32
    "tpu.region"() ({
      %run_scoped3A = tpu.sem_alloc : memref<!tpu.dma_semaphore, #tpu.memory_space<semaphore_mem>>
      %dma_start3A_4375 = arith.constant 2560 : i32
      %dma_start3A_4376 = tpu.memref_slice %arg7[%dma_start3A_4375] : memref<4608xf32, #tpu.memory_space<vmem>> -> memref<512xf32, #tpu.memory_space<vmem>>
      %dma_start3A_4377 = tpu.memref_slice %arg4[%select_n3A, %add3A_4368] : memref<4x36864xf32, #tpu.memory_space<hbm>> -> memref<1x512xf32, #tpu.memory_space<hbm>>
      %dma_start3A_4378 = tpu.memref_squeeze %dma_start3A_4377 : memref<1x512xf32, #tpu.memory_space<hbm>> -> memref<512xf32, #tpu.memory_space<hbm>>
      %dma_start3A_4379 = tpu.memref_slice %arg4[%select_n3A, %add3A_4368] : memref<4x36864xf32, #tpu.memory_space<hbm>> -> memref<1x512xf32, #tpu.memory_space<hbm>>
      %dma_start3A_4380 = tpu.memref_squeeze %dma_start3A_4379 : memref<1x512xf32, #tpu.memory_space<hbm>> -> memref<512xf32, #tpu.memory_space<hbm>>
      %dma_start3A_4381 = arith.constant 2560 : i32
      %dma_start3A_4382 = tpu.memref_slice %arg7[%dma_start3A_4381] : memref<4608xf32, #tpu.memory_space<vmem>> -> memref<512xf32, #tpu.memory_space<vmem>>
      tpu.enqueue_dma source(%dma_start3A_4382 : memref<512xf32, #tpu.memory_space<vmem>>) target(%dma_start3A_4380 : memref<512xf32, #tpu.memory_space<hbm>>) target_semaphore(%run_scoped3A : memref<!tpu.dma_semaphore, #tpu.memory_space<semaphore_mem>>)
      %dma_wait3A_4383 = arith.constant 2560 : i32
      %dma_wait3A_4384 = tpu.memref_slice %arg7[%dma_wait3A_4383] : memref<4608xf32, #tpu.memory_space<vmem>> -> memref<512xf32, #tpu.memory_space<vmem>>
      %dma_wait3A_4385 = tpu.memref_slice %arg4[%select_n3A, %add3A_4368] : memref<4x36864xf32, #tpu.memory_space<hbm>> -> memref<1x512xf32, #tpu.memory_space<hbm>>
      %dma_wait3A_4386 = tpu.memref_squeeze %dma_wait3A_4385 : memref<1x512xf32, #tpu.memory_space<hbm>> -> memref<512xf32, #tpu.memory_space<hbm>>
      %dma_wait3A_4387 = tpu.memref_slice %arg4[%select_n3A, %add3A_4368] : memref<4x36864xf32, #tpu.memory_space<hbm>> -> memref<1x512xf32, #tpu.memory_space<hbm>>
      %dma_wait3A_4388 = tpu.memref_squeeze %dma_wait3A_4387 : memref<1x512xf32, #tpu.memory_space<hbm>> -> memref<512xf32, #tpu.memory_space<hbm>>
      %dma_wait3A_4389 = arith.constant 2560 : i32
      %dma_wait3A_4390 = tpu.memref_slice %arg7[%dma_wait3A_4389] : memref<4608xf32, #tpu.memory_space<vmem>> -> memref<512xf32, #tpu.memory_space<vmem>>
      tpu.wait_dma2 semaphore(%run_scoped3A : memref<!tpu.dma_semaphore, #tpu.memory_space<semaphore_mem>>) src(%dma_wait3A_4390 : memref<512xf32, #tpu.memory_space<vmem>>) dst(%dma_wait3A_4388 : memref<512xf32, #tpu.memory_space<hbm>>)
      tpu.yield
    }) : () -> ()
    %add3A_4369 = arith.constant 24576 : i32
    %add3A_4370 = arith.addi %add3A_4369, %mul3A_32 : i32
    "tpu.region"() ({
      %run_scoped3A = tpu.sem_alloc : memref<!tpu.dma_semaphore, #tpu.memory_space<semaphore_mem>>
      %dma_start3A_4375 = arith.constant 3072 : i32
      %dma_start3A_4376 = tpu.memref_slice %arg7[%dma_start3A_4375] : memref<4608xf32, #tpu.memory_space<vmem>> -> memref<512xf32, #tpu.memory_space<vmem>>
      %dma_start3A_4377 = tpu.memref_slice %arg4[%select_n3A, %add3A_4370] : memref<4x36864xf32, #tpu.memory_space<hbm>> -> memref<1x512xf32, #tpu.memory_space<hbm>>
      %dma_start3A_4378 = tpu.memref_squeeze %dma_start3A_4377 : memref<1x512xf32, #tpu.memory_space<hbm>> -> memref<512xf32, #tpu.memory_space<hbm>>
      %dma_start3A_4379 = tpu.memref_slice %arg4[%select_n3A, %add3A_4370] : memref<4x36864xf32, #tpu.memory_space<hbm>> -> memref<1x512xf32, #tpu.memory_space<hbm>>
      %dma_start3A_4380 = tpu.memref_squeeze %dma_start3A_4379 : memref<1x512xf32, #tpu.memory_space<hbm>> -> memref<512xf32, #tpu.memory_space<hbm>>
      %dma_start3A_4381 = arith.constant 3072 : i32
      %dma_start3A_4382 = tpu.memref_slice %arg7[%dma_start3A_4381] : memref<4608xf32, #tpu.memory_space<vmem>> -> memref<512xf32, #tpu.memory_space<vmem>>
      tpu.enqueue_dma source(%dma_start3A_4382 : memref<512xf32, #tpu.memory_space<vmem>>) target(%dma_start3A_4380 : memref<512xf32, #tpu.memory_space<hbm>>) target_semaphore(%run_scoped3A : memref<!tpu.dma_semaphore, #tpu.memory_space<semaphore_mem>>)
      %dma_wait3A_4383 = arith.constant 3072 : i32
      %dma_wait3A_4384 = tpu.memref_slice %arg7[%dma_wait3A_4383] : memref<4608xf32, #tpu.memory_space<vmem>> -> memref<512xf32, #tpu.memory_space<vmem>>
      %dma_wait3A_4385 = tpu.memref_slice %arg4[%select_n3A, %add3A_4370] : memref<4x36864xf32, #tpu.memory_space<hbm>> -> memref<1x512xf32, #tpu.memory_space<hbm>>
      %dma_wait3A_4386 = tpu.memref_squeeze %dma_wait3A_4385 : memref<1x512xf32, #tpu.memory_space<hbm>> -> memref<512xf32, #tpu.memory_space<hbm>>
      %dma_wait3A_4387 = tpu.memref_slice %arg4[%select_n3A, %add3A_4370] : memref<4x36864xf32, #tpu.memory_space<hbm>> -> memref<1x512xf32, #tpu.memory_space<hbm>>
      %dma_wait3A_4388 = tpu.memref_squeeze %dma_wait3A_4387 : memref<1x512xf32, #tpu.memory_space<hbm>> -> memref<512xf32, #tpu.memory_space<hbm>>
      %dma_wait3A_4389 = arith.constant 3072 : i32
      %dma_wait3A_4390 = tpu.memref_slice %arg7[%dma_wait3A_4389] : memref<4608xf32, #tpu.memory_space<vmem>> -> memref<512xf32, #tpu.memory_space<vmem>>
      tpu.wait_dma2 semaphore(%run_scoped3A : memref<!tpu.dma_semaphore, #tpu.memory_space<semaphore_mem>>) src(%dma_wait3A_4390 : memref<512xf32, #tpu.memory_space<vmem>>) dst(%dma_wait3A_4388 : memref<512xf32, #tpu.memory_space<hbm>>)
      tpu.yield
    }) : () -> ()
    %add3A_4371 = arith.constant 28672 : i32
    %add3A_4372 = arith.addi %add3A_4371, %mul3A_32 : i32
    "tpu.region"() ({
      %run_scoped3A = tpu.sem_alloc : memref<!tpu.dma_semaphore, #tpu.memory_space<semaphore_mem>>
      %dma_start3A_4375 = arith.constant 3584 : i32
      %dma_start3A_4376 = tpu.memref_slice %arg7[%dma_start3A_4375] : memref<4608xf32, #tpu.memory_space<vmem>> -> memref<512xf32, #tpu.memory_space<vmem>>
      %dma_start3A_4377 = tpu.memref_slice %arg4[%select_n3A, %add3A_4372] : memref<4x36864xf32, #tpu.memory_space<hbm>> -> memref<1x512xf32, #tpu.memory_space<hbm>>
      %dma_start3A_4378 = tpu.memref_squeeze %dma_start3A_4377 : memref<1x512xf32, #tpu.memory_space<hbm>> -> memref<512xf32, #tpu.memory_space<hbm>>
      %dma_start3A_4379 = tpu.memref_slice %arg4[%select_n3A, %add3A_4372] : memref<4x36864xf32, #tpu.memory_space<hbm>> -> memref<1x512xf32, #tpu.memory_space<hbm>>
      %dma_start3A_4380 = tpu.memref_squeeze %dma_start3A_4379 : memref<1x512xf32, #tpu.memory_space<hbm>> -> memref<512xf32, #tpu.memory_space<hbm>>
      %dma_start3A_4381 = arith.constant 3584 : i32
      %dma_start3A_4382 = tpu.memref_slice %arg7[%dma_start3A_4381] : memref<4608xf32, #tpu.memory_space<vmem>> -> memref<512xf32, #tpu.memory_space<vmem>>
      tpu.enqueue_dma source(%dma_start3A_4382 : memref<512xf32, #tpu.memory_space<vmem>>) target(%dma_start3A_4380 : memref<512xf32, #tpu.memory_space<hbm>>) target_semaphore(%run_scoped3A : memref<!tpu.dma_semaphore, #tpu.memory_space<semaphore_mem>>)
      %dma_wait3A_4383 = arith.constant 3584 : i32
      %dma_wait3A_4384 = tpu.memref_slice %arg7[%dma_wait3A_4383] : memref<4608xf32, #tpu.memory_space<vmem>> -> memref<512xf32, #tpu.memory_space<vmem>>
      %dma_wait3A_4385 = tpu.memref_slice %arg4[%select_n3A, %add3A_4372] : memref<4x36864xf32, #tpu.memory_space<hbm>> -> memref<1x512xf32, #tpu.memory_space<hbm>>
      %dma_wait3A_4386 = tpu.memref_squeeze %dma_wait3A_4385 : memref<1x512xf32, #tpu.memory_space<hbm>> -> memref<512xf32, #tpu.memory_space<hbm>>
      %dma_wait3A_4387 = tpu.memref_slice %arg4[%select_n3A, %add3A_4372] : memref<4x36864xf32, #tpu.memory_space<hbm>> -> memref<1x512xf32, #tpu.memory_space<hbm>>
      %dma_wait3A_4388 = tpu.memref_squeeze %dma_wait3A_4387 : memref<1x512xf32, #tpu.memory_space<hbm>> -> memref<512xf32, #tpu.memory_space<hbm>>
      %dma_wait3A_4389 = arith.constant 3584 : i32
      %dma_wait3A_4390 = tpu.memref_slice %arg7[%dma_wait3A_4389] : memref<4608xf32, #tpu.memory_space<vmem>> -> memref<512xf32, #tpu.memory_space<vmem>>
      tpu.wait_dma2 semaphore(%run_scoped3A : memref<!tpu.dma_semaphore, #tpu.memory_space<semaphore_mem>>) src(%dma_wait3A_4390 : memref<512xf32, #tpu.memory_space<vmem>>) dst(%dma_wait3A_4388 : memref<512xf32, #tpu.memory_space<hbm>>)
      tpu.yield
    }) : () -> ()
    %add3A_4373 = arith.constant 32768 : i32
    %add3A_4374 = arith.addi %add3A_4373, %mul3A_32 : i32
    "tpu.region"() ({
      %run_scoped3A = tpu.sem_alloc : memref<!tpu.dma_semaphore, #tpu.memory_space<semaphore_mem>>
      %dma_start3A_4375 = arith.constant 4096 : i32
      %dma_start3A_4376 = tpu.memref_slice %arg7[%dma_start3A_4375] : memref<4608xf32, #tpu.memory_space<vmem>> -> memref<512xf32, #tpu.memory_space<vmem>>
      %dma_start3A_4377 = tpu.memref_slice %arg4[%select_n3A, %add3A_4374] : memref<4x36864xf32, #tpu.memory_space<hbm>> -> memref<1x512xf32, #tpu.memory_space<hbm>>
      %dma_start3A_4378 = tpu.memref_squeeze %dma_start3A_4377 : memref<1x512xf32, #tpu.memory_space<hbm>> -> memref<512xf32, #tpu.memory_space<hbm>>
      %dma_start3A_4379 = tpu.memref_slice %arg4[%select_n3A, %add3A_4374] : memref<4x36864xf32, #tpu.memory_space<hbm>> -> memref<1x512xf32, #tpu.memory_space<hbm>>
      %dma_start3A_4380 = tpu.memref_squeeze %dma_start3A_4379 : memref<1x512xf32, #tpu.memory_space<hbm>> -> memref<512xf32, #tpu.memory_space<hbm>>
      %dma_start3A_4381 = arith.constant 4096 : i32
      %dma_start3A_4382 = tpu.memref_slice %arg7[%dma_start3A_4381] : memref<4608xf32, #tpu.memory_space<vmem>> -> memref<512xf32, #tpu.memory_space<vmem>>
      tpu.enqueue_dma source(%dma_start3A_4382 : memref<512xf32, #tpu.memory_space<vmem>>) target(%dma_start3A_4380 : memref<512xf32, #tpu.memory_space<hbm>>) target_semaphore(%run_scoped3A : memref<!tpu.dma_semaphore, #tpu.memory_space<semaphore_mem>>)
      %dma_wait3A_4383 = arith.constant 4096 : i32
      %dma_wait3A_4384 = tpu.memref_slice %arg7[%dma_wait3A_4383] : memref<4608xf32, #tpu.memory_space<vmem>> -> memref<512xf32, #tpu.memory_space<vmem>>
      %dma_wait3A_4385 = tpu.memref_slice %arg4[%select_n3A, %add3A_4374] : memref<4x36864xf32, #tpu.memory_space<hbm>> -> memref<1x512xf32, #tpu.memory_space<hbm>>
      %dma_wait3A_4386 = tpu.memref_squeeze %dma_wait3A_4385 : memref<1x512xf32, #tpu.memory_space<hbm>> -> memref<512xf32, #tpu.memory_space<hbm>>
      %dma_wait3A_4387 = tpu.memref_slice %arg4[%select_n3A, %add3A_4374] : memref<4x36864xf32, #tpu.memory_space<hbm>> -> memref<1x512xf32, #tpu.memory_space<hbm>>
      %dma_wait3A_4388 = tpu.memref_squeeze %dma_wait3A_4387 : memref<1x512xf32, #tpu.memory_space<hbm>> -> memref<512xf32, #tpu.memory_space<hbm>>
      %dma_wait3A_4389 = arith.constant 4096 : i32
      %dma_wait3A_4390 = tpu.memref_slice %arg7[%dma_wait3A_4389] : memref<4608xf32, #tpu.memory_space<vmem>> -> memref<512xf32, #tpu.memory_space<vmem>>
      tpu.wait_dma2 semaphore(%run_scoped3A : memref<!tpu.dma_semaphore, #tpu.memory_space<semaphore_mem>>) src(%dma_wait3A_4390 : memref<512xf32, #tpu.memory_space<vmem>>) dst(%dma_wait3A_4388 : memref<512xf32, #tpu.memory_space<hbm>>)
      tpu.yield
    }) : () -> ()
    return
  }
}

module attributes {stable_mosaic.version = 14 : i64} {
  func.func @_knn_kernel(%arg0: i32, %arg1: i32, %arg2: memref<1x3x512xbf16, #tpu.memory_space<vmem>>, %arg3: memref<1x4096x3xbf16, #tpu.memory_space<vmem>>, %arg4: memref<1x1x512xf32, #tpu.memory_space<vmem>>, %arg5: memref<1x4096x1xf32, #tpu.memory_space<vmem>>, %arg6: memref<1x3x512xi32, #tpu.memory_space<vmem>>) attributes {dimension_semantics = [#tpu.dimension_semantics<arbitrary>, #tpu.dimension_semantics<arbitrary>], iteration_bounds = array<i64: 4, 8>, scalar_prefetch = 0 : i64, scratch_operands = 0 : i64, tpu.core_type = #tpu.core_type<tc>, window_params = [{transform_indices = @transform_0, window_bounds = array<i64: 1, 3, 512>}, {transform_indices = @transform_1, window_bounds = array<i64: 1, 4096, 3>}, {transform_indices = @transform_2, window_bounds = array<i64: 1, 1, 512>}, {transform_indices = @transform_3, window_bounds = array<i64: 1, 4096, 1>}, {transform_indices = @transform_4, window_bounds = array<i64: 1, 3, 512>}]} {
    %get3A = arith.constant 0 : index
    %get3A_0 = arith.constant 0 : index
    %get3A_1 = arith.constant 0 : index
    %get3A_2 = vector.load %arg2[%get3A, %get3A_0, %get3A_1] : memref<1x3x512xbf16, #tpu.memory_space<vmem>>, vector<1x3x512xbf16>
    %get3A_3 = vector.shape_cast %get3A_2 : vector<1x3x512xbf16> to vector<3x512xbf16>
    %get3A_4 = arith.constant 0 : index
    %get3A_5 = arith.constant 0 : index
    %get3A_6 = arith.constant 0 : index
    %get3A_7 = vector.load %arg3[%get3A_4, %get3A_5, %get3A_6] : memref<1x4096x3xbf16, #tpu.memory_space<vmem>>, vector<1x4096x3xbf16>
    %get3A_8 = vector.shape_cast %get3A_7 : vector<1x4096x3xbf16> to vector<4096x3xbf16>
    %dot_general3A = arith.constant dense<0.000000e+00> : vector<4096x512xf32>
    %dot_general3A_9 = tpu.matmul %get3A_8, %get3A_3, %dot_general3A {dimension_numbers = #tpu.dot_dimension_numbers<[1], [0], [0], [1], [0, 0, 1, 1], [], []>, transpose_lhs_hint = false} : vector<4096x3xbf16>, vector<3x512xbf16>, vector<4096x512xf32> -> vector<4096x512xf32>
    %get3A_10 = arith.constant 0 : index
    %get3A_11 = arith.constant 0 : index
    %get3A_12 = arith.constant 0 : index
    %get3A_13 = vector.load %arg4[%get3A_10, %get3A_11, %get3A_12] : memref<1x1x512xf32, #tpu.memory_space<vmem>>, vector<1x1x512xf32>
    %get3A_14 = vector.shape_cast %get3A_13 : vector<1x1x512xf32> to vector<1x512xf32>
    %get3A_15 = arith.constant 0 : index
    %get3A_16 = arith.constant 0 : index
    %get3A_17 = arith.constant 0 : index
    %get3A_18 = vector.load %arg5[%get3A_15, %get3A_16, %get3A_17] : memref<1x4096x1xf32, #tpu.memory_space<vmem>>, vector<1x4096x1xf32>
    %get3A_19 = vector.shape_cast %get3A_18 : vector<1x4096x1xf32> to vector<4096x1xf32>
    %mul3A = arith.constant -2.000000e+00 : f32
    %mul3A_20 = vector.broadcast %mul3A : f32 to vector<4096x512xf32>
    %mul3A_21 = arith.mulf %mul3A_20, %dot_general3A_9 : vector<4096x512xf32>
    %add3A = vector.broadcast %get3A_14 : vector<1x512xf32> to vector<4096x512xf32>
    %add3A_22 = arith.addf %mul3A_21, %add3A : vector<4096x512xf32>
    %add3A_23 = vector.broadcast %get3A_19 : vector<4096x1xf32> to vector<4096x512xf32>
    %add3A_24 = arith.addf %add3A_22, %add3A_23 : vector<4096x512xf32>
    %iota3A = tpu.iota {dimensions = array<i32: 0>} : vector<4096x512xi32>
    %convert_element_type3A = arith.sitofp %iota3A : vector<4096x512xi32> to vector<4096x512xf32>
    %reduce_min3A = arith.constant dense<0x7F800000> : vector<512xf32>
    %reduce_min3A_25 = vector.multi_reduction <minimumf>, %add3A_24, %reduce_min3A [0] : vector<4096x512xf32> to vector<512xf32>
    %broadcast_in_dim3A = vector.shape_cast %reduce_min3A_25 : vector<512xf32> to vector<1x512xf32>
    %eq3A = vector.broadcast %broadcast_in_dim3A : vector<1x512xf32> to vector<4096x512xf32>
    %eq3A_26 = arith.cmpf oeq, %add3A_24, %eq3A : vector<4096x512xf32>
    %jit3A = arith.constant 4.096000e+03 : f32
    %broadcast_in_dim3A_27 = vector.broadcast %jit3A : f32 to vector<4096x512xf32>
    %select_n3A = arith.select %eq3A_26, %convert_element_type3A, %broadcast_in_dim3A_27 : vector<4096x512xi1>, vector<4096x512xf32>
    %reduce_min3A_28 = arith.constant dense<0x7F800000> : vector<512xf32>
    %reduce_min3A_29 = vector.multi_reduction <minimumf>, %select_n3A, %reduce_min3A_28 [0] : vector<4096x512xf32> to vector<512xf32>
    %broadcast_in_dim3A_30 = vector.shape_cast %reduce_min3A_29 : vector<512xf32> to vector<1x512xf32>
    %eq3A_31 = vector.broadcast %broadcast_in_dim3A_30 : vector<1x512xf32> to vector<4096x512xf32>
    %eq3A_32 = arith.cmpf oeq, %convert_element_type3A, %eq3A_31 : vector<4096x512xf32>
    %jit3A_33 = arith.constant 0x7F800000 : f32
    %broadcast_in_dim3A_34 = vector.broadcast %jit3A_33 : f32 to vector<4096x512xf32>
    %select_n3A_35 = arith.select %eq3A_32, %broadcast_in_dim3A_34, %add3A_24 : vector<4096x512xi1>, vector<4096x512xf32>
    %reduce_min3A_36 = arith.constant dense<0x7F800000> : vector<512xf32>
    %reduce_min3A_37 = vector.multi_reduction <minimumf>, %select_n3A_35, %reduce_min3A_36 [0] : vector<4096x512xf32> to vector<512xf32>
    %broadcast_in_dim3A_38 = vector.shape_cast %reduce_min3A_37 : vector<512xf32> to vector<1x512xf32>
    %eq3A_39 = vector.broadcast %broadcast_in_dim3A_38 : vector<1x512xf32> to vector<4096x512xf32>
    %eq3A_40 = arith.cmpf oeq, %select_n3A_35, %eq3A_39 : vector<4096x512xf32>
    %jit3A_41 = arith.constant 4.096000e+03 : f32
    %broadcast_in_dim3A_42 = vector.broadcast %jit3A_41 : f32 to vector<4096x512xf32>
    %select_n3A_43 = arith.select %eq3A_40, %convert_element_type3A, %broadcast_in_dim3A_42 : vector<4096x512xi1>, vector<4096x512xf32>
    %reduce_min3A_44 = arith.constant dense<0x7F800000> : vector<512xf32>
    %reduce_min3A_45 = vector.multi_reduction <minimumf>, %select_n3A_43, %reduce_min3A_44 [0] : vector<4096x512xf32> to vector<512xf32>
    %broadcast_in_dim3A_46 = vector.shape_cast %reduce_min3A_45 : vector<512xf32> to vector<1x512xf32>
    %eq3A_47 = vector.broadcast %broadcast_in_dim3A_46 : vector<1x512xf32> to vector<4096x512xf32>
    %eq3A_48 = arith.cmpf oeq, %convert_element_type3A, %eq3A_47 : vector<4096x512xf32>
    %jit3A_49 = arith.constant 0x7F800000 : f32
    %broadcast_in_dim3A_50 = vector.broadcast %jit3A_49 : f32 to vector<4096x512xf32>
    %select_n3A_51 = arith.select %eq3A_48, %broadcast_in_dim3A_50, %select_n3A_35 : vector<4096x512xi1>, vector<4096x512xf32>
    %reduce_min3A_52 = arith.constant dense<0x7F800000> : vector<512xf32>
    %reduce_min3A_53 = vector.multi_reduction <minimumf>, %select_n3A_51, %reduce_min3A_52 [0] : vector<4096x512xf32> to vector<512xf32>
    %broadcast_in_dim3A_54 = vector.shape_cast %reduce_min3A_53 : vector<512xf32> to vector<1x512xf32>
    %eq3A_55 = vector.broadcast %broadcast_in_dim3A_54 : vector<1x512xf32> to vector<4096x512xf32>
    %eq3A_56 = arith.cmpf oeq, %select_n3A_51, %eq3A_55 : vector<4096x512xf32>
    %jit3A_57 = arith.constant 4.096000e+03 : f32
    %broadcast_in_dim3A_58 = vector.broadcast %jit3A_57 : f32 to vector<4096x512xf32>
    %select_n3A_59 = arith.select %eq3A_56, %convert_element_type3A, %broadcast_in_dim3A_58 : vector<4096x512xi1>, vector<4096x512xf32>
    %reduce_min3A_60 = arith.constant dense<0x7F800000> : vector<512xf32>
    %reduce_min3A_61 = vector.multi_reduction <minimumf>, %select_n3A_59, %reduce_min3A_60 [0] : vector<4096x512xf32> to vector<512xf32>
    %broadcast_in_dim3A_62 = vector.shape_cast %reduce_min3A_61 : vector<512xf32> to vector<1x512xf32>
    %concatenate3A = tpu.concatenate %broadcast_in_dim3A_30, %broadcast_in_dim3A_46, %broadcast_in_dim3A_62 in 0 : vector<1x512xf32>, vector<1x512xf32>, vector<1x512xf32> -> vector<3x512xf32>
    %convert_element_type3A_63 = arith.fptosi %concatenate3A : vector<3x512xf32> to vector<3x512xi32>
    %swap3A = arith.constant 0 : index
    %swap3A_64 = arith.constant 0 : index
    %swap3A_65 = arith.constant 0 : index
    %swap3A_66 = vector.load %arg6[%swap3A, %swap3A_64, %swap3A_65] : memref<1x3x512xi32, #tpu.memory_space<vmem>>, vector<1x3x512xi32>
    %swap3A_67 = vector.shape_cast %swap3A_66 : vector<1x3x512xi32> to vector<3x512xi32>
    %swap3A_68 = vector.shape_cast %convert_element_type3A_63 : vector<3x512xi32> to vector<1x3x512xi32>
    tpu.vector_store %arg6[%swap3A, %swap3A_64, %swap3A_65], %swap3A_68 {strides = array<i32>} : memref<1x3x512xi32, #tpu.memory_space<vmem>>, vector<1x3x512xi32>,
    return
  }
  func.func @transform_0(%arg0: i32, %arg1: i32) -> (i32, i32, i32) {
    %c0_i32 = arith.constant 0 : i32
    %c0_i32_0 = arith.constant 0 : i32
    return %arg0, %c0_i32, %arg1 : i32, i32, i32
  }
  func.func @transform_1(%arg0: i32, %arg1: i32) -> (i32, i32, i32) {
    %c0_i32 = arith.constant 0 : i32
    %c0_i32_0 = arith.constant 0 : i32
    %c0_i32_1 = arith.constant 0 : i32
    return %arg0, %c0_i32, %c0_i32_0 : i32, i32, i32
  }
  func.func @transform_2(%arg0: i32, %arg1: i32) -> (i32, i32, i32) {
    %c0_i32 = arith.constant 0 : i32
    %c0_i32_0 = arith.constant 0 : i32
    return %arg0, %c0_i32, %arg1 : i32, i32, i32
  }
  func.func @transform_3(%arg0: i32, %arg1: i32) -> (i32, i32, i32) {
    %c0_i32 = arith.constant 0 : i32
    %c0_i32_0 = arith.constant 0 : i32
    %c0_i32_1 = arith.constant 0 : i32
    return %arg0, %c0_i32, %c0_i32_0 : i32, i32, i32
  }
  func.func @transform_4(%arg0: i32, %arg1: i32) -> (i32, i32, i32) {
    %c0_i32 = arith.constant 0 : i32
    %c0_i32_0 = arith.constant 0 : i32
    return %arg0, %c0_i32, %arg1 : i32, i32, i32
  }
}

module attributes {stable_mosaic.version = 14 : i64} {
  func.func @_geom_kernel(%arg0: i32, %arg1: memref<1x3x3x4096xf32, #tpu.memory_space<vmem>>, %arg2: memref<1x3x4096xf32, #tpu.memory_space<vmem>>, %arg3: memref<1x3x4096xf32, #tpu.memory_space<vmem>>) attributes {dimension_semantics = [#tpu.dimension_semantics<arbitrary>], iteration_bounds = array<i64: 4>, scalar_prefetch = 0 : i64, scratch_operands = 0 : i64, tpu.core_type = #tpu.core_type<tc>, window_params = [{transform_indices = @transform_0, window_bounds = array<i64: 1, 3, 3, 4096>}, {transform_indices = @transform_1, window_bounds = array<i64: 1, 3, 4096>}, {transform_indices = @transform_2, window_bounds = array<i64: 1, 3, 4096>}]} {
    %get3A = arith.constant 0 : index
    %get3A_0 = arith.constant 0 : index
    %get3A_1 = arith.constant 0 : index
    %get3A_2 = arith.constant 0 : index
    %get3A_3 = vector.load %arg1[%get3A, %get3A_0, %get3A_1, %get3A_2] : memref<1x3x3x4096xf32, #tpu.memory_space<vmem>>, vector<1x3x3x4096xf32>
    %get3A_4 = vector.shape_cast %get3A_3 : vector<1x3x3x4096xf32> to vector<3x3x4096xf32>
    %slice3A = vector.extract_strided_slice %get3A_4 {offsets = [0, 0, 0], sizes = [1, 3, 4096], strides = [1, 1, 1]} : vector<3x3x4096xf32> to vector<1x3x4096xf32>
    %squeeze3A = vector.shape_cast %slice3A : vector<1x3x4096xf32> to vector<3x4096xf32>
    %slice3A_5 = vector.extract_strided_slice %get3A_4 {offsets = [1, 0, 0], sizes = [1, 3, 4096], strides = [1, 1, 1]} : vector<3x3x4096xf32> to vector<1x3x4096xf32>
    %squeeze3A_6 = vector.shape_cast %slice3A_5 : vector<1x3x4096xf32> to vector<3x4096xf32>
    %slice3A_7 = vector.extract_strided_slice %get3A_4 {offsets = [2, 0, 0], sizes = [1, 3, 4096], strides = [1, 1, 1]} : vector<3x3x4096xf32> to vector<1x3x4096xf32>
    %squeeze3A_8 = vector.shape_cast %slice3A_7 : vector<1x3x4096xf32> to vector<3x4096xf32>
    %sub3A = arith.subf %squeeze3A_6, %squeeze3A : vector<3x4096xf32>
    %sub3A_9 = arith.subf %squeeze3A_8, %squeeze3A : vector<3x4096xf32>
    %slice3A_10 = vector.extract_strided_slice %sub3A {offsets = [0, 0], sizes = [1, 4096], strides = [1, 1]} : vector<3x4096xf32> to vector<1x4096xf32>
    %slice3A_11 = vector.extract_strided_slice %sub3A {offsets = [1, 0], sizes = [1, 4096], strides = [1, 1]} : vector<3x4096xf32> to vector<1x4096xf32>
    %slice3A_12 = vector.extract_strided_slice %sub3A {offsets = [2, 0], sizes = [1, 4096], strides = [1, 1]} : vector<3x4096xf32> to vector<1x4096xf32>
    %slice3A_13 = vector.extract_strided_slice %sub3A_9 {offsets = [0, 0], sizes = [1, 4096], strides = [1, 1]} : vector<3x4096xf32> to vector<1x4096xf32>
    %slice3A_14 = vector.extract_strided_slice %sub3A_9 {offsets = [1, 0], sizes = [1, 4096], strides = [1, 1]} : vector<3x4096xf32> to vector<1x4096xf32>
    %slice3A_15 = vector.extract_strided_slice %sub3A_9 {offsets = [2, 0], sizes = [1, 4096], strides = [1, 1]} : vector<3x4096xf32> to vector<1x4096xf32>
    %mul3A = arith.mulf %slice3A_11, %slice3A_15 : vector<1x4096xf32>
    %mul3A_16 = arith.mulf %slice3A_12, %slice3A_14 : vector<1x4096xf32>
    %sub3A_17 = arith.subf %mul3A, %mul3A_16 : vector<1x4096xf32>
    %mul3A_18 = arith.mulf %slice3A_12, %slice3A_13 : vector<1x4096xf32>
    %mul3A_19 = arith.mulf %slice3A_10, %slice3A_15 : vector<1x4096xf32>
    %sub3A_20 = arith.subf %mul3A_18, %mul3A_19 : vector<1x4096xf32>
    %mul3A_21 = arith.mulf %slice3A_10, %slice3A_14 : vector<1x4096xf32>
    %mul3A_22 = arith.mulf %slice3A_11, %slice3A_13 : vector<1x4096xf32>
    %sub3A_23 = arith.subf %mul3A_21, %mul3A_22 : vector<1x4096xf32>
    %mul3A_24 = arith.mulf %sub3A_17, %sub3A_17 : vector<1x4096xf32>
    %mul3A_25 = arith.mulf %sub3A_20, %sub3A_20 : vector<1x4096xf32>
    %add3A = arith.addf %mul3A_24, %mul3A_25 : vector<1x4096xf32>
    %mul3A_26 = arith.mulf %sub3A_23, %sub3A_23 : vector<1x4096xf32>
    %add3A_27 = arith.addf %add3A, %mul3A_26 : vector<1x4096xf32>
    %sqrt3A = math.sqrt %add3A_27 : vector<1x4096xf32>
    %div3A = arith.divf %sub3A_17, %sqrt3A : vector<1x4096xf32>
    %div3A_28 = arith.divf %sub3A_20, %sqrt3A : vector<1x4096xf32>
    %div3A_29 = arith.divf %sub3A_23, %sqrt3A : vector<1x4096xf32>
    %gt3A = arith.constant 0.000000e+00 : f32
    %gt3A_30 = vector.broadcast %gt3A : f32 to vector<1x4096xf32>
    %gt3A_31 = arith.cmpf ogt, %div3A, %gt3A_30 : vector<1x4096xf32>
    %jit3A = arith.constant 1.000000e+00 : f32
    %jit3A_32 = arith.constant -1.000000e+00 : f32
    %broadcast_in_dim3A = vector.broadcast %jit3A : f32 to vector<1x4096xf32>
    %broadcast_in_dim3A_33 = vector.broadcast %jit3A_32 : f32 to vector<1x4096xf32>
    %select_n3A = arith.select %gt3A_31, %broadcast_in_dim3A, %broadcast_in_dim3A_33 : vector<1x4096xi1>, vector<1x4096xf32>
    %mul3A_34 = arith.mulf %div3A, %select_n3A : vector<1x4096xf32>
    %mul3A_35 = arith.mulf %div3A_28, %select_n3A : vector<1x4096xf32>
    %mul3A_36 = arith.mulf %div3A_29, %select_n3A : vector<1x4096xf32>
    %concatenate3A = tpu.concatenate %mul3A_34, %mul3A_35, %mul3A_36 in 0 : vector<1x4096xf32>, vector<1x4096xf32>, vector<1x4096xf32> -> vector<3x4096xf32>
    %add3A_37 = arith.addf %squeeze3A, %squeeze3A_6 : vector<3x4096xf32>
    %add3A_38 = arith.addf %add3A_37, %squeeze3A_8 : vector<3x4096xf32>
    %mul3A_39 = arith.constant 0.333333343 : f32
    %mul3A_40 = vector.broadcast %mul3A_39 : f32 to vector<3x4096xf32>
    %mul3A_41 = arith.mulf %add3A_38, %mul3A_40 : vector<3x4096xf32>
    %slice3A_42 = vector.extract_strided_slice %concatenate3A {offsets = [0, 0], sizes = [1, 4096], strides = [1, 1]} : vector<3x4096xf32> to vector<1x4096xf32>
    %ne3A = arith.cmpf one, %slice3A_42, %slice3A_42 : vector<1x4096xf32>
    %slice3A_43 = vector.extract_strided_slice %concatenate3A {offsets = [1, 0], sizes = [1, 4096], strides = [1, 1]} : vector<3x4096xf32> to vector<1x4096xf32>
    %ne3A_44 = arith.cmpf one, %slice3A_43, %slice3A_43 : vector<1x4096xf32>
    %or3A = arith.ori %ne3A, %ne3A_44 : vector<1x4096xi1>
    %slice3A_45 = vector.extract_strided_slice %concatenate3A {offsets = [2, 0], sizes = [1, 4096], strides = [1, 1]} : vector<3x4096xf32> to vector<1x4096xf32>
    %ne3A_46 = arith.cmpf one, %slice3A_45, %slice3A_45 : vector<1x4096xf32>
    %or3A_47 = arith.ori %or3A, %ne3A_46 : vector<1x4096xi1>
    %iota3A = tpu.iota {dimensions = array<i32: 1>} : vector<1x4096xi32>
    %jit3A_48 = arith.constant 4096 : i32
    %broadcast_in_dim3A_49 = vector.broadcast %jit3A_48 : i32 to vector<1x4096xi32>
    %select_n3A_50 = arith.select %or3A_47, %broadcast_in_dim3A_49, %iota3A : vector<1x4096xi1>, vector<1x4096xi32>
    %reduce_min3A = arith.constant dense<2147483647> : vector<1xi32>
    %reduce_min3A_51 = vector.multi_reduction <minsi>, %select_n3A_50, %reduce_min3A [1] : vector<1x4096xi32> to vector<1xi32>
    %broadcast_in_dim3A_52 = vector.shape_cast %reduce_min3A_51 : vector<1xi32> to vector<1x1xi32>
    %eq3A = arith.constant 4096 : i32
    %eq3A_53 = vector.broadcast %eq3A : i32 to vector<1x1xi32>
    %eq3A_54 = arith.cmpi eq, %broadcast_in_dim3A_52, %eq3A_53 : vector<1x1xi32>
    %jit3A_55 = arith.constant 0 : i32
    %broadcast_in_dim3A_56 = vector.broadcast %jit3A_55 : i32 to vector<1x1xi32>
    %select_n3A_57 = arith.select %eq3A_54, %broadcast_in_dim3A_56, %broadcast_in_dim3A_52 : vector<1x1xi1>, vector<1x1xi32>
    %eq3A_58 = vector.broadcast %select_n3A_57 : vector<1x1xi32> to vector<1x4096xi32>
    %eq3A_59 = arith.cmpi eq, %iota3A, %eq3A_58 : vector<1x4096xi32>
    %convert_element_type3A = arith.extui %eq3A_59 : vector<1x4096xi1> to vector<1x4096xi32>
    %convert_element_type3A_60 = arith.sitofp %convert_element_type3A : vector<1x4096xi32> to vector<1x4096xf32>
    %mul3A_61 = vector.broadcast %convert_element_type3A_60 : vector<1x4096xf32> to vector<3x4096xf32>
    %mul3A_62 = arith.mulf %concatenate3A, %mul3A_61 : vector<3x4096xf32>
    %reduce_sum3A = arith.constant dense<0.000000e+00> : vector<3xf32>
    %reduce_sum3A_63 = vector.multi_reduction <add>, %mul3A_62, %reduce_sum3A [1] : vector<3x4096xf32> to vector<3xf32>
    %broadcast_in_dim3A_64 = vector.shape_cast %reduce_sum3A_63 : vector<3xf32> to vector<3x1xf32>
    %mul3A_65 = vector.broadcast %convert_element_type3A_60 : vector<1x4096xf32> to vector<3x4096xf32>
    %mul3A_66 = arith.mulf %mul3A_41, %mul3A_65 : vector<3x4096xf32>
    %reduce_sum3A_67 = arith.constant dense<0.000000e+00> : vector<3xf32>
    %reduce_sum3A_68 = vector.multi_reduction <add>, %mul3A_66, %reduce_sum3A_67 [1] : vector<3x4096xf32> to vector<3xf32>
    %broadcast_in_dim3A_69 = vector.shape_cast %reduce_sum3A_68 : vector<3xf32> to vector<3x1xf32>
    %broadcast_in_dim3A_70 = vector.shape_cast %or3A_47 : vector<1x4096xi1> to vector<1x4096xi1>
    %broadcast_in_dim3A_71 = vector.broadcast %broadcast_in_dim3A_70 : vector<1x4096xi1> to vector<3x4096xi1>
    %broadcast_in_dim3A_72 = vector.shape_cast %broadcast_in_dim3A_64 : vector<3x1xf32> to vector<3x1xf32>
    %broadcast_in_dim3A_73 = vector.broadcast %broadcast_in_dim3A_72 : vector<3x1xf32> to vector<3x4096xf32>
    %select_n3A_74 = arith.select %broadcast_in_dim3A_71, %broadcast_in_dim3A_73, %concatenate3A : vector<3x4096xi1>, vector<3x4096xf32>
    %swap3A = arith.constant 0 : index
    %swap3A_75 = arith.constant 0 : index
    %swap3A_76 = arith.constant 0 : index
    %swap3A_77 = vector.load %arg2[%swap3A, %swap3A_75, %swap3A_76] : memref<1x3x4096xf32, #tpu.memory_space<vmem>>, vector<1x3x4096xf32>
    %swap3A_78 = vector.shape_cast %swap3A_77 : vector<1x3x4096xf32> to vector<3x4096xf32>
    %swap3A_79 = vector.shape_cast %select_n3A_74 : vector<3x4096xf32> to vector<1x3x4096xf32>
    tpu.vector_store %arg2[%swap3A, %swap3A_75, %swap3A_76], %swap3A_79 {strides = array<i32>} : memref<1x3x4096xf32, #tpu.memory_space<vmem>>, vector<1x3x4096xf32>,
    %broadcast_in_dim3A_80 = vector.shape_cast %or3A_47 : vector<1x4096xi1> to vector<1x4096xi1>
    %broadcast_in_dim3A_81 = vector.broadcast %broadcast_in_dim3A_80 : vector<1x4096xi1> to vector<3x4096xi1>
    %broadcast_in_dim3A_82 = vector.shape_cast %broadcast_in_dim3A_69 : vector<3x1xf32> to vector<3x1xf32>
    %broadcast_in_dim3A_83 = vector.broadcast %broadcast_in_dim3A_82 : vector<3x1xf32> to vector<3x4096xf32>
    %select_n3A_84 = arith.select %broadcast_in_dim3A_81, %broadcast_in_dim3A_83, %mul3A_41 : vector<3x4096xi1>, vector<3x4096xf32>
    %swap3A_85 = arith.constant 0 : index
    %swap3A_86 = arith.constant 0 : index
    %swap3A_87 = arith.constant 0 : index
    %swap3A_88 = vector.load %arg3[%swap3A_85, %swap3A_86, %swap3A_87] : memref<1x3x4096xf32, #tpu.memory_space<vmem>>, vector<1x3x4096xf32>
    %swap3A_89 = vector.shape_cast %swap3A_88 : vector<1x3x4096xf32> to vector<3x4096xf32>
    %swap3A_90 = vector.shape_cast %select_n3A_84 : vector<3x4096xf32> to vector<1x3x4096xf32>
    tpu.vector_store %arg3[%swap3A_85, %swap3A_86, %swap3A_87], %swap3A_90 {strides = array<i32>} : memref<1x3x4096xf32, #tpu.memory_space<vmem>>, vector<1x3x4096xf32>,
    return
  }
  func.func @transform_0(%arg0: i32) -> (i32, i32, i32, i32) {
    %c0_i32 = arith.constant 0 : i32
    %c0_i32_0 = arith.constant 0 : i32
    %c0_i32_1 = arith.constant 0 : i32
    %c0_i32_2 = arith.constant 0 : i32
    return %arg0, %c0_i32, %c0_i32_0, %c0_i32_1 : i32, i32, i32, i32
  }
  func.func @transform_1(%arg0: i32) -> (i32, i32, i32) {
    %c0_i32 = arith.constant 0 : i32
    %c0_i32_0 = arith.constant 0 : i32
    %c0_i32_1 = arith.constant 0 : i32
    return %arg0, %c0_i32, %c0_i32_0 : i32, i32, i32
  }
  func.func @transform_2(%arg0: i32) -> (i32, i32, i32) {
    %c0_i32 = arith.constant 0 : i32
    %c0_i32_0 = arith.constant 0 : i32
    %c0_i32_1 = arith.constant 0 : i32
    return %arg0, %c0_i32, %c0_i32_0 : i32, i32, i32
  }
}

</mosaic_0001>

<sc_bundles>
// kernel: kernel.5.cloned.1.call-start
scs
__scs_entry_jumppad:
0x0: {  	(pc) =	sbr.rel $0x88, $3  }
0x1: {  	(tag) =	ssettag $0x0;
	lr =	simm.s32 $0x1  }
0x2: {  	[smem:$0x3F9F] =	sst lr;
	_ =	strace $0xD0000000  }
0x3: {  	_ = 	snop  }
0x4: {  	_ = 	snop  }
0x5: {  	_ = 	snop  }
0x6: {  	_ = 	snop  }
0x7: {  	_ = 	snop  }
__scs_overlays_trampoline_lowered:
0x8: {  	[smem:$0x3FAE] =	sst s0  }
0x9: {  	[smem:$0x3FAF] =	sst s1  }
0xa: {  	[smem:$0x3FB0] =	sst s2  }
0xb: {  	[smem:$0x3FB1] =	sst s3  }
0xc: {  	[smem:$0x3FB2] =	sst s4  }
0xd: {  	[smem:$0x3FB3] =	sst s5  }
0xe: {  	[smem:$0x3FB4] =	sst s6  }
0xf: {  	[smem:$0x3FB5] =	sst s7  }
0x10: {  	[smem:$0x3FB6] =	sst s8  }
0x11: {  	[smem:$0x3FB7] =	sst s9;
	s0 =	simm.s32 @!p0 $0x0  }
0x12: {  	s1 =	sld [smem:$0x3F9D];
	s0 =	simm.s32 @p0 $0x1  }
0x13: {  	[smem:$0x3FB8] =	sst s0;
	s0 =	simm.s32 @!p1 $0x0  }
0x14: {  	s2 =	sld [smem:$0x3F9C];
	s0 =	simm.s32 @p1 $0x1  }
0x15: {  	[smem:$0x3FB9] =	sst s0;
	s0 =	simm.s32 @!p2 $0x0  }
0x16: {  	s3 =	sld [smem:$0x3FDB];
	s0 =	simm.s32 @p2 $0x1  }
0x17: {  	s4 =	simm.s32 $0x1BF5;
	[smem:$0x3FBB] =	sst s0  }
0x18: {  	s0 =	sld [smem:$0x3F9E];
	_ =	swait.ge [sflag:s4], $0x0  }
0x19: {  	s7 =	sld [smem:$0x3F9F]  }
0x1a: {  	s8 =	sadd.s32 $0xFFFFE003, lr  }
0x1b: {  	s9 =	sadd.s32 $0xFFFFFEF7, lr;
	s5 =	simm.s32 $0xFFFFFFFF;
	p2 =	slt.u32 s8, $0xFFFFF086  }
0x1c: {  	p1 =	slt.u32 s9, $0xF7A;
	s5 =	simm.s32 @!p2 $0x0  }
0x1d: {  	s5 =	simm.s32 @p1 $0x1;
	p0 =	seq.s32 s7, s2  }
0x1e: {  	s7 =	smul.u32 @!p0 $0xF7A, s2;
	p2 =	seq.s32 @!p0 s5, $0x0  }
0x1f: {  	s9 =	smul.u32 $0xF7A, s1;
	s8 =	simm.s32 @!p0 $0x1BF5;
	p2 =	por !p2, p0  }
0x20: {  	[sflag:s8] =	ssyncset.s32 @!p0 $0xFFFFF086;
	s6 =	sadd.s32 @!p0 s3, s7;
	s7 =	simm.s32 @!p0 $0x108  }
0x21: {  	s3 =	sadd.s32 s3, s9;
	s6 =	sadd.s32 @!p0 $0x88, s6;
	s7 =	simm.s32 @p2 $0x1082  }
0x22: {  	[simem:s7], [sflag:s8] =	dma.local @!p0 [hbm:s6], $0xF7A  }
0x23: {  	s9 =	sor.u32 $0xD0000000, s2;
	s6 =	simm.s32 $0x108;
	_ =	swait.ge @!p0 [sflag:s8], $0x0  }
0x24: {  	s3 =	sadd.s32 $0x88, s3;
	s6 =	simm.s32 @!p1 $0x1082;
	[sflag:s4] =	ssyncset.s32 $0xFFFFF086  }
0x25: {  	[simem:s6], [sflag:s4] =	dma.local [hbm:s3], $0xF7A  }
0x26: {  	[smem:$0x3F9F] =	sst s1;
	(tag) =	ssettag s2;
	_ =	strace s9  }
0x27: {  	s1 =	sld [smem:$0x3FAF]  }
0x28: {  	s2 =	sld [smem:$0x3FB0]  }
0x29: {  	s4 =	sld [smem:$0x3FB2]  }
0x2a: {  	p0 =	seq.s32 s5, $0x0;
	s5 =	sld [smem:$0x3FB3]  }
0x2b: {  	s6 =	sld [smem:$0x3FB4]  }
0x2c: {  	s7 =	sld [smem:$0x3FB5]  }
0x2d: {  	s3 =	simm.s32 $0x108;
	s8 =	sld [smem:$0x3FB6]  }
0x2e: {  	s3 =	simm.s32 @!p0 $0x1082;
	s9 =	sld [smem:$0x3FB7]  }
0x2f: {  	lr =	sadd.s32 s0, s3;
	s0 =	sld [smem:$0x3FAE]  }
0x30: {  	s3 =	sld [smem:$0x3FB1]  }
0x31: {  	[smem:$0x3FBA] =	sst s10  }
0x32: {  	s10 =	sld [smem:$0x3FB8];
	_ =	sdelay $0x3  }
0x33: {  	p0 =	seq.s32 s10, $0x1;
	s10 =	sld [smem:$0x3FBA];
	_ =	sdelay $0x3  }
0x34: {  	[smem:$0x3FBA] =	sst s10  }
0x35: {  	s10 =	sld [smem:$0x3FB9];
	_ =	sdelay $0x3  }
0x36: {  	p1 =	seq.s32 s10, $0x1;
	s10 =	sld [smem:$0x3FBA];
	_ =	sdelay $0x3  }
0x37: {  	[smem:$0x3FBA] =	sst s10  }
0x38: {  	s10 =	sld [smem:$0x3FBB]  }
0x39: {  	_ = 	snop;
	(pc) =	sbr.ind lr, $3  }
0x3a: {  	_ = 	snop  }
0x3b: {  	_ = 	snop  }
0x3c: {  	p2 =	seq.s32 s10, $0x1;
	s10 =	sld [smem:$0x3FBA]  }
0x3d: {  	_ =	shalt  }
0x3e: {  	_ =	shalt  }
0x3f: {  	_ =	shalt  }
0x40: {  	_ =	shalt  }
0x41: {  	_ =	shalt  }
0x42: {  	_ =	shalt  }
0x43: {  	_ =	shalt  }
0x44: {  	_ =	shalt  }
0x45: {  	_ =	shalt  }
0x46: {  	_ =	shalt  }
0x47: {  	_ =	shalt  }
0x48: {  	_ =	shalt  }
0x49: {  	_ =	shalt  }
0x4a: {  	_ =	shalt  }
0x4b: {  	_ =	shalt  }
0x4c: {  	_ =	shalt  }
0x4d: {  	_ =	shalt  }
0x4e: {  	_ =	shalt  }
0x4f: {  	_ =	shalt  }
0x50: {  	_ =	shalt  }
0x51: {  	_ =	shalt  }
0x52: {  	_ =	shalt  }
0x53: {  	_ =	shalt  }
0x54: {  	_ =	shalt  }
0x55: {  	_ =	shalt  }
0x56: {  	_ =	shalt  }
0x57: {  	_ =	shalt  }
0x58: {  	_ =	shalt  }
0x59: {  	_ =	shalt  }
0x5a: {  	_ =	shalt  }
0x5b: {  	_ =	shalt  }
0x5c: {  	_ =	shalt  }
0x5d: {  	_ =	shalt  }
0x5e: {  	_ =	shalt  }
0x5f: {  	_ =	shalt  }
0x60: {  	_ =	shalt  }
0x61: {  	_ =	shalt  }
0x62: {  	_ =	shalt  }
0x63: {  	_ =	shalt  }
0x64: {  	_ =	shalt  }
0x65: {  	_ =	shalt  }
0x66: {  	_ =	shalt  }
0x67: {  	_ =	shalt  }
0x68: {  	_ =	shalt  }
0x69: {  	_ =	shalt  }
0x6a: {  	_ =	shalt  }
0x6b: {  	_ =	shalt  }
0x6c: {  	_ =	shalt  }
0x6d: {  	_ =	shalt  }
0x6e: {  	_ =	shalt  }
0x6f: {  	_ =	shalt  }
0x70: {  	_ =	shalt  }
0x71: {  	_ =	shalt  }
0x72: {  	_ =	shalt  }
0x73: {  	_ =	shalt  }
0x74: {  	_ =	shalt  }
0x75: {  	_ =	shalt  }
0x76: {  	_ =	shalt  }
0x77: {  	_ =	shalt  }
0x78: {  	_ =	shalt  }
0x79: {  	_ =	shalt  }
0x7a: {  	_ =	shalt  }
0x7b: {  	_ =	shalt  }
0x7c: {  	_ =	shalt  }
0x7d: {  	_ =	shalt  }
0x7e: {  	_ =	shalt  }
0x7f: {  	_ =	shalt  }
0x80: {  	_ =	shalt  }
0x81: {  	_ =	shalt  }
0x82: {  	_ =	shalt  }
0x83: {  	_ =	shalt  }
0x84: {  	_ =	shalt  }
0x85: {  	_ =	shalt  }
0x86: {  	_ =	shalt  }
0x87: {  	_ =	shalt  }
.Lfunc_end0:
.L_simem_size_0:
called_computation_lowered:
.L_overlay_start_0:
0x88: {  	s2 =	sld [smem:$0x3FD9]  }
0x89: {  	s3 =	sld [smem:$0x3FFE];
	_ =	sdelay $0x1  }
0x8a: {  	s1 =	srdreg.scid  }
0x8b: {  	s0 =	sand.u32 $0x1, s1  }
0x8c: {  	s14 =	sshll.u32 s0, $0xA;
	s2 =	sadd.s32 s3, s2  }
0x8d: {  	s2 =	sadd.s32 s2, s14  }
0x8e: {  	[smem:$0x3FC6] =	sst s2  }
0x8f: {  	_ = 	snop  }
0x90: {  	s2 =	sld [smem:$0x3FD0];
	_ =	sdelay $0x2  }
0x91: {  	s15 =	simm.s32 $0xA;
	s4 =	simm.s32 $0x10  }
0x92: {  	[smem:s4], [sflag:s15] =	dma.local [hbm:s2], $0x1  }
0x93: {  	_ =	swait.eq [sflag:s15], $0x1  }
0x94: {  	[sflag:s15] =	ssyncset.done $0x0  }
0x95: {  	s16 =	sld [smem:$0x10];
	[sflag:s15] =	ssyncadd.s32 $0xFFFFFFFF  }
0x96: {  	s17 =	sld [smem:$0x11];
	(tm) =	ssettm $0x1  }
0x97: {  	s18 =	sld [smem:$0x3FFB];
	_ =	sdelay $0x3  }
0x98: {  	_ =	strace s18  }
0x99: {  	s4 =	sld [smem:$0x3FFC];
	_ =	sdelay $0x3  }
0x9a: {  	_ =	strace s4  }
0x9b: {  	s4 =	sld [smem:$0x3FFD];
	_ =	sdelay $0x3  }
0x9c: {  	_ =	strace s4  }
0x9d: {  	_ =	strace $0x8FFFFFFF  }
0x9e: {  	s19 =	sld [smem:$0x3FDB];
	_ =	sdelay $0x1  }
0x9f: {  	s5 =	simm.s32 $_scs_section_size  }
0xa0: {  	s6 =	simm.s32 $_size__tile_overlayer_lowered;
	s7 =	simm.s32 $_tile_overlayer_lowered  }
0xa1: {  	s22 =	simm.s32 $0x1BFF;
	s21 =	sshll.u32 s7, $0x1;
	s4 =	sadd.s32 s5, s19  }
0xa2: {  	s8 =	simm.s32 $0x0;
	s20 =	sshll.u32 s6, $0x1;
	s6 =	sadd.s32 s21, s4  }
0xa3: {  	[timem:s8], [sflag:s22] =	dma.local [hbm:s6], s20  }
0xa4: {  	_ =	swait.ge [sflag:s22], s20  }
0xa5: {  	s5 =	ssub.s32 $0x0, s20;
	[sflag:s22] =	ssyncset.done $0x0  }
0xa6: {  	[sflag:s22] =	ssyncadd.s32 s5;
	_ =	sdelay $0x1  }
0xa7: {  	s23 =	simm.s32 $0x1B8B  }
0xa8: {  	_ =	swait.ge [sflag:s23], $0x1  }
0xa9: {  	[sflag:s23] =	ssyncset.done $0x0  }
0xaa: {  	s25 =	simm.s32 $0x1B8E;
	s24 =	sld [smem:$0x3FFE];
	[sflag:s23] =	ssyncadd.s32 $0xFFFFFFFF  }
0xab: {  	s26 =	simm.s32 $execute0_lowered;
	[smem:$0x3FD2] =	sst s25  }
0xac: {  	s6 =	sshll.u32 s26, $0x1;
	_ =	strace $0x80000046;
	[dreg:$0x1] =	wrdreg $0xFFFFFFFF  }
0xad: {  	s28 =	simm.s32 $_size_execute0_lowered;
	s4 =	sadd.s32 s4, s6;
	[dreg:$0x0] =	wrdreg $0x0  }
0xae: {  	s6 =	sshll.u32 s28, $0x1;
	[dreg:$0x2] =	wrdreg s4  }
0xaf: {  	[dreg:$0x3] =	wrdreg s6  }
0xb0: {  	[dreg:$0x4] =	wrdreg $0xC0  }
0xb1: {  	_ =	task [dreg:s8], $0x5FFFF  }
0xb2: {  	[dreg:$0x1] =	wrdreg $0xFFFFFFFF  }
0xb3: {  	[dreg:$0x0] =	wrdreg $0x60  }
0xb4: {  	[dreg:$0x2] =	wrdreg s17  }
0xb5: {  	[dreg:$0x3] =	wrdreg s16  }
0xb6: {  	[dreg:$0x4] =	wrdreg s24  }
0xb7: {  	[dreg:$0x5] =	wrdreg $0x9  }
0xb8: {  	_ =	task.clear_ibuf [dreg:s8], $0x6FFFF;
	_ =	strace $0x90000046  }
0xb9: {  	s29 =	simm.s32 $0x9;
	_ =	strace $0x80000048  }
0xba: {  	_ =	swait.ge [sflag:s29], $0x1  }
0xbb: {  	[sflag:s29] =	ssyncadd.s32 $0xFFFFFFFF  }
0xbc: {  	_ =	strace $0x90000048  }
0xbd: {  	_ =	sfence  }
0xbe: {  	s30 =	sld [smem:$0x0];
	_ =	sdelay $0x2  }
0xbf: {  	s31 =	sshll.u32 s1, $0xD;
	s1 =	sshrl.u32 s1, $0x2  }
0xc0: {  	s3 =	sand.u32 $0x4000, s31;
	s1 =	sadd.s32 s1, s30  }
0xc1: {  	s0 =	sor.u32 s3, s0;
	s1 =	sshll.u32 s1, $0x11  }
0xc2: {  	s0 =	sor.u32 s1, s0  }
0xc3: {  	s0 =	sadd.s32 $0x8F2B, s0  }
0xc4: {  	[sflag:s0] =	ssyncadd.remote.s32 $0x1  }
0xc5: {  	_ =	sfence.sel $0xFFFF  }
0xc6: {  	[dreg:$0x0] =	wrdreg $0xFFFFFFFF;
	(pc) =	sbr.abs _section_cstart, $3  }
0xc7: {  	[dreg:$0x1] =	wrdreg $0xFFFFFFFF  }
0xc8: {  	_ =	task.clear_ibuf [dreg:s8], $0x2FFFF;
	_ =	strace $0x9FFFFFFF  }
0xc9: {  	(tm) =	ssettm $0x7FFFFFFF  }
tec
execute0_lowered:
.L_overlay_start_1:
0x0: {  	(tag) =	ssettag $0x1  }
0x1: {  	s1 =	rddreg [dreg:$0x0];
	s0 =	stileid.u32  }
0x2: {  	s4 =	rddreg [dreg:$0x1];
	s2 =	srdreg.scid  }
0x3: {  	s6 =	rddreg [dreg:$0x2];
	s16 =	simm.s32 $0x0;
	s25 =	simm.s32 $0x400  }
0x4: {  	s26 =	simm.s32 $0x600;
	s3 =	sshll.u32 s0, $0x1;
	[smem:$0x7FF] =	sst s16  }
0x5: {  	s5 =	sand.u32 $0x1, s2;
	_ =	strace $0x80000047;
	[dreg:$0xf] =	wrdreg s25  }
0x6: {  	s2 =	sshrl.u32 s0, $0x2;
	s0 =	simm.s32 $0x680;
	[dreg:$0x10] =	wrdreg s26  }
0x7: {  	s11 =	simm.s32 $0x800;
	[dreg:$0x11] =	wrdreg s0  }
0x8: {  	s12 =	simm.s32 $0x880;
	[dreg:$0x17] =	wrdreg s11  }
0x9: {  	s13 =	simm.s32 $0x1C80;
	[dreg:$0x18] =	wrdreg s12  }
0xa: {  	s14 =	simm.s32 $0x900;
	[dreg:$0x19] =	wrdreg s13  }
0xb: {  	s15 =	simm.s32 $0x1D00;
	[dreg:$0x1a] =	wrdreg s14  }
0xc: {  	s16 =	simm.s32 $0x980;
	[dreg:$0x1b] =	wrdreg s15  }
0xd: {  	[dreg:$0x1c] =	wrdreg s16;
	s25 =	simm.s32 $0xC00  }
0xe: {  	s26 =	simm.s32 $0xC80;
	[smem:$0x7E1] =	sst s25  }
0xf: {  	s0 =	simm.s32 $0x2080;
	[smem:$0x7E2] =	sst s26  }
0x10: {  	s11 =	simm.s32 $0xE80;
	[smem:$0x7E3] =	sst s0  }
0x11: {  	s12 =	simm.s32 $0x2280;
	[smem:$0x7E9] =	sst s11  }
0x12: {  	s13 =	simm.s32 $0xF00;
	[smem:$0x7EA] =	sst s12  }
0x13: {  	s14 =	simm.s32 $0x2300;
	[smem:$0x7EB] =	sst s13  }
0x14: {  	s15 =	simm.s32 $0xF80;
	[smem:$0x7EC] =	sst s14  }
0x15: {  	s3 =	sand.u32 $0x6, s3;
	s16 =	simm.s32 $0x2380;
	[smem:$0x7ED] =	sst s15  }
0x16: {  	s7 =	sor.u32 s5, s3;
	s3 =	simm.s32 $0x1A80;
	[smem:$0x7EE] =	sst s16  }
0x17: {  	s25 =	simm.s32 $0x1200;
	[dreg:$0x12] =	wrdreg s3  }
0x18: {  	s26 =	simm.s32 $0x1280;
	[smem:$0x7F6] =	sst s25  }
0x19: {  	s11 =	simm.s32 $0x2680;
	[smem:$0x7F7] =	sst s26  }
0x1a: {  	s12 =	simm.s32 $0x1300;
	[smem:$0x7F8] =	sst s11  }
0x1b: {  	s13 =	simm.s32 $0x2700;
	[smem:$0x7F9] =	sst s12  }
0x1c: {  	s14 =	simm.s32 $0x1380;
	[smem:$0x7FA] =	sst s13  }
0x1d: {  	s8 =	sshll.u32 s2, $0x4;
	s15 =	simm.s32 $0x2780;
	[smem:$0x7FB] =	sst s14  }
0x1e: {  	s16 =	simm.s32 $0x1400;
	s7 =	sshll.u32 s7, $0x8;
	[smem:$0x7FC] =	sst s15  }
0x1f: {  	s3 =	simm.s32 $0xD00;
	[smem:$0x7FD] =	sst s16;
	s7 =	sor.u32 s8, s7  }
0x20: {  	[smem:$0x7E4] =	sst s3;
	s8 =	sadd.s32 s4, s7;
	s9 =	sor.u32 $0x800, s7  }
0x21: {  	s10 =	sor.u32 $0x1000, s7;
	[dreg:$0x4] =	wrdreg s8;
	s17 =	sadd.s32 s4, s9  }
0x22: {  	s6 =	sadd.s32 $0x200, s6;
	s4 =	sadd.s32 s4, s10;
	[dreg:$0x5] =	wrdreg s17  }
0x23: {  	s18 =	sadd.s32 s6, s9;
	[dreg:$0x6] =	wrdreg s4  }
0x24: {  	s8 =	simm.s32 $0x1B00;
	[dreg:$0x7] =	wrdreg s18  }
0x25: {  	s9 =	simm.s32 $0x780;
	[dreg:$0x14] =	wrdreg s8  }
0x26: {  	s4 =	sadd.s32 s6, s7;
	s6 =	sadd.s32 s6, s10;
	[dreg:$0x15] =	wrdreg s9  }
0x27: {  	s7 =	simm.s32 $0x700;
	[dreg:$0x8] =	wrdreg s6  }
0x28: {  	s10 =	simm.s32 $0x1B80;
	[dreg:$0x13] =	wrdreg s7  }
0x29: {  	s17 =	simm.s32 $0x1D80;
	[dreg:$0x16] =	wrdreg s10  }
0x2a: {  	s18 =	simm.s32 $0xA00;
	[dreg:$0x1d] =	wrdreg s17  }
0x2b: {  	s28 =	simm.s32 $0x1700;
	s8 =	simm.s32 $0xD80;
	[dreg:$0x1e] =	wrdreg s18  }
0x2c: {  	s29 =	simm.s32 $0x2B00;
	s9 =	simm.s32 $0x2180;
	[smem:$0x7E6] =	sst s8  }
0x2d: {  	s2 =	smul.u32 $0x3000, s2;
	s19 =	sadd.s32 $0x1800, s4;
	[smem:$0x7E7] =	sst s9  }
0x2e: {  	s5 =	ssub.s32 $0x2, s5;
	s20 =	sadd.s32 $0x2000, s4;
	[dreg:$0x9] =	wrdreg s19  }
0x2f: {  	s30 =	sadd.s32 $0x1000, s2;
	s21 =	sadd.s32 $0x2800, s4;
	[dreg:$0xa] =	wrdreg s20  }
0x30: {  	s31 =	sadd.s32 $0x2000, s2;
	s22 =	sadd.s32 $0x3000, s4;
	[dreg:$0xb] =	wrdreg s21  }
0x31: {  	s11 =	simm.s32 $0x1E00;
	s23 =	sadd.s32 $0x3800, s4;
	[dreg:$0xc] =	wrdreg s22  }
0x32: {  	s12 =	simm.s32 $0x2000;
	s24 =	sadd.s32 $0x4000, s4;
	[dreg:$0xd] =	wrdreg s23  }
0x33: {  	s13 =	simm.s32 $0x2200;
	s7 =	simm.s32 $0x2100;
	[dreg:$0xe] =	wrdreg s24  }
0x34: {  	s14 =	simm.s32 $0x2400;
	s10 =	simm.s32 $0xE00;
	[smem:$0x7E5] =	sst s7  }
0x35: {  	s15 =	simm.s32 $0x2600;
	s18 =	simm.s32 $0x1000;
	[smem:$0x7E8] =	sst s10  }
0x36: {  	s16 =	simm.s32 $0x2800;
	s19 =	simm.s32 $0xA80;
	[smem:$0x7EF] =	sst s18  }
0x37: {  	s25 =	simm.s32 $0x1680;
	s20 =	simm.s32 $0x1E80;
	[dreg:$0x1f] =	wrdreg s19  }
0x38: {  	s26 =	simm.s32 $0x2A80;
	s21 =	simm.s32 $0xB00;
	[smem:$0x7DC] =	sst s20  }
0x39: {  	v0 =	vmov s2;
	s2 =	simm.s32 $0x1;
	s22 =	simm.s32 $0x1F00;
	[smem:$0x7DD] =	sst s21  }
0x3a: {  	v1 =	vmov s30;
	s30 =	simm.s32 $0x1780;
	s23 =	simm.s32 $0xB80;
	[smem:$0x7DE] =	sst s22  }
0x3b: {  	v2 =	vmov s31;
	s31 =	simm.s32 $0x2B80;
	s24 =	simm.s32 $0x1F80;
	[smem:$0x7DF] =	sst s23  }
0x3c: {  	s17 =	sshrl.u32 s5, $0x1;
	[smem:$0x7E0] =	sst s24;
	s19 =	simm.s32 $0x1080  }
0x3d: {  	s6 =	simm.s32 $0x80;
	s20 =	simm.s32 $0x2480;
	[smem:$0x7F0] =	sst s19  }
0x3e: {  	s8 =	simm.s32 $0x2;
	s21 =	simm.s32 $0x1100;
	[smem:$0x7F1] =	sst s20  }
0x3f: {  	s9 =	simm.s32 $0x1A00;
	s22 =	simm.s32 $0x2500;
	[smem:$0x7F2] =	sst s21  }
0x40: {  	s5 =	ssub.s32 s5, s17;
	s23 =	simm.s32 $0x1180;
	[smem:$0x7F3] =	sst s22  }
0x41: {  	s7 =	simm.s32 $0x200;
	s24 =	simm.s32 $0x2580;
	[smem:$0x7F4] =	sst s23  }
0x42: {  	s10 =	simm.s32 $0x1C00;
	s5 =	smax.u32 s5, $0x1;
	[smem:$0x7F5] =	sst s24  }
0x43: {  	s19 =	simm.s32 $0x1500;
	s20 =	simm.s32 $0x2900;
	s21 =	simm.s32 $0x1580  }
0x44: {  	s22 =	simm.s32 $0x2980;
	s23 =	simm.s32 $0x1600;
	s24 =	simm.s32 $0x2A00  }
.LBB2_1:
0x45: {  	s0 =	rddreg [dreg:$0x4];
	s3 =	simm.s32 $0x0  }
0x46: {  	[tilespmem:s3], [sflag:$0x2] =	stream.strided.gather [hbm4b:s0+s6], $0x200, s7, s6, $0x38;
	[tilespmem:$0x2C00] =	vst v63  }
0x47: {  	_ =	swait.ge [sflag:s8], $0x200  }
0x48: {  	[sflag:s8] =	ssyncset.done $0x0  }
0x49: {  	s3 =	rddreg [dreg:$0x5];
	[sflag:s8] =	ssyncadd.s32 $0xFFFFFE00  }
0x4a: {  	[tilespmem:s7], [sflag:$0x2] =	stream.strided.gather [hbm4b:s3+s6], $0x200, s7, s6, $0x38;
	[tilespmem:$0x2C00] =	vst v63  }
0x4b: {  	_ =	swait.ge [sflag:s8], $0x200  }
0x4c: {  	s17 =	rddreg [dreg:$0x6];
	[sflag:s8] =	ssyncset.done $0x0  }
0x4d: {  	s18 =	rddreg [dreg:$0xf];
	[sflag:s8] =	ssyncadd.s32 $0xFFFFFE00  }
0x4e: {  	[tilespmem:s18], [sflag:$0x2] =	stream.strided.gather [hbm4b:s17+s6], $0x200, s7, s6, $0x38;
	[tilespmem:$0x2C00] =	vst v63  }
0x4f: {  	_ =	swait.ge [sflag:s8], $0x200  }
0x50: {  	[sflag:s8] =	ssyncset.done $0x0  }
0x51: {  	[sflag:s8] =	ssyncadd.s32 $0xFFFFFE00  }
0x52: {  	v3 =	vld [tilespmem:$0x0]  }
0x53: {  	v4 =	vld [tilespmem:$0x10]  }
0x54: {  	v5 =	vld [tilespmem:$0x20]  }
0x55: {  	v6 =	vld [tilespmem:$0x30]  }
0x56: {  	v7 =	vld [tilespmem:$0x40]  }
0x57: {  	v8 =	vld [tilespmem:$0x50];
	v3 =	vadd.s32 v0, v3  }
0x58: {  	v43 =	vld [tilespmem:$0x60];
	[tilespmem:$0x600] =	vst v3;
	v3 =	vadd.s32 v0, v4  }
0x59: {  	v44 =	vld [tilespmem:$0x70];
	[tilespmem:$0x610] =	vst v3;
	v3 =	vadd.s32 v0, v5  }
0x5a: {  	v45 =	vld [tilespmem:$0x80];
	[tilespmem:$0x620] =	vst v3;
	v3 =	vadd.s32 v0, v6  }
0x5b: {  	v46 =	vld [tilespmem:$0x90];
	[tilespmem:$0x630] =	vst v3;
	v3 =	vadd.s32 v0, v7  }
0x5c: {  	v47 =	vld [tilespmem:$0xA0];
	[tilespmem:$0x640] =	vst v3;
	v3 =	vadd.s32 v0, v8  }
0x5d: {  	v48 =	vld [tilespmem:$0xB0];
	[tilespmem:$0x650] =	vst v3;
	v3 =	vadd.s32 v0, v43  }
0x5e: {  	v49 =	vld [tilespmem:$0xC0];
	[tilespmem:$0x660] =	vst v3;
	v3 =	vadd.s32 v0, v44  }
0x5f: {  	v50 =	vld [tilespmem:$0xD0];
	[tilespmem:$0x670] =	vst v3;
	v3 =	vadd.s32 v0, v45  }
0x60: {  	v51 =	vld [tilespmem:$0xE0];
	[tilespmem:$0x680] =	vst v3;
	v3 =	vadd.s32 v0, v46  }
0x61: {  	v52 =	vld [tilespmem:$0xF0];
	[tilespmem:$0x690] =	vst v3;
	v3 =	vadd.s32 v0, v47  }
0x62: {  	v53 =	vld [tilespmem:$0x100];
	[tilespmem:$0x6A0] =	vst v3;
	v3 =	vadd.s32 v0, v48  }
0x63: {  	v54 =	vld [tilespmem:$0x110];
	[tilespmem:$0x6B0] =	vst v3;
	v3 =	vadd.s32 v0, v49  }
0x64: {  	v55 =	vld [tilespmem:$0x120];
	[tilespmem:$0x6C0] =	vst v3;
	v3 =	vadd.s32 v0, v50  }
0x65: {  	v56 =	vld [tilespmem:$0x130];
	[tilespmem:$0x6D0] =	vst v3;
	v3 =	vadd.s32 v0, v51  }
0x66: {  	v57 =	vld [tilespmem:$0x140];
	[tilespmem:$0x6E0] =	vst v3;
	v3 =	vadd.s32 v0, v52  }
0x67: {  	v58 =	vld [tilespmem:$0x150];
	[tilespmem:$0x6F0] =	vst v3;
	v3 =	vadd.s32 v0, v53  }
0x68: {  	v59 =	vld [tilespmem:$0x160];
	[tilespmem:$0x700] =	vst v3;
	v3 =	vadd.s32 v0, v54  }
0x69: {  	v60 =	vld [tilespmem:$0x170];
	[tilespmem:$0x710] =	vst v3;
	v3 =	vadd.s32 v0, v55  }
0x6a: {  	v61 =	vld [tilespmem:$0x180];
	[tilespmem:$0x720] =	vst v3;
	v3 =	vadd.s32 v0, v56  }
0x6b: {  	v62 =	vld [tilespmem:$0x190];
	[tilespmem:$0x730] =	vst v3;
	v3 =	vadd.s32 v0, v57  }
0x6c: {  	v63 =	vld [tilespmem:$0x1A0];
	[tilespmem:$0x740] =	vst v3;
	v3 =	vadd.s32 v0, v58  }
0x6d: {  	v12 =	vld [tilespmem:$0x1B0];
	[tilespmem:$0x750] =	vst v3;
	v3 =	vadd.s32 v0, v59  }
0x6e: {  	v13 =	vld [tilespmem:$0x1C0];
	[tilespmem:$0x760] =	vst v3;
	v3 =	vadd.s32 v0, v60  }
0x6f: {  	v14 =	vld [tilespmem:$0x1D0];
	[tilespmem:$0x770] =	vst v3;
	v3 =	vadd.s32 v0, v61  }
0x70: {  	v15 =	vld [tilespmem:$0x1E0];
	[tilespmem:$0x780] =	vst v3;
	v3 =	vadd.s32 v0, v62  }
0x71: {  	v16 =	vld [tilespmem:$0x1F0];
	[tilespmem:$0x790] =	vst v3;
	v3 =	vadd.s32 v0, v63  }
0x72: {  	v17 =	vld [tilespmem:$0x0];
	[tilespmem:$0x7A0] =	vst v3;
	v3 =	vadd.s32 v0, v12  }
0x73: {  	v18 =	vld [tilespmem:$0x10];
	[tilespmem:$0x7B0] =	vst v3;
	v3 =	vadd.s32 v0, v13  }
0x74: {  	v19 =	vld [tilespmem:$0x20];
	[tilespmem:$0x7C0] =	vst v3;
	v3 =	vadd.s32 v0, v14  }
0x75: {  	v20 =	vld [tilespmem:$0x30];
	[tilespmem:$0x7D0] =	vst v3;
	v3 =	vadd.s32 v0, v15  }
0x76: {  	v21 =	vld [tilespmem:$0x40];
	[tilespmem:$0x7E0] =	vst v3;
	v3 =	vadd.s32 v0, v16  }
0x77: {  	v22 =	vld [tilespmem:$0x50];
	[tilespmem:$0x7F0] =	vst v3;
	v3 =	vadd.s32 v1, v17  }
0x78: {  	v23 =	vld [tilespmem:$0x60];
	[tilespmem:$0x800] =	vst v3;
	v3 =	vadd.s32 v1, v18  }
0x79: {  	v24 =	vld [tilespmem:$0x70];
	[tilespmem:$0x810] =	vst v3;
	v3 =	vadd.s32 v1, v19  }
0x7a: {  	v25 =	vld [tilespmem:$0x80];
	[tilespmem:$0x820] =	vst v3;
	v3 =	vadd.s32 v1, v20  }
0x7b: {  	v26 =	vld [tilespmem:$0x90];
	[tilespmem:$0x830] =	vst v3;
	v3 =	vadd.s32 v1, v21  }
0x7c: {  	v27 =	vld [tilespmem:$0xA0];
	[tilespmem:$0x840] =	vst v3;
	v3 =	vadd.s32 v1, v22  }
0x7d: {  	v28 =	vld [tilespmem:$0xB0];
	[tilespmem:$0x850] =	vst v3;
	v3 =	vadd.s32 v1, v23  }
0x7e: {  	v29 =	vld [tilespmem:$0xC0];
	[tilespmem:$0x860] =	vst v3;
	v3 =	vadd.s32 v1, v24  }
0x7f: {  	v30 =	vld [tilespmem:$0xD0];
	[tilespmem:$0x870] =	vst v3;
	v3 =	vadd.s32 v1, v25  }
0x80: {  	v31 =	vld [tilespmem:$0xE0];
	[tilespmem:$0x880] =	vst v3;
	v3 =	vadd.s32 v1, v26  }
0x81: {  	v32 =	vld [tilespmem:$0xF0];
	[tilespmem:$0x890] =	vst v3;
	v3 =	vadd.s32 v1, v27  }
0x82: {  	v33 =	vld [tilespmem:$0x100];
	[tilespmem:$0x8A0] =	vst v3;
	v3 =	vadd.s32 v1, v28  }
0x83: {  	v34 =	vld [tilespmem:$0x110];
	[tilespmem:$0x8B0] =	vst v3;
	v3 =	vadd.s32 v1, v29  }
0x84: {  	v35 =	vld [tilespmem:$0x120];
	[tilespmem:$0x8C0] =	vst v3;
	v3 =	vadd.s32 v1, v30  }
0x85: {  	v36 =	vld [tilespmem:$0x130];
	[tilespmem:$0x8D0] =	vst v3;
	v3 =	vadd.s32 v1, v31  }
0x86: {  	v37 =	vld [tilespmem:$0x140];
	[tilespmem:$0x8E0] =	vst v3;
	v3 =	vadd.s32 v1, v32  }
0x87: {  	v38 =	vld [tilespmem:$0x150];
	[tilespmem:$0x8F0] =	vst v3;
	v3 =	vadd.s32 v1, v33  }
0x88: {  	v39 =	vld [tilespmem:$0x160];
	[tilespmem:$0x900] =	vst v3;
	v3 =	vadd.s32 v1, v34  }
0x89: {  	v40 =	vld [tilespmem:$0x170];
	[tilespmem:$0x910] =	vst v3;
	v3 =	vadd.s32 v1, v35  }
0x8a: {  	v41 =	vld [tilespmem:$0x180];
	[tilespmem:$0x920] =	vst v3;
	v3 =	vadd.s32 v1, v36  }
0x8b: {  	v42 =	vld [tilespmem:$0x190];
	[tilespmem:$0x930] =	vst v3;
	v3 =	vadd.s32 v1, v37  }
0x8c: {  	v43 =	vld [tilespmem:$0x1A0];
	[tilespmem:$0x940] =	vst v3;
	v3 =	vadd.s32 v1, v38  }
0x8d: {  	v44 =	vld [tilespmem:$0x1B0];
	[tilespmem:$0x950] =	vst v3;
	v3 =	vadd.s32 v1, v39  }
0x8e: {  	v45 =	vld [tilespmem:$0x1C0];
	[tilespmem:$0x960] =	vst v3;
	v3 =	vadd.s32 v1, v40  }
0x8f: {  	v46 =	vld [tilespmem:$0x1D0];
	[tilespmem:$0x970] =	vst v3;
	v3 =	vadd.s32 v1, v41  }
0x90: {  	v47 =	vld [tilespmem:$0x1E0];
	[tilespmem:$0x980] =	vst v3;
	v3 =	vadd.s32 v1, v42  }
0x91: {  	v48 =	vld [tilespmem:$0x1F0];
	[tilespmem:$0x990] =	vst v3;
	v3 =	vadd.s32 v1, v43  }
0x92: {  	v49 =	vld [tilespmem:$0x0];
	[tilespmem:$0x9A0] =	vst v3;
	v3 =	vadd.s32 v1, v44  }
0x93: {  	v50 =	vld [tilespmem:$0x10];
	[tilespmem:$0x9B0] =	vst v3;
	v3 =	vadd.s32 v1, v45  }
0x94: {  	v51 =	vld [tilespmem:$0x20];
	[tilespmem:$0x9C0] =	vst v3;
	v3 =	vadd.s32 v1, v46  }
0x95: {  	v52 =	vld [tilespmem:$0x30];
	[tilespmem:$0x9D0] =	vst v3;
	v3 =	vadd.s32 v1, v47  }
0x96: {  	v53 =	vld [tilespmem:$0x40];
	[tilespmem:$0x9E0] =	vst v3;
	v3 =	vadd.s32 v1, v48  }
0x97: {  	v54 =	vld [tilespmem:$0x50];
	[tilespmem:$0x9F0] =	vst v3;
	v3 =	vadd.s32 v2, v49  }
0x98: {  	v55 =	vld [tilespmem:$0x60];
	[tilespmem:$0xA00] =	vst v3;
	v3 =	vadd.s32 v2, v50  }
0x99: {  	v56 =	vld [tilespmem:$0x70];
	[tilespmem:$0xA10] =	vst v3;
	v3 =	vadd.s32 v2, v51  }
0x9a: {  	v57 =	vld [tilespmem:$0x80];
	[tilespmem:$0xA20] =	vst v3;
	v3 =	vadd.s32 v2, v52  }
0x9b: {  	v58 =	vld [tilespmem:$0x90];
	[tilespmem:$0xA30] =	vst v3;
	v3 =	vadd.s32 v2, v53  }
0x9c: {  	v59 =	vld [tilespmem:$0xA0];
	[tilespmem:$0xA40] =	vst v3;
	v3 =	vadd.s32 v2, v54  }
0x9d: {  	v60 =	vld [tilespmem:$0xB0];
	[tilespmem:$0xA50] =	vst v3;
	v3 =	vadd.s32 v2, v55  }
0x9e: {  	v61 =	vld [tilespmem:$0xC0];
	[tilespmem:$0xA60] =	vst v3;
	v3 =	vadd.s32 v2, v56  }
0x9f: {  	v62 =	vld [tilespmem:$0xD0];
	[tilespmem:$0xA70] =	vst v3;
	v3 =	vadd.s32 v2, v57  }
0xa0: {  	v63 =	vld [tilespmem:$0xE0];
	[tilespmem:$0xA80] =	vst v3;
	v3 =	vadd.s32 v2, v58  }
0xa1: {  	v12 =	vld [tilespmem:$0xF0];
	[tilespmem:$0xA90] =	vst v3;
	v3 =	vadd.s32 v2, v59  }
0xa2: {  	v13 =	vld [tilespmem:$0x100];
	[tilespmem:$0xAA0] =	vst v3;
	v3 =	vadd.s32 v2, v60  }
0xa3: {  	v14 =	vld [tilespmem:$0x110];
	[tilespmem:$0xAB0] =	vst v3;
	v3 =	vadd.s32 v2, v61  }
0xa4: {  	v15 =	vld [tilespmem:$0x120];
	[tilespmem:$0xAC0] =	vst v3;
	v3 =	vadd.s32 v2, v62  }
0xa5: {  	v16 =	vld [tilespmem:$0x130];
	[tilespmem:$0xAD0] =	vst v3;
	v3 =	vadd.s32 v2, v63  }
0xa6: {  	v17 =	vld [tilespmem:$0x140];
	[tilespmem:$0xAE0] =	vst v3;
	v3 =	vadd.s32 v2, v12  }
0xa7: {  	v18 =	vld [tilespmem:$0x150];
	[tilespmem:$0xAF0] =	vst v3;
	v3 =	vadd.s32 v2, v13  }
0xa8: {  	v19 =	vld [tilespmem:$0x160];
	[tilespmem:$0xB00] =	vst v3;
	v3 =	vadd.s32 v2, v14  }
0xa9: {  	v20 =	vld [tilespmem:$0x170];
	[tilespmem:$0xB10] =	vst v3;
	v3 =	vadd.s32 v2, v15  }
0xaa: {  	v21 =	vld [tilespmem:$0x180];
	[tilespmem:$0xB20] =	vst v3;
	v3 =	vadd.s32 v2, v16  }
0xab: {  	v22 =	vld [tilespmem:$0x190];
	[tilespmem:$0xB30] =	vst v3;
	v3 =	vadd.s32 v2, v17  }
0xac: {  	v23 =	vld [tilespmem:$0x1A0];
	[tilespmem:$0xB40] =	vst v3;
	v3 =	vadd.s32 v2, v18  }
0xad: {  	v24 =	vld [tilespmem:$0x1B0];
	[tilespmem:$0xB50] =	vst v3;
	v3 =	vadd.s32 v2, v19  }
0xae: {  	v25 =	vld [tilespmem:$0x1C0];
	[tilespmem:$0xB60] =	vst v3;
	v3 =	vadd.s32 v2, v20  }
0xaf: {  	v26 =	vld [tilespmem:$0x1D0];
	[tilespmem:$0xB70] =	vst v3;
	v3 =	vadd.s32 v2, v21  }
0xb0: {  	v27 =	vld [tilespmem:$0x1E0];
	[tilespmem:$0xB80] =	vst v3;
	v3 =	vadd.s32 v2, v22  }
0xb1: {  	v28 =	vld [tilespmem:$0x1F0];
	[tilespmem:$0xB90] =	vst v3;
	v3 =	vadd.s32 v2, v23  }
0xb2: {  	v29 =	vld [tilespmem:$0x200];
	[tilespmem:$0xBA0] =	vst v3;
	v3 =	vadd.s32 v2, v24  }
0xb3: {  	v30 =	vld [tilespmem:$0x210];
	[tilespmem:$0xBB0] =	vst v3;
	v3 =	vadd.s32 v2, v25  }
0xb4: {  	v31 =	vld [tilespmem:$0x220];
	[tilespmem:$0xBC0] =	vst v3;
	v3 =	vadd.s32 v2, v26  }
0xb5: {  	v32 =	vld [tilespmem:$0x230];
	[tilespmem:$0xBD0] =	vst v3;
	v3 =	vadd.s32 v2, v27  }
0xb6: {  	v33 =	vld [tilespmem:$0x240];
	[tilespmem:$0xBE0] =	vst v3;
	v3 =	vadd.s32 v2, v28  }
0xb7: {  	v34 =	vld [tilespmem:$0x250];
	[tilespmem:$0xBF0] =	vst v3;
	v3 =	vadd.s32 v0, v29  }
0xb8: {  	v35 =	vld [tilespmem:$0x260];
	[tilespmem:$0xC00] =	vst v3;
	v3 =	vadd.s32 v0, v30  }
0xb9: {  	v36 =	vld [tilespmem:$0x270];
	[tilespmem:$0xC10] =	vst v3;
	v3 =	vadd.s32 v0, v31  }
0xba: {  	v37 =	vld [tilespmem:$0x280];
	[tilespmem:$0xC20] =	vst v3;
	v3 =	vadd.s32 v0, v32  }
0xbb: {  	v38 =	vld [tilespmem:$0x290];
	[tilespmem:$0xC30] =	vst v3;
	v3 =	vadd.s32 v0, v33  }
0xbc: {  	v39 =	vld [tilespmem:$0x2A0];
	[tilespmem:$0xC40] =	vst v3;
	v3 =	vadd.s32 v0, v34  }
0xbd: {  	v40 =	vld [tilespmem:$0x2B0];
	[tilespmem:$0xC50] =	vst v3;
	v3 =	vadd.s32 v0, v35  }
0xbe: {  	v41 =	vld [tilespmem:$0x2C0];
	[tilespmem:$0xC60] =	vst v3;
	v3 =	vadd.s32 v0, v36  }
0xbf: {  	v42 =	vld [tilespmem:$0x2D0];
	[tilespmem:$0xC70] =	vst v3;
	v3 =	vadd.s32 v0, v37  }
0xc0: {  	v43 =	vld [tilespmem:$0x2E0];
	[tilespmem:$0xC80] =	vst v3;
	v3 =	vadd.s32 v0, v38  }
0xc1: {  	v44 =	vld [tilespmem:$0x2F0];
	[tilespmem:$0xC90] =	vst v3;
	v3 =	vadd.s32 v0, v39  }
0xc2: {  	v45 =	vld [tilespmem:$0x300];
	[tilespmem:$0xCA0] =	vst v3;
	v3 =	vadd.s32 v0, v40  }
0xc3: {  	v46 =	vld [tilespmem:$0x310];
	[tilespmem:$0xCB0] =	vst v3;
	v3 =	vadd.s32 v0, v41  }
0xc4: {  	v47 =	vld [tilespmem:$0x320];
	[tilespmem:$0xCC0] =	vst v3;
	v3 =	vadd.s32 v0, v42  }
0xc5: {  	v48 =	vld [tilespmem:$0x330];
	[tilespmem:$0xCD0] =	vst v3;
	v3 =	vadd.s32 v0, v43  }
0xc6: {  	v49 =	vld [tilespmem:$0x340];
	[tilespmem:$0xCE0] =	vst v3;
	v3 =	vadd.s32 v0, v44  }
0xc7: {  	v50 =	vld [tilespmem:$0x350];
	[tilespmem:$0xCF0] =	vst v3;
	v3 =	vadd.s32 v0, v45  }
0xc8: {  	v51 =	vld [tilespmem:$0x360];
	[tilespmem:$0xD00] =	vst v3;
	v3 =	vadd.s32 v0, v46  }
0xc9: {  	v52 =	vld [tilespmem:$0x370];
	[tilespmem:$0xD10] =	vst v3;
	v3 =	vadd.s32 v0, v47  }
0xca: {  	v53 =	vld [tilespmem:$0x380];
	[tilespmem:$0xD20] =	vst v3;
	v3 =	vadd.s32 v0, v48  }
0xcb: {  	v54 =	vld [tilespmem:$0x390];
	[tilespmem:$0xD30] =	vst v3;
	v3 =	vadd.s32 v0, v49  }
0xcc: {  	v55 =	vld [tilespmem:$0x3A0];
	[tilespmem:$0xD40] =	vst v3;
	v3 =	vadd.s32 v0, v50  }
0xcd: {  	v56 =	vld [tilespmem:$0x3B0];
	[tilespmem:$0xD50] =	vst v3;
	v3 =	vadd.s32 v0, v51  }
0xce: {  	v57 =	vld [tilespmem:$0x3C0];
	[tilespmem:$0xD60] =	vst v3;
	v3 =	vadd.s32 v0, v52  }
0xcf: {  	v58 =	vld [tilespmem:$0x3D0];
	[tilespmem:$0xD70] =	vst v3;
	v3 =	vadd.s32 v0, v53  }
0xd0: {  	v59 =	vld [tilespmem:$0x3E0];
	[tilespmem:$0xD80] =	vst v3;
	v3 =	vadd.s32 v0, v54  }
0xd1: {  	v60 =	vld [tilespmem:$0x3F0];
	[tilespmem:$0xD90] =	vst v3;
	v3 =	vadd.s32 v0, v55  }
0xd2: {  	v61 =	vld [tilespmem:$0x200];
	[tilespmem:$0xDA0] =	vst v3;
	v3 =	vadd.s32 v0, v56  }
0xd3: {  	v62 =	vld [tilespmem:$0x210];
	[tilespmem:$0xDB0] =	vst v3;
	v3 =	vadd.s32 v0, v57  }
0xd4: {  	v63 =	vld [tilespmem:$0x220];
	[tilespmem:$0xDC0] =	vst v3;
	v3 =	vadd.s32 v0, v58  }
0xd5: {  	v12 =	vld [tilespmem:$0x230];
	[tilespmem:$0xDD0] =	vst v3;
	v3 =	vadd.s32 v0, v59  }
0xd6: {  	v13 =	vld [tilespmem:$0x240];
	[tilespmem:$0xDE0] =	vst v3;
	v3 =	vadd.s32 v0, v60  }
0xd7: {  	v14 =	vld [tilespmem:$0x250];
	[tilespmem:$0xDF0] =	vst v3;
	v3 =	vadd.s32 v1, v61  }
0xd8: {  	v15 =	vld [tilespmem:$0x260];
	[tilespmem:$0xE00] =	vst v3;
	v3 =	vadd.s32 v1, v62  }
0xd9: {  	[tilespmem:$0xE10] =	vst v3;
	v3 =	vadd.s32 v1, v63  }
0xda: {  	[tilespmem:$0xE20] =	vst v3;
	v3 =	vadd.s32 v1, v12  }
0xdb: {  	[tilespmem:$0xE30] =	vst v3;
	v3 =	vadd.s32 v1, v13  }
0xdc: {  	[tilespmem:$0xE40] =	vst v3;
	v3 =	vadd.s32 v1, v14  }
0xdd: {  	[tilespmem:$0xE50] =	vst v3;
	v3 =	vadd.s32 v1, v15  }
0xde: {  	[tilespmem:$0xE60] =	vst v3  }
0xdf: {  	v3 =	vld [tilespmem:$0x270]  }
0xe0: {  	v16 =	vld [tilespmem:$0x280]  }
0xe1: {  	v17 =	vld [tilespmem:$0x290]  }
0xe2: {  	v18 =	vld [tilespmem:$0x2A0]  }
0xe3: {  	v19 =	vld [tilespmem:$0x2B0]  }
0xe4: {  	v20 =	vld [tilespmem:$0x2C0];
	v3 =	vadd.s32 v1, v3  }
0xe5: {  	v21 =	vld [tilespmem:$0x2D0];
	[tilespmem:$0xE70] =	vst v3;
	v3 =	vadd.s32 v1, v16  }
0xe6: {  	v22 =	vld [tilespmem:$0x2E0];
	[tilespmem:$0xE80] =	vst v3;
	v3 =	vadd.s32 v1, v17  }
0xe7: {  	v23 =	vld [tilespmem:$0x2F0];
	[tilespmem:$0xE90] =	vst v3;
	v3 =	vadd.s32 v1, v18  }
0xe8: {  	v24 =	vld [tilespmem:$0x300];
	[tilespmem:$0xEA0] =	vst v3;
	v3 =	vadd.s32 v1, v19  }
0xe9: {  	v25 =	vld [tilespmem:$0x310];
	[tilespmem:$0xEB0] =	vst v3;
	v3 =	vadd.s32 v1, v20  }
0xea: {  	v26 =	vld [tilespmem:$0x320];
	[tilespmem:$0xEC0] =	vst v3;
	v3 =	vadd.s32 v1, v21  }
0xeb: {  	v27 =	vld [tilespmem:$0x330];
	[tilespmem:$0xED0] =	vst v3;
	v3 =	vadd.s32 v1, v22  }
0xec: {  	v28 =	vld [tilespmem:$0x340];
	[tilespmem:$0xEE0] =	vst v3;
	v3 =	vadd.s32 v1, v23  }
0xed: {  	v29 =	vld [tilespmem:$0x350];
	[tilespmem:$0xEF0] =	vst v3;
	v3 =	vadd.s32 v1, v24  }
0xee: {  	v30 =	vld [tilespmem:$0x360];
	[tilespmem:$0xF00] =	vst v3;
	v3 =	vadd.s32 v1, v25  }
0xef: {  	v31 =	vld [tilespmem:$0x370];
	[tilespmem:$0xF10] =	vst v3;
	v3 =	vadd.s32 v1, v26  }
0xf0: {  	v32 =	vld [tilespmem:$0x380];
	[tilespmem:$0xF20] =	vst v3;
	v3 =	vadd.s32 v1, v27  }
0xf1: {  	v33 =	vld [tilespmem:$0x390];
	[tilespmem:$0xF30] =	vst v3;
	v3 =	vadd.s32 v1, v28  }
0xf2: {  	v34 =	vld [tilespmem:$0x3A0];
	[tilespmem:$0xF40] =	vst v3;
	v3 =	vadd.s32 v1, v29  }
0xf3: {  	v35 =	vld [tilespmem:$0x3B0];
	[tilespmem:$0xF50] =	vst v3;
	v3 =	vadd.s32 v1, v30  }
0xf4: {  	v36 =	vld [tilespmem:$0x3C0];
	[tilespmem:$0xF60] =	vst v3;
	v3 =	vadd.s32 v1, v31  }
0xf5: {  	v37 =	vld [tilespmem:$0x3D0];
	[tilespmem:$0xF70] =	vst v3;
	v3 =	vadd.s32 v1, v32  }
0xf6: {  	v38 =	vld [tilespmem:$0x3E0];
	[tilespmem:$0xF80] =	vst v3;
	v3 =	vadd.s32 v1, v33  }
0xf7: {  	v39 =	vld [tilespmem:$0x3F0];
	[tilespmem:$0xF90] =	vst v3;
	v3 =	vadd.s32 v1, v34  }
0xf8: {  	v40 =	vld [tilespmem:$0x200];
	[tilespmem:$0xFA0] =	vst v3;
	v3 =	vadd.s32 v1, v35  }
0xf9: {  	v41 =	vld [tilespmem:$0x210];
	[tilespmem:$0xFB0] =	vst v3;
	v3 =	vadd.s32 v1, v36  }
0xfa: {  	v42 =	vld [tilespmem:$0x220];
	[tilespmem:$0xFC0] =	vst v3;
	v3 =	vadd.s32 v1, v37  }
0xfb: {  	v43 =	vld [tilespmem:$0x230];
	[tilespmem:$0xFD0] =	vst v3;
	v3 =	vadd.s32 v1, v38  }
0xfc: {  	v44 =	vld [tilespmem:$0x240];
	[tilespmem:$0xFE0] =	vst v3;
	v3 =	vadd.s32 v1, v39  }
0xfd: {  	v45 =	vld [tilespmem:$0x250];
	[tilespmem:$0xFF0] =	vst v3;
	v3 =	vadd.s32 v2, v40  }
0xfe: {  	v46 =	vld [tilespmem:$0x260];
	[tilespmem:$0x1000] =	vst v3;
	v3 =	vadd.s32 v2, v41  }
0xff: {  	v47 =	vld [tilespmem:$0x270];
	[tilespmem:$0x1010] =	vst v3;
	v3 =	vadd.s32 v2, v42  }
0x100: {  	v48 =	vld [tilespmem:$0x280];
	[tilespmem:$0x1020] =	vst v3;
	v3 =	vadd.s32 v2, v43  }
0x101: {  	v49 =	vld [tilespmem:$0x290];
	[tilespmem:$0x1030] =	vst v3;
	v3 =	vadd.s32 v2, v44  }
0x102: {  	v50 =	vld [tilespmem:$0x2A0];
	[tilespmem:$0x1040] =	vst v3;
	v3 =	vadd.s32 v2, v45  }
0x103: {  	v51 =	vld [tilespmem:$0x2B0];
	[tilespmem:$0x1050] =	vst v3;
	v3 =	vadd.s32 v2, v46  }
0x104: {  	v52 =	vld [tilespmem:$0x2C0];
	[tilespmem:$0x1060] =	vst v3;
	v3 =	vadd.s32 v2, v47  }
0x105: {  	v53 =	vld [tilespmem:$0x2D0];
	[tilespmem:$0x1070] =	vst v3;
	v3 =	vadd.s32 v2, v48  }
0x106: {  	v54 =	vld [tilespmem:$0x2E0];
	[tilespmem:$0x1080] =	vst v3;
	v3 =	vadd.s32 v2, v49  }
0x107: {  	v55 =	vld [tilespmem:$0x2F0];
	[tilespmem:$0x1090] =	vst v3;
	v3 =	vadd.s32 v2, v50  }
0x108: {  	v56 =	vld [tilespmem:$0x300];
	[tilespmem:$0x10A0] =	vst v3;
	v3 =	vadd.s32 v2, v51  }
0x109: {  	v57 =	vld [tilespmem:$0x310];
	[tilespmem:$0x10B0] =	vst v3;
	v3 =	vadd.s32 v2, v52  }
0x10a: {  	v58 =	vld [tilespmem:$0x320];
	[tilespmem:$0x10C0] =	vst v3;
	v3 =	vadd.s32 v2, v53  }
0x10b: {  	v59 =	vld [tilespmem:$0x330];
	[tilespmem:$0x10D0] =	vst v3;
	v3 =	vadd.s32 v2, v54  }
0x10c: {  	v60 =	vld [tilespmem:$0x340];
	[tilespmem:$0x10E0] =	vst v3;
	v3 =	vadd.s32 v2, v55  }
0x10d: {  	v61 =	vld [tilespmem:$0x350];
	[tilespmem:$0x10F0] =	vst v3;
	v3 =	vadd.s32 v2, v56  }
0x10e: {  	v62 =	vld [tilespmem:$0x360];
	[tilespmem:$0x1100] =	vst v3;
	v3 =	vadd.s32 v2, v57  }
0x10f: {  	v63 =	vld [tilespmem:$0x370];
	[tilespmem:$0x1110] =	vst v3;
	v3 =	vadd.s32 v2, v58  }
0x110: {  	v12 =	vld [tilespmem:$0x380];
	[tilespmem:$0x1120] =	vst v3;
	v3 =	vadd.s32 v2, v59  }
0x111: {  	v13 =	vld [tilespmem:$0x390];
	[tilespmem:$0x1130] =	vst v3;
	v3 =	vadd.s32 v2, v60  }
0x112: {  	v14 =	vld [tilespmem:$0x3A0];
	[tilespmem:$0x1140] =	vst v3;
	v3 =	vadd.s32 v2, v61  }
0x113: {  	v15 =	vld [tilespmem:$0x3B0];
	[tilespmem:$0x1150] =	vst v3;
	v3 =	vadd.s32 v2, v62  }
0x114: {  	v16 =	vld [tilespmem:$0x3C0];
	[tilespmem:$0x1160] =	vst v3;
	v3 =	vadd.s32 v2, v63  }
0x115: {  	v17 =	vld [tilespmem:$0x3D0];
	[tilespmem:$0x1170] =	vst v3;
	v3 =	vadd.s32 v2, v12  }
0x116: {  	v18 =	vld [tilespmem:$0x3E0];
	[tilespmem:$0x1180] =	vst v3;
	v3 =	vadd.s32 v2, v13  }
0x117: {  	v19 =	vld [tilespmem:$0x3F0];
	[tilespmem:$0x1190] =	vst v3;
	v3 =	vadd.s32 v2, v14  }
0x118: {  	v20 =	vld [tilespmem:$0x400];
	[tilespmem:$0x11A0] =	vst v3;
	v3 =	vadd.s32 v2, v15  }
0x119: {  	v21 =	vld [tilespmem:$0x410];
	[tilespmem:$0x11B0] =	vst v3;
	v3 =	vadd.s32 v2, v16  }
0x11a: {  	v22 =	vld [tilespmem:$0x420];
	[tilespmem:$0x11C0] =	vst v3;
	v3 =	vadd.s32 v2, v17  }
0x11b: {  	v23 =	vld [tilespmem:$0x430];
	[tilespmem:$0x11D0] =	vst v3;
	v3 =	vadd.s32 v2, v18  }
0x11c: {  	v24 =	vld [tilespmem:$0x440];
	[tilespmem:$0x11E0] =	vst v3;
	v3 =	vadd.s32 v2, v19  }
0x11d: {  	v25 =	vld [tilespmem:$0x450];
	[tilespmem:$0x11F0] =	vst v3;
	v3 =	vadd.s32 v0, v20  }
0x11e: {  	v26 =	vld [tilespmem:$0x460];
	[tilespmem:$0x1200] =	vst v3;
	v3 =	vadd.s32 v0, v21  }
0x11f: {  	v27 =	vld [tilespmem:$0x470];
	[tilespmem:$0x1210] =	vst v3;
	v3 =	vadd.s32 v0, v22  }
0x120: {  	v28 =	vld [tilespmem:$0x480];
	[tilespmem:$0x1220] =	vst v3;
	v3 =	vadd.s32 v0, v23  }
0x121: {  	v29 =	vld [tilespmem:$0x490];
	[tilespmem:$0x1230] =	vst v3;
	v3 =	vadd.s32 v0, v24  }
0x122: {  	v30 =	vld [tilespmem:$0x4A0];
	[tilespmem:$0x1240] =	vst v3;
	v3 =	vadd.s32 v0, v25  }
0x123: {  	v31 =	vld [tilespmem:$0x4B0];
	[tilespmem:$0x1250] =	vst v3;
	v3 =	vadd.s32 v0, v26  }
0x124: {  	v32 =	vld [tilespmem:$0x4C0];
	[tilespmem:$0x1260] =	vst v3;
	v3 =	vadd.s32 v0, v27  }
0x125: {  	v33 =	vld [tilespmem:$0x4D0];
	[tilespmem:$0x1270] =	vst v3;
	v3 =	vadd.s32 v0, v28  }
0x126: {  	v34 =	vld [tilespmem:$0x4E0];
	[tilespmem:$0x1280] =	vst v3;
	v3 =	vadd.s32 v0, v29  }
0x127: {  	v35 =	vld [tilespmem:$0x4F0];
	[tilespmem:$0x1290] =	vst v3;
	v3 =	vadd.s32 v0, v30  }
0x128: {  	v36 =	vld [tilespmem:$0x500];
	[tilespmem:$0x12A0] =	vst v3;
	v3 =	vadd.s32 v0, v31  }
0x129: {  	v37 =	vld [tilespmem:$0x510];
	[tilespmem:$0x12B0] =	vst v3;
	v3 =	vadd.s32 v0, v32  }
0x12a: {  	v38 =	vld [tilespmem:$0x520];
	[tilespmem:$0x12C0] =	vst v3;
	v3 =	vadd.s32 v0, v33  }
0x12b: {  	v39 =	vld [tilespmem:$0x530];
	[tilespmem:$0x12D0] =	vst v3;
	v3 =	vadd.s32 v0, v34  }
0x12c: {  	v40 =	vld [tilespmem:$0x540];
	[tilespmem:$0x12E0] =	vst v3;
	v3 =	vadd.s32 v0, v35  }
0x12d: {  	v41 =	vld [tilespmem:$0x550];
	[tilespmem:$0x12F0] =	vst v3;
	v3 =	vadd.s32 v0, v36  }
0x12e: {  	v42 =	vld [tilespmem:$0x560];
	[tilespmem:$0x1300] =	vst v3;
	v3 =	vadd.s32 v0, v37  }
0x12f: {  	v43 =	vld [tilespmem:$0x570];
	[tilespmem:$0x1310] =	vst v3;
	v3 =	vadd.s32 v0, v38  }
0x130: {  	v44 =	vld [tilespmem:$0x580];
	[tilespmem:$0x1320] =	vst v3;
	v3 =	vadd.s32 v0, v39  }
0x131: {  	v45 =	vld [tilespmem:$0x590];
	[tilespmem:$0x1330] =	vst v3;
	v3 =	vadd.s32 v0, v40  }
0x132: {  	v46 =	vld [tilespmem:$0x5A0];
	[tilespmem:$0x1340] =	vst v3;
	v3 =	vadd.s32 v0, v41  }
0x133: {  	v47 =	vld [tilespmem:$0x5B0];
	[tilespmem:$0x1350] =	vst v3;
	v3 =	vadd.s32 v0, v42  }
0x134: {  	v48 =	vld [tilespmem:$0x5C0];
	[tilespmem:$0x1360] =	vst v3;
	v3 =	vadd.s32 v0, v43  }
0x135: {  	v49 =	vld [tilespmem:$0x5D0];
	[tilespmem:$0x1370] =	vst v3;
	v3 =	vadd.s32 v0, v44  }
0x136: {  	v50 =	vld [tilespmem:$0x5E0];
	[tilespmem:$0x1380] =	vst v3;
	v3 =	vadd.s32 v0, v45  }
0x137: {  	v51 =	vld [tilespmem:$0x5F0];
	[tilespmem:$0x1390] =	vst v3;
	v3 =	vadd.s32 v0, v46  }
0x138: {  	v52 =	vld [tilespmem:$0x400];
	[tilespmem:$0x13A0] =	vst v3;
	v3 =	vadd.s32 v0, v47  }
0x139: {  	v53 =	vld [tilespmem:$0x410];
	[tilespmem:$0x13B0] =	vst v3;
	v3 =	vadd.s32 v0, v48  }
0x13a: {  	v54 =	vld [tilespmem:$0x420];
	[tilespmem:$0x13C0] =	vst v3;
	v3 =	vadd.s32 v0, v49  }
0x13b: {  	v55 =	vld [tilespmem:$0x430];
	[tilespmem:$0x13D0] =	vst v3;
	v3 =	vadd.s32 v0, v50  }
0x13c: {  	v56 =	vld [tilespmem:$0x440];
	[tilespmem:$0x13E0] =	vst v3;
	v3 =	vadd.s32 v0, v51  }
0x13d: {  	v57 =	vld [tilespmem:$0x450];
	[tilespmem:$0x13F0] =	vst v3;
	v3 =	vadd.s32 v1, v52  }
0x13e: {  	v58 =	vld [tilespmem:$0x460];
	[tilespmem:$0x1400] =	vst v3;
	v3 =	vadd.s32 v1, v53  }
0x13f: {  	v59 =	vld [tilespmem:$0x470];
	[tilespmem:$0x1410] =	vst v3;
	v3 =	vadd.s32 v1, v54  }
0x140: {  	v60 =	vld [tilespmem:$0x480];
	[tilespmem:$0x1420] =	vst v3;
	v3 =	vadd.s32 v1, v55  }
0x141: {  	v61 =	vld [tilespmem:$0x490];
	[tilespmem:$0x1430] =	vst v3;
	v3 =	vadd.s32 v1, v56  }
0x142: {  	v62 =	vld [tilespmem:$0x4A0];
	[tilespmem:$0x1440] =	vst v3;
	v3 =	vadd.s32 v1, v57  }
0x143: {  	v63 =	vld [tilespmem:$0x4B0];
	[tilespmem:$0x1450] =	vst v3;
	v3 =	vadd.s32 v1, v58  }
0x144: {  	v12 =	vld [tilespmem:$0x4C0];
	[tilespmem:$0x1460] =	vst v3;
	v3 =	vadd.s32 v1, v59  }
0x145: {  	v13 =	vld [tilespmem:$0x4D0];
	[tilespmem:$0x1470] =	vst v3;
	v3 =	vadd.s32 v1, v60  }
0x146: {  	v14 =	vld [tilespmem:$0x4E0];
	[tilespmem:$0x1480] =	vst v3;
	v3 =	vadd.s32 v1, v61  }
0x147: {  	v15 =	vld [tilespmem:$0x4F0];
	[tilespmem:$0x1490] =	vst v3;
	v3 =	vadd.s32 v1, v62  }
0x148: {  	v16 =	vld [tilespmem:$0x500];
	[tilespmem:$0x14A0] =	vst v3;
	v3 =	vadd.s32 v1, v63  }
0x149: {  	v17 =	vld [tilespmem:$0x510];
	[tilespmem:$0x14B0] =	vst v3;
	v3 =	vadd.s32 v1, v12  }
0x14a: {  	v18 =	vld [tilespmem:$0x520];
	[tilespmem:$0x14C0] =	vst v3;
	v3 =	vadd.s32 v1, v13  }
0x14b: {  	v19 =	vld [tilespmem:$0x530];
	[tilespmem:$0x14D0] =	vst v3;
	v3 =	vadd.s32 v1, v14  }
0x14c: {  	v20 =	vld [tilespmem:$0x540];
	[tilespmem:$0x14E0] =	vst v3;
	v3 =	vadd.s32 v1, v15  }
0x14d: {  	v21 =	vld [tilespmem:$0x550];
	[tilespmem:$0x14F0] =	vst v3;
	v3 =	vadd.s32 v1, v16  }
0x14e: {  	v22 =	vld [tilespmem:$0x560];
	[tilespmem:$0x1500] =	vst v3;
	v3 =	vadd.s32 v1, v17  }
0x14f: {  	v23 =	vld [tilespmem:$0x570];
	[tilespmem:$0x1510] =	vst v3;
	v3 =	vadd.s32 v1, v18  }
0x150: {  	v24 =	vld [tilespmem:$0x580];
	[tilespmem:$0x1520] =	vst v3;
	v3 =	vadd.s32 v1, v19  }
0x151: {  	v25 =	vld [tilespmem:$0x590];
	[tilespmem:$0x1530] =	vst v3;
	v3 =	vadd.s32 v1, v20  }
0x152: {  	v26 =	vld [tilespmem:$0x5A0];
	[tilespmem:$0x1540] =	vst v3;
	v3 =	vadd.s32 v1, v21  }
0x153: {  	v27 =	vld [tilespmem:$0x5B0];
	[tilespmem:$0x1550] =	vst v3;
	v3 =	vadd.s32 v1, v22  }
0x154: {  	v28 =	vld [tilespmem:$0x5C0];
	[tilespmem:$0x1560] =	vst v3;
	v3 =	vadd.s32 v1, v23  }
0x155: {  	v29 =	vld [tilespmem:$0x5D0];
	[tilespmem:$0x1570] =	vst v3;
	v3 =	vadd.s32 v1, v24  }
0x156: {  	v30 =	vld [tilespmem:$0x5E0];
	[tilespmem:$0x1580] =	vst v3;
	v3 =	vadd.s32 v1, v25  }
0x157: {  	v31 =	vld [tilespmem:$0x5F0];
	[tilespmem:$0x1590] =	vst v3;
	v3 =	vadd.s32 v1, v26  }
0x158: {  	v32 =	vld [tilespmem:$0x400];
	[tilespmem:$0x15A0] =	vst v3;
	v3 =	vadd.s32 v1, v27  }
0x159: {  	v33 =	vld [tilespmem:$0x410];
	[tilespmem:$0x15B0] =	vst v3;
	v3 =	vadd.s32 v1, v28  }
0x15a: {  	v34 =	vld [tilespmem:$0x420];
	[tilespmem:$0x15C0] =	vst v3;
	v3 =	vadd.s32 v1, v29  }
0x15b: {  	v35 =	vld [tilespmem:$0x430];
	[tilespmem:$0x15D0] =	vst v3;
	v3 =	vadd.s32 v1, v30  }
0x15c: {  	v36 =	vld [tilespmem:$0x440];
	[tilespmem:$0x15E0] =	vst v3;
	v3 =	vadd.s32 v1, v31  }
0x15d: {  	v37 =	vld [tilespmem:$0x450];
	[tilespmem:$0x15F0] =	vst v3;
	v3 =	vadd.s32 v2, v32  }
0x15e: {  	v38 =	vld [tilespmem:$0x460];
	[tilespmem:$0x1600] =	vst v3;
	v3 =	vadd.s32 v2, v33  }
0x15f: {  	v39 =	vld [tilespmem:$0x470];
	[tilespmem:$0x1610] =	vst v3;
	v3 =	vadd.s32 v2, v34  }
0x160: {  	v40 =	vld [tilespmem:$0x480];
	[tilespmem:$0x1620] =	vst v3;
	v3 =	vadd.s32 v2, v35  }
0x161: {  	v41 =	vld [tilespmem:$0x490];
	[tilespmem:$0x1630] =	vst v3;
	v3 =	vadd.s32 v2, v36  }
0x162: {  	v42 =	vld [tilespmem:$0x4A0];
	[tilespmem:$0x1640] =	vst v3;
	v3 =	vadd.s32 v2, v37  }
0x163: {  	v43 =	vld [tilespmem:$0x4B0];
	[tilespmem:$0x1650] =	vst v3;
	v3 =	vadd.s32 v2, v38  }
0x164: {  	v44 =	vld [tilespmem:$0x4C0];
	[tilespmem:$0x1660] =	vst v3;
	v3 =	vadd.s32 v2, v39  }
0x165: {  	v45 =	vld [tilespmem:$0x4D0];
	[tilespmem:$0x1670] =	vst v3;
	v3 =	vadd.s32 v2, v40  }
0x166: {  	v46 =	vld [tilespmem:$0x4E0];
	[tilespmem:$0x1680] =	vst v3;
	v3 =	vadd.s32 v2, v41  }
0x167: {  	v47 =	vld [tilespmem:$0x4F0];
	[tilespmem:$0x1690] =	vst v3;
	v3 =	vadd.s32 v2, v42  }
0x168: {  	v48 =	vld [tilespmem:$0x500];
	[tilespmem:$0x16A0] =	vst v3;
	v3 =	vadd.s32 v2, v43  }
0x169: {  	v49 =	vld [tilespmem:$0x510];
	[tilespmem:$0x16B0] =	vst v3;
	v3 =	vadd.s32 v2, v44  }
0x16a: {  	v50 =	vld [tilespmem:$0x520];
	[tilespmem:$0x16C0] =	vst v3;
	v3 =	vadd.s32 v2, v45  }
0x16b: {  	v51 =	vld [tilespmem:$0x530];
	[tilespmem:$0x16D0] =	vst v3;
	v3 =	vadd.s32 v2, v46  }
0x16c: {  	v52 =	vld [tilespmem:$0x540];
	[tilespmem:$0x16E0] =	vst v3;
	v3 =	vadd.s32 v2, v47  }
0x16d: {  	v53 =	vld [tilespmem:$0x550];
	[tilespmem:$0x16F0] =	vst v3;
	v3 =	vadd.s32 v2, v48  }
0x16e: {  	v54 =	vld [tilespmem:$0x560];
	[tilespmem:$0x1700] =	vst v3;
	v3 =	vadd.s32 v2, v49  }
0x16f: {  	v55 =	vld [tilespmem:$0x570];
	[tilespmem:$0x1710] =	vst v3;
	v3 =	vadd.s32 v2, v50  }
0x170: {  	v56 =	vld [tilespmem:$0x580];
	[tilespmem:$0x1720] =	vst v3;
	v3 =	vadd.s32 v2, v51  }
0x171: {  	v57 =	vld [tilespmem:$0x590];
	[tilespmem:$0x1730] =	vst v3;
	v3 =	vadd.s32 v2, v52  }
0x172: {  	v58 =	vld [tilespmem:$0x5A0];
	[tilespmem:$0x1740] =	vst v3;
	v3 =	vadd.s32 v2, v53  }
0x173: {  	v59 =	vld [tilespmem:$0x5B0];
	[tilespmem:$0x1750] =	vst v3;
	v3 =	vadd.s32 v2, v54  }
0x174: {  	v60 =	vld [tilespmem:$0x5C0];
	[tilespmem:$0x1760] =	vst v3;
	v3 =	vadd.s32 v2, v55  }
0x175: {  	v61 =	vld [tilespmem:$0x5D0];
	[tilespmem:$0x1770] =	vst v3;
	v3 =	vadd.s32 v2, v56  }
0x176: {  	v62 =	vld [tilespmem:$0x5E0];
	[tilespmem:$0x1780] =	vst v3;
	v3 =	vadd.s32 v2, v57  }
0x177: {  	v63 =	vld [tilespmem:$0x5F0];
	[tilespmem:$0x1790] =	vst v3;
	v3 =	vadd.s32 v2, v58  }
0x178: {  	[tilespmem:$0x17A0] =	vst v3;
	v3 =	vadd.s32 v2, v59  }
0x179: {  	[tilespmem:$0x17B0] =	vst v3;
	v3 =	vadd.s32 v2, v60  }
0x17a: {  	s3 =	rddreg [dreg:$0x10];
	[tilespmem:$0x17C0] =	vst v3;
	v3 =	vadd.s32 v2, v61  }
0x17b: {  	s18 =	rddreg [dreg:$0x11];
	[tilespmem:$0x17D0] =	vst v3;
	v3 =	vadd.s32 v2, v62  }
0x17c: {  	s17 =	rddreg [dreg:$0x12];
	[tilespmem:$0x17E0] =	vst v3;
	v3 =	vadd.s32 v2, v63  }
0x17d: {  	s0 =	rddreg [dreg:$0x13];
	[tilespmem:$0x17F0] =	vst v3  }
0x17e: {  	[tilespmem:s9], [sflag:$0x1] =	stream.indirect.gather [hbm4b:s1+s6], $0x1, s3, s6, $0xb8;
	[tilespmem:$0x2C00] =	vst v63  }
0x17f: {  	s3 =	rddreg [dreg:$0x14]  }
0x180: {  	[tilespmem:s17], [sflag:$0x1] =	stream.indirect.gather [hbm4b:s1+s6], $0x1, s18, s6, $0xb8;
	[tilespmem:$0x2C00] =	vst v63  }
0x181: {  	s17 =	rddreg [dreg:$0x15]  }
0x182: {  	s18 =	rddreg [dreg:$0x16]  }
0x183: {  	[tilespmem:s3], [sflag:$0x1] =	stream.indirect.gather [hbm4b:s1+s6], $0x1, s0, s6, $0xb8;
	[tilespmem:$0x2C00] =	vst v63  }
0x184: {  	s3 =	rddreg [dreg:$0x17]  }
0x185: {  	s0 =	rddreg [dreg:$0x1a]  }
0x186: {  	[tilespmem:s18], [sflag:$0x1] =	stream.indirect.gather [hbm4b:s1+s6], $0x1, s17, s6, $0xb8;
	[tilespmem:$0x2C00] =	vst v63  }
0x187: {  	s17 =	rddreg [dreg:$0x18]  }
0x188: {  	s18 =	rddreg [dreg:$0x19]  }
0x189: {  	[tilespmem:s10], [sflag:$0x1] =	stream.indirect.gather [hbm4b:s1+s6], $0x1, s3, s6, $0xb8;
	[tilespmem:$0x2C00] =	vst v63  }
0x18a: {  	s3 =	rddreg [dreg:$0x1b]  }
0x18b: {  	[tilespmem:s18], [sflag:$0x1] =	stream.indirect.gather [hbm4b:s1+s6], $0x1, s17, s6, $0xb8;
	[tilespmem:$0x2C00] =	vst v63  }
0x18c: {  	s17 =	rddreg [dreg:$0x1c]  }
0x18d: {  	s18 =	rddreg [dreg:$0x1d]  }
0x18e: {  	[tilespmem:s3], [sflag:$0x1] =	stream.indirect.gather [hbm4b:s1+s6], $0x1, s0, s6, $0xb8;
	[tilespmem:$0x2C00] =	vst v63  }
0x18f: {  	s3 =	rddreg [dreg:$0x1e]  }
0x190: {  	s0 =	sld [smem:$0x7DD]  }
0x191: {  	[tilespmem:s18], [sflag:$0x1] =	stream.indirect.gather [hbm4b:s1+s6], $0x1, s17, s6, $0xb8;
	[tilespmem:$0x2C00] =	vst v63  }
0x192: {  	s17 =	rddreg [dreg:$0x1f]  }
0x193: {  	s18 =	sld [smem:$0x7DC]  }
0x194: {  	[tilespmem:s11], [sflag:$0x1] =	stream.indirect.gather [hbm4b:s1+s6], $0x1, s3, s6, $0xb8;
	[tilespmem:$0x2C00] =	vst v63  }
0x195: {  	s3 =	sld [smem:$0x7DE]  }
0x196: {  	[tilespmem:s18], [sflag:$0x1] =	stream.indirect.gather [hbm4b:s1+s6], $0x1, s17, s6, $0xb8;
	[tilespmem:$0x2C00] =	vst v63  }
0x197: {  	s17 =	sld [smem:$0x7DF]  }
0x198: {  	s18 =	sld [smem:$0x7E0]  }
0x199: {  	[tilespmem:s3], [sflag:$0x1] =	stream.indirect.gather [hbm4b:s1+s6], $0x1, s0, s6, $0xb8;
	[tilespmem:$0x2C00] =	vst v63  }
0x19a: {  	s3 =	sld [smem:$0x7E1]  }
0x19b: {  	s0 =	sld [smem:$0x7E4]  }
0x19c: {  	[tilespmem:s18], [sflag:$0x1] =	stream.indirect.gather [hbm4b:s1+s6], $0x1, s17, s6, $0xb8;
	[tilespmem:$0x2C00] =	vst v63  }
0x19d: {  	s17 =	sld [smem:$0x7E2]  }
0x19e: {  	s18 =	sld [smem:$0x7E3]  }
0x19f: {  	[tilespmem:s12], [sflag:$0x1] =	stream.indirect.gather [hbm4b:s1+s6], $0x1, s3, s6, $0xb8;
	[tilespmem:$0x2C00] =	vst v63  }
0x1a0: {  	s3 =	sld [smem:$0x7E5]  }
0x1a1: {  	[tilespmem:s18], [sflag:$0x1] =	stream.indirect.gather [hbm4b:s1+s6], $0x1, s17, s6, $0xb8;
	[tilespmem:$0x2C00] =	vst v63  }
0x1a2: {  	s17 =	sld [smem:$0x7E6]  }
0x1a3: {  	s18 =	sld [smem:$0x7E7]  }
0x1a4: {  	[tilespmem:s3], [sflag:$0x1] =	stream.indirect.gather [hbm4b:s1+s6], $0x1, s0, s6, $0xb8;
	[tilespmem:$0x2C00] =	vst v63  }
0x1a5: {  	s3 =	sld [smem:$0x7E8]  }
0x1a6: {  	s0 =	sld [smem:$0x7EB]  }
0x1a7: {  	[tilespmem:s18], [sflag:$0x1] =	stream.indirect.gather [hbm4b:s1+s6], $0x1, s17, s6, $0xb8;
	[tilespmem:$0x2C00] =	vst v63  }
0x1a8: {  	s17 =	sld [smem:$0x7E9]  }
0x1a9: {  	s18 =	sld [smem:$0x7EA]  }
0x1aa: {  	[tilespmem:s13], [sflag:$0x1] =	stream.indirect.gather [hbm4b:s1+s6], $0x1, s3, s6, $0xb8;
	[tilespmem:$0x2C00] =	vst v63  }
0x1ab: {  	s3 =	sld [smem:$0x7EC]  }
0x1ac: {  	[tilespmem:s18], [sflag:$0x1] =	stream.indirect.gather [hbm4b:s1+s6], $0x1, s17, s6, $0xb8;
	[tilespmem:$0x2C00] =	vst v63  }
0x1ad: {  	s17 =	sld [smem:$0x7ED]  }
0x1ae: {  	s18 =	sld [smem:$0x7EE]  }
0x1af: {  	[tilespmem:s3], [sflag:$0x1] =	stream.indirect.gather [hbm4b:s1+s6], $0x1, s0, s6, $0xb8;
	[tilespmem:$0x2C00] =	vst v63  }
0x1b0: {  	s3 =	sld [smem:$0x7EF]  }
0x1b1: {  	s0 =	sld [smem:$0x7F2]  }
0x1b2: {  	[tilespmem:s18], [sflag:$0x1] =	stream.indirect.gather [hbm4b:s1+s6], $0x1, s17, s6, $0xb8;
	[tilespmem:$0x2C00] =	vst v63  }
0x1b3: {  	s17 =	sld [smem:$0x7F0]  }
0x1b4: {  	s18 =	sld [smem:$0x7F1]  }
0x1b5: {  	[tilespmem:s14], [sflag:$0x1] =	stream.indirect.gather [hbm4b:s1+s6], $0x1, s3, s6, $0xb8;
	[tilespmem:$0x2C00] =	vst v63  }
0x1b6: {  	s3 =	sld [smem:$0x7F3]  }
0x1b7: {  	[tilespmem:s18], [sflag:$0x1] =	stream.indirect.gather [hbm4b:s1+s6], $0x1, s17, s6, $0xb8;
	[tilespmem:$0x2C00] =	vst v63  }
0x1b8: {  	s17 =	sld [smem:$0x7F4]  }
0x1b9: {  	s18 =	sld [smem:$0x7F5]  }
0x1ba: {  	[tilespmem:s3], [sflag:$0x1] =	stream.indirect.gather [hbm4b:s1+s6], $0x1, s0, s6, $0xb8;
	[tilespmem:$0x2C00] =	vst v63  }
0x1bb: {  	s3 =	sld [smem:$0x7F6]  }
0x1bc: {  	s0 =	sld [smem:$0x7F9]  }
0x1bd: {  	[tilespmem:s18], [sflag:$0x1] =	stream.indirect.gather [hbm4b:s1+s6], $0x1, s17, s6, $0xb8;
	[tilespmem:$0x2C00] =	vst v63  }
0x1be: {  	s17 =	sld [smem:$0x7F7]  }
0x1bf: {  	s18 =	sld [smem:$0x7F8]  }
0x1c0: {  	[tilespmem:s15], [sflag:$0x1] =	stream.indirect.gather [hbm4b:s1+s6], $0x1, s3, s6, $0xb8;
	[tilespmem:$0x2C00] =	vst v63  }
0x1c1: {  	s3 =	sld [smem:$0x7FA]  }
0x1c2: {  	[tilespmem:s18], [sflag:$0x1] =	stream.indirect.gather [hbm4b:s1+s6], $0x1, s17, s6, $0xb8;
	[tilespmem:$0x2C00] =	vst v63  }
0x1c3: {  	s17 =	sld [smem:$0x7FB]  }
0x1c4: {  	s18 =	sld [smem:$0x7FC]  }
0x1c5: {  	[tilespmem:s3], [sflag:$0x1] =	stream.indirect.gather [hbm4b:s1+s6], $0x1, s0, s6, $0xb8;
	[tilespmem:$0x2C00] =	vst v63  }
0x1c6: {  	s3 =	sld [smem:$0x7FD]  }
0x1c7: {  	[tilespmem:s18], [sflag:$0x1] =	stream.indirect.gather [hbm4b:s1+s6], $0x1, s17, s6, $0xb8;
	[tilespmem:$0x2C00] =	vst v63  }
0x1c8: {  	_ = 	snop  }
0x1c9: {  	[tilespmem:s16], [sflag:$0x1] =	stream.indirect.gather [hbm4b:s1+s6], $0x1, s3, s6, $0xb8;
	[tilespmem:$0x2C00] =	vst v63  }
0x1ca: {  	s17 =	simm.s32 $0x1480;
	s18 =	simm.s32 $0x2880  }
0x1cb: {  	[tilespmem:s18], [sflag:$0x1] =	stream.indirect.gather [hbm4b:s1+s6], $0x1, s17, s6, $0xb8;
	[tilespmem:$0x2C00] =	vst v63  }
0x1cc: {  	_ = 	snop  }
0x1cd: {  	[tilespmem:s20], [sflag:$0x1] =	stream.indirect.gather [hbm4b:s1+s6], $0x1, s19, s6, $0xb8;
	[tilespmem:$0x2C00] =	vst v63  }
0x1ce: {  	_ = 	snop  }
0x1cf: {  	[tilespmem:s22], [sflag:$0x1] =	stream.indirect.gather [hbm4b:s1+s6], $0x1, s21, s6, $0xb8;
	[tilespmem:$0x2C00] =	vst v63  }
0x1d0: {  	_ = 	snop  }
0x1d1: {  	[tilespmem:s24], [sflag:$0x1] =	stream.indirect.gather [hbm4b:s1+s6], $0x1, s23, s6, $0xb8;
	[tilespmem:$0x2C00] =	vst v63  }
0x1d2: {  	_ = 	snop  }
0x1d3: {  	[tilespmem:s26], [sflag:$0x1] =	stream.indirect.gather [hbm4b:s1+s6], $0x1, s25, s6, $0xb8;
	[tilespmem:$0x2C00] =	vst v63  }
0x1d4: {  	_ = 	snop  }
0x1d5: {  	[tilespmem:s29], [sflag:$0x1] =	stream.indirect.gather [hbm4b:s1+s6], $0x1, s28, s6, $0xb8;
	[tilespmem:$0x2C00] =	vst v63  }
0x1d6: {  	_ = 	snop  }
0x1d7: {  	[tilespmem:s31], [sflag:$0x1] =	stream.indirect.gather [hbm4b:s1+s6], $0x1, s30, s6, $0xb8;
	[tilespmem:$0x2C00] =	vst v63  }
0x1d8: {  	_ =	swait.ge [sflag:s2], $0x80  }
0x1d9: {  	[sflag:s2] =	ssyncset.done $0x0  }
0x1da: {  	[sflag:s2] =	ssyncadd.s32 $0xFFFFFF80  }
0x1db: {  	_ =	swait.ge [sflag:s2], $0x80  }
0x1dc: {  	[sflag:s2] =	ssyncset.done $0x0  }
0x1dd: {  	[sflag:s2] =	ssyncadd.s32 $0xFFFFFF80  }
0x1de: {  	_ =	swait.ge [sflag:s2], $0x80  }
0x1df: {  	[sflag:s2] =	ssyncset.done $0x0  }
0x1e0: {  	[sflag:s2] =	ssyncadd.s32 $0xFFFFFF80  }
0x1e1: {  	_ =	swait.ge [sflag:s2], $0x80  }
0x1e2: {  	[sflag:s2] =	ssyncset.done $0x0  }
0x1e3: {  	[sflag:s2] =	ssyncadd.s32 $0xFFFFFF80  }
0x1e4: {  	_ =	swait.ge [sflag:s2], $0x80  }
0x1e5: {  	[sflag:s2] =	ssyncset.done $0x0  }
0x1e6: {  	[sflag:s2] =	ssyncadd.s32 $0xFFFFFF80  }
0x1e7: {  	_ =	swait.ge [sflag:s2], $0x80  }
0x1e8: {  	[sflag:s2] =	ssyncset.done $0x0  }
0x1e9: {  	[sflag:s2] =	ssyncadd.s32 $0xFFFFFF80  }
0x1ea: {  	_ =	swait.ge [sflag:s2], $0x80  }
0x1eb: {  	[sflag:s2] =	ssyncset.done $0x0  }
0x1ec: {  	[sflag:s2] =	ssyncadd.s32 $0xFFFFFF80  }
0x1ed: {  	_ =	swait.ge [sflag:s2], $0x80  }
0x1ee: {  	[sflag:s2] =	ssyncset.done $0x0  }
0x1ef: {  	[sflag:s2] =	ssyncadd.s32 $0xFFFFFF80  }
0x1f0: {  	_ =	swait.ge [sflag:s2], $0x80  }
0x1f1: {  	[sflag:s2] =	ssyncset.done $0x0  }
0x1f2: {  	[sflag:s2] =	ssyncadd.s32 $0xFFFFFF80  }
0x1f3: {  	_ =	swait.ge [sflag:s2], $0x80  }
0x1f4: {  	[sflag:s2] =	ssyncset.done $0x0  }
0x1f5: {  	[sflag:s2] =	ssyncadd.s32 $0xFFFFFF80  }
0x1f6: {  	_ =	swait.ge [sflag:s2], $0x80  }
0x1f7: {  	[sflag:s2] =	ssyncset.done $0x0  }
0x1f8: {  	[sflag:s2] =	ssyncadd.s32 $0xFFFFFF80  }
0x1f9: {  	_ =	swait.ge [sflag:s2], $0x80  }
0x1fa: {  	[sflag:s2] =	ssyncset.done $0x0  }
0x1fb: {  	[sflag:s2] =	ssyncadd.s32 $0xFFFFFF80  }
0x1fc: {  	_ =	swait.ge [sflag:s2], $0x80  }
0x1fd: {  	[sflag:s2] =	ssyncset.done $0x0  }
0x1fe: {  	[sflag:s2] =	ssyncadd.s32 $0xFFFFFF80  }
0x1ff: {  	_ =	swait.ge [sflag:s2], $0x80  }
0x200: {  	[sflag:s2] =	ssyncset.done $0x0  }
0x201: {  	[sflag:s2] =	ssyncadd.s32 $0xFFFFFF80  }
0x202: {  	_ =	swait.ge [sflag:s2], $0x80  }
0x203: {  	[sflag:s2] =	ssyncset.done $0x0  }
0x204: {  	[sflag:s2] =	ssyncadd.s32 $0xFFFFFF80  }
0x205: {  	_ =	swait.ge [sflag:s2], $0x80  }
0x206: {  	[sflag:s2] =	ssyncset.done $0x0  }
0x207: {  	[sflag:s2] =	ssyncadd.s32 $0xFFFFFF80  }
0x208: {  	_ =	swait.ge [sflag:s2], $0x80  }
0x209: {  	[sflag:s2] =	ssyncset.done $0x0  }
0x20a: {  	[sflag:s2] =	ssyncadd.s32 $0xFFFFFF80  }
0x20b: {  	_ =	swait.ge [sflag:s2], $0x80  }
0x20c: {  	[sflag:s2] =	ssyncset.done $0x0  }
0x20d: {  	[sflag:s2] =	ssyncadd.s32 $0xFFFFFF80  }
0x20e: {  	_ =	swait.ge [sflag:s2], $0x80  }
0x20f: {  	[sflag:s2] =	ssyncset.done $0x0  }
0x210: {  	[sflag:s2] =	ssyncadd.s32 $0xFFFFFF80  }
0x211: {  	_ =	swait.ge [sflag:s2], $0x80  }
0x212: {  	[sflag:s2] =	ssyncset.done $0x0  }
0x213: {  	[sflag:s2] =	ssyncadd.s32 $0xFFFFFF80  }
0x214: {  	_ =	swait.ge [sflag:s2], $0x80  }
0x215: {  	[sflag:s2] =	ssyncset.done $0x0  }
0x216: {  	[sflag:s2] =	ssyncadd.s32 $0xFFFFFF80  }
0x217: {  	_ =	swait.ge [sflag:s2], $0x80  }
0x218: {  	[sflag:s2] =	ssyncset.done $0x0  }
0x219: {  	[sflag:s2] =	ssyncadd.s32 $0xFFFFFF80  }
0x21a: {  	_ =	swait.ge [sflag:s2], $0x80  }
0x21b: {  	[sflag:s2] =	ssyncset.done $0x0  }
0x21c: {  	[sflag:s2] =	ssyncadd.s32 $0xFFFFFF80  }
0x21d: {  	_ =	swait.ge [sflag:s2], $0x80  }
0x21e: {  	[sflag:s2] =	ssyncset.done $0x0  }
0x21f: {  	[sflag:s2] =	ssyncadd.s32 $0xFFFFFF80  }
0x220: {  	_ =	swait.ge [sflag:s2], $0x80  }
0x221: {  	[sflag:s2] =	ssyncset.done $0x0  }
0x222: {  	[sflag:s2] =	ssyncadd.s32 $0xFFFFFF80  }
0x223: {  	_ =	swait.ge [sflag:s2], $0x80  }
0x224: {  	[sflag:s2] =	ssyncset.done $0x0  }
0x225: {  	[sflag:s2] =	ssyncadd.s32 $0xFFFFFF80  }
0x226: {  	_ =	swait.ge [sflag:s2], $0x80  }
0x227: {  	[sflag:s2] =	ssyncset.done $0x0  }
0x228: {  	[sflag:s2] =	ssyncadd.s32 $0xFFFFFF80  }
0x229: {  	_ =	swait.ge [sflag:s2], $0x80  }
0x22a: {  	[sflag:s2] =	ssyncset.done $0x0  }
0x22b: {  	[sflag:s2] =	ssyncadd.s32 $0xFFFFFF80  }
0x22c: {  	_ =	swait.ge [sflag:s2], $0x80  }
0x22d: {  	[sflag:s2] =	ssyncset.done $0x0  }
0x22e: {  	[sflag:s2] =	ssyncadd.s32 $0xFFFFFF80  }
0x22f: {  	_ =	swait.ge [sflag:s2], $0x80  }
0x230: {  	[sflag:s2] =	ssyncset.done $0x0  }
0x231: {  	[sflag:s2] =	ssyncadd.s32 $0xFFFFFF80  }
0x232: {  	_ =	swait.ge [sflag:s2], $0x80  }
0x233: {  	[sflag:s2] =	ssyncset.done $0x0  }
0x234: {  	[sflag:s2] =	ssyncadd.s32 $0xFFFFFF80  }
0x235: {  	_ =	swait.ge [sflag:s2], $0x80  }
0x236: {  	[sflag:s2] =	ssyncset.done $0x0  }
0x237: {  	[sflag:s2] =	ssyncadd.s32 $0xFFFFFF80  }
0x238: {  	_ =	swait.ge [sflag:s2], $0x80  }
0x239: {  	[sflag:s2] =	ssyncset.done $0x0  }
0x23a: {  	[sflag:s2] =	ssyncadd.s32 $0xFFFFFF80  }
0x23b: {  	_ =	swait.ge [sflag:s2], $0x80  }
0x23c: {  	[sflag:s2] =	ssyncset.done $0x0  }
0x23d: {  	[sflag:s2] =	ssyncadd.s32 $0xFFFFFF80  }
0x23e: {  	_ =	swait.ge [sflag:s2], $0x80  }
0x23f: {  	[sflag:s2] =	ssyncset.done $0x0  }
0x240: {  	[sflag:s2] =	ssyncadd.s32 $0xFFFFFF80  }
0x241: {  	_ =	swait.ge [sflag:s2], $0x80  }
0x242: {  	[sflag:s2] =	ssyncset.done $0x0  }
0x243: {  	[sflag:s2] =	ssyncadd.s32 $0xFFFFFF80  }
0x244: {  	[hbm4b:s4+s6] =	stream.strided.scatter [tilespmem:s9], [sflag:$0x2], $0x200, s7, s6, $0x38;
	[tilespmem:$0x2C00] =	vst v63  }
0x245: {  	_ =	swait.ge [sflag:s8], $0x200  }
0x246: {  	[sflag:s8] =	ssyncset.done $0x0  }
0x247: {  	s17 =	rddreg [dreg:$0x7];
	[sflag:s8] =	ssyncadd.s32 $0xFFFFFE00  }
0x248: {  	[hbm4b:s17+s6] =	stream.strided.scatter [tilespmem:s10], [sflag:$0x2], $0x200, s7, s6, $0x38;
	[tilespmem:$0x2C00] =	vst v63  }
0x249: {  	_ =	swait.ge [sflag:s8], $0x200  }
0x24a: {  	[sflag:s8] =	ssyncset.done $0x0  }
0x24b: {  	s18 =	rddreg [dreg:$0x8];
	[sflag:s8] =	ssyncadd.s32 $0xFFFFFE00  }
0x24c: {  	[hbm4b:s18+s6] =	stream.strided.scatter [tilespmem:s11], [sflag:$0x2], $0x200, s7, s6, $0x38;
	[tilespmem:$0x2C00] =	vst v63  }
0x24d: {  	_ =	swait.ge [sflag:s8], $0x200  }
0x24e: {  	[sflag:s8] =	ssyncset.done $0x0  }
0x24f: {  	s3 =	rddreg [dreg:$0x9];
	[sflag:s8] =	ssyncadd.s32 $0xFFFFFE00  }
0x250: {  	[hbm4b:s3+s6] =	stream.strided.scatter [tilespmem:s12], [sflag:$0x2], $0x200, s7, s6, $0x38;
	[tilespmem:$0x2C00] =	vst v63  }
0x251: {  	_ =	swait.ge [sflag:s8], $0x200  }
0x252: {  	[sflag:s8] =	ssyncset.done $0x0  }
0x253: {  	s17 =	rddreg [dreg:$0xa];
	[sflag:s8] =	ssyncadd.s32 $0xFFFFFE00  }
0x254: {  	[hbm4b:s17+s6] =	stream.strided.scatter [tilespmem:s13], [sflag:$0x2], $0x200, s7, s6, $0x38;
	[tilespmem:$0x2C00] =	vst v63  }
0x255: {  	_ =	swait.ge [sflag:s8], $0x200  }
0x256: {  	[sflag:s8] =	ssyncset.done $0x0  }
0x257: {  	s18 =	rddreg [dreg:$0xb];
	[sflag:s8] =	ssyncadd.s32 $0xFFFFFE00  }
0x258: {  	[hbm4b:s18+s6] =	stream.strided.scatter [tilespmem:s14], [sflag:$0x2], $0x200, s7, s6, $0x38;
	[tilespmem:$0x2C00] =	vst v63  }
0x259: {  	_ =	swait.ge [sflag:s8], $0x200  }
0x25a: {  	[sflag:s8] =	ssyncset.done $0x0  }
0x25b: {  	s3 =	rddreg [dreg:$0xc];
	[sflag:s8] =	ssyncadd.s32 $0xFFFFFE00  }
0x25c: {  	[hbm4b:s3+s6] =	stream.strided.scatter [tilespmem:s15], [sflag:$0x2], $0x200, s7, s6, $0x38;
	[tilespmem:$0x2C00] =	vst v63  }
0x25d: {  	_ =	swait.ge [sflag:s8], $0x200  }
0x25e: {  	[sflag:s8] =	ssyncset.done $0x0  }
0x25f: {  	s17 =	rddreg [dreg:$0xd];
	[sflag:s8] =	ssyncadd.s32 $0xFFFFFE00  }
0x260: {  	[hbm4b:s17+s6] =	stream.strided.scatter [tilespmem:s16], [sflag:$0x2], $0x200, s7, s6, $0x38;
	[tilespmem:$0x2C00] =	vst v63  }
0x261: {  	_ =	swait.ge [sflag:s8], $0x200  }
0x262: {  	p0 =	sne.s32 s5, $0x1;
	[sflag:s8] =	ssyncset.done $0x0  }
.Ltmp0:
0x263: {  	s18 =	rddreg [dreg:$0xe];
	[sflag:s8] =	ssyncadd.s32 $0xFFFFFE00;
	(pc) =	sbr.rel @p0 .LBB2_1-.Ltmp0, $4  }
0x264: {  	[hbm4b:s18+s6] =	stream.strided.scatter [tilespmem:s24], [sflag:$0x2], $0x200, s7, s6, $0x38;
	[tilespmem:$0x2C00] =	vst v63  }
0x265: {  	_ =	swait.ge [sflag:s8], $0x200  }
0x266: {  	[sflag:s8] =	ssyncset.done $0x0  }
0x267: {  	s5 =	sadd.s32 $0xFFFFFFFF, s5;
	[sflag:s8] =	ssyncadd.s32 $0xFFFFFE00  }
0x268: {  	_ =	sfence.sel $0x180000  }
0x269: {  	[bflag:$0x0] =	sbarrier.arrive $0xFFFF  }
0x26a: {  	_ =	strace $0x90000047  }
0x26b: {  	s0 =	stileid.u32;
	[bflag:$0x2] =	sbarrier.arrive $0xFFFF  }
0x26c: {  	p0 =	sne.s32 s0, $0x0;
	s0 =	rddreg [dreg:$0x3]  }
0x26d: {  	s0 =	sadd.s32 @!p0 $0x100000, s0  }
0x26e: {  	[sflag:s0] =	ssyncadd.tile.s32 @!p0 $0x1;
	_ =	shalt  }
.Lfunc_end2:
_tile_overlayer_lowered:
.L_overlay_start_2:
0x26f: {  	(tag) =	ssettag $0x2  }
0x270: {  	s0 =	rddreg [dreg:$0x0];
	s2 =	stileid.u32  }
0x271: {  	s1 =	rddreg [dreg:$0x1];
	p0 =	sne.s32 s2, $0x0  }
0x272: {  	s3 =	rddreg [dreg:$0x2];
	[bflag:$0x3] =	sbarrier.arrive $0xFFFF;
	s2 =	simm.s32 @!p0 $0x1C02  }
0x273: {  	[timem:s3], [sflag:s2] =	dma.local @!p0 [hbm:s0], s1  }
0x274: {  	s0 =	simm.s32 @!p0 $0x2  }
0x275: {  	_ =	swait.ge @!p0 [sflag:s0], s1  }
0x276: {  	s1 =	ssub.s32 @!p0 $0x0, s1;
	[sflag:s0] =	ssyncset.done @!p0 $0x0  }
0x277: {  	[sflag:s0] =	ssyncadd.s32 @!p0 s1  }
0x278: {  	[bflag:$0x3] =	sbarrier.arrive $0xFFFF  }
0x279: {  	_ =	shalt  }

</sc_bundles>
